<compile_context>
chip_gen: v7x
topology: tpu7x:2x2x1
jax: 0.10.2.dev20260603
libtpu: 0.0.44.dev20260713+nightly
codegen_flags: <defaults>
</compile_context>

<pallas_src>
import functools

import jax
import jax.numpy as jnp
from jax import lax
from jax.experimental import pallas as pl
from jax.experimental.pallas import tpu as pltpu
from jax.experimental.pallas import tpu_sc as plsc

B = 16384
V = 64
DG = 128
DD = 256
NC, NS = 2, 16
NW = NC * NS
ROWS_PER_W = B // NW
CH = 128
NCH = ROWS_PER_W // CH
L = 16
NU_PAD = 960
NI_PAD = 1696

R = 8192
R2 = 16384


def _sc_cross(u_cat, i_cat, uw_pad, iw_pad, uid2, iid2, dy):
    mesh = plsc.VectorSubcoreMesh(core_axis_name="c", subcore_axis_name="s")

    @functools.partial(
        pl.kernel,
        mesh=mesh,
        compiler_params=pltpu.CompilerParams(needs_layout_passes=False),
        out_type=(
            jax.ShapeDtypeStruct((B, L), jnp.float32),
            jax.ShapeDtypeStruct((NW * NCH, CH), jnp.float32),
        ),
        scratch_types=[
            pltpu.VMEM((NCH, CH), jnp.int32),
            pltpu.VMEM((NCH, CH), jnp.int32),
            pltpu.VMEM((CH, DG), jnp.float32),
            pltpu.VMEM((CH, DG), jnp.float32),
            pltpu.VMEM((L, DG), jnp.float32),
            pltpu.VMEM((L, DG), jnp.float32),
            pltpu.VMEM((L,), jnp.int32),
            pltpu.VMEM((L,), jnp.int32),
            pltpu.VMEM((2, CH, DD), jnp.float32),
            pltpu.VMEM((CH, L), jnp.float32),
            pltpu.VMEM((NU_PAD,), jnp.float32),
            pltpu.VMEM((NI_PAD,), jnp.float32),
            pltpu.VMEM((NCH, CH), jnp.float32),
            pltpu.SemaphoreType.DMA,
            pltpu.SemaphoreType.DMA,
            pltpu.SemaphoreType.DMA,
        ],
    )
    def k(u_hbm, i_hbm, uw_hbm, iw_hbm, uid_hbm, iid_hbm, dy_hbm,
          fc_hbm, ws_hbm,
          uidx, iidx, ubuf, ibuf, ubufL, ibufL, lidxu, lidxi,
          dyb, fcb, uwv, iwv, wsbuf, usem, isem, dsem):
        wid = lax.axis_index("s") * NC + lax.axis_index("c")
        pltpu.sync_copy(uid_hbm.at[pl.ds(wid * NCH, NCH)], uidx)
        pltpu.sync_copy(iid_hbm.at[pl.ds(wid * NCH, NCH)], iidx)
        rows = jnp.minimum(lax.iota(jnp.int32, L), NCH - 1)
        zero = jnp.zeros((L,), jnp.int32)
        lidxu[...] = plsc.load_gather(uidx, [rows, zero])
        lidxi[...] = plsc.load_gather(iidx, [rows, zero])
        lu = pltpu.async_copy(u_hbm.at[lidxu], ubufL, usem)
        li = pltpu.async_copy(i_hbm.at[lidxi], ibufL, isem)
        pltpu.sync_copy(uw_hbm, uwv)
        pltpu.sync_copy(iw_hbm, iwv)
        lu.wait()
        li.wait()
        base = wid * ROWS_PER_W
        dcp = pltpu.async_copy(dy_hbm.at[pl.ds(base, CH)], dyb.at[0], dsem)

        def _is_uniform(idx, c):
            vmax = idx[c, pl.ds(0, L)]
            vmin = vmax
            for j in range(1, CH // L):
                v = idx[c, pl.ds(j * L, L)]
                vmax = jnp.maximum(vmax, v)
                vmin = jnp.minimum(vmin, v)
            return jnp.max(vmax, axis=0) == jnp.min(vmin, axis=0)

        for c in range(NCH):
            uuni = _is_uniform(uidx, c)
            iuni = _is_uniform(iidx, c)
            for j in range(CH // L):
                uv = plsc.load_gather(uwv, [uidx[c, pl.ds(j * L, L)]])
                iv = plsc.load_gather(iwv, [iidx[c, pl.ds(j * L, L)]])
                wsbuf[c, pl.ds(j * L, L)] = uv + iv
            dcp.wait()
            sl = c % 2
            if c + 1 < NCH:
                dcp = pltpu.async_copy(
                    dy_hbm.at[pl.ds(base + (c + 1) * CH, CH)],
                    dyb.at[(c + 1) % 2], dsem)

            def _fast():
                embs = tuple(ubufL[c, pl.ds(t * L, L)] for t in range(8)) \
                    + tuple(ibufL[c, pl.ds(t * L, L)] for t in range(8))

                def body(r, emb):
                    acc = None
                    for t in range(4):
                        pv = dyb[sl, r, pl.ds(t * L, L)]
                        qv = dyb[sl, r, pl.ds(V + t * L, L)]
                        muv = dyb[sl, r, pl.ds(2 * V + t * L, L)]
                        miv = dyb[sl, r, pl.ds(3 * V + t * L, L)]
                        uuv, uiv = emb[t], emb[4 + t]
                        tuv, tiv = emb[8 + t], emb[12 + t]
                        contrib = (pv * uuv + (qv + uiv) * tuv
                                   + muv * (uiv + qv) + miv * tiv)
                        acc = contrib if acc is None else acc + contrib
                    fcb[r] = acc
                    return emb

                lax.fori_loop(0, CH, body, embs)

            def _slow():
                cu = pltpu.async_copy(u_hbm.at[uidx.at[c]], ubuf, usem)
                ci = pltpu.async_copy(i_hbm.at[iidx.at[c]], ibuf, isem)
                cu.wait()
                ci.wait()

                def body(r, carry):
                    acc = None
                    for t in range(4):
                        pv = dyb[sl, r, pl.ds(t * L, L)]
                        qv = dyb[sl, r, pl.ds(V + t * L, L)]
                        muv = dyb[sl, r, pl.ds(2 * V + t * L, L)]
                        miv = dyb[sl, r, pl.ds(3 * V + t * L, L)]
                        uuv = ubuf[r, pl.ds(t * L, L)]
                        uiv = ubuf[r, pl.ds(V + t * L, L)]
                        tuv = ibuf[r, pl.ds(t * L, L)]
                        tiv = ibuf[r, pl.ds(V + t * L, L)]
                        contrib = (pv * uuv + (qv + uiv) * tuv
                                   + muv * (uiv + qv) + miv * tiv)
                        acc = contrib if acc is None else acc + contrib
                    fcb[r] = acc
                    return carry

                lax.fori_loop(0, CH, body, 0)

            lax.cond(jnp.logical_and(uuni, iuni), _fast, _slow)
            pltpu.sync_copy(fcb, fc_hbm.at[pl.ds(base + c * CH, CH)])
        pltpu.sync_copy(wsbuf, ws_hbm.at[pl.ds(wid * NCH, NCH)])

    return k(u_cat, i_cat, uw_pad, iw_pad, uid2, iid2, dy)


def _tc1_body(fv_ref, w_ref, dy_ref, aux_ref):
    x = fv_ref[...]
    w = w_ref[...]
    y = jnp.dot(x, w, preferred_element_type=jnp.float32)
    dy_ref[...] = y[:, 0:256]
    ya = y[:, 256:384]
    dcross = jnp.sum(x[:, 2:5] * ya[:, 1:4], axis=1, keepdims=True)
    aux_ref[...] = jnp.concatenate(
        [dcross, ya[:, 0:1], jnp.zeros((dcross.shape[0], 6), jnp.float32)],
        axis=1)


def _tc1(fv, w_big):
    return pl.pallas_call(
        _tc1_body,
        grid=(B // R,),
        in_specs=[
            pl.BlockSpec((R, 45), lambda i: (i, 0)),
            pl.BlockSpec((45, 384), lambda i: (0, 0)),
        ],
        out_specs=(
            pl.BlockSpec((R, DD), lambda i: (i, 0)),
            pl.BlockSpec((R, 8), lambda i: (i, 0)),
        ),
        out_shape=(
            jax.ShapeDtypeStruct((B, DD), jnp.float32),
            jax.ShapeDtypeStruct((B, 8), jnp.float32),
        ),
    )(fv, w_big)


def _tc2_body(aux_ref, fc_ref, ws_ref, pp_ref, o_ref):
    fc = aux_ref[:, 0:1] + jnp.sum(fc_ref[...], axis=1, keepdims=True)
    lin = aux_ref[:, 1:2]
    ws = ws_ref[:, 0:1]
    s = pp_ref[0]
    b = pp_ref[1]
    o_ref[...] = jax.nn.sigmoid(ws + lin + fc * s + b)


def _tc2(aux, fc16, ws, params):
    return pl.pallas_call(
        _tc2_body,
        grid=(B // R2,),
        in_specs=[
            pl.BlockSpec((R2, 8), lambda i: (i, 0)),
            pl.BlockSpec((R2, L), lambda i: (i, 0)),
            pl.BlockSpec((R2, 1), lambda i: (i, 0)),
            pl.BlockSpec(memory_space=pltpu.SMEM),
        ],
        out_specs=pl.BlockSpec((R2, 1), lambda i: (i, 0)),
        out_shape=jax.ShapeDtypeStruct((B, 1), jnp.float32),
    )(aux, fc16, ws, params)


def kernel(feature_vector, age_user_w, age_item_w, gender_user_w,
           gender_item_w, occupation_user_w, occupation_item_w,
           movie_user_w, movie_item_w, userid_user_w, userid_item_w,
           itemid_user_w, itemid_item_w, user_w, item_w, lin_w, lin_b):
    fv = feature_vector
    uid2 = fv[:, 0].astype(jnp.int32).reshape(NW * NCH, CH)
    iid2 = fv[:, 1].astype(jnp.int32).reshape(NW * NCH, CH)
    nu = userid_user_w.shape[0]
    ni = itemid_user_w.shape[0]
    u_cat = jnp.concatenate([userid_user_w, userid_item_w], axis=1)
    i_cat = jnp.concatenate([itemid_user_w, itemid_item_w], axis=1)
    uw_pad = jnp.pad(user_w[:, 0], (0, NU_PAD - nu))
    iw_pad = jnp.pad(item_w[:, 0], (0, NI_PAD - ni))

    def z(r, c):
        return jnp.zeros((r, c), jnp.float32)

    lw = lin_w.T
    au = age_user_w[0]
    gac = gender_user_w @ au
    oac = occupation_user_w @ au
    ogc0 = occupation_user_w @ gender_user_w[0]
    ogc1 = occupation_user_w @ gender_user_w[1]
    r_age = jnp.concatenate(
        [age_user_w, age_item_w, z(1, 128), lw[0:1], z(1, 127)], axis=1)
    r_gen = jnp.concatenate(
        [gender_user_w, gender_item_w, z(2, 128), lw[1:3], gac[:, None],
         z(2, 126)], axis=1)
    r_occ = jnp.concatenate(
        [occupation_user_w, occupation_item_w, z(21, 128), lw[3:24],
         oac[:, None], ogc0[:, None], ogc1[:, None], z(21, 124)], axis=1)
    r_mov = jnp.concatenate(
        [z(19, 128), movie_user_w, movie_item_w, lw[24:43], z(19, 127)],
        axis=1)
    w_big = jnp.concatenate([z(2, 384), r_age, r_gen, r_occ, r_mov], axis=0)

    params = jnp.stack([jnp.sum(lin_w), lin_b[0]])

    dy, aux = _tc1(fv, w_big)
    fc16, ws = _sc_cross(u_cat, i_cat, uw_pad, iw_pad, uid2, iid2, dy)
    return _tc2(aux, fc16, ws.reshape(B, 1), params)

# --- scband reference (transcript-rebuilt; emitter-appended) ---
"""Pipeline reference for scband-ffm-69664369541798 (READ-ONLY COPY).

The authoritative reference and input builder live on the scoring server;
editing this copy changes nothing except your own understanding.
"""

import jax, jax.numpy as jnp
import numpy as np

B = 16384
NUM_FEATURE = 43
V = 64

def _xavier(key, shape):
    fan_in, fan_out = shape[0], shape[1]
    std = float(np.sqrt(2.0 / (fan_in + fan_out)))
    return jax.random.normal(key, shape, dtype=jnp.float32) * std

def setup_inputs(seed: int = 0) -> dict:
    key = jax.random.key(seed)
    ks = jax.random.split(key, 20)
    inp = {}
    inp['feature_vector'] = jax.random.uniform(ks[0], (B, NUM_FEATURE + 2), dtype=jnp.float32)
    inp['age_user_w'] = _xavier(ks[1], (1, V))
    inp['age_item_w'] = _xavier(ks[2], (1, V))
    inp['gender_user_w'] = _xavier(ks[3], (2, V))
    inp['gender_item_w'] = _xavier(ks[4], (2, V))
    inp['occupation_user_w'] = _xavier(ks[5], (21, V))
    inp['occupation_item_w'] = _xavier(ks[6], (21, V))
    inp['movie_user_w'] = _xavier(ks[7], (19, V))
    inp['movie_item_w'] = _xavier(ks[8], (19, V))
    inp['userid_user_w'] = _xavier(ks[9], (943, V))
    inp['userid_item_w'] = _xavier(ks[10], (943, V))
    inp['itemid_user_w'] = _xavier(ks[11], (1682, V))
    inp['itemid_item_w'] = _xavier(ks[12], (1682, V))
    inp['user_w'] = _xavier(ks[13], (943, 1))
    inp['item_w'] = _xavier(ks[14], (1682, 1))
    inp['lin_w'] = jax.random.normal(ks[15], (1, NUM_FEATURE), dtype=jnp.float32) * float(np.sqrt(1.0 / NUM_FEATURE))
    inp['lin_b'] = jnp.zeros((1,), dtype=jnp.float32)
    return inp

def reference(feature_vector, age_user_w, age_item_w, gender_user_w, gender_item_w,
              occupation_user_w, occupation_item_w, movie_user_w, movie_item_w,
              userid_user_w, userid_item_w, itemid_user_w, itemid_item_w,
              user_w, item_w, lin_w, lin_b):
    fv = feature_vector
    uid = fv[:, 0].astype(jnp.int32)
    iid = fv[:, 1].astype(jnp.int32)
    age_user = fv[:, 2:3] @ age_user_w
    age_item = fv[:, 2:3] @ age_item_w
    gender_user = fv[:, 3:5] @ gender_user_w
    gender_item = fv[:, 3:5] @ gender_item_w
    occupation_user = fv[:, 5:26] @ occupation_user_w
    occupation_item = fv[:, 5:26] @ occupation_item_w
    movie_user = fv[:, 26:45] @ movie_user_w
    movie_item = fv[:, 26:45] @ movie_item_w
    userid_user = jnp.take(userid_user_w, uid, axis=0)
    userid_item = jnp.take(userid_item_w, uid, axis=0)
    itemid_user = jnp.take(itemid_user_w, iid, axis=0)
    itemid_item = jnp.take(itemid_item_w, iid, axis=0)
    age_gender = jnp.sum(age_user * gender_user, axis=1)
    age_occupation = jnp.sum(age_user * occupation_user, axis=1)
    age_movie = jnp.sum(age_item * movie_user, axis=1)
    age_userid = jnp.sum(age_user * userid_user, axis=1)
    age_itemid = jnp.sum(age_item * itemid_user, axis=1)
    gender_occupation = jnp.sum(gender_user * occupation_user, axis=1)
    gender_movie = jnp.sum(gender_item * movie_user, axis=1)
    gender_userid = jnp.sum(gender_user * userid_user, axis=1)
    gender_itemid = jnp.sum(gender_item * itemid_user, axis=1)
    occupation_movie = jnp.sum(occupation_item * movie_user, axis=1)
    occupation_userid = jnp.sum(occupation_user * userid_user, axis=1)
    occupation_itemid = jnp.sum(occupation_item * itemid_user, axis=1)
    movie_userid = jnp.sum(movie_user * userid_item, axis=1)
    movie_itemid = jnp.sum(movie_item * itemid_item, axis=1)
    userid_itemid = jnp.sum(userid_item * itemid_user, axis=1)
    feature_cross = (age_gender + age_occupation + age_movie + age_userid + age_itemid
                     + gender_occupation + gender_movie + gender_userid + gender_itemid
                     + occupation_movie + occupation_userid + occupation_itemid
                     + movie_userid + movie_itemid + userid_itemid)
    lin_out = (fv[:, 2:] + feature_cross[:, None]) @ lin_w.T + lin_b
    out = jax.nn.sigmoid(jnp.take(user_w, uid, axis=0) + jnp.take(item_w, iid, axis=0) + lin_out)
    return out

if __name__ == "__main__":
    import jax
    _d = setup_inputs()
    print(jax.jit(kernel)(*tuple(_d.values())))

</pallas_src>

<mosaic_0001>
#map = affine_map<(d0, d1) -> (0, 0)>
#map1 = affine_map<(d0, d1) -> (0)>
module attributes {stable_mosaic.version = 14 : i64} {
  func.func @k(%arg0: i32, %arg1: i32, %arg2: memref<943x128xf32, #tpu.memory_space<hbm>>, %arg3: memref<1682x128xf32, #tpu.memory_space<hbm>>, %arg4: memref<960xf32, #tpu.memory_space<hbm>>, %arg5: memref<1696xf32, #tpu.memory_space<hbm>>, %arg6: memref<128x128xi32, #tpu.memory_space<hbm>>, %arg7: memref<128x128xi32, #tpu.memory_space<hbm>>, %arg8: memref<16384x256xf32, #tpu.memory_space<hbm>>, %arg9: memref<16384x16xf32, #tpu.memory_space<hbm>>, %arg10: memref<128x128xf32, #tpu.memory_space<hbm>>, %arg11: memref<4x128xi32, #tpu.memory_space<vmem>>, %arg12: memref<4x128xi32, #tpu.memory_space<vmem>>, %arg13: memref<128x128xf32, #tpu.memory_space<vmem>>, %arg14: memref<128x128xf32, #tpu.memory_space<vmem>>, %arg15: memref<16x128xf32, #tpu.memory_space<vmem>>, %arg16: memref<16x128xf32, #tpu.memory_space<vmem>>, %arg17: memref<16xi32, #tpu.memory_space<vmem>>, %arg18: memref<16xi32, #tpu.memory_space<vmem>>, %arg19: memref<2x128x256xf32, #tpu.memory_space<vmem>>, %arg20: memref<128x16xf32, #tpu.memory_space<vmem>>, %arg21: memref<960xf32, #tpu.memory_space<vmem>>, %arg22: memref<1696xf32, #tpu.memory_space<vmem>>, %arg23: memref<4x128xf32, #tpu.memory_space<vmem>>, %arg24: memref<!tpu.dma_semaphore, #tpu.memory_space<semaphore_mem>>, %arg25: memref<!tpu.dma_semaphore, #tpu.memory_space<semaphore_mem>>, %arg26: memref<!tpu.dma_semaphore, #tpu.memory_space<semaphore_mem>>) attributes {dimension_semantics = [#tpu.dimension_semantics<core_parallel>, #tpu.dimension_semantics<subcore_parallel>], iteration_bounds = array<i64: 2, 16>, scalar_prefetch = 0 : i64, scratch_operands = 16 : i64, tpu.core_type = #tpu.core_type<sc_vector_subcore>, window_params = [{transform_indices = #map}, {transform_indices = #map}, {transform_indices = #map1}, {transform_indices = #map1}, {transform_indices = #map}, {transform_indices = #map}, {transform_indices = #map}, {transform_indices = #map}, {transform_indices = #map}]} {
    %mul3A = arith.constant 2 : i32
    %mul3A_0 = arith.muli %arg1, %mul3A : i32
    %add3A = arith.addi %mul3A_0, %arg0 : i32
    %mul3A_1 = arith.constant 4 : i32
    %mul3A_2 = arith.muli %add3A, %mul3A_1 : i32
    "tpu.region"() ({
      %run_scoped3A = tpu.sem_alloc : memref<!tpu.dma_semaphore, #tpu.memory_space<semaphore_mem>>
      %dma_start3A_1136 = arith.constant 0 : i32
      %dma_start3A_1137 = tpu.memref_slice %arg6[%mul3A_2, %dma_start3A_1136] : memref<128x128xi32, #tpu.memory_space<hbm>> -> memref<4x128xi32, #tpu.memory_space<hbm>>
      %dma_start3A_1138 = arith.constant 0 : i32
      %dma_start3A_1139 = tpu.memref_slice %arg6[%mul3A_2, %dma_start3A_1138] : memref<128x128xi32, #tpu.memory_space<hbm>> -> memref<4x128xi32, #tpu.memory_space<hbm>>
      tpu.enqueue_dma source(%dma_start3A_1139 : memref<4x128xi32, #tpu.memory_space<hbm>>) target(%arg11 : memref<4x128xi32, #tpu.memory_space<vmem>>) target_semaphore(%run_scoped3A : memref<!tpu.dma_semaphore, #tpu.memory_space<semaphore_mem>>)
      %dma_wait3A_1140 = arith.constant 0 : i32
      %dma_wait3A_1141 = tpu.memref_slice %arg6[%mul3A_2, %dma_wait3A_1140] : memref<128x128xi32, #tpu.memory_space<hbm>> -> memref<4x128xi32, #tpu.memory_space<hbm>>
      %dma_wait3A_1142 = arith.constant 0 : i32
      %dma_wait3A_1143 = tpu.memref_slice %arg6[%mul3A_2, %dma_wait3A_1142] : memref<128x128xi32, #tpu.memory_space<hbm>> -> memref<4x128xi32, #tpu.memory_space<hbm>>
      tpu.wait_dma2 semaphore(%run_scoped3A : memref<!tpu.dma_semaphore, #tpu.memory_space<semaphore_mem>>) src(%dma_wait3A_1143 : memref<4x128xi32, #tpu.memory_space<hbm>>) dst(%arg11 : memref<4x128xi32, #tpu.memory_space<vmem>>)
      tpu.yield
    }) : () -> ()
    %mul3A_3 = arith.constant 4 : i32
    %mul3A_4 = arith.muli %add3A, %mul3A_3 : i32
    "tpu.region"() ({
      %run_scoped3A = tpu.sem_alloc : memref<!tpu.dma_semaphore, #tpu.memory_space<semaphore_mem>>
      %dma_start3A_1136 = arith.constant 0 : i32
      %dma_start3A_1137 = tpu.memref_slice %arg7[%mul3A_4, %dma_start3A_1136] : memref<128x128xi32, #tpu.memory_space<hbm>> -> memref<4x128xi32, #tpu.memory_space<hbm>>
      %dma_start3A_1138 = arith.constant 0 : i32
      %dma_start3A_1139 = tpu.memref_slice %arg7[%mul3A_4, %dma_start3A_1138] : memref<128x128xi32, #tpu.memory_space<hbm>> -> memref<4x128xi32, #tpu.memory_space<hbm>>
      tpu.enqueue_dma source(%dma_start3A_1139 : memref<4x128xi32, #tpu.memory_space<hbm>>) target(%arg12 : memref<4x128xi32, #tpu.memory_space<vmem>>) target_semaphore(%run_scoped3A : memref<!tpu.dma_semaphore, #tpu.memory_space<semaphore_mem>>)
      %dma_wait3A_1140 = arith.constant 0 : i32
      %dma_wait3A_1141 = tpu.memref_slice %arg7[%mul3A_4, %dma_wait3A_1140] : memref<128x128xi32, #tpu.memory_space<hbm>> -> memref<4x128xi32, #tpu.memory_space<hbm>>
      %dma_wait3A_1142 = arith.constant 0 : i32
      %dma_wait3A_1143 = tpu.memref_slice %arg7[%mul3A_4, %dma_wait3A_1142] : memref<128x128xi32, #tpu.memory_space<hbm>> -> memref<4x128xi32, #tpu.memory_space<hbm>>
      tpu.wait_dma2 semaphore(%run_scoped3A : memref<!tpu.dma_semaphore, #tpu.memory_space<semaphore_mem>>) src(%dma_wait3A_1143 : memref<4x128xi32, #tpu.memory_space<hbm>>) dst(%arg12 : memref<4x128xi32, #tpu.memory_space<vmem>>)
      tpu.yield
    }) : () -> ()
    %iota3A = tpu.iota {dimensions = array<i32: 0>} : vector<16xi32>
    %min3A = arith.constant 3 : i32
    %min3A_5 = vector.broadcast %min3A : i32 to vector<16xi32>
    %min3A_6 = arith.minsi %iota3A, %min3A_5 : vector<16xi32>
    %broadcast_in_dim3A = arith.constant 0 : i32
    %broadcast_in_dim3A_7 = vector.broadcast %broadcast_in_dim3A : i32 to vector<16xi32>
    %gather3A = tpu.vector_load_idx %arg11[%min3A_6, %broadcast_in_dim3A_7] : memref<4x128xi32, #tpu.memory_space<vmem>>[vector<16xi32>, vector<16xi32>], vector<16xi32>,
    %swap3A = arith.constant 0 : index
    %swap3A_8 = tpu.vector_load %arg17[%swap3A] {strides = array<i32>} : memref<16xi32, #tpu.memory_space<vmem>>, vector<16xi32>,
    tpu.vector_store %arg17[%swap3A], %gather3A {strides = array<i32>} : memref<16xi32, #tpu.memory_space<vmem>>, vector<16xi32>,
    %gather3A_9 = tpu.vector_load_idx %arg12[%min3A_6, %broadcast_in_dim3A_7] : memref<4x128xi32, #tpu.memory_space<vmem>>[vector<16xi32>, vector<16xi32>], vector<16xi32>,
    %swap3A_10 = arith.constant 0 : index
    %swap3A_11 = tpu.vector_load %arg18[%swap3A_10] {strides = array<i32>} : memref<16xi32, #tpu.memory_space<vmem>>, vector<16xi32>,
    tpu.vector_store %arg18[%swap3A_10], %gather3A_9 {strides = array<i32>} : memref<16xi32, #tpu.memory_space<vmem>>, vector<16xi32>,
    %dma_start3A = arith.constant 0 : i32
    %dma_start3A_12 = arith.constant 0 : i32
    %dma_start3A_13 = tpu.memref_slice %arg2[%dma_start3A, %dma_start3A_12] : memref<943x128xf32, #tpu.memory_space<hbm>> -> memref<943x128xf32, #tpu.memory_space<hbm>>
    tpu.enqueue_indirect_dma source(%dma_start3A_13 : memref<943x128xf32, #tpu.memory_space<hbm>>) target(%arg15 : memref<16x128xf32, #tpu.memory_space<vmem>>) offsets(%arg17 : memref<16xi32, #tpu.memory_space<vmem>>) semaphore(%arg24 : memref<!tpu.dma_semaphore, #tpu.memory_space<semaphore_mem>>)
    %dma_start3A_14 = arith.constant 0 : i32
    %dma_start3A_15 = arith.constant 0 : i32
    %dma_start3A_16 = tpu.memref_slice %arg3[%dma_start3A_14, %dma_start3A_15] : memref<1682x128xf32, #tpu.memory_space<hbm>> -> memref<1682x128xf32, #tpu.memory_space<hbm>>
    tpu.enqueue_indirect_dma source(%dma_start3A_16 : memref<1682x128xf32, #tpu.memory_space<hbm>>) target(%arg16 : memref<16x128xf32, #tpu.memory_space<vmem>>) offsets(%arg18 : memref<16xi32, #tpu.memory_space<vmem>>) semaphore(%arg25 : memref<!tpu.dma_semaphore, #tpu.memory_space<semaphore_mem>>)
    "tpu.region"() ({
      %run_scoped3A = tpu.sem_alloc : memref<!tpu.dma_semaphore, #tpu.memory_space<semaphore_mem>>
      tpu.enqueue_dma source(%arg4 : memref<960xf32, #tpu.memory_space<hbm>>) target(%arg21 : memref<960xf32, #tpu.memory_space<vmem>>) target_semaphore(%run_scoped3A : memref<!tpu.dma_semaphore, #tpu.memory_space<semaphore_mem>>)
      tpu.wait_dma2 semaphore(%run_scoped3A : memref<!tpu.dma_semaphore, #tpu.memory_space<semaphore_mem>>) src(%arg4 : memref<960xf32, #tpu.memory_space<hbm>>) dst(%arg21 : memref<960xf32, #tpu.memory_space<vmem>>)
      tpu.yield
    }) : () -> ()
    "tpu.region"() ({
      %run_scoped3A = tpu.sem_alloc : memref<!tpu.dma_semaphore, #tpu.memory_space<semaphore_mem>>
      tpu.enqueue_dma source(%arg5 : memref<1696xf32, #tpu.memory_space<hbm>>) target(%arg22 : memref<1696xf32, #tpu.memory_space<vmem>>) target_semaphore(%run_scoped3A : memref<!tpu.dma_semaphore, #tpu.memory_space<semaphore_mem>>)
      tpu.wait_dma2 semaphore(%run_scoped3A : memref<!tpu.dma_semaphore, #tpu.memory_space<semaphore_mem>>) src(%arg5 : memref<1696xf32, #tpu.memory_space<hbm>>) dst(%arg22 : memref<1696xf32, #tpu.memory_space<vmem>>)
      tpu.yield
    }) : () -> ()
    %dma_wait3A = arith.constant 0 : i32
    %dma_wait3A_17 = arith.constant 0 : i32
    %dma_wait3A_18 = tpu.memref_slice %arg2[%dma_wait3A, %dma_wait3A_17] : memref<943x128xf32, #tpu.memory_space<hbm>> -> memref<943x128xf32, #tpu.memory_space<hbm>>
    tpu.wait_indirect_dma semaphore(%arg24 : memref<!tpu.dma_semaphore, #tpu.memory_space<semaphore_mem>>) src(%dma_wait3A_18 : memref<943x128xf32, #tpu.memory_space<hbm>>) dst(%arg15 : memref<16x128xf32, #tpu.memory_space<vmem>>)
    %dma_wait3A_19 = arith.constant 0 : i32
    %dma_wait3A_20 = arith.constant 0 : i32
    %dma_wait3A_21 = tpu.memref_slice %arg3[%dma_wait3A_19, %dma_wait3A_20] : memref<1682x128xf32, #tpu.memory_space<hbm>> -> memref<1682x128xf32, #tpu.memory_space<hbm>>
    tpu.wait_indirect_dma semaphore(%arg25 : memref<!tpu.dma_semaphore, #tpu.memory_space<semaphore_mem>>) src(%dma_wait3A_21 : memref<1682x128xf32, #tpu.memory_space<hbm>>) dst(%arg16 : memref<16x128xf32, #tpu.memory_space<vmem>>)
    %mul3A_22 = arith.constant 512 : i32
    %mul3A_23 = arith.muli %add3A, %mul3A_22 : i32
    %dma_start3A_24 = arith.constant 0 : i32
    %dma_start3A_25 = arith.constant 0 : i32
    %dma_start3A_26 = arith.constant 0 : i32
    %dma_start3A_27 = tpu.memref_slice %arg19[%dma_start3A_24, %dma_start3A_25, %dma_start3A_26] : memref<2x128x256xf32, #tpu.memory_space<vmem>> -> memref<1x128x256xf32, #tpu.memory_space<vmem>>
    %dma_start3A_28 = tpu.memref_squeeze %dma_start3A_27 : memref<1x128x256xf32, #tpu.memory_space<vmem>> -> memref<128x256xf32, #tpu.memory_space<vmem>>
    %dma_start3A_29 = arith.constant 0 : i32
    %dma_start3A_30 = tpu.memref_slice %arg8[%mul3A_23, %dma_start3A_29] : memref<16384x256xf32, #tpu.memory_space<hbm>> -> memref<128x256xf32, #tpu.memory_space<hbm>>
    %dma_start3A_31 = arith.constant 0 : i32
    %dma_start3A_32 = arith.constant 0 : i32
    %dma_start3A_33 = tpu.memref_slice %arg19[%dma_start3A_24, %dma_start3A_31, %dma_start3A_32] : memref<2x128x256xf32, #tpu.memory_space<vmem>> -> memref<1x128x256xf32, #tpu.memory_space<vmem>>
    %dma_start3A_34 = tpu.memref_squeeze %dma_start3A_33 : memref<1x128x256xf32, #tpu.memory_space<vmem>> -> memref<128x256xf32, #tpu.memory_space<vmem>>
    %dma_start3A_35 = arith.constant 0 : i32
    %dma_start3A_36 = tpu.memref_slice %arg8[%mul3A_23, %dma_start3A_35] : memref<16384x256xf32, #tpu.memory_space<hbm>> -> memref<128x256xf32, #tpu.memory_space<hbm>>
    tpu.enqueue_dma source(%dma_start3A_36 : memref<128x256xf32, #tpu.memory_space<hbm>>) target(%dma_start3A_34 : memref<128x256xf32, #tpu.memory_space<vmem>>) target_semaphore(%arg26 : memref<!tpu.dma_semaphore, #tpu.memory_space<semaphore_mem>>)
    %get3A = arith.constant 0 : i32
    %get3A_37 = arith.index_cast %get3A : i32 to index
    %get3A_38 = arith.constant 0 : index
    %get3A_39 = tpu.vector_load %arg11[%get3A_37, %get3A_38] {strides = array<i32>} : memref<4x128xi32, #tpu.memory_space<vmem>>, vector<16xi32>,
    %get3A_40 = arith.constant 0 : i32
    %get3A_41 = arith.index_cast %get3A_40 : i32 to index
    %get3A_42 = arith.constant 16 : index
    %get3A_43 = tpu.vector_load %arg11[%get3A_41, %get3A_42] {strides = array<i32>} : memref<4x128xi32, #tpu.memory_space<vmem>>, vector<16xi32>,
    %max3A = arith.maxsi %get3A_39, %get3A_43 : vector<16xi32>
    %min3A_44 = arith.minsi %get3A_39, %get3A_43 : vector<16xi32>
    %get3A_45 = arith.constant 0 : i32
    %get3A_46 = arith.index_cast %get3A_45 : i32 to index
    %get3A_47 = arith.constant 32 : index
    %get3A_48 = tpu.vector_load %arg11[%get3A_46, %get3A_47] {strides = array<i32>} : memref<4x128xi32, #tpu.memory_space<vmem>>, vector<16xi32>,
    %max3A_49 = arith.maxsi %max3A, %get3A_48 : vector<16xi32>
    %min3A_50 = arith.minsi %min3A_44, %get3A_48 : vector<16xi32>
    %get3A_51 = arith.constant 0 : i32
    %get3A_52 = arith.index_cast %get3A_51 : i32 to index
    %get3A_53 = arith.constant 48 : index
    %get3A_54 = tpu.vector_load %arg11[%get3A_52, %get3A_53] {strides = array<i32>} : memref<4x128xi32, #tpu.memory_space<vmem>>, vector<16xi32>,
    %max3A_55 = arith.maxsi %max3A_49, %get3A_54 : vector<16xi32>
    %min3A_56 = arith.minsi %min3A_50, %get3A_54 : vector<16xi32>
    %get3A_57 = arith.constant 0 : i32
    %get3A_58 = arith.index_cast %get3A_57 : i32 to index
    %get3A_59 = arith.constant 64 : index
    %get3A_60 = tpu.vector_load %arg11[%get3A_58, %get3A_59] {strides = array<i32>} : memref<4x128xi32, #tpu.memory_space<vmem>>, vector<16xi32>,
    %max3A_61 = arith.maxsi %max3A_55, %get3A_60 : vector<16xi32>
    %min3A_62 = arith.minsi %min3A_56, %get3A_60 : vector<16xi32>
    %get3A_63 = arith.constant 0 : i32
    %get3A_64 = arith.index_cast %get3A_63 : i32 to index
    %get3A_65 = arith.constant 80 : index
    %get3A_66 = tpu.vector_load %arg11[%get3A_64, %get3A_65] {strides = array<i32>} : memref<4x128xi32, #tpu.memory_space<vmem>>, vector<16xi32>,
    %max3A_67 = arith.maxsi %max3A_61, %get3A_66 : vector<16xi32>
    %min3A_68 = arith.minsi %min3A_62, %get3A_66 : vector<16xi32>
    %get3A_69 = arith.constant 0 : i32
    %get3A_70 = arith.index_cast %get3A_69 : i32 to index
    %get3A_71 = arith.constant 96 : index
    %get3A_72 = tpu.vector_load %arg11[%get3A_70, %get3A_71] {strides = array<i32>} : memref<4x128xi32, #tpu.memory_space<vmem>>, vector<16xi32>,
    %max3A_73 = arith.maxsi %max3A_67, %get3A_72 : vector<16xi32>
    %min3A_74 = arith.minsi %min3A_68, %get3A_72 : vector<16xi32>
    %get3A_75 = arith.constant 0 : i32
    %get3A_76 = arith.index_cast %get3A_75 : i32 to index
    %get3A_77 = arith.constant 112 : index
    %get3A_78 = tpu.vector_load %arg11[%get3A_76, %get3A_77] {strides = array<i32>} : memref<4x128xi32, #tpu.memory_space<vmem>>, vector<16xi32>,
    %max3A_79 = arith.maxsi %max3A_73, %get3A_78 : vector<16xi32>
    %min3A_80 = arith.minsi %min3A_74, %get3A_78 : vector<16xi32>
    %reduce_max3A = arith.constant true
    %reduce_max3A_81 = vector.broadcast %reduce_max3A : i1 to vector<16xi1>
    %reduce_max3A_82 = arith.constant -2147483648 : i32
    %reduce_max3A_83 = vector.broadcast %reduce_max3A_82 : i32 to vector<16xi32>
    %reduce_max3A_84 = arith.xori %max3A_79, %reduce_max3A_83 : vector<16xi32>
    %reduce_max3A_85 = tpu.scan <max>, %reduce_max3A_84 masked %reduce_max3A_81 : vector<16xi32>, vector<16xi1> -> vector<16xi32>
    %reduce_max3A_86 = arith.xori %reduce_max3A_85, %reduce_max3A_83 : vector<16xi32>
    %reduce_max3A_87 = vector.extract %reduce_max3A_86[15] : i32 from vector<16xi32>
    %reduce_min3A = arith.constant true
    %reduce_min3A_88 = vector.broadcast %reduce_min3A : i1 to vector<16xi1>
    %reduce_min3A_89 = arith.constant -2147483648 : i32
    %reduce_min3A_90 = vector.broadcast %reduce_min3A_89 : i32 to vector<16xi32>
    %reduce_min3A_91 = arith.xori %min3A_80, %reduce_min3A_90 : vector<16xi32>
    %reduce_min3A_92 = tpu.scan <min>, %reduce_min3A_91 masked %reduce_min3A_88 : vector<16xi32>, vector<16xi1> -> vector<16xi32>
    %reduce_min3A_93 = arith.xori %reduce_min3A_92, %reduce_min3A_90 : vector<16xi32>
    %reduce_min3A_94 = vector.extract %reduce_min3A_93[15] : i32 from vector<16xi32>
    %eq3A = arith.cmpi eq, %reduce_max3A_87, %reduce_min3A_94 : i32
    %get3A_95 = arith.constant 0 : i32
    %get3A_96 = arith.index_cast %get3A_95 : i32 to index
    %get3A_97 = arith.constant 0 : index
    %get3A_98 = tpu.vector_load %arg12[%get3A_96, %get3A_97] {strides = array<i32>} : memref<4x128xi32, #tpu.memory_space<vmem>>, vector<16xi32>,
    %get3A_99 = arith.constant 0 : i32
    %get3A_100 = arith.index_cast %get3A_99 : i32 to index
    %get3A_101 = arith.constant 16 : index
    %get3A_102 = tpu.vector_load %arg12[%get3A_100, %get3A_101] {strides = array<i32>} : memref<4x128xi32, #tpu.memory_space<vmem>>, vector<16xi32>,
    %max3A_103 = arith.maxsi %get3A_98, %get3A_102 : vector<16xi32>
    %min3A_104 = arith.minsi %get3A_98, %get3A_102 : vector<16xi32>
    %get3A_105 = arith.constant 0 : i32
    %get3A_106 = arith.index_cast %get3A_105 : i32 to index
    %get3A_107 = arith.constant 32 : index
    %get3A_108 = tpu.vector_load %arg12[%get3A_106, %get3A_107] {strides = array<i32>} : memref<4x128xi32, #tpu.memory_space<vmem>>, vector<16xi32>,
    %max3A_109 = arith.maxsi %max3A_103, %get3A_108 : vector<16xi32>
    %min3A_110 = arith.minsi %min3A_104, %get3A_108 : vector<16xi32>
    %get3A_111 = arith.constant 0 : i32
    %get3A_112 = arith.index_cast %get3A_111 : i32 to index
    %get3A_113 = arith.constant 48 : index
    %get3A_114 = tpu.vector_load %arg12[%get3A_112, %get3A_113] {strides = array<i32>} : memref<4x128xi32, #tpu.memory_space<vmem>>, vector<16xi32>,
    %max3A_115 = arith.maxsi %max3A_109, %get3A_114 : vector<16xi32>
    %min3A_116 = arith.minsi %min3A_110, %get3A_114 : vector<16xi32>
    %get3A_117 = arith.constant 0 : i32
    %get3A_118 = arith.index_cast %get3A_117 : i32 to index
    %get3A_119 = arith.constant 64 : index
    %get3A_120 = tpu.vector_load %arg12[%get3A_118, %get3A_119] {strides = array<i32>} : memref<4x128xi32, #tpu.memory_space<vmem>>, vector<16xi32>,
    %max3A_121 = arith.maxsi %max3A_115, %get3A_120 : vector<16xi32>
    %min3A_122 = arith.minsi %min3A_116, %get3A_120 : vector<16xi32>
    %get3A_123 = arith.constant 0 : i32
    %get3A_124 = arith.index_cast %get3A_123 : i32 to index
    %get3A_125 = arith.constant 80 : index
    %get3A_126 = tpu.vector_load %arg12[%get3A_124, %get3A_125] {strides = array<i32>} : memref<4x128xi32, #tpu.memory_space<vmem>>, vector<16xi32>,
    %max3A_127 = arith.maxsi %max3A_121, %get3A_126 : vector<16xi32>
    %min3A_128 = arith.minsi %min3A_122, %get3A_126 : vector<16xi32>
    %get3A_129 = arith.constant 0 : i32
    %get3A_130 = arith.index_cast %get3A_129 : i32 to index
    %get3A_131 = arith.constant 96 : index
    %get3A_132 = tpu.vector_load %arg12[%get3A_130, %get3A_131] {strides = array<i32>} : memref<4x128xi32, #tpu.memory_space<vmem>>, vector<16xi32>,
    %max3A_133 = arith.maxsi %max3A_127, %get3A_132 : vector<16xi32>
    %min3A_134 = arith.minsi %min3A_128, %get3A_132 : vector<16xi32>
    %get3A_135 = arith.constant 0 : i32
    %get3A_136 = arith.index_cast %get3A_135 : i32 to index
    %get3A_137 = arith.constant 112 : index
    %get3A_138 = tpu.vector_load %arg12[%get3A_136, %get3A_137] {strides = array<i32>} : memref<4x128xi32, #tpu.memory_space<vmem>>, vector<16xi32>,
    %max3A_139 = arith.maxsi %max3A_133, %get3A_138 : vector<16xi32>
    %min3A_140 = arith.minsi %min3A_134, %get3A_138 : vector<16xi32>
    %reduce_max3A_141 = arith.constant true
    %reduce_max3A_142 = vector.broadcast %reduce_max3A_141 : i1 to vector<16xi1>
    %reduce_max3A_143 = arith.constant -2147483648 : i32
    %reduce_max3A_144 = vector.broadcast %reduce_max3A_143 : i32 to vector<16xi32>
    %reduce_max3A_145 = arith.xori %max3A_139, %reduce_max3A_144 : vector<16xi32>
    %reduce_max3A_146 = tpu.scan <max>, %reduce_max3A_145 masked %reduce_max3A_142 : vector<16xi32>, vector<16xi1> -> vector<16xi32>
    %reduce_max3A_147 = arith.xori %reduce_max3A_146, %reduce_max3A_144 : vector<16xi32>
    %reduce_max3A_148 = vector.extract %reduce_max3A_147[15] : i32 from vector<16xi32>
    %reduce_min3A_149 = arith.constant true
    %reduce_min3A_150 = vector.broadcast %reduce_min3A_149 : i1 to vector<16xi1>
    %reduce_min3A_151 = arith.constant -2147483648 : i32
    %reduce_min3A_152 = vector.broadcast %reduce_min3A_151 : i32 to vector<16xi32>
    %reduce_min3A_153 = arith.xori %min3A_140, %reduce_min3A_152 : vector<16xi32>
    %reduce_min3A_154 = tpu.scan <min>, %reduce_min3A_153 masked %reduce_min3A_150 : vector<16xi32>, vector<16xi1> -> vector<16xi32>
    %reduce_min3A_155 = arith.xori %reduce_min3A_154, %reduce_min3A_152 : vector<16xi32>
    %reduce_min3A_156 = vector.extract %reduce_min3A_155[15] : i32 from vector<16xi32>
    %eq3A_157 = arith.cmpi eq, %reduce_max3A_148, %reduce_min3A_156 : i32
    %get3A_158 = arith.constant 0 : i32
    %get3A_159 = arith.index_cast %get3A_158 : i32 to index
    %get3A_160 = arith.constant 0 : index
    %get3A_161 = tpu.vector_load %arg11[%get3A_159, %get3A_160] {strides = array<i32>} : memref<4x128xi32, #tpu.memory_space<vmem>>, vector<16xi32>,
    %gather3A_162 = tpu.vector_load_idx %arg21[%get3A_161] : memref<960xf32, #tpu.memory_space<vmem>>[vector<16xi32>], vector<16xf32>,
    %get3A_163 = arith.constant 0 : i32
    %get3A_164 = arith.index_cast %get3A_163 : i32 to index
    %get3A_165 = arith.constant 0 : index
    %get3A_166 = tpu.vector_load %arg12[%get3A_164, %get3A_165] {strides = array<i32>} : memref<4x128xi32, #tpu.memory_space<vmem>>, vector<16xi32>,
    %gather3A_167 = tpu.vector_load_idx %arg22[%get3A_166] : memref<1696xf32, #tpu.memory_space<vmem>>[vector<16xi32>], vector<16xf32>,
    %add3A_168 = arith.addf %gather3A_162, %gather3A_167 : vector<16xf32>
    %swap3A_169 = arith.constant 0 : i32
    %swap3A_170 = arith.index_cast %swap3A_169 : i32 to index
    %swap3A_171 = arith.constant 0 : index
    %swap3A_172 = tpu.vector_load %arg23[%swap3A_170, %swap3A_171] {strides = array<i32>} : memref<4x128xf32, #tpu.memory_space<vmem>>, vector<16xf32>,
    tpu.vector_store %arg23[%swap3A_170, %swap3A_171], %add3A_168 {strides = array<i32>} : memref<4x128xf32, #tpu.memory_space<vmem>>, vector<16xf32>,
    %get3A_173 = arith.constant 0 : i32
    %get3A_174 = arith.index_cast %get3A_173 : i32 to index
    %get3A_175 = arith.constant 16 : index
    %get3A_176 = tpu.vector_load %arg11[%get3A_174, %get3A_175] {strides = array<i32>} : memref<4x128xi32, #tpu.memory_space<vmem>>, vector<16xi32>,
    %gather3A_177 = tpu.vector_load_idx %arg21[%get3A_176] : memref<960xf32, #tpu.memory_space<vmem>>[vector<16xi32>], vector<16xf32>,
    %get3A_178 = arith.constant 0 : i32
    %get3A_179 = arith.index_cast %get3A_178 : i32 to index
    %get3A_180 = arith.constant 16 : index
    %get3A_181 = tpu.vector_load %arg12[%get3A_179, %get3A_180] {strides = array<i32>} : memref<4x128xi32, #tpu.memory_space<vmem>>, vector<16xi32>,
    %gather3A_182 = tpu.vector_load_idx %arg22[%get3A_181] : memref<1696xf32, #tpu.memory_space<vmem>>[vector<16xi32>], vector<16xf32>,
    %add3A_183 = arith.addf %gather3A_177, %gather3A_182 : vector<16xf32>
    %swap3A_184 = arith.constant 0 : i32
    %swap3A_185 = arith.index_cast %swap3A_184 : i32 to index
    %swap3A_186 = arith.constant 16 : index
    %swap3A_187 = tpu.vector_load %arg23[%swap3A_185, %swap3A_186] {strides = array<i32>} : memref<4x128xf32, #tpu.memory_space<vmem>>, vector<16xf32>,
    tpu.vector_store %arg23[%swap3A_185, %swap3A_186], %add3A_183 {strides = array<i32>} : memref<4x128xf32, #tpu.memory_space<vmem>>, vector<16xf32>,
    %get3A_188 = arith.constant 0 : i32
    %get3A_189 = arith.index_cast %get3A_188 : i32 to index
    %get3A_190 = arith.constant 32 : index
    %get3A_191 = tpu.vector_load %arg11[%get3A_189, %get3A_190] {strides = array<i32>} : memref<4x128xi32, #tpu.memory_space<vmem>>, vector<16xi32>,
    %gather3A_192 = tpu.vector_load_idx %arg21[%get3A_191] : memref<960xf32, #tpu.memory_space<vmem>>[vector<16xi32>], vector<16xf32>,
    %get3A_193 = arith.constant 0 : i32
    %get3A_194 = arith.index_cast %get3A_193 : i32 to index
    %get3A_195 = arith.constant 32 : index
    %get3A_196 = tpu.vector_load %arg12[%get3A_194, %get3A_195] {strides = array<i32>} : memref<4x128xi32, #tpu.memory_space<vmem>>, vector<16xi32>,
    %gather3A_197 = tpu.vector_load_idx %arg22[%get3A_196] : memref<1696xf32, #tpu.memory_space<vmem>>[vector<16xi32>], vector<16xf32>,
    %add3A_198 = arith.addf %gather3A_192, %gather3A_197 : vector<16xf32>
    %swap3A_199 = arith.constant 0 : i32
    %swap3A_200 = arith.index_cast %swap3A_199 : i32 to index
    %swap3A_201 = arith.constant 32 : index
    %swap3A_202 = tpu.vector_load %arg23[%swap3A_200, %swap3A_201] {strides = array<i32>} : memref<4x128xf32, #tpu.memory_space<vmem>>, vector<16xf32>,
    tpu.vector_store %arg23[%swap3A_200, %swap3A_201], %add3A_198 {strides = array<i32>} : memref<4x128xf32, #tpu.memory_space<vmem>>, vector<16xf32>,
    %get3A_203 = arith.constant 0 : i32
    %get3A_204 = arith.index_cast %get3A_203 : i32 to index
    %get3A_205 = arith.constant 48 : index
    %get3A_206 = tpu.vector_load %arg11[%get3A_204, %get3A_205] {strides = array<i32>} : memref<4x128xi32, #tpu.memory_space<vmem>>, vector<16xi32>,
    %gather3A_207 = tpu.vector_load_idx %arg21[%get3A_206] : memref<960xf32, #tpu.memory_space<vmem>>[vector<16xi32>], vector<16xf32>,
    %get3A_208 = arith.constant 0 : i32
    %get3A_209 = arith.index_cast %get3A_208 : i32 to index
    %get3A_210 = arith.constant 48 : index
    %get3A_211 = tpu.vector_load %arg12[%get3A_209, %get3A_210] {strides = array<i32>} : memref<4x128xi32, #tpu.memory_space<vmem>>, vector<16xi32>,
    %gather3A_212 = tpu.vector_load_idx %arg22[%get3A_211] : memref<1696xf32, #tpu.memory_space<vmem>>[vector<16xi32>], vector<16xf32>,
    %add3A_213 = arith.addf %gather3A_207, %gather3A_212 : vector<16xf32>
    %swap3A_214 = arith.constant 0 : i32
    %swap3A_215 = arith.index_cast %swap3A_214 : i32 to index
    %swap3A_216 = arith.constant 48 : index
    %swap3A_217 = tpu.vector_load %arg23[%swap3A_215, %swap3A_216] {strides = array<i32>} : memref<4x128xf32, #tpu.memory_space<vmem>>, vector<16xf32>,
    tpu.vector_store %arg23[%swap3A_215, %swap3A_216], %add3A_213 {strides = array<i32>} : memref<4x128xf32, #tpu.memory_space<vmem>>, vector<16xf32>,
    %get3A_218 = arith.constant 0 : i32
    %get3A_219 = arith.index_cast %get3A_218 : i32 to index
    %get3A_220 = arith.constant 64 : index
    %get3A_221 = tpu.vector_load %arg11[%get3A_219, %get3A_220] {strides = array<i32>} : memref<4x128xi32, #tpu.memory_space<vmem>>, vector<16xi32>,
    %gather3A_222 = tpu.vector_load_idx %arg21[%get3A_221] : memref<960xf32, #tpu.memory_space<vmem>>[vector<16xi32>], vector<16xf32>,
    %get3A_223 = arith.constant 0 : i32
    %get3A_224 = arith.index_cast %get3A_223 : i32 to index
    %get3A_225 = arith.constant 64 : index
    %get3A_226 = tpu.vector_load %arg12[%get3A_224, %get3A_225] {strides = array<i32>} : memref<4x128xi32, #tpu.memory_space<vmem>>, vector<16xi32>,
    %gather3A_227 = tpu.vector_load_idx %arg22[%get3A_226] : memref<1696xf32, #tpu.memory_space<vmem>>[vector<16xi32>], vector<16xf32>,
    %add3A_228 = arith.addf %gather3A_222, %gather3A_227 : vector<16xf32>
    %swap3A_229 = arith.constant 0 : i32
    %swap3A_230 = arith.index_cast %swap3A_229 : i32 to index
    %swap3A_231 = arith.constant 64 : index
    %swap3A_232 = tpu.vector_load %arg23[%swap3A_230, %swap3A_231] {strides = array<i32>} : memref<4x128xf32, #tpu.memory_space<vmem>>, vector<16xf32>,
    tpu.vector_store %arg23[%swap3A_230, %swap3A_231], %add3A_228 {strides = array<i32>} : memref<4x128xf32, #tpu.memory_space<vmem>>, vector<16xf32>,
    %get3A_233 = arith.constant 0 : i32
    %get3A_234 = arith.index_cast %get3A_233 : i32 to index
    %get3A_235 = arith.constant 80 : index
    %get3A_236 = tpu.vector_load %arg11[%get3A_234, %get3A_235] {strides = array<i32>} : memref<4x128xi32, #tpu.memory_space<vmem>>, vector<16xi32>,
    %gather3A_237 = tpu.vector_load_idx %arg21[%get3A_236] : memref<960xf32, #tpu.memory_space<vmem>>[vector<16xi32>], vector<16xf32>,
    %get3A_238 = arith.constant 0 : i32
    %get3A_239 = arith.index_cast %get3A_238 : i32 to index
    %get3A_240 = arith.constant 80 : index
    %get3A_241 = tpu.vector_load %arg12[%get3A_239, %get3A_240] {strides = array<i32>} : memref<4x128xi32, #tpu.memory_space<vmem>>, vector<16xi32>,
    %gather3A_242 = tpu.vector_load_idx %arg22[%get3A_241] : memref<1696xf32, #tpu.memory_space<vmem>>[vector<16xi32>], vector<16xf32>,
    %add3A_243 = arith.addf %gather3A_237, %gather3A_242 : vector<16xf32>
    %swap3A_244 = arith.constant 0 : i32
    %swap3A_245 = arith.index_cast %swap3A_244 : i32 to index
    %swap3A_246 = arith.constant 80 : index
    %swap3A_247 = tpu.vector_load %arg23[%swap3A_245, %swap3A_246] {strides = array<i32>} : memref<4x128xf32, #tpu.memory_space<vmem>>, vector<16xf32>,
    tpu.vector_store %arg23[%swap3A_245, %swap3A_246], %add3A_243 {strides = array<i32>} : memref<4x128xf32, #tpu.memory_space<vmem>>, vector<16xf32>,
    %get3A_248 = arith.constant 0 : i32
    %get3A_249 = arith.index_cast %get3A_248 : i32 to index
    %get3A_250 = arith.constant 96 : index
    %get3A_251 = tpu.vector_load %arg11[%get3A_249, %get3A_250] {strides = array<i32>} : memref<4x128xi32, #tpu.memory_space<vmem>>, vector<16xi32>,
    %gather3A_252 = tpu.vector_load_idx %arg21[%get3A_251] : memref<960xf32, #tpu.memory_space<vmem>>[vector<16xi32>], vector<16xf32>,
    %get3A_253 = arith.constant 0 : i32
    %get3A_254 = arith.index_cast %get3A_253 : i32 to index
    %get3A_255 = arith.constant 96 : index
    %get3A_256 = tpu.vector_load %arg12[%get3A_254, %get3A_255] {strides = array<i32>} : memref<4x128xi32, #tpu.memory_space<vmem>>, vector<16xi32>,
    %gather3A_257 = tpu.vector_load_idx %arg22[%get3A_256] : memref<1696xf32, #tpu.memory_space<vmem>>[vector<16xi32>], vector<16xf32>,
    %add3A_258 = arith.addf %gather3A_252, %gather3A_257 : vector<16xf32>
    %swap3A_259 = arith.constant 0 : i32
    %swap3A_260 = arith.index_cast %swap3A_259 : i32 to index
    %swap3A_261 = arith.constant 96 : index
    %swap3A_262 = tpu.vector_load %arg23[%swap3A_260, %swap3A_261] {strides = array<i32>} : memref<4x128xf32, #tpu.memory_space<vmem>>, vector<16xf32>,
    tpu.vector_store %arg23[%swap3A_260, %swap3A_261], %add3A_258 {strides = array<i32>} : memref<4x128xf32, #tpu.memory_space<vmem>>, vector<16xf32>,
    %get3A_263 = arith.constant 0 : i32
    %get3A_264 = arith.index_cast %get3A_263 : i32 to index
    %get3A_265 = arith.constant 112 : index
    %get3A_266 = tpu.vector_load %arg11[%get3A_264, %get3A_265] {strides = array<i32>} : memref<4x128xi32, #tpu.memory_space<vmem>>, vector<16xi32>,
    %gather3A_267 = tpu.vector_load_idx %arg21[%get3A_266] : memref<960xf32, #tpu.memory_space<vmem>>[vector<16xi32>], vector<16xf32>,
    %get3A_268 = arith.constant 0 : i32
    %get3A_269 = arith.index_cast %get3A_268 : i32 to index
    %get3A_270 = arith.constant 112 : index
    %get3A_271 = tpu.vector_load %arg12[%get3A_269, %get3A_270] {strides = array<i32>} : memref<4x128xi32, #tpu.memory_space<vmem>>, vector<16xi32>,
    %gather3A_272 = tpu.vector_load_idx %arg22[%get3A_271] : memref<1696xf32, #tpu.memory_space<vmem>>[vector<16xi32>], vector<16xf32>,
    %add3A_273 = arith.addf %gather3A_267, %gather3A_272 : vector<16xf32>
    %swap3A_274 = arith.constant 0 : i32
    %swap3A_275 = arith.index_cast %swap3A_274 : i32 to index
    %swap3A_276 = arith.constant 112 : index
    %swap3A_277 = tpu.vector_load %arg23[%swap3A_275, %swap3A_276] {strides = array<i32>} : memref<4x128xf32, #tpu.memory_space<vmem>>, vector<16xf32>,
    tpu.vector_store %arg23[%swap3A_275, %swap3A_276], %add3A_273 {strides = array<i32>} : memref<4x128xf32, #tpu.memory_space<vmem>>, vector<16xf32>,
    %dma_wait3A_278 = arith.constant 0 : i32
    %dma_wait3A_279 = arith.constant 0 : i32
    %dma_wait3A_280 = arith.constant 0 : i32
    %dma_wait3A_281 = tpu.memref_slice %arg19[%dma_wait3A_278, %dma_wait3A_279, %dma_wait3A_280] : memref<2x128x256xf32, #tpu.memory_space<vmem>> -> memref<1x128x256xf32, #tpu.memory_space<vmem>>
    %dma_wait3A_282 = tpu.memref_squeeze %dma_wait3A_281 : memref<1x128x256xf32, #tpu.memory_space<vmem>> -> memref<128x256xf32, #tpu.memory_space<vmem>>
    %dma_wait3A_283 = arith.constant 0 : i32
    %dma_wait3A_284 = tpu.memref_slice %arg8[%mul3A_23, %dma_wait3A_283] : memref<16384x256xf32, #tpu.memory_space<hbm>> -> memref<128x256xf32, #tpu.memory_space<hbm>>
    %dma_wait3A_285 = arith.constant 0 : i32
    %dma_wait3A_286 = arith.constant 0 : i32
    %dma_wait3A_287 = tpu.memref_slice %arg19[%dma_wait3A_278, %dma_wait3A_285, %dma_wait3A_286] : memref<2x128x256xf32, #tpu.memory_space<vmem>> -> memref<1x128x256xf32, #tpu.memory_space<vmem>>
    %dma_wait3A_288 = tpu.memref_squeeze %dma_wait3A_287 : memref<1x128x256xf32, #tpu.memory_space<vmem>> -> memref<128x256xf32, #tpu.memory_space<vmem>>
    %dma_wait3A_289 = arith.constant 0 : i32
    %dma_wait3A_290 = tpu.memref_slice %arg8[%mul3A_23, %dma_wait3A_289] : memref<16384x256xf32, #tpu.memory_space<hbm>> -> memref<128x256xf32, #tpu.memory_space<hbm>>
    tpu.wait_dma2 semaphore(%arg26 : memref<!tpu.dma_semaphore, #tpu.memory_space<semaphore_mem>>) src(%dma_wait3A_290 : memref<128x256xf32, #tpu.memory_space<hbm>>) dst(%dma_wait3A_288 : memref<128x256xf32, #tpu.memory_space<vmem>>)
    %add3A_291 = arith.constant 128 : i32
    %add3A_292 = arith.addi %mul3A_23, %add3A_291 : i32
    %dma_start3A_293 = arith.constant 1 : i32
    %dma_start3A_294 = arith.constant 0 : i32
    %dma_start3A_295 = arith.constant 0 : i32
    %dma_start3A_296 = tpu.memref_slice %arg19[%dma_start3A_293, %dma_start3A_294, %dma_start3A_295] : memref<2x128x256xf32, #tpu.memory_space<vmem>> -> memref<1x128x256xf32, #tpu.memory_space<vmem>>
    %dma_start3A_297 = tpu.memref_squeeze %dma_start3A_296 : memref<1x128x256xf32, #tpu.memory_space<vmem>> -> memref<128x256xf32, #tpu.memory_space<vmem>>
    %dma_start3A_298 = arith.constant 0 : i32
    %dma_start3A_299 = tpu.memref_slice %arg8[%add3A_292, %dma_start3A_298] : memref<16384x256xf32, #tpu.memory_space<hbm>> -> memref<128x256xf32, #tpu.memory_space<hbm>>
    %dma_start3A_300 = arith.constant 0 : i32
    %dma_start3A_301 = arith.constant 0 : i32
    %dma_start3A_302 = tpu.memref_slice %arg19[%dma_start3A_293, %dma_start3A_300, %dma_start3A_301] : memref<2x128x256xf32, #tpu.memory_space<vmem>> -> memref<1x128x256xf32, #tpu.memory_space<vmem>>
    %dma_start3A_303 = tpu.memref_squeeze %dma_start3A_302 : memref<1x128x256xf32, #tpu.memory_space<vmem>> -> memref<128x256xf32, #tpu.memory_space<vmem>>
    %dma_start3A_304 = arith.constant 0 : i32
    %dma_start3A_305 = tpu.memref_slice %arg8[%add3A_292, %dma_start3A_304] : memref<16384x256xf32, #tpu.memory_space<hbm>> -> memref<128x256xf32, #tpu.memory_space<hbm>>
    tpu.enqueue_dma source(%dma_start3A_305 : memref<128x256xf32, #tpu.memory_space<hbm>>) target(%dma_start3A_303 : memref<128x256xf32, #tpu.memory_space<vmem>>) target_semaphore(%arg26 : memref<!tpu.dma_semaphore, #tpu.memory_space<semaphore_mem>>)
    %and3A = arith.andi %eq3A, %eq3A_157 : i1
    %convert_element_type3A = arith.extui %and3A : i1 to i32
    %cond3A = arith.constant 0 : i32
    %cond3A_306 = arith.cmpi ne, %convert_element_type3A, %cond3A : i32
    scf.if %cond3A_306 {
      %get3A_1136 = arith.constant 0 : i32
      %get3A_1137 = arith.index_cast %get3A_1136 : i32 to index
      %get3A_1138 = arith.constant 0 : index
      %get3A_1139 = tpu.vector_load %arg15[%get3A_1137, %get3A_1138] {strides = array<i32>} : memref<16x128xf32, #tpu.memory_space<vmem>>, vector<16xf32>,
      %get3A_1140 = arith.constant 0 : i32
      %get3A_1141 = arith.index_cast %get3A_1140 : i32 to index
      %get3A_1142 = arith.constant 16 : index
      %get3A_1143 = tpu.vector_load %arg15[%get3A_1141, %get3A_1142] {strides = array<i32>} : memref<16x128xf32, #tpu.memory_space<vmem>>, vector<16xf32>,
      %get3A_1144 = arith.constant 0 : i32
      %get3A_1145 = arith.index_cast %get3A_1144 : i32 to index
      %get3A_1146 = arith.constant 32 : index
      %get3A_1147 = tpu.vector_load %arg15[%get3A_1145, %get3A_1146] {strides = array<i32>} : memref<16x128xf32, #tpu.memory_space<vmem>>, vector<16xf32>,
      %get3A_1148 = arith.constant 0 : i32
      %get3A_1149 = arith.index_cast %get3A_1148 : i32 to index
      %get3A_1150 = arith.constant 48 : index
      %get3A_1151 = tpu.vector_load %arg15[%get3A_1149, %get3A_1150] {strides = array<i32>} : memref<16x128xf32, #tpu.memory_space<vmem>>, vector<16xf32>,
      %get3A_1152 = arith.constant 0 : i32
      %get3A_1153 = arith.index_cast %get3A_1152 : i32 to index
      %get3A_1154 = arith.constant 64 : index
      %get3A_1155 = tpu.vector_load %arg15[%get3A_1153, %get3A_1154] {strides = array<i32>} : memref<16x128xf32, #tpu.memory_space<vmem>>, vector<16xf32>,
      %get3A_1156 = arith.constant 0 : i32
      %get3A_1157 = arith.index_cast %get3A_1156 : i32 to index
      %get3A_1158 = arith.constant 80 : index
      %get3A_1159 = tpu.vector_load %arg15[%get3A_1157, %get3A_1158] {strides = array<i32>} : memref<16x128xf32, #tpu.memory_space<vmem>>, vector<16xf32>,
      %get3A_1160 = arith.constant 0 : i32
      %get3A_1161 = arith.index_cast %get3A_1160 : i32 to index
      %get3A_1162 = arith.constant 96 : index
      %get3A_1163 = tpu.vector_load %arg15[%get3A_1161, %get3A_1162] {strides = array<i32>} : memref<16x128xf32, #tpu.memory_space<vmem>>, vector<16xf32>,
      %get3A_1164 = arith.constant 0 : i32
      %get3A_1165 = arith.index_cast %get3A_1164 : i32 to index
      %get3A_1166 = arith.constant 112 : index
      %get3A_1167 = tpu.vector_load %arg15[%get3A_1165, %get3A_1166] {strides = array<i32>} : memref<16x128xf32, #tpu.memory_space<vmem>>, vector<16xf32>,
      %get3A_1168 = arith.constant 0 : i32
      %get3A_1169 = arith.index_cast %get3A_1168 : i32 to index
      %get3A_1170 = arith.constant 0 : index
      %get3A_1171 = tpu.vector_load %arg16[%get3A_1169, %get3A_1170] {strides = array<i32>} : memref<16x128xf32, #tpu.memory_space<vmem>>, vector<16xf32>,
      %get3A_1172 = arith.constant 0 : i32
      %get3A_1173 = arith.index_cast %get3A_1172 : i32 to index
      %get3A_1174 = arith.constant 16 : index
      %get3A_1175 = tpu.vector_load %arg16[%get3A_1173, %get3A_1174] {strides = array<i32>} : memref<16x128xf32, #tpu.memory_space<vmem>>, vector<16xf32>,
      %get3A_1176 = arith.constant 0 : i32
      %get3A_1177 = arith.index_cast %get3A_1176 : i32 to index
      %get3A_1178 = arith.constant 32 : index
      %get3A_1179 = tpu.vector_load %arg16[%get3A_1177, %get3A_1178] {strides = array<i32>} : memref<16x128xf32, #tpu.memory_space<vmem>>, vector<16xf32>,
      %get3A_1180 = arith.constant 0 : i32
      %get3A_1181 = arith.index_cast %get3A_1180 : i32 to index
      %get3A_1182 = arith.constant 48 : index
      %get3A_1183 = tpu.vector_load %arg16[%get3A_1181, %get3A_1182] {strides = array<i32>} : memref<16x128xf32, #tpu.memory_space<vmem>>, vector<16xf32>,
      %get3A_1184 = arith.constant 0 : i32
      %get3A_1185 = arith.index_cast %get3A_1184 : i32 to index
      %get3A_1186 = arith.constant 64 : index
      %get3A_1187 = tpu.vector_load %arg16[%get3A_1185, %get3A_1186] {strides = array<i32>} : memref<16x128xf32, #tpu.memory_space<vmem>>, vector<16xf32>,
      %get3A_1188 = arith.constant 0 : i32
      %get3A_1189 = arith.index_cast %get3A_1188 : i32 to index
      %get3A_1190 = arith.constant 80 : index
      %get3A_1191 = tpu.vector_load %arg16[%get3A_1189, %get3A_1190] {strides = array<i32>} : memref<16x128xf32, #tpu.memory_space<vmem>>, vector<16xf32>,
      %get3A_1192 = arith.constant 0 : i32
      %get3A_1193 = arith.index_cast %get3A_1192 : i32 to index
      %get3A_1194 = arith.constant 96 : index
      %get3A_1195 = tpu.vector_load %arg16[%get3A_1193, %get3A_1194] {strides = array<i32>} : memref<16x128xf32, #tpu.memory_space<vmem>>, vector<16xf32>,
      %get3A_1196 = arith.constant 0 : i32
      %get3A_1197 = arith.index_cast %get3A_1196 : i32 to index
      %get3A_1198 = arith.constant 112 : index
      %get3A_1199 = tpu.vector_load %arg16[%get3A_1197, %get3A_1198] {strides = array<i32>} : memref<16x128xf32, #tpu.memory_space<vmem>>, vector<16xf32>,
      %scan3A = arith.constant 0 : i32
      %scan3A_1200 = arith.constant 128 : i32
      %scan3A_1201 = arith.addi %scan3A, %scan3A_1200 : i32
      %scan3A_1202 = arith.constant 1 : i32
      scf.for %scan3A_1204 = %scan3A to %scan3A_1201 step %scan3A_1202  : i32 {
        %get3A_1205 = arith.constant 0 : i32
        %get3A_1206 = arith.index_cast %get3A_1205 : i32 to index
        %get3A_1207 = arith.index_cast %scan3A_1204 : i32 to index
        %get3A_1208 = arith.constant 0 : index
        %get3A_1209 = tpu.vector_load %arg19[%get3A_1206, %get3A_1207, %get3A_1208] {strides = array<i32>} : memref<2x128x256xf32, #tpu.memory_space<vmem>>, vector<16xf32>,
        %get3A_1210 = arith.constant 0 : i32
        %get3A_1211 = arith.index_cast %get3A_1210 : i32 to index
        %get3A_1212 = arith.index_cast %scan3A_1204 : i32 to index
        %get3A_1213 = arith.constant 64 : index
        %get3A_1214 = tpu.vector_load %arg19[%get3A_1211, %get3A_1212, %get3A_1213] {strides = array<i32>} : memref<2x128x256xf32, #tpu.memory_space<vmem>>, vector<16xf32>,
        %get3A_1215 = arith.constant 0 : i32
        %get3A_1216 = arith.index_cast %get3A_1215 : i32 to index
        %get3A_1217 = arith.index_cast %scan3A_1204 : i32 to index
        %get3A_1218 = arith.constant 128 : index
        %get3A_1219 = tpu.vector_load %arg19[%get3A_1216, %get3A_1217, %get3A_1218] {strides = array<i32>} : memref<2x128x256xf32, #tpu.memory_space<vmem>>, vector<16xf32>,
        %get3A_1220 = arith.constant 0 : i32
        %get3A_1221 = arith.index_cast %get3A_1220 : i32 to index
        %get3A_1222 = arith.index_cast %scan3A_1204 : i32 to index
        %get3A_1223 = arith.constant 192 : index
        %get3A_1224 = tpu.vector_load %arg19[%get3A_1221, %get3A_1222, %get3A_1223] {strides = array<i32>} : memref<2x128x256xf32, #tpu.memory_space<vmem>>, vector<16xf32>,
        %mul3A_1225 = arith.mulf %get3A_1209, %get3A_1139 : vector<16xf32>
        %add3A_1226 = arith.addf %get3A_1214, %get3A_1155 : vector<16xf32>
        %mul3A_1227 = arith.mulf %add3A_1226, %get3A_1171 : vector<16xf32>
        %add3A_1228 = arith.addf %mul3A_1225, %mul3A_1227 : vector<16xf32>
        %add3A_1229 = arith.addf %get3A_1155, %get3A_1214 : vector<16xf32>
        %mul3A_1230 = arith.mulf %get3A_1219, %add3A_1229 : vector<16xf32>
        %add3A_1231 = arith.addf %add3A_1228, %mul3A_1230 : vector<16xf32>
        %mul3A_1232 = arith.mulf %get3A_1224, %get3A_1187 : vector<16xf32>
        %add3A_1233 = arith.addf %add3A_1231, %mul3A_1232 : vector<16xf32>
        %get3A_1234 = arith.constant 0 : i32
        %get3A_1235 = arith.index_cast %get3A_1234 : i32 to index
        %get3A_1236 = arith.index_cast %scan3A_1204 : i32 to index
        %get3A_1237 = arith.constant 16 : index
        %get3A_1238 = tpu.vector_load %arg19[%get3A_1235, %get3A_1236, %get3A_1237] {strides = array<i32>} : memref<2x128x256xf32, #tpu.memory_space<vmem>>, vector<16xf32>,
        %get3A_1239 = arith.constant 0 : i32
        %get3A_1240 = arith.index_cast %get3A_1239 : i32 to index
        %get3A_1241 = arith.index_cast %scan3A_1204 : i32 to index
        %get3A_1242 = arith.constant 80 : index
        %get3A_1243 = tpu.vector_load %arg19[%get3A_1240, %get3A_1241, %get3A_1242] {strides = array<i32>} : memref<2x128x256xf32, #tpu.memory_space<vmem>>, vector<16xf32>,
        %get3A_1244 = arith.constant 0 : i32
        %get3A_1245 = arith.index_cast %get3A_1244 : i32 to index
        %get3A_1246 = arith.index_cast %scan3A_1204 : i32 to index
        %get3A_1247 = arith.constant 144 : index
        %get3A_1248 = tpu.vector_load %arg19[%get3A_1245, %get3A_1246, %get3A_1247] {strides = array<i32>} : memref<2x128x256xf32, #tpu.memory_space<vmem>>, vector<16xf32>,
        %get3A_1249 = arith.constant 0 : i32
        %get3A_1250 = arith.index_cast %get3A_1249 : i32 to index
        %get3A_1251 = arith.index_cast %scan3A_1204 : i32 to index
        %get3A_1252 = arith.constant 208 : index
        %get3A_1253 = tpu.vector_load %arg19[%get3A_1250, %get3A_1251, %get3A_1252] {strides = array<i32>} : memref<2x128x256xf32, #tpu.memory_space<vmem>>, vector<16xf32>,
        %mul3A_1254 = arith.mulf %get3A_1238, %get3A_1143 : vector<16xf32>
        %add3A_1255 = arith.addf %get3A_1243, %get3A_1159 : vector<16xf32>
        %mul3A_1256 = arith.mulf %add3A_1255, %get3A_1175 : vector<16xf32>
        %add3A_1257 = arith.addf %mul3A_1254, %mul3A_1256 : vector<16xf32>
        %add3A_1258 = arith.addf %get3A_1159, %get3A_1243 : vector<16xf32>
        %mul3A_1259 = arith.mulf %get3A_1248, %add3A_1258 : vector<16xf32>
        %add3A_1260 = arith.addf %add3A_1257, %mul3A_1259 : vector<16xf32>
        %mul3A_1261 = arith.mulf %get3A_1253, %get3A_1191 : vector<16xf32>
        %add3A_1262 = arith.addf %add3A_1260, %mul3A_1261 : vector<16xf32>
        %add3A_1263 = arith.addf %add3A_1233, %add3A_1262 : vector<16xf32>
        %get3A_1264 = arith.constant 0 : i32
        %get3A_1265 = arith.index_cast %get3A_1264 : i32 to index
        %get3A_1266 = arith.index_cast %scan3A_1204 : i32 to index
        %get3A_1267 = arith.constant 32 : index
        %get3A_1268 = tpu.vector_load %arg19[%get3A_1265, %get3A_1266, %get3A_1267] {strides = array<i32>} : memref<2x128x256xf32, #tpu.memory_space<vmem>>, vector<16xf32>,
        %get3A_1269 = arith.constant 0 : i32
        %get3A_1270 = arith.index_cast %get3A_1269 : i32 to index
        %get3A_1271 = arith.index_cast %scan3A_1204 : i32 to index
        %get3A_1272 = arith.constant 96 : index
        %get3A_1273 = tpu.vector_load %arg19[%get3A_1270, %get3A_1271, %get3A_1272] {strides = array<i32>} : memref<2x128x256xf32, #tpu.memory_space<vmem>>, vector<16xf32>,
        %get3A_1274 = arith.constant 0 : i32
        %get3A_1275 = arith.index_cast %get3A_1274 : i32 to index
        %get3A_1276 = arith.index_cast %scan3A_1204 : i32 to index
        %get3A_1277 = arith.constant 160 : index
        %get3A_1278 = tpu.vector_load %arg19[%get3A_1275, %get3A_1276, %get3A_1277] {strides = array<i32>} : memref<2x128x256xf32, #tpu.memory_space<vmem>>, vector<16xf32>,
        %get3A_1279 = arith.constant 0 : i32
        %get3A_1280 = arith.index_cast %get3A_1279 : i32 to index
        %get3A_1281 = arith.index_cast %scan3A_1204 : i32 to index
        %get3A_1282 = arith.constant 224 : index
        %get3A_1283 = tpu.vector_load %arg19[%get3A_1280, %get3A_1281, %get3A_1282] {strides = array<i32>} : memref<2x128x256xf32, #tpu.memory_space<vmem>>, vector<16xf32>,
        %mul3A_1284 = arith.mulf %get3A_1268, %get3A_1147 : vector<16xf32>
        %add3A_1285 = arith.addf %get3A_1273, %get3A_1163 : vector<16xf32>
        %mul3A_1286 = arith.mulf %add3A_1285, %get3A_1179 : vector<16xf32>
        %add3A_1287 = arith.addf %mul3A_1284, %mul3A_1286 : vector<16xf32>
        %add3A_1288 = arith.addf %get3A_1163, %get3A_1273 : vector<16xf32>
        %mul3A_1289 = arith.mulf %get3A_1278, %add3A_1288 : vector<16xf32>
        %add3A_1290 = arith.addf %add3A_1287, %mul3A_1289 : vector<16xf32>
        %mul3A_1291 = arith.mulf %get3A_1283, %get3A_1195 : vector<16xf32>
        %add3A_1292 = arith.addf %add3A_1290, %mul3A_1291 : vector<16xf32>
        %add3A_1293 = arith.addf %add3A_1263, %add3A_1292 : vector<16xf32>
        %get3A_1294 = arith.constant 0 : i32
        %get3A_1295 = arith.index_cast %get3A_1294 : i32 to index
        %get3A_1296 = arith.index_cast %scan3A_1204 : i32 to index
        %get3A_1297 = arith.constant 48 : index
        %get3A_1298 = tpu.vector_load %arg19[%get3A_1295, %get3A_1296, %get3A_1297] {strides = array<i32>} : memref<2x128x256xf32, #tpu.memory_space<vmem>>, vector<16xf32>,
        %get3A_1299 = arith.constant 0 : i32
        %get3A_1300 = arith.index_cast %get3A_1299 : i32 to index
        %get3A_1301 = arith.index_cast %scan3A_1204 : i32 to index
        %get3A_1302 = arith.constant 112 : index
        %get3A_1303 = tpu.vector_load %arg19[%get3A_1300, %get3A_1301, %get3A_1302] {strides = array<i32>} : memref<2x128x256xf32, #tpu.memory_space<vmem>>, vector<16xf32>,
        %get3A_1304 = arith.constant 0 : i32
        %get3A_1305 = arith.index_cast %get3A_1304 : i32 to index
        %get3A_1306 = arith.index_cast %scan3A_1204 : i32 to index
        %get3A_1307 = arith.constant 176 : index
        %get3A_1308 = tpu.vector_load %arg19[%get3A_1305, %get3A_1306, %get3A_1307] {strides = array<i32>} : memref<2x128x256xf32, #tpu.memory_space<vmem>>, vector<16xf32>,
        %get3A_1309 = arith.constant 0 : i32
        %get3A_1310 = arith.index_cast %get3A_1309 : i32 to index
        %get3A_1311 = arith.index_cast %scan3A_1204 : i32 to index
        %get3A_1312 = arith.constant 240 : index
        %get3A_1313 = tpu.vector_load %arg19[%get3A_1310, %get3A_1311, %get3A_1312] {strides = array<i32>} : memref<2x128x256xf32, #tpu.memory_space<vmem>>, vector<16xf32>,
        %mul3A_1314 = arith.mulf %get3A_1298, %get3A_1151 : vector<16xf32>
        %add3A_1315 = arith.addf %get3A_1303, %get3A_1167 : vector<16xf32>
        %mul3A_1316 = arith.mulf %add3A_1315, %get3A_1183 : vector<16xf32>
        %add3A_1317 = arith.addf %mul3A_1314, %mul3A_1316 : vector<16xf32>
        %add3A_1318 = arith.addf %get3A_1167, %get3A_1303 : vector<16xf32>
        %mul3A_1319 = arith.mulf %get3A_1308, %add3A_1318 : vector<16xf32>
        %add3A_1320 = arith.addf %add3A_1317, %mul3A_1319 : vector<16xf32>
        %mul3A_1321 = arith.mulf %get3A_1313, %get3A_1199 : vector<16xf32>
        %add3A_1322 = arith.addf %add3A_1320, %mul3A_1321 : vector<16xf32>
        %add3A_1323 = arith.addf %add3A_1293, %add3A_1322 : vector<16xf32>
        %swap3A_1324 = arith.index_cast %scan3A_1204 : i32 to index
        %swap3A_1325 = arith.constant 0 : index
        %swap3A_1326 = tpu.vector_load %arg20[%swap3A_1324, %swap3A_1325] {strides = array<i32>} : memref<128x16xf32, #tpu.memory_space<vmem>>, vector<16xf32>,
        tpu.vector_store %arg20[%swap3A_1324, %swap3A_1325], %add3A_1323 {strides = array<i32>} : memref<128x16xf32, #tpu.memory_space<vmem>>, vector<16xf32>,
      }
      %scan3A_1203 = arith.constant 128 : i32
    } else {
      %dma_start3A_1136 = arith.constant 0 : i32
      %dma_start3A_1137 = arith.constant 0 : i32
      %dma_start3A_1138 = tpu.memref_slice %arg11[%dma_start3A_1136, %dma_start3A_1137] : memref<4x128xi32, #tpu.memory_space<vmem>> -> memref<1x128xi32, #tpu.memory_space<vmem>>
      %dma_start3A_1139 = tpu.memref_squeeze %dma_start3A_1138 : memref<1x128xi32, #tpu.memory_space<vmem>> -> memref<128xi32, #tpu.memory_space<vmem>>
      %dma_start3A_1140 = arith.constant 0 : i32
      %dma_start3A_1141 = arith.constant 0 : i32
      %dma_start3A_1142 = tpu.memref_slice %arg2[%dma_start3A_1140, %dma_start3A_1141] : memref<943x128xf32, #tpu.memory_space<hbm>> -> memref<943x128xf32, #tpu.memory_space<hbm>>
      tpu.enqueue_indirect_dma source(%dma_start3A_1142 : memref<943x128xf32, #tpu.memory_space<hbm>>) target(%arg13 : memref<128x128xf32, #tpu.memory_space<vmem>>) offsets(%dma_start3A_1139 : memref<128xi32, #tpu.memory_space<vmem>>) semaphore(%arg24 : memref<!tpu.dma_semaphore, #tpu.memory_space<semaphore_mem>>)
      %dma_start3A_1143 = arith.constant 0 : i32
      %dma_start3A_1144 = arith.constant 0 : i32
      %dma_start3A_1145 = tpu.memref_slice %arg12[%dma_start3A_1143, %dma_start3A_1144] : memref<4x128xi32, #tpu.memory_space<vmem>> -> memref<1x128xi32, #tpu.memory_space<vmem>>
      %dma_start3A_1146 = tpu.memref_squeeze %dma_start3A_1145 : memref<1x128xi32, #tpu.memory_space<vmem>> -> memref<128xi32, #tpu.memory_space<vmem>>
      %dma_start3A_1147 = arith.constant 0 : i32
      %dma_start3A_1148 = arith.constant 0 : i32
      %dma_start3A_1149 = tpu.memref_slice %arg3[%dma_start3A_1147, %dma_start3A_1148] : memref<1682x128xf32, #tpu.memory_space<hbm>> -> memref<1682x128xf32, #tpu.memory_space<hbm>>
      tpu.enqueue_indirect_dma source(%dma_start3A_1149 : memref<1682x128xf32, #tpu.memory_space<hbm>>) target(%arg14 : memref<128x128xf32, #tpu.memory_space<vmem>>) offsets(%dma_start3A_1146 : memref<128xi32, #tpu.memory_space<vmem>>) semaphore(%arg25 : memref<!tpu.dma_semaphore, #tpu.memory_space<semaphore_mem>>)
      %dma_wait3A_1150 = arith.constant 0 : i32
      %dma_wait3A_1151 = arith.constant 0 : i32
      %dma_wait3A_1152 = tpu.memref_slice %arg11[%dma_wait3A_1150, %dma_wait3A_1151] : memref<4x128xi32, #tpu.memory_space<vmem>> -> memref<1x128xi32, #tpu.memory_space<vmem>>
      %dma_wait3A_1153 = tpu.memref_squeeze %dma_wait3A_1152 : memref<1x128xi32, #tpu.memory_space<vmem>> -> memref<128xi32, #tpu.memory_space<vmem>>
      %dma_wait3A_1154 = arith.constant 0 : i32
      %dma_wait3A_1155 = arith.constant 0 : i32
      %dma_wait3A_1156 = tpu.memref_slice %arg2[%dma_wait3A_1154, %dma_wait3A_1155] : memref<943x128xf32, #tpu.memory_space<hbm>> -> memref<943x128xf32, #tpu.memory_space<hbm>>
      tpu.wait_indirect_dma semaphore(%arg24 : memref<!tpu.dma_semaphore, #tpu.memory_space<semaphore_mem>>) src(%dma_wait3A_1156 : memref<943x128xf32, #tpu.memory_space<hbm>>) dst(%arg13 : memref<128x128xf32, #tpu.memory_space<vmem>>)
      %dma_wait3A_1157 = arith.constant 0 : i32
      %dma_wait3A_1158 = arith.constant 0 : i32
      %dma_wait3A_1159 = tpu.memref_slice %arg12[%dma_wait3A_1157, %dma_wait3A_1158] : memref<4x128xi32, #tpu.memory_space<vmem>> -> memref<1x128xi32, #tpu.memory_space<vmem>>
      %dma_wait3A_1160 = tpu.memref_squeeze %dma_wait3A_1159 : memref<1x128xi32, #tpu.memory_space<vmem>> -> memref<128xi32, #tpu.memory_space<vmem>>
      %dma_wait3A_1161 = arith.constant 0 : i32
      %dma_wait3A_1162 = arith.constant 0 : i32
      %dma_wait3A_1163 = tpu.memref_slice %arg3[%dma_wait3A_1161, %dma_wait3A_1162] : memref<1682x128xf32, #tpu.memory_space<hbm>> -> memref<1682x128xf32, #tpu.memory_space<hbm>>
      tpu.wait_indirect_dma semaphore(%arg25 : memref<!tpu.dma_semaphore, #tpu.memory_space<semaphore_mem>>) src(%dma_wait3A_1163 : memref<1682x128xf32, #tpu.memory_space<hbm>>) dst(%arg14 : memref<128x128xf32, #tpu.memory_space<vmem>>)
      %scan3A = arith.constant 0 : i32
      %scan3A_1164 = arith.constant 0 : i32
      %scan3A_1165 = arith.constant 128 : i32
      %scan3A_1166 = arith.addi %scan3A_1164, %scan3A_1165 : i32
      %scan3A_1167 = arith.constant 1 : i32
      scf.for %scan3A_1169 = %scan3A_1164 to %scan3A_1166 step %scan3A_1167  : i32 {
        %get3A_1170 = arith.constant 0 : i32
        %get3A_1171 = arith.index_cast %get3A_1170 : i32 to index
        %get3A_1172 = arith.index_cast %scan3A_1169 : i32 to index
        %get3A_1173 = arith.constant 0 : index
        %get3A_1174 = tpu.vector_load %arg19[%get3A_1171, %get3A_1172, %get3A_1173] {strides = array<i32>} : memref<2x128x256xf32, #tpu.memory_space<vmem>>, vector<16xf32>,
        %get3A_1175 = arith.constant 0 : i32
        %get3A_1176 = arith.index_cast %get3A_1175 : i32 to index
        %get3A_1177 = arith.index_cast %scan3A_1169 : i32 to index
        %get3A_1178 = arith.constant 64 : index
        %get3A_1179 = tpu.vector_load %arg19[%get3A_1176, %get3A_1177, %get3A_1178] {strides = array<i32>} : memref<2x128x256xf32, #tpu.memory_space<vmem>>, vector<16xf32>,
        %get3A_1180 = arith.constant 0 : i32
        %get3A_1181 = arith.index_cast %get3A_1180 : i32 to index
        %get3A_1182 = arith.index_cast %scan3A_1169 : i32 to index
        %get3A_1183 = arith.constant 128 : index
        %get3A_1184 = tpu.vector_load %arg19[%get3A_1181, %get3A_1182, %get3A_1183] {strides = array<i32>} : memref<2x128x256xf32, #tpu.memory_space<vmem>>, vector<16xf32>,
        %get3A_1185 = arith.constant 0 : i32
        %get3A_1186 = arith.index_cast %get3A_1185 : i32 to index
        %get3A_1187 = arith.index_cast %scan3A_1169 : i32 to index
        %get3A_1188 = arith.constant 192 : index
        %get3A_1189 = tpu.vector_load %arg19[%get3A_1186, %get3A_1187, %get3A_1188] {strides = array<i32>} : memref<2x128x256xf32, #tpu.memory_space<vmem>>, vector<16xf32>,
        %get3A_1190 = arith.index_cast %scan3A_1169 : i32 to index
        %get3A_1191 = arith.constant 0 : index
        %get3A_1192 = tpu.vector_load %arg13[%get3A_1190, %get3A_1191] {strides = array<i32>} : memref<128x128xf32, #tpu.memory_space<vmem>>, vector<16xf32>,
        %get3A_1193 = arith.index_cast %scan3A_1169 : i32 to index
        %get3A_1194 = arith.constant 64 : index
        %get3A_1195 = tpu.vector_load %arg13[%get3A_1193, %get3A_1194] {strides = array<i32>} : memref<128x128xf32, #tpu.memory_space<vmem>>, vector<16xf32>,
        %get3A_1196 = arith.index_cast %scan3A_1169 : i32 to index
        %get3A_1197 = arith.constant 0 : index
        %get3A_1198 = tpu.vector_load %arg14[%get3A_1196, %get3A_1197] {strides = array<i32>} : memref<128x128xf32, #tpu.memory_space<vmem>>, vector<16xf32>,
        %get3A_1199 = arith.index_cast %scan3A_1169 : i32 to index
        %get3A_1200 = arith.constant 64 : index
        %get3A_1201 = tpu.vector_load %arg14[%get3A_1199, %get3A_1200] {strides = array<i32>} : memref<128x128xf32, #tpu.memory_space<vmem>>, vector<16xf32>,
        %mul3A_1202 = arith.mulf %get3A_1174, %get3A_1192 : vector<16xf32>
        %add3A_1203 = arith.addf %get3A_1179, %get3A_1195 : vector<16xf32>
        %mul3A_1204 = arith.mulf %add3A_1203, %get3A_1198 : vector<16xf32>
        %add3A_1205 = arith.addf %mul3A_1202, %mul3A_1204 : vector<16xf32>
        %add3A_1206 = arith.addf %get3A_1195, %get3A_1179 : vector<16xf32>
        %mul3A_1207 = arith.mulf %get3A_1184, %add3A_1206 : vector<16xf32>
        %add3A_1208 = arith.addf %add3A_1205, %mul3A_1207 : vector<16xf32>
        %mul3A_1209 = arith.mulf %get3A_1189, %get3A_1201 : vector<16xf32>
        %add3A_1210 = arith.addf %add3A_1208, %mul3A_1209 : vector<16xf32>
        %get3A_1211 = arith.constant 0 : i32
        %get3A_1212 = arith.index_cast %get3A_1211 : i32 to index
        %get3A_1213 = arith.index_cast %scan3A_1169 : i32 to index
        %get3A_1214 = arith.constant 16 : index
        %get3A_1215 = tpu.vector_load %arg19[%get3A_1212, %get3A_1213, %get3A_1214] {strides = array<i32>} : memref<2x128x256xf32, #tpu.memory_space<vmem>>, vector<16xf32>,
        %get3A_1216 = arith.constant 0 : i32
        %get3A_1217 = arith.index_cast %get3A_1216 : i32 to index
        %get3A_1218 = arith.index_cast %scan3A_1169 : i32 to index
        %get3A_1219 = arith.constant 80 : index
        %get3A_1220 = tpu.vector_load %arg19[%get3A_1217, %get3A_1218, %get3A_1219] {strides = array<i32>} : memref<2x128x256xf32, #tpu.memory_space<vmem>>, vector<16xf32>,
        %get3A_1221 = arith.constant 0 : i32
        %get3A_1222 = arith.index_cast %get3A_1221 : i32 to index
        %get3A_1223 = arith.index_cast %scan3A_1169 : i32 to index
        %get3A_1224 = arith.constant 144 : index
        %get3A_1225 = tpu.vector_load %arg19[%get3A_1222, %get3A_1223, %get3A_1224] {strides = array<i32>} : memref<2x128x256xf32, #tpu.memory_space<vmem>>, vector<16xf32>,
        %get3A_1226 = arith.constant 0 : i32
        %get3A_1227 = arith.index_cast %get3A_1226 : i32 to index
        %get3A_1228 = arith.index_cast %scan3A_1169 : i32 to index
        %get3A_1229 = arith.constant 208 : index
        %get3A_1230 = tpu.vector_load %arg19[%get3A_1227, %get3A_1228, %get3A_1229] {strides = array<i32>} : memref<2x128x256xf32, #tpu.memory_space<vmem>>, vector<16xf32>,
        %get3A_1231 = arith.index_cast %scan3A_1169 : i32 to index
        %get3A_1232 = arith.constant 16 : index
        %get3A_1233 = tpu.vector_load %arg13[%get3A_1231, %get3A_1232] {strides = array<i32>} : memref<128x128xf32, #tpu.memory_space<vmem>>, vector<16xf32>,
        %get3A_1234 = arith.index_cast %scan3A_1169 : i32 to index
        %get3A_1235 = arith.constant 80 : index
        %get3A_1236 = tpu.vector_load %arg13[%get3A_1234, %get3A_1235] {strides = array<i32>} : memref<128x128xf32, #tpu.memory_space<vmem>>, vector<16xf32>,
        %get3A_1237 = arith.index_cast %scan3A_1169 : i32 to index
        %get3A_1238 = arith.constant 16 : index
        %get3A_1239 = tpu.vector_load %arg14[%get3A_1237, %get3A_1238] {strides = array<i32>} : memref<128x128xf32, #tpu.memory_space<vmem>>, vector<16xf32>,
        %get3A_1240 = arith.index_cast %scan3A_1169 : i32 to index
        %get3A_1241 = arith.constant 80 : index
        %get3A_1242 = tpu.vector_load %arg14[%get3A_1240, %get3A_1241] {strides = array<i32>} : memref<128x128xf32, #tpu.memory_space<vmem>>, vector<16xf32>,
        %mul3A_1243 = arith.mulf %get3A_1215, %get3A_1233 : vector<16xf32>
        %add3A_1244 = arith.addf %get3A_1220, %get3A_1236 : vector<16xf32>
        %mul3A_1245 = arith.mulf %add3A_1244, %get3A_1239 : vector<16xf32>
        %add3A_1246 = arith.addf %mul3A_1243, %mul3A_1245 : vector<16xf32>
        %add3A_1247 = arith.addf %get3A_1236, %get3A_1220 : vector<16xf32>
        %mul3A_1248 = arith.mulf %get3A_1225, %add3A_1247 : vector<16xf32>
        %add3A_1249 = arith.addf %add3A_1246, %mul3A_1248 : vector<16xf32>
        %mul3A_1250 = arith.mulf %get3A_1230, %get3A_1242 : vector<16xf32>
        %add3A_1251 = arith.addf %add3A_1249, %mul3A_1250 : vector<16xf32>
        %add3A_1252 = arith.addf %add3A_1210, %add3A_1251 : vector<16xf32>
        %get3A_1253 = arith.constant 0 : i32
        %get3A_1254 = arith.index_cast %get3A_1253 : i32 to index
        %get3A_1255 = arith.index_cast %scan3A_1169 : i32 to index
        %get3A_1256 = arith.constant 32 : index
        %get3A_1257 = tpu.vector_load %arg19[%get3A_1254, %get3A_1255, %get3A_1256] {strides = array<i32>} : memref<2x128x256xf32, #tpu.memory_space<vmem>>, vector<16xf32>,
        %get3A_1258 = arith.constant 0 : i32
        %get3A_1259 = arith.index_cast %get3A_1258 : i32 to index
        %get3A_1260 = arith.index_cast %scan3A_1169 : i32 to index
        %get3A_1261 = arith.constant 96 : index
        %get3A_1262 = tpu.vector_load %arg19[%get3A_1259, %get3A_1260, %get3A_1261] {strides = array<i32>} : memref<2x128x256xf32, #tpu.memory_space<vmem>>, vector<16xf32>,
        %get3A_1263 = arith.constant 0 : i32
        %get3A_1264 = arith.index_cast %get3A_1263 : i32 to index
        %get3A_1265 = arith.index_cast %scan3A_1169 : i32 to index
        %get3A_1266 = arith.constant 160 : index
        %get3A_1267 = tpu.vector_load %arg19[%get3A_1264, %get3A_1265, %get3A_1266] {strides = array<i32>} : memref<2x128x256xf32, #tpu.memory_space<vmem>>, vector<16xf32>,
        %get3A_1268 = arith.constant 0 : i32
        %get3A_1269 = arith.index_cast %get3A_1268 : i32 to index
        %get3A_1270 = arith.index_cast %scan3A_1169 : i32 to index
        %get3A_1271 = arith.constant 224 : index
        %get3A_1272 = tpu.vector_load %arg19[%get3A_1269, %get3A_1270, %get3A_1271] {strides = array<i32>} : memref<2x128x256xf32, #tpu.memory_space<vmem>>, vector<16xf32>,
        %get3A_1273 = arith.index_cast %scan3A_1169 : i32 to index
        %get3A_1274 = arith.constant 32 : index
        %get3A_1275 = tpu.vector_load %arg13[%get3A_1273, %get3A_1274] {strides = array<i32>} : memref<128x128xf32, #tpu.memory_space<vmem>>, vector<16xf32>,
        %get3A_1276 = arith.index_cast %scan3A_1169 : i32 to index
        %get3A_1277 = arith.constant 96 : index
        %get3A_1278 = tpu.vector_load %arg13[%get3A_1276, %get3A_1277] {strides = array<i32>} : memref<128x128xf32, #tpu.memory_space<vmem>>, vector<16xf32>,
        %get3A_1279 = arith.index_cast %scan3A_1169 : i32 to index
        %get3A_1280 = arith.constant 32 : index
        %get3A_1281 = tpu.vector_load %arg14[%get3A_1279, %get3A_1280] {strides = array<i32>} : memref<128x128xf32, #tpu.memory_space<vmem>>, vector<16xf32>,
        %get3A_1282 = arith.index_cast %scan3A_1169 : i32 to index
        %get3A_1283 = arith.constant 96 : index
        %get3A_1284 = tpu.vector_load %arg14[%get3A_1282, %get3A_1283] {strides = array<i32>} : memref<128x128xf32, #tpu.memory_space<vmem>>, vector<16xf32>,
        %mul3A_1285 = arith.mulf %get3A_1257, %get3A_1275 : vector<16xf32>
        %add3A_1286 = arith.addf %get3A_1262, %get3A_1278 : vector<16xf32>
        %mul3A_1287 = arith.mulf %add3A_1286, %get3A_1281 : vector<16xf32>
        %add3A_1288 = arith.addf %mul3A_1285, %mul3A_1287 : vector<16xf32>
        %add3A_1289 = arith.addf %get3A_1278, %get3A_1262 : vector<16xf32>
        %mul3A_1290 = arith.mulf %get3A_1267, %add3A_1289 : vector<16xf32>
        %add3A_1291 = arith.addf %add3A_1288, %mul3A_1290 : vector<16xf32>
        %mul3A_1292 = arith.mulf %get3A_1272, %get3A_1284 : vector<16xf32>
        %add3A_1293 = arith.addf %add3A_1291, %mul3A_1292 : vector<16xf32>
        %add3A_1294 = arith.addf %add3A_1252, %add3A_1293 : vector<16xf32>
        %get3A_1295 = arith.constant 0 : i32
        %get3A_1296 = arith.index_cast %get3A_1295 : i32 to index
        %get3A_1297 = arith.index_cast %scan3A_1169 : i32 to index
        %get3A_1298 = arith.constant 48 : index
        %get3A_1299 = tpu.vector_load %arg19[%get3A_1296, %get3A_1297, %get3A_1298] {strides = array<i32>} : memref<2x128x256xf32, #tpu.memory_space<vmem>>, vector<16xf32>,
        %get3A_1300 = arith.constant 0 : i32
        %get3A_1301 = arith.index_cast %get3A_1300 : i32 to index
        %get3A_1302 = arith.index_cast %scan3A_1169 : i32 to index
        %get3A_1303 = arith.constant 112 : index
        %get3A_1304 = tpu.vector_load %arg19[%get3A_1301, %get3A_1302, %get3A_1303] {strides = array<i32>} : memref<2x128x256xf32, #tpu.memory_space<vmem>>, vector<16xf32>,
        %get3A_1305 = arith.constant 0 : i32
        %get3A_1306 = arith.index_cast %get3A_1305 : i32 to index
        %get3A_1307 = arith.index_cast %scan3A_1169 : i32 to index
        %get3A_1308 = arith.constant 176 : index
        %get3A_1309 = tpu.vector_load %arg19[%get3A_1306, %get3A_1307, %get3A_1308] {strides = array<i32>} : memref<2x128x256xf32, #tpu.memory_space<vmem>>, vector<16xf32>,
        %get3A_1310 = arith.constant 0 : i32
        %get3A_1311 = arith.index_cast %get3A_1310 : i32 to index
        %get3A_1312 = arith.index_cast %scan3A_1169 : i32 to index
        %get3A_1313 = arith.constant 240 : index
        %get3A_1314 = tpu.vector_load %arg19[%get3A_1311, %get3A_1312, %get3A_1313] {strides = array<i32>} : memref<2x128x256xf32, #tpu.memory_space<vmem>>, vector<16xf32>,
        %get3A_1315 = arith.index_cast %scan3A_1169 : i32 to index
        %get3A_1316 = arith.constant 48 : index
        %get3A_1317 = tpu.vector_load %arg13[%get3A_1315, %get3A_1316] {strides = array<i32>} : memref<128x128xf32, #tpu.memory_space<vmem>>, vector<16xf32>,
        %get3A_1318 = arith.index_cast %scan3A_1169 : i32 to index
        %get3A_1319 = arith.constant 112 : index
        %get3A_1320 = tpu.vector_load %arg13[%get3A_1318, %get3A_1319] {strides = array<i32>} : memref<128x128xf32, #tpu.memory_space<vmem>>, vector<16xf32>,
        %get3A_1321 = arith.index_cast %scan3A_1169 : i32 to index
        %get3A_1322 = arith.constant 48 : index
        %get3A_1323 = tpu.vector_load %arg14[%get3A_1321, %get3A_1322] {strides = array<i32>} : memref<128x128xf32, #tpu.memory_space<vmem>>, vector<16xf32>,
        %get3A_1324 = arith.index_cast %scan3A_1169 : i32 to index
        %get3A_1325 = arith.constant 112 : index
        %get3A_1326 = tpu.vector_load %arg14[%get3A_1324, %get3A_1325] {strides = array<i32>} : memref<128x128xf32, #tpu.memory_space<vmem>>, vector<16xf32>,
        %mul3A_1327 = arith.mulf %get3A_1299, %get3A_1317 : vector<16xf32>
        %add3A_1328 = arith.addf %get3A_1304, %get3A_1320 : vector<16xf32>
        %mul3A_1329 = arith.mulf %add3A_1328, %get3A_1323 : vector<16xf32>
        %add3A_1330 = arith.addf %mul3A_1327, %mul3A_1329 : vector<16xf32>
        %add3A_1331 = arith.addf %get3A_1320, %get3A_1304 : vector<16xf32>
        %mul3A_1332 = arith.mulf %get3A_1309, %add3A_1331 : vector<16xf32>
        %add3A_1333 = arith.addf %add3A_1330, %mul3A_1332 : vector<16xf32>
        %mul3A_1334 = arith.mulf %get3A_1314, %get3A_1326 : vector<16xf32>
        %add3A_1335 = arith.addf %add3A_1333, %mul3A_1334 : vector<16xf32>
        %add3A_1336 = arith.addf %add3A_1294, %add3A_1335 : vector<16xf32>
        %swap3A_1337 = arith.index_cast %scan3A_1169 : i32 to index
        %swap3A_1338 = arith.constant 0 : index
        %swap3A_1339 = tpu.vector_load %arg20[%swap3A_1337, %swap3A_1338] {strides = array<i32>} : memref<128x16xf32, #tpu.memory_space<vmem>>, vector<16xf32>,
        tpu.vector_store %arg20[%swap3A_1337, %swap3A_1338], %add3A_1336 {strides = array<i32>} : memref<128x16xf32, #tpu.memory_space<vmem>>, vector<16xf32>,
      }
      %scan3A_1168 = arith.constant 128 : i32
    }
    %add3A_307 = arith.constant 0 : i32
    %add3A_308 = arith.addi %mul3A_23, %add3A_307 : i32
    "tpu.region"() ({
      %run_scoped3A = tpu.sem_alloc : memref<!tpu.dma_semaphore, #tpu.memory_space<semaphore_mem>>
      %dma_start3A_1136 = arith.constant 0 : i32
      %dma_start3A_1137 = tpu.memref_slice %arg9[%add3A_308, %dma_start3A_1136] : memref<16384x16xf32, #tpu.memory_space<hbm>> -> memref<128x16xf32, #tpu.memory_space<hbm>>
      %dma_start3A_1138 = arith.constant 0 : i32
      %dma_start3A_1139 = tpu.memref_slice %arg9[%add3A_308, %dma_start3A_1138] : memref<16384x16xf32, #tpu.memory_space<hbm>> -> memref<128x16xf32, #tpu.memory_space<hbm>>
      tpu.enqueue_dma source(%arg20 : memref<128x16xf32, #tpu.memory_space<vmem>>) target(%dma_start3A_1139 : memref<128x16xf32, #tpu.memory_space<hbm>>) target_semaphore(%run_scoped3A : memref<!tpu.dma_semaphore, #tpu.memory_space<semaphore_mem>>)
      %dma_wait3A_1140 = arith.constant 0 : i32
      %dma_wait3A_1141 = tpu.memref_slice %arg9[%add3A_308, %dma_wait3A_1140] : memref<16384x16xf32, #tpu.memory_space<hbm>> -> memref<128x16xf32, #tpu.memory_space<hbm>>
      %dma_wait3A_1142 = arith.constant 0 : i32
      %dma_wait3A_1143 = tpu.memref_slice %arg9[%add3A_308, %dma_wait3A_1142] : memref<16384x16xf32, #tpu.memory_space<hbm>> -> memref<128x16xf32, #tpu.memory_space<hbm>>
      tpu.wait_dma2 semaphore(%run_scoped3A : memref<!tpu.dma_semaphore, #tpu.memory_space<semaphore_mem>>) src(%arg20 : memref<128x16xf32, #tpu.memory_space<vmem>>) dst(%dma_wait3A_1143 : memref<128x16xf32, #tpu.memory_space<hbm>>)
      tpu.yield
    }) : () -> ()
    %get3A_309 = arith.constant 1 : i32
    %get3A_310 = arith.index_cast %get3A_309 : i32 to index
    %get3A_311 = arith.constant 0 : index
    %get3A_312 = tpu.vector_load %arg11[%get3A_310, %get3A_311] {strides = array<i32>} : memref<4x128xi32, #tpu.memory_space<vmem>>, vector<16xi32>,
    %get3A_313 = arith.constant 1 : i32
    %get3A_314 = arith.index_cast %get3A_313 : i32 to index
    %get3A_315 = arith.constant 16 : index
    %get3A_316 = tpu.vector_load %arg11[%get3A_314, %get3A_315] {strides = array<i32>} : memref<4x128xi32, #tpu.memory_space<vmem>>, vector<16xi32>,
    %max3A_317 = arith.maxsi %get3A_312, %get3A_316 : vector<16xi32>
    %min3A_318 = arith.minsi %get3A_312, %get3A_316 : vector<16xi32>
    %get3A_319 = arith.constant 1 : i32
    %get3A_320 = arith.index_cast %get3A_319 : i32 to index
    %get3A_321 = arith.constant 32 : index
    %get3A_322 = tpu.vector_load %arg11[%get3A_320, %get3A_321] {strides = array<i32>} : memref<4x128xi32, #tpu.memory_space<vmem>>, vector<16xi32>,
    %max3A_323 = arith.maxsi %max3A_317, %get3A_322 : vector<16xi32>
    %min3A_324 = arith.minsi %min3A_318, %get3A_322 : vector<16xi32>
    %get3A_325 = arith.constant 1 : i32
    %get3A_326 = arith.index_cast %get3A_325 : i32 to index
    %get3A_327 = arith.constant 48 : index
    %get3A_328 = tpu.vector_load %arg11[%get3A_326, %get3A_327] {strides = array<i32>} : memref<4x128xi32, #tpu.memory_space<vmem>>, vector<16xi32>,
    %max3A_329 = arith.maxsi %max3A_323, %get3A_328 : vector<16xi32>
    %min3A_330 = arith.minsi %min3A_324, %get3A_328 : vector<16xi32>
    %get3A_331 = arith.constant 1 : i32
    %get3A_332 = arith.index_cast %get3A_331 : i32 to index
    %get3A_333 = arith.constant 64 : index
    %get3A_334 = tpu.vector_load %arg11[%get3A_332, %get3A_333] {strides = array<i32>} : memref<4x128xi32, #tpu.memory_space<vmem>>, vector<16xi32>,
    %max3A_335 = arith.maxsi %max3A_329, %get3A_334 : vector<16xi32>
    %min3A_336 = arith.minsi %min3A_330, %get3A_334 : vector<16xi32>
    %get3A_337 = arith.constant 1 : i32
    %get3A_338 = arith.index_cast %get3A_337 : i32 to index
    %get3A_339 = arith.constant 80 : index
    %get3A_340 = tpu.vector_load %arg11[%get3A_338, %get3A_339] {strides = array<i32>} : memref<4x128xi32, #tpu.memory_space<vmem>>, vector<16xi32>,
    %max3A_341 = arith.maxsi %max3A_335, %get3A_340 : vector<16xi32>
    %min3A_342 = arith.minsi %min3A_336, %get3A_340 : vector<16xi32>
    %get3A_343 = arith.constant 1 : i32
    %get3A_344 = arith.index_cast %get3A_343 : i32 to index
    %get3A_345 = arith.constant 96 : index
    %get3A_346 = tpu.vector_load %arg11[%get3A_344, %get3A_345] {strides = array<i32>} : memref<4x128xi32, #tpu.memory_space<vmem>>, vector<16xi32>,
    %max3A_347 = arith.maxsi %max3A_341, %get3A_346 : vector<16xi32>
    %min3A_348 = arith.minsi %min3A_342, %get3A_346 : vector<16xi32>
    %get3A_349 = arith.constant 1 : i32
    %get3A_350 = arith.index_cast %get3A_349 : i32 to index
    %get3A_351 = arith.constant 112 : index
    %get3A_352 = tpu.vector_load %arg11[%get3A_350, %get3A_351] {strides = array<i32>} : memref<4x128xi32, #tpu.memory_space<vmem>>, vector<16xi32>,
    %max3A_353 = arith.maxsi %max3A_347, %get3A_352 : vector<16xi32>
    %min3A_354 = arith.minsi %min3A_348, %get3A_352 : vector<16xi32>
    %reduce_max3A_355 = arith.constant true
    %reduce_max3A_356 = vector.broadcast %reduce_max3A_355 : i1 to vector<16xi1>
    %reduce_max3A_357 = arith.constant -2147483648 : i32
    %reduce_max3A_358 = vector.broadcast %reduce_max3A_357 : i32 to vector<16xi32>
    %reduce_max3A_359 = arith.xori %max3A_353, %reduce_max3A_358 : vector<16xi32>
    %reduce_max3A_360 = tpu.scan <max>, %reduce_max3A_359 masked %reduce_max3A_356 : vector<16xi32>, vector<16xi1> -> vector<16xi32>
    %reduce_max3A_361 = arith.xori %reduce_max3A_360, %reduce_max3A_358 : vector<16xi32>
    %reduce_max3A_362 = vector.extract %reduce_max3A_361[15] : i32 from vector<16xi32>
    %reduce_min3A_363 = arith.constant true
    %reduce_min3A_364 = vector.broadcast %reduce_min3A_363 : i1 to vector<16xi1>
    %reduce_min3A_365 = arith.constant -2147483648 : i32
    %reduce_min3A_366 = vector.broadcast %reduce_min3A_365 : i32 to vector<16xi32>
    %reduce_min3A_367 = arith.xori %min3A_354, %reduce_min3A_366 : vector<16xi32>
    %reduce_min3A_368 = tpu.scan <min>, %reduce_min3A_367 masked %reduce_min3A_364 : vector<16xi32>, vector<16xi1> -> vector<16xi32>
    %reduce_min3A_369 = arith.xori %reduce_min3A_368, %reduce_min3A_366 : vector<16xi32>
    %reduce_min3A_370 = vector.extract %reduce_min3A_369[15] : i32 from vector<16xi32>
    %eq3A_371 = arith.cmpi eq, %reduce_max3A_362, %reduce_min3A_370 : i32
    %get3A_372 = arith.constant 1 : i32
    %get3A_373 = arith.index_cast %get3A_372 : i32 to index
    %get3A_374 = arith.constant 0 : index
    %get3A_375 = tpu.vector_load %arg12[%get3A_373, %get3A_374] {strides = array<i32>} : memref<4x128xi32, #tpu.memory_space<vmem>>, vector<16xi32>,
    %get3A_376 = arith.constant 1 : i32
    %get3A_377 = arith.index_cast %get3A_376 : i32 to index
    %get3A_378 = arith.constant 16 : index
    %get3A_379 = tpu.vector_load %arg12[%get3A_377, %get3A_378] {strides = array<i32>} : memref<4x128xi32, #tpu.memory_space<vmem>>, vector<16xi32>,
    %max3A_380 = arith.maxsi %get3A_375, %get3A_379 : vector<16xi32>
    %min3A_381 = arith.minsi %get3A_375, %get3A_379 : vector<16xi32>
    %get3A_382 = arith.constant 1 : i32
    %get3A_383 = arith.index_cast %get3A_382 : i32 to index
    %get3A_384 = arith.constant 32 : index
    %get3A_385 = tpu.vector_load %arg12[%get3A_383, %get3A_384] {strides = array<i32>} : memref<4x128xi32, #tpu.memory_space<vmem>>, vector<16xi32>,
    %max3A_386 = arith.maxsi %max3A_380, %get3A_385 : vector<16xi32>
    %min3A_387 = arith.minsi %min3A_381, %get3A_385 : vector<16xi32>
    %get3A_388 = arith.constant 1 : i32
    %get3A_389 = arith.index_cast %get3A_388 : i32 to index
    %get3A_390 = arith.constant 48 : index
    %get3A_391 = tpu.vector_load %arg12[%get3A_389, %get3A_390] {strides = array<i32>} : memref<4x128xi32, #tpu.memory_space<vmem>>, vector<16xi32>,
    %max3A_392 = arith.maxsi %max3A_386, %get3A_391 : vector<16xi32>
    %min3A_393 = arith.minsi %min3A_387, %get3A_391 : vector<16xi32>
    %get3A_394 = arith.constant 1 : i32
    %get3A_395 = arith.index_cast %get3A_394 : i32 to index
    %get3A_396 = arith.constant 64 : index
    %get3A_397 = tpu.vector_load %arg12[%get3A_395, %get3A_396] {strides = array<i32>} : memref<4x128xi32, #tpu.memory_space<vmem>>, vector<16xi32>,
    %max3A_398 = arith.maxsi %max3A_392, %get3A_397 : vector<16xi32>
    %min3A_399 = arith.minsi %min3A_393, %get3A_397 : vector<16xi32>
    %get3A_400 = arith.constant 1 : i32
    %get3A_401 = arith.index_cast %get3A_400 : i32 to index
    %get3A_402 = arith.constant 80 : index
    %get3A_403 = tpu.vector_load %arg12[%get3A_401, %get3A_402] {strides = array<i32>} : memref<4x128xi32, #tpu.memory_space<vmem>>, vector<16xi32>,
    %max3A_404 = arith.maxsi %max3A_398, %get3A_403 : vector<16xi32>
    %min3A_405 = arith.minsi %min3A_399, %get3A_403 : vector<16xi32>
    %get3A_406 = arith.constant 1 : i32
    %get3A_407 = arith.index_cast %get3A_406 : i32 to index
    %get3A_408 = arith.constant 96 : index
    %get3A_409 = tpu.vector_load %arg12[%get3A_407, %get3A_408] {strides = array<i32>} : memref<4x128xi32, #tpu.memory_space<vmem>>, vector<16xi32>,
    %max3A_410 = arith.maxsi %max3A_404, %get3A_409 : vector<16xi32>
    %min3A_411 = arith.minsi %min3A_405, %get3A_409 : vector<16xi32>
    %get3A_412 = arith.constant 1 : i32
    %get3A_413 = arith.index_cast %get3A_412 : i32 to index
    %get3A_414 = arith.constant 112 : index
    %get3A_415 = tpu.vector_load %arg12[%get3A_413, %get3A_414] {strides = array<i32>} : memref<4x128xi32, #tpu.memory_space<vmem>>, vector<16xi32>,
    %max3A_416 = arith.maxsi %max3A_410, %get3A_415 : vector<16xi32>
    %min3A_417 = arith.minsi %min3A_411, %get3A_415 : vector<16xi32>
    %reduce_max3A_418 = arith.constant true
    %reduce_max3A_419 = vector.broadcast %reduce_max3A_418 : i1 to vector<16xi1>
    %reduce_max3A_420 = arith.constant -2147483648 : i32
    %reduce_max3A_421 = vector.broadcast %reduce_max3A_420 : i32 to vector<16xi32>
    %reduce_max3A_422 = arith.xori %max3A_416, %reduce_max3A_421 : vector<16xi32>
    %reduce_max3A_423 = tpu.scan <max>, %reduce_max3A_422 masked %reduce_max3A_419 : vector<16xi32>, vector<16xi1> -> vector<16xi32>
    %reduce_max3A_424 = arith.xori %reduce_max3A_423, %reduce_max3A_421 : vector<16xi32>
    %reduce_max3A_425 = vector.extract %reduce_max3A_424[15] : i32 from vector<16xi32>
    %reduce_min3A_426 = arith.constant true
    %reduce_min3A_427 = vector.broadcast %reduce_min3A_426 : i1 to vector<16xi1>
    %reduce_min3A_428 = arith.constant -2147483648 : i32
    %reduce_min3A_429 = vector.broadcast %reduce_min3A_428 : i32 to vector<16xi32>
    %reduce_min3A_430 = arith.xori %min3A_417, %reduce_min3A_429 : vector<16xi32>
    %reduce_min3A_431 = tpu.scan <min>, %reduce_min3A_430 masked %reduce_min3A_427 : vector<16xi32>, vector<16xi1> -> vector<16xi32>
    %reduce_min3A_432 = arith.xori %reduce_min3A_431, %reduce_min3A_429 : vector<16xi32>
    %reduce_min3A_433 = vector.extract %reduce_min3A_432[15] : i32 from vector<16xi32>
    %eq3A_434 = arith.cmpi eq, %reduce_max3A_425, %reduce_min3A_433 : i32
    %get3A_435 = arith.constant 1 : i32
    %get3A_436 = arith.index_cast %get3A_435 : i32 to index
    %get3A_437 = arith.constant 0 : index
    %get3A_438 = tpu.vector_load %arg11[%get3A_436, %get3A_437] {strides = array<i32>} : memref<4x128xi32, #tpu.memory_space<vmem>>, vector<16xi32>,
    %gather3A_439 = tpu.vector_load_idx %arg21[%get3A_438] : memref<960xf32, #tpu.memory_space<vmem>>[vector<16xi32>], vector<16xf32>,
    %get3A_440 = arith.constant 1 : i32
    %get3A_441 = arith.index_cast %get3A_440 : i32 to index
    %get3A_442 = arith.constant 0 : index
    %get3A_443 = tpu.vector_load %arg12[%get3A_441, %get3A_442] {strides = array<i32>} : memref<4x128xi32, #tpu.memory_space<vmem>>, vector<16xi32>,
    %gather3A_444 = tpu.vector_load_idx %arg22[%get3A_443] : memref<1696xf32, #tpu.memory_space<vmem>>[vector<16xi32>], vector<16xf32>,
    %add3A_445 = arith.addf %gather3A_439, %gather3A_444 : vector<16xf32>
    %swap3A_446 = arith.constant 1 : i32
    %swap3A_447 = arith.index_cast %swap3A_446 : i32 to index
    %swap3A_448 = arith.constant 0 : index
    %swap3A_449 = tpu.vector_load %arg23[%swap3A_447, %swap3A_448] {strides = array<i32>} : memref<4x128xf32, #tpu.memory_space<vmem>>, vector<16xf32>,
    tpu.vector_store %arg23[%swap3A_447, %swap3A_448], %add3A_445 {strides = array<i32>} : memref<4x128xf32, #tpu.memory_space<vmem>>, vector<16xf32>,
    %get3A_450 = arith.constant 1 : i32
    %get3A_451 = arith.index_cast %get3A_450 : i32 to index
    %get3A_452 = arith.constant 16 : index
    %get3A_453 = tpu.vector_load %arg11[%get3A_451, %get3A_452] {strides = array<i32>} : memref<4x128xi32, #tpu.memory_space<vmem>>, vector<16xi32>,
    %gather3A_454 = tpu.vector_load_idx %arg21[%get3A_453] : memref<960xf32, #tpu.memory_space<vmem>>[vector<16xi32>], vector<16xf32>,
    %get3A_455 = arith.constant 1 : i32
    %get3A_456 = arith.index_cast %get3A_455 : i32 to index
    %get3A_457 = arith.constant 16 : index
    %get3A_458 = tpu.vector_load %arg12[%get3A_456, %get3A_457] {strides = array<i32>} : memref<4x128xi32, #tpu.memory_space<vmem>>, vector<16xi32>,
    %gather3A_459 = tpu.vector_load_idx %arg22[%get3A_458] : memref<1696xf32, #tpu.memory_space<vmem>>[vector<16xi32>], vector<16xf32>,
    %add3A_460 = arith.addf %gather3A_454, %gather3A_459 : vector<16xf32>
    %swap3A_461 = arith.constant 1 : i32
    %swap3A_462 = arith.index_cast %swap3A_461 : i32 to index
    %swap3A_463 = arith.constant 16 : index
    %swap3A_464 = tpu.vector_load %arg23[%swap3A_462, %swap3A_463] {strides = array<i32>} : memref<4x128xf32, #tpu.memory_space<vmem>>, vector<16xf32>,
    tpu.vector_store %arg23[%swap3A_462, %swap3A_463], %add3A_460 {strides = array<i32>} : memref<4x128xf32, #tpu.memory_space<vmem>>, vector<16xf32>,
    %get3A_465 = arith.constant 1 : i32
    %get3A_466 = arith.index_cast %get3A_465 : i32 to index
    %get3A_467 = arith.constant 32 : index
    %get3A_468 = tpu.vector_load %arg11[%get3A_466, %get3A_467] {strides = array<i32>} : memref<4x128xi32, #tpu.memory_space<vmem>>, vector<16xi32>,
    %gather3A_469 = tpu.vector_load_idx %arg21[%get3A_468] : memref<960xf32, #tpu.memory_space<vmem>>[vector<16xi32>], vector<16xf32>,
    %get3A_470 = arith.constant 1 : i32
    %get3A_471 = arith.index_cast %get3A_470 : i32 to index
    %get3A_472 = arith.constant 32 : index
    %get3A_473 = tpu.vector_load %arg12[%get3A_471, %get3A_472] {strides = array<i32>} : memref<4x128xi32, #tpu.memory_space<vmem>>, vector<16xi32>,
    %gather3A_474 = tpu.vector_load_idx %arg22[%get3A_473] : memref<1696xf32, #tpu.memory_space<vmem>>[vector<16xi32>], vector<16xf32>,
    %add3A_475 = arith.addf %gather3A_469, %gather3A_474 : vector<16xf32>
    %swap3A_476 = arith.constant 1 : i32
    %swap3A_477 = arith.index_cast %swap3A_476 : i32 to index
    %swap3A_478 = arith.constant 32 : index
    %swap3A_479 = tpu.vector_load %arg23[%swap3A_477, %swap3A_478] {strides = array<i32>} : memref<4x128xf32, #tpu.memory_space<vmem>>, vector<16xf32>,
    tpu.vector_store %arg23[%swap3A_477, %swap3A_478], %add3A_475 {strides = array<i32>} : memref<4x128xf32, #tpu.memory_space<vmem>>, vector<16xf32>,
    %get3A_480 = arith.constant 1 : i32
    %get3A_481 = arith.index_cast %get3A_480 : i32 to index
    %get3A_482 = arith.constant 48 : index
    %get3A_483 = tpu.vector_load %arg11[%get3A_481, %get3A_482] {strides = array<i32>} : memref<4x128xi32, #tpu.memory_space<vmem>>, vector<16xi32>,
    %gather3A_484 = tpu.vector_load_idx %arg21[%get3A_483] : memref<960xf32, #tpu.memory_space<vmem>>[vector<16xi32>], vector<16xf32>,
    %get3A_485 = arith.constant 1 : i32
    %get3A_486 = arith.index_cast %get3A_485 : i32 to index
    %get3A_487 = arith.constant 48 : index
    %get3A_488 = tpu.vector_load %arg12[%get3A_486, %get3A_487] {strides = array<i32>} : memref<4x128xi32, #tpu.memory_space<vmem>>, vector<16xi32>,
    %gather3A_489 = tpu.vector_load_idx %arg22[%get3A_488] : memref<1696xf32, #tpu.memory_space<vmem>>[vector<16xi32>], vector<16xf32>,
    %add3A_490 = arith.addf %gather3A_484, %gather3A_489 : vector<16xf32>
    %swap3A_491 = arith.constant 1 : i32
    %swap3A_492 = arith.index_cast %swap3A_491 : i32 to index
    %swap3A_493 = arith.constant 48 : index
    %swap3A_494 = tpu.vector_load %arg23[%swap3A_492, %swap3A_493] {strides = array<i32>} : memref<4x128xf32, #tpu.memory_space<vmem>>, vector<16xf32>,
    tpu.vector_store %arg23[%swap3A_492, %swap3A_493], %add3A_490 {strides = array<i32>} : memref<4x128xf32, #tpu.memory_space<vmem>>, vector<16xf32>,
    %get3A_495 = arith.constant 1 : i32
    %get3A_496 = arith.index_cast %get3A_495 : i32 to index
    %get3A_497 = arith.constant 64 : index
    %get3A_498 = tpu.vector_load %arg11[%get3A_496, %get3A_497] {strides = array<i32>} : memref<4x128xi32, #tpu.memory_space<vmem>>, vector<16xi32>,
    %gather3A_499 = tpu.vector_load_idx %arg21[%get3A_498] : memref<960xf32, #tpu.memory_space<vmem>>[vector<16xi32>], vector<16xf32>,
    %get3A_500 = arith.constant 1 : i32
    %get3A_501 = arith.index_cast %get3A_500 : i32 to index
    %get3A_502 = arith.constant 64 : index
    %get3A_503 = tpu.vector_load %arg12[%get3A_501, %get3A_502] {strides = array<i32>} : memref<4x128xi32, #tpu.memory_space<vmem>>, vector<16xi32>,
    %gather3A_504 = tpu.vector_load_idx %arg22[%get3A_503] : memref<1696xf32, #tpu.memory_space<vmem>>[vector<16xi32>], vector<16xf32>,
    %add3A_505 = arith.addf %gather3A_499, %gather3A_504 : vector<16xf32>
    %swap3A_506 = arith.constant 1 : i32
    %swap3A_507 = arith.index_cast %swap3A_506 : i32 to index
    %swap3A_508 = arith.constant 64 : index
    %swap3A_509 = tpu.vector_load %arg23[%swap3A_507, %swap3A_508] {strides = array<i32>} : memref<4x128xf32, #tpu.memory_space<vmem>>, vector<16xf32>,
    tpu.vector_store %arg23[%swap3A_507, %swap3A_508], %add3A_505 {strides = array<i32>} : memref<4x128xf32, #tpu.memory_space<vmem>>, vector<16xf32>,
    %get3A_510 = arith.constant 1 : i32
    %get3A_511 = arith.index_cast %get3A_510 : i32 to index
    %get3A_512 = arith.constant 80 : index
    %get3A_513 = tpu.vector_load %arg11[%get3A_511, %get3A_512] {strides = array<i32>} : memref<4x128xi32, #tpu.memory_space<vmem>>, vector<16xi32>,
    %gather3A_514 = tpu.vector_load_idx %arg21[%get3A_513] : memref<960xf32, #tpu.memory_space<vmem>>[vector<16xi32>], vector<16xf32>,
    %get3A_515 = arith.constant 1 : i32
    %get3A_516 = arith.index_cast %get3A_515 : i32 to index
    %get3A_517 = arith.constant 80 : index
    %get3A_518 = tpu.vector_load %arg12[%get3A_516, %get3A_517] {strides = array<i32>} : memref<4x128xi32, #tpu.memory_space<vmem>>, vector<16xi32>,
    %gather3A_519 = tpu.vector_load_idx %arg22[%get3A_518] : memref<1696xf32, #tpu.memory_space<vmem>>[vector<16xi32>], vector<16xf32>,
    %add3A_520 = arith.addf %gather3A_514, %gather3A_519 : vector<16xf32>
    %swap3A_521 = arith.constant 1 : i32
    %swap3A_522 = arith.index_cast %swap3A_521 : i32 to index
    %swap3A_523 = arith.constant 80 : index
    %swap3A_524 = tpu.vector_load %arg23[%swap3A_522, %swap3A_523] {strides = array<i32>} : memref<4x128xf32, #tpu.memory_space<vmem>>, vector<16xf32>,
    tpu.vector_store %arg23[%swap3A_522, %swap3A_523], %add3A_520 {strides = array<i32>} : memref<4x128xf32, #tpu.memory_space<vmem>>, vector<16xf32>,
    %get3A_525 = arith.constant 1 : i32
    %get3A_526 = arith.index_cast %get3A_525 : i32 to index
    %get3A_527 = arith.constant 96 : index
    %get3A_528 = tpu.vector_load %arg11[%get3A_526, %get3A_527] {strides = array<i32>} : memref<4x128xi32, #tpu.memory_space<vmem>>, vector<16xi32>,
    %gather3A_529 = tpu.vector_load_idx %arg21[%get3A_528] : memref<960xf32, #tpu.memory_space<vmem>>[vector<16xi32>], vector<16xf32>,
    %get3A_530 = arith.constant 1 : i32
    %get3A_531 = arith.index_cast %get3A_530 : i32 to index
    %get3A_532 = arith.constant 96 : index
    %get3A_533 = tpu.vector_load %arg12[%get3A_531, %get3A_532] {strides = array<i32>} : memref<4x128xi32, #tpu.memory_space<vmem>>, vector<16xi32>,
    %gather3A_534 = tpu.vector_load_idx %arg22[%get3A_533] : memref<1696xf32, #tpu.memory_space<vmem>>[vector<16xi32>], vector<16xf32>,
    %add3A_535 = arith.addf %gather3A_529, %gather3A_534 : vector<16xf32>
    %swap3A_536 = arith.constant 1 : i32
    %swap3A_537 = arith.index_cast %swap3A_536 : i32 to index
    %swap3A_538 = arith.constant 96 : index
    %swap3A_539 = tpu.vector_load %arg23[%swap3A_537, %swap3A_538] {strides = array<i32>} : memref<4x128xf32, #tpu.memory_space<vmem>>, vector<16xf32>,
    tpu.vector_store %arg23[%swap3A_537, %swap3A_538], %add3A_535 {strides = array<i32>} : memref<4x128xf32, #tpu.memory_space<vmem>>, vector<16xf32>,
    %get3A_540 = arith.constant 1 : i32
    %get3A_541 = arith.index_cast %get3A_540 : i32 to index
    %get3A_542 = arith.constant 112 : index
    %get3A_543 = tpu.vector_load %arg11[%get3A_541, %get3A_542] {strides = array<i32>} : memref<4x128xi32, #tpu.memory_space<vmem>>, vector<16xi32>,
    %gather3A_544 = tpu.vector_load_idx %arg21[%get3A_543] : memref<960xf32, #tpu.memory_space<vmem>>[vector<16xi32>], vector<16xf32>,
    %get3A_545 = arith.constant 1 : i32
    %get3A_546 = arith.index_cast %get3A_545 : i32 to index
    %get3A_547 = arith.constant 112 : index
    %get3A_548 = tpu.vector_load %arg12[%get3A_546, %get3A_547] {strides = array<i32>} : memref<4x128xi32, #tpu.memory_space<vmem>>, vector<16xi32>,
    %gather3A_549 = tpu.vector_load_idx %arg22[%get3A_548] : memref<1696xf32, #tpu.memory_space<vmem>>[vector<16xi32>], vector<16xf32>,
    %add3A_550 = arith.addf %gather3A_544, %gather3A_549 : vector<16xf32>
    %swap3A_551 = arith.constant 1 : i32
    %swap3A_552 = arith.index_cast %swap3A_551 : i32 to index
    %swap3A_553 = arith.constant 112 : index
    %swap3A_554 = tpu.vector_load %arg23[%swap3A_552, %swap3A_553] {strides = array<i32>} : memref<4x128xf32, #tpu.memory_space<vmem>>, vector<16xf32>,
    tpu.vector_store %arg23[%swap3A_552, %swap3A_553], %add3A_550 {strides = array<i32>} : memref<4x128xf32, #tpu.memory_space<vmem>>, vector<16xf32>,
    %dma_wait3A_555 = arith.constant 1 : i32
    %dma_wait3A_556 = arith.constant 0 : i32
    %dma_wait3A_557 = arith.constant 0 : i32
    %dma_wait3A_558 = tpu.memref_slice %arg19[%dma_wait3A_555, %dma_wait3A_556, %dma_wait3A_557] : memref<2x128x256xf32, #tpu.memory_space<vmem>> -> memref<1x128x256xf32, #tpu.memory_space<vmem>>
    %dma_wait3A_559 = tpu.memref_squeeze %dma_wait3A_558 : memref<1x128x256xf32, #tpu.memory_space<vmem>> -> memref<128x256xf32, #tpu.memory_space<vmem>>
    %dma_wait3A_560 = arith.constant 0 : i32
    %dma_wait3A_561 = tpu.memref_slice %arg8[%add3A_292, %dma_wait3A_560] : memref<16384x256xf32, #tpu.memory_space<hbm>> -> memref<128x256xf32, #tpu.memory_space<hbm>>
    %dma_wait3A_562 = arith.constant 0 : i32
    %dma_wait3A_563 = arith.constant 0 : i32
    %dma_wait3A_564 = tpu.memref_slice %arg19[%dma_wait3A_555, %dma_wait3A_562, %dma_wait3A_563] : memref<2x128x256xf32, #tpu.memory_space<vmem>> -> memref<1x128x256xf32, #tpu.memory_space<vmem>>
    %dma_wait3A_565 = tpu.memref_squeeze %dma_wait3A_564 : memref<1x128x256xf32, #tpu.memory_space<vmem>> -> memref<128x256xf32, #tpu.memory_space<vmem>>
    %dma_wait3A_566 = arith.constant 0 : i32
    %dma_wait3A_567 = tpu.memref_slice %arg8[%add3A_292, %dma_wait3A_566] : memref<16384x256xf32, #tpu.memory_space<hbm>> -> memref<128x256xf32, #tpu.memory_space<hbm>>
    tpu.wait_dma2 semaphore(%arg26 : memref<!tpu.dma_semaphore, #tpu.memory_space<semaphore_mem>>) src(%dma_wait3A_567 : memref<128x256xf32, #tpu.memory_space<hbm>>) dst(%dma_wait3A_565 : memref<128x256xf32, #tpu.memory_space<vmem>>)
    %add3A_568 = arith.constant 256 : i32
    %add3A_569 = arith.addi %mul3A_23, %add3A_568 : i32
    %dma_start3A_570 = arith.constant 0 : i32
    %dma_start3A_571 = arith.constant 0 : i32
    %dma_start3A_572 = arith.constant 0 : i32
    %dma_start3A_573 = tpu.memref_slice %arg19[%dma_start3A_570, %dma_start3A_571, %dma_start3A_572] : memref<2x128x256xf32, #tpu.memory_space<vmem>> -> memref<1x128x256xf32, #tpu.memory_space<vmem>>
    %dma_start3A_574 = tpu.memref_squeeze %dma_start3A_573 : memref<1x128x256xf32, #tpu.memory_space<vmem>> -> memref<128x256xf32, #tpu.memory_space<vmem>>
    %dma_start3A_575 = arith.constant 0 : i32
    %dma_start3A_576 = tpu.memref_slice %arg8[%add3A_569, %dma_start3A_575] : memref<16384x256xf32, #tpu.memory_space<hbm>> -> memref<128x256xf32, #tpu.memory_space<hbm>>
    %dma_start3A_577 = arith.constant 0 : i32
    %dma_start3A_578 = arith.constant 0 : i32
    %dma_start3A_579 = tpu.memref_slice %arg19[%dma_start3A_570, %dma_start3A_577, %dma_start3A_578] : memref<2x128x256xf32, #tpu.memory_space<vmem>> -> memref<1x128x256xf32, #tpu.memory_space<vmem>>
    %dma_start3A_580 = tpu.memref_squeeze %dma_start3A_579 : memref<1x128x256xf32, #tpu.memory_space<vmem>> -> memref<128x256xf32, #tpu.memory_space<vmem>>
    %dma_start3A_581 = arith.constant 0 : i32
    %dma_start3A_582 = tpu.memref_slice %arg8[%add3A_569, %dma_start3A_581] : memref<16384x256xf32, #tpu.memory_space<hbm>> -> memref<128x256xf32, #tpu.memory_space<hbm>>
    tpu.enqueue_dma source(%dma_start3A_582 : memref<128x256xf32, #tpu.memory_space<hbm>>) target(%dma_start3A_580 : memref<128x256xf32, #tpu.memory_space<vmem>>) target_semaphore(%arg26 : memref<!tpu.dma_semaphore, #tpu.memory_space<semaphore_mem>>)
    %and3A_583 = arith.andi %eq3A_371, %eq3A_434 : i1
    %convert_element_type3A_584 = arith.extui %and3A_583 : i1 to i32
    %cond3A_585 = arith.constant 0 : i32
    %cond3A_586 = arith.cmpi ne, %convert_element_type3A_584, %cond3A_585 : i32
    scf.if %cond3A_586 {
      %get3A_1136 = arith.constant 1 : i32
      %get3A_1137 = arith.index_cast %get3A_1136 : i32 to index
      %get3A_1138 = arith.constant 0 : index
      %get3A_1139 = tpu.vector_load %arg15[%get3A_1137, %get3A_1138] {strides = array<i32>} : memref<16x128xf32, #tpu.memory_space<vmem>>, vector<16xf32>,
      %get3A_1140 = arith.constant 1 : i32
      %get3A_1141 = arith.index_cast %get3A_1140 : i32 to index
      %get3A_1142 = arith.constant 16 : index
      %get3A_1143 = tpu.vector_load %arg15[%get3A_1141, %get3A_1142] {strides = array<i32>} : memref<16x128xf32, #tpu.memory_space<vmem>>, vector<16xf32>,
      %get3A_1144 = arith.constant 1 : i32
      %get3A_1145 = arith.index_cast %get3A_1144 : i32 to index
      %get3A_1146 = arith.constant 32 : index
      %get3A_1147 = tpu.vector_load %arg15[%get3A_1145, %get3A_1146] {strides = array<i32>} : memref<16x128xf32, #tpu.memory_space<vmem>>, vector<16xf32>,
      %get3A_1148 = arith.constant 1 : i32
      %get3A_1149 = arith.index_cast %get3A_1148 : i32 to index
      %get3A_1150 = arith.constant 48 : index
      %get3A_1151 = tpu.vector_load %arg15[%get3A_1149, %get3A_1150] {strides = array<i32>} : memref<16x128xf32, #tpu.memory_space<vmem>>, vector<16xf32>,
      %get3A_1152 = arith.constant 1 : i32
      %get3A_1153 = arith.index_cast %get3A_1152 : i32 to index
      %get3A_1154 = arith.constant 64 : index
      %get3A_1155 = tpu.vector_load %arg15[%get3A_1153, %get3A_1154] {strides = array<i32>} : memref<16x128xf32, #tpu.memory_space<vmem>>, vector<16xf32>,
      %get3A_1156 = arith.constant 1 : i32
      %get3A_1157 = arith.index_cast %get3A_1156 : i32 to index
      %get3A_1158 = arith.constant 80 : index
      %get3A_1159 = tpu.vector_load %arg15[%get3A_1157, %get3A_1158] {strides = array<i32>} : memref<16x128xf32, #tpu.memory_space<vmem>>, vector<16xf32>,
      %get3A_1160 = arith.constant 1 : i32
      %get3A_1161 = arith.index_cast %get3A_1160 : i32 to index
      %get3A_1162 = arith.constant 96 : index
      %get3A_1163 = tpu.vector_load %arg15[%get3A_1161, %get3A_1162] {strides = array<i32>} : memref<16x128xf32, #tpu.memory_space<vmem>>, vector<16xf32>,
      %get3A_1164 = arith.constant 1 : i32
      %get3A_1165 = arith.index_cast %get3A_1164 : i32 to index
      %get3A_1166 = arith.constant 112 : index
      %get3A_1167 = tpu.vector_load %arg15[%get3A_1165, %get3A_1166] {strides = array<i32>} : memref<16x128xf32, #tpu.memory_space<vmem>>, vector<16xf32>,
      %get3A_1168 = arith.constant 1 : i32
      %get3A_1169 = arith.index_cast %get3A_1168 : i32 to index
      %get3A_1170 = arith.constant 0 : index
      %get3A_1171 = tpu.vector_load %arg16[%get3A_1169, %get3A_1170] {strides = array<i32>} : memref<16x128xf32, #tpu.memory_space<vmem>>, vector<16xf32>,
      %get3A_1172 = arith.constant 1 : i32
      %get3A_1173 = arith.index_cast %get3A_1172 : i32 to index
      %get3A_1174 = arith.constant 16 : index
      %get3A_1175 = tpu.vector_load %arg16[%get3A_1173, %get3A_1174] {strides = array<i32>} : memref<16x128xf32, #tpu.memory_space<vmem>>, vector<16xf32>,
      %get3A_1176 = arith.constant 1 : i32
      %get3A_1177 = arith.index_cast %get3A_1176 : i32 to index
      %get3A_1178 = arith.constant 32 : index
      %get3A_1179 = tpu.vector_load %arg16[%get3A_1177, %get3A_1178] {strides = array<i32>} : memref<16x128xf32, #tpu.memory_space<vmem>>, vector<16xf32>,
      %get3A_1180 = arith.constant 1 : i32
      %get3A_1181 = arith.index_cast %get3A_1180 : i32 to index
      %get3A_1182 = arith.constant 48 : index
      %get3A_1183 = tpu.vector_load %arg16[%get3A_1181, %get3A_1182] {strides = array<i32>} : memref<16x128xf32, #tpu.memory_space<vmem>>, vector<16xf32>,
      %get3A_1184 = arith.constant 1 : i32
      %get3A_1185 = arith.index_cast %get3A_1184 : i32 to index
      %get3A_1186 = arith.constant 64 : index
      %get3A_1187 = tpu.vector_load %arg16[%get3A_1185, %get3A_1186] {strides = array<i32>} : memref<16x128xf32, #tpu.memory_space<vmem>>, vector<16xf32>,
      %get3A_1188 = arith.constant 1 : i32
      %get3A_1189 = arith.index_cast %get3A_1188 : i32 to index
      %get3A_1190 = arith.constant 80 : index
      %get3A_1191 = tpu.vector_load %arg16[%get3A_1189, %get3A_1190] {strides = array<i32>} : memref<16x128xf32, #tpu.memory_space<vmem>>, vector<16xf32>,
      %get3A_1192 = arith.constant 1 : i32
      %get3A_1193 = arith.index_cast %get3A_1192 : i32 to index
      %get3A_1194 = arith.constant 96 : index
      %get3A_1195 = tpu.vector_load %arg16[%get3A_1193, %get3A_1194] {strides = array<i32>} : memref<16x128xf32, #tpu.memory_space<vmem>>, vector<16xf32>,
      %get3A_1196 = arith.constant 1 : i32
      %get3A_1197 = arith.index_cast %get3A_1196 : i32 to index
      %get3A_1198 = arith.constant 112 : index
      %get3A_1199 = tpu.vector_load %arg16[%get3A_1197, %get3A_1198] {strides = array<i32>} : memref<16x128xf32, #tpu.memory_space<vmem>>, vector<16xf32>,
      %scan3A = arith.constant 0 : i32
      %scan3A_1200 = arith.constant 128 : i32
      %scan3A_1201 = arith.addi %scan3A, %scan3A_1200 : i32
      %scan3A_1202 = arith.constant 1 : i32
      scf.for %scan3A_1204 = %scan3A to %scan3A_1201 step %scan3A_1202  : i32 {
        %get3A_1205 = arith.constant 1 : i32
        %get3A_1206 = arith.index_cast %get3A_1205 : i32 to index
        %get3A_1207 = arith.index_cast %scan3A_1204 : i32 to index
        %get3A_1208 = arith.constant 0 : index
        %get3A_1209 = tpu.vector_load %arg19[%get3A_1206, %get3A_1207, %get3A_1208] {strides = array<i32>} : memref<2x128x256xf32, #tpu.memory_space<vmem>>, vector<16xf32>,
        %get3A_1210 = arith.constant 1 : i32
        %get3A_1211 = arith.index_cast %get3A_1210 : i32 to index
        %get3A_1212 = arith.index_cast %scan3A_1204 : i32 to index
        %get3A_1213 = arith.constant 64 : index
        %get3A_1214 = tpu.vector_load %arg19[%get3A_1211, %get3A_1212, %get3A_1213] {strides = array<i32>} : memref<2x128x256xf32, #tpu.memory_space<vmem>>, vector<16xf32>,
        %get3A_1215 = arith.constant 1 : i32
        %get3A_1216 = arith.index_cast %get3A_1215 : i32 to index
        %get3A_1217 = arith.index_cast %scan3A_1204 : i32 to index
        %get3A_1218 = arith.constant 128 : index
        %get3A_1219 = tpu.vector_load %arg19[%get3A_1216, %get3A_1217, %get3A_1218] {strides = array<i32>} : memref<2x128x256xf32, #tpu.memory_space<vmem>>, vector<16xf32>,
        %get3A_1220 = arith.constant 1 : i32
        %get3A_1221 = arith.index_cast %get3A_1220 : i32 to index
        %get3A_1222 = arith.index_cast %scan3A_1204 : i32 to index
        %get3A_1223 = arith.constant 192 : index
        %get3A_1224 = tpu.vector_load %arg19[%get3A_1221, %get3A_1222, %get3A_1223] {strides = array<i32>} : memref<2x128x256xf32, #tpu.memory_space<vmem>>, vector<16xf32>,
        %mul3A_1225 = arith.mulf %get3A_1209, %get3A_1139 : vector<16xf32>
        %add3A_1226 = arith.addf %get3A_1214, %get3A_1155 : vector<16xf32>
        %mul3A_1227 = arith.mulf %add3A_1226, %get3A_1171 : vector<16xf32>
        %add3A_1228 = arith.addf %mul3A_1225, %mul3A_1227 : vector<16xf32>
        %add3A_1229 = arith.addf %get3A_1155, %get3A_1214 : vector<16xf32>
        %mul3A_1230 = arith.mulf %get3A_1219, %add3A_1229 : vector<16xf32>
        %add3A_1231 = arith.addf %add3A_1228, %mul3A_1230 : vector<16xf32>
        %mul3A_1232 = arith.mulf %get3A_1224, %get3A_1187 : vector<16xf32>
        %add3A_1233 = arith.addf %add3A_1231, %mul3A_1232 : vector<16xf32>
        %get3A_1234 = arith.constant 1 : i32
        %get3A_1235 = arith.index_cast %get3A_1234 : i32 to index
        %get3A_1236 = arith.index_cast %scan3A_1204 : i32 to index
        %get3A_1237 = arith.constant 16 : index
        %get3A_1238 = tpu.vector_load %arg19[%get3A_1235, %get3A_1236, %get3A_1237] {strides = array<i32>} : memref<2x128x256xf32, #tpu.memory_space<vmem>>, vector<16xf32>,
        %get3A_1239 = arith.constant 1 : i32
        %get3A_1240 = arith.index_cast %get3A_1239 : i32 to index
        %get3A_1241 = arith.index_cast %scan3A_1204 : i32 to index
        %get3A_1242 = arith.constant 80 : index
        %get3A_1243 = tpu.vector_load %arg19[%get3A_1240, %get3A_1241, %get3A_1242] {strides = array<i32>} : memref<2x128x256xf32, #tpu.memory_space<vmem>>, vector<16xf32>,
        %get3A_1244 = arith.constant 1 : i32
        %get3A_1245 = arith.index_cast %get3A_1244 : i32 to index
        %get3A_1246 = arith.index_cast %scan3A_1204 : i32 to index
        %get3A_1247 = arith.constant 144 : index
        %get3A_1248 = tpu.vector_load %arg19[%get3A_1245, %get3A_1246, %get3A_1247] {strides = array<i32>} : memref<2x128x256xf32, #tpu.memory_space<vmem>>, vector<16xf32>,
        %get3A_1249 = arith.constant 1 : i32
        %get3A_1250 = arith.index_cast %get3A_1249 : i32 to index
        %get3A_1251 = arith.index_cast %scan3A_1204 : i32 to index
        %get3A_1252 = arith.constant 208 : index
        %get3A_1253 = tpu.vector_load %arg19[%get3A_1250, %get3A_1251, %get3A_1252] {strides = array<i32>} : memref<2x128x256xf32, #tpu.memory_space<vmem>>, vector<16xf32>,
        %mul3A_1254 = arith.mulf %get3A_1238, %get3A_1143 : vector<16xf32>
        %add3A_1255 = arith.addf %get3A_1243, %get3A_1159 : vector<16xf32>
        %mul3A_1256 = arith.mulf %add3A_1255, %get3A_1175 : vector<16xf32>
        %add3A_1257 = arith.addf %mul3A_1254, %mul3A_1256 : vector<16xf32>
        %add3A_1258 = arith.addf %get3A_1159, %get3A_1243 : vector<16xf32>
        %mul3A_1259 = arith.mulf %get3A_1248, %add3A_1258 : vector<16xf32>
        %add3A_1260 = arith.addf %add3A_1257, %mul3A_1259 : vector<16xf32>
        %mul3A_1261 = arith.mulf %get3A_1253, %get3A_1191 : vector<16xf32>
        %add3A_1262 = arith.addf %add3A_1260, %mul3A_1261 : vector<16xf32>
        %add3A_1263 = arith.addf %add3A_1233, %add3A_1262 : vector<16xf32>
        %get3A_1264 = arith.constant 1 : i32
        %get3A_1265 = arith.index_cast %get3A_1264 : i32 to index
        %get3A_1266 = arith.index_cast %scan3A_1204 : i32 to index
        %get3A_1267 = arith.constant 32 : index
        %get3A_1268 = tpu.vector_load %arg19[%get3A_1265, %get3A_1266, %get3A_1267] {strides = array<i32>} : memref<2x128x256xf32, #tpu.memory_space<vmem>>, vector<16xf32>,
        %get3A_1269 = arith.constant 1 : i32
        %get3A_1270 = arith.index_cast %get3A_1269 : i32 to index
        %get3A_1271 = arith.index_cast %scan3A_1204 : i32 to index
        %get3A_1272 = arith.constant 96 : index
        %get3A_1273 = tpu.vector_load %arg19[%get3A_1270, %get3A_1271, %get3A_1272] {strides = array<i32>} : memref<2x128x256xf32, #tpu.memory_space<vmem>>, vector<16xf32>,
        %get3A_1274 = arith.constant 1 : i32
        %get3A_1275 = arith.index_cast %get3A_1274 : i32 to index
        %get3A_1276 = arith.index_cast %scan3A_1204 : i32 to index
        %get3A_1277 = arith.constant 160 : index
        %get3A_1278 = tpu.vector_load %arg19[%get3A_1275, %get3A_1276, %get3A_1277] {strides = array<i32>} : memref<2x128x256xf32, #tpu.memory_space<vmem>>, vector<16xf32>,
        %get3A_1279 = arith.constant 1 : i32
        %get3A_1280 = arith.index_cast %get3A_1279 : i32 to index
        %get3A_1281 = arith.index_cast %scan3A_1204 : i32 to index
        %get3A_1282 = arith.constant 224 : index
        %get3A_1283 = tpu.vector_load %arg19[%get3A_1280, %get3A_1281, %get3A_1282] {strides = array<i32>} : memref<2x128x256xf32, #tpu.memory_space<vmem>>, vector<16xf32>,
        %mul3A_1284 = arith.mulf %get3A_1268, %get3A_1147 : vector<16xf32>
        %add3A_1285 = arith.addf %get3A_1273, %get3A_1163 : vector<16xf32>
        %mul3A_1286 = arith.mulf %add3A_1285, %get3A_1179 : vector<16xf32>
        %add3A_1287 = arith.addf %mul3A_1284, %mul3A_1286 : vector<16xf32>
        %add3A_1288 = arith.addf %get3A_1163, %get3A_1273 : vector<16xf32>
        %mul3A_1289 = arith.mulf %get3A_1278, %add3A_1288 : vector<16xf32>
        %add3A_1290 = arith.addf %add3A_1287, %mul3A_1289 : vector<16xf32>
        %mul3A_1291 = arith.mulf %get3A_1283, %get3A_1195 : vector<16xf32>
        %add3A_1292 = arith.addf %add3A_1290, %mul3A_1291 : vector<16xf32>
        %add3A_1293 = arith.addf %add3A_1263, %add3A_1292 : vector<16xf32>
        %get3A_1294 = arith.constant 1 : i32
        %get3A_1295 = arith.index_cast %get3A_1294 : i32 to index
        %get3A_1296 = arith.index_cast %scan3A_1204 : i32 to index
        %get3A_1297 = arith.constant 48 : index
        %get3A_1298 = tpu.vector_load %arg19[%get3A_1295, %get3A_1296, %get3A_1297] {strides = array<i32>} : memref<2x128x256xf32, #tpu.memory_space<vmem>>, vector<16xf32>,
        %get3A_1299 = arith.constant 1 : i32
        %get3A_1300 = arith.index_cast %get3A_1299 : i32 to index
        %get3A_1301 = arith.index_cast %scan3A_1204 : i32 to index
        %get3A_1302 = arith.constant 112 : index
        %get3A_1303 = tpu.vector_load %arg19[%get3A_1300, %get3A_1301, %get3A_1302] {strides = array<i32>} : memref<2x128x256xf32, #tpu.memory_space<vmem>>, vector<16xf32>,
        %get3A_1304 = arith.constant 1 : i32
        %get3A_1305 = arith.index_cast %get3A_1304 : i32 to index
        %get3A_1306 = arith.index_cast %scan3A_1204 : i32 to index
        %get3A_1307 = arith.constant 176 : index
        %get3A_1308 = tpu.vector_load %arg19[%get3A_1305, %get3A_1306, %get3A_1307] {strides = array<i32>} : memref<2x128x256xf32, #tpu.memory_space<vmem>>, vector<16xf32>,
        %get3A_1309 = arith.constant 1 : i32
        %get3A_1310 = arith.index_cast %get3A_1309 : i32 to index
        %get3A_1311 = arith.index_cast %scan3A_1204 : i32 to index
        %get3A_1312 = arith.constant 240 : index
        %get3A_1313 = tpu.vector_load %arg19[%get3A_1310, %get3A_1311, %get3A_1312] {strides = array<i32>} : memref<2x128x256xf32, #tpu.memory_space<vmem>>, vector<16xf32>,
        %mul3A_1314 = arith.mulf %get3A_1298, %get3A_1151 : vector<16xf32>
        %add3A_1315 = arith.addf %get3A_1303, %get3A_1167 : vector<16xf32>
        %mul3A_1316 = arith.mulf %add3A_1315, %get3A_1183 : vector<16xf32>
        %add3A_1317 = arith.addf %mul3A_1314, %mul3A_1316 : vector<16xf32>
        %add3A_1318 = arith.addf %get3A_1167, %get3A_1303 : vector<16xf32>
        %mul3A_1319 = arith.mulf %get3A_1308, %add3A_1318 : vector<16xf32>
        %add3A_1320 = arith.addf %add3A_1317, %mul3A_1319 : vector<16xf32>
        %mul3A_1321 = arith.mulf %get3A_1313, %get3A_1199 : vector<16xf32>
        %add3A_1322 = arith.addf %add3A_1320, %mul3A_1321 : vector<16xf32>
        %add3A_1323 = arith.addf %add3A_1293, %add3A_1322 : vector<16xf32>
        %swap3A_1324 = arith.index_cast %scan3A_1204 : i32 to index
        %swap3A_1325 = arith.constant 0 : index
        %swap3A_1326 = tpu.vector_load %arg20[%swap3A_1324, %swap3A_1325] {strides = array<i32>} : memref<128x16xf32, #tpu.memory_space<vmem>>, vector<16xf32>,
        tpu.vector_store %arg20[%swap3A_1324, %swap3A_1325], %add3A_1323 {strides = array<i32>} : memref<128x16xf32, #tpu.memory_space<vmem>>, vector<16xf32>,
      }
      %scan3A_1203 = arith.constant 128 : i32
    } else {
      %dma_start3A_1136 = arith.constant 1 : i32
      %dma_start3A_1137 = arith.constant 0 : i32
      %dma_start3A_1138 = tpu.memref_slice %arg11[%dma_start3A_1136, %dma_start3A_1137] : memref<4x128xi32, #tpu.memory_space<vmem>> -> memref<1x128xi32, #tpu.memory_space<vmem>>
      %dma_start3A_1139 = tpu.memref_squeeze %dma_start3A_1138 : memref<1x128xi32, #tpu.memory_space<vmem>> -> memref<128xi32, #tpu.memory_space<vmem>>
      %dma_start3A_1140 = arith.constant 0 : i32
      %dma_start3A_1141 = arith.constant 0 : i32
      %dma_start3A_1142 = tpu.memref_slice %arg2[%dma_start3A_1140, %dma_start3A_1141] : memref<943x128xf32, #tpu.memory_space<hbm>> -> memref<943x128xf32, #tpu.memory_space<hbm>>
      tpu.enqueue_indirect_dma source(%dma_start3A_1142 : memref<943x128xf32, #tpu.memory_space<hbm>>) target(%arg13 : memref<128x128xf32, #tpu.memory_space<vmem>>) offsets(%dma_start3A_1139 : memref<128xi32, #tpu.memory_space<vmem>>) semaphore(%arg24 : memref<!tpu.dma_semaphore, #tpu.memory_space<semaphore_mem>>)
      %dma_start3A_1143 = arith.constant 1 : i32
      %dma_start3A_1144 = arith.constant 0 : i32
      %dma_start3A_1145 = tpu.memref_slice %arg12[%dma_start3A_1143, %dma_start3A_1144] : memref<4x128xi32, #tpu.memory_space<vmem>> -> memref<1x128xi32, #tpu.memory_space<vmem>>
      %dma_start3A_1146 = tpu.memref_squeeze %dma_start3A_1145 : memref<1x128xi32, #tpu.memory_space<vmem>> -> memref<128xi32, #tpu.memory_space<vmem>>
      %dma_start3A_1147 = arith.constant 0 : i32
      %dma_start3A_1148 = arith.constant 0 : i32
      %dma_start3A_1149 = tpu.memref_slice %arg3[%dma_start3A_1147, %dma_start3A_1148] : memref<1682x128xf32, #tpu.memory_space<hbm>> -> memref<1682x128xf32, #tpu.memory_space<hbm>>
      tpu.enqueue_indirect_dma source(%dma_start3A_1149 : memref<1682x128xf32, #tpu.memory_space<hbm>>) target(%arg14 : memref<128x128xf32, #tpu.memory_space<vmem>>) offsets(%dma_start3A_1146 : memref<128xi32, #tpu.memory_space<vmem>>) semaphore(%arg25 : memref<!tpu.dma_semaphore, #tpu.memory_space<semaphore_mem>>)
      %dma_wait3A_1150 = arith.constant 1 : i32
      %dma_wait3A_1151 = arith.constant 0 : i32
      %dma_wait3A_1152 = tpu.memref_slice %arg11[%dma_wait3A_1150, %dma_wait3A_1151] : memref<4x128xi32, #tpu.memory_space<vmem>> -> memref<1x128xi32, #tpu.memory_space<vmem>>
      %dma_wait3A_1153 = tpu.memref_squeeze %dma_wait3A_1152 : memref<1x128xi32, #tpu.memory_space<vmem>> -> memref<128xi32, #tpu.memory_space<vmem>>
      %dma_wait3A_1154 = arith.constant 0 : i32
      %dma_wait3A_1155 = arith.constant 0 : i32
      %dma_wait3A_1156 = tpu.memref_slice %arg2[%dma_wait3A_1154, %dma_wait3A_1155] : memref<943x128xf32, #tpu.memory_space<hbm>> -> memref<943x128xf32, #tpu.memory_space<hbm>>
      tpu.wait_indirect_dma semaphore(%arg24 : memref<!tpu.dma_semaphore, #tpu.memory_space<semaphore_mem>>) src(%dma_wait3A_1156 : memref<943x128xf32, #tpu.memory_space<hbm>>) dst(%arg13 : memref<128x128xf32, #tpu.memory_space<vmem>>)
      %dma_wait3A_1157 = arith.constant 1 : i32
      %dma_wait3A_1158 = arith.constant 0 : i32
      %dma_wait3A_1159 = tpu.memref_slice %arg12[%dma_wait3A_1157, %dma_wait3A_1158] : memref<4x128xi32, #tpu.memory_space<vmem>> -> memref<1x128xi32, #tpu.memory_space<vmem>>
      %dma_wait3A_1160 = tpu.memref_squeeze %dma_wait3A_1159 : memref<1x128xi32, #tpu.memory_space<vmem>> -> memref<128xi32, #tpu.memory_space<vmem>>
      %dma_wait3A_1161 = arith.constant 0 : i32
      %dma_wait3A_1162 = arith.constant 0 : i32
      %dma_wait3A_1163 = tpu.memref_slice %arg3[%dma_wait3A_1161, %dma_wait3A_1162] : memref<1682x128xf32, #tpu.memory_space<hbm>> -> memref<1682x128xf32, #tpu.memory_space<hbm>>
      tpu.wait_indirect_dma semaphore(%arg25 : memref<!tpu.dma_semaphore, #tpu.memory_space<semaphore_mem>>) src(%dma_wait3A_1163 : memref<1682x128xf32, #tpu.memory_space<hbm>>) dst(%arg14 : memref<128x128xf32, #tpu.memory_space<vmem>>)
      %scan3A = arith.constant 0 : i32
      %scan3A_1164 = arith.constant 0 : i32
      %scan3A_1165 = arith.constant 128 : i32
      %scan3A_1166 = arith.addi %scan3A_1164, %scan3A_1165 : i32
      %scan3A_1167 = arith.constant 1 : i32
      scf.for %scan3A_1169 = %scan3A_1164 to %scan3A_1166 step %scan3A_1167  : i32 {
        %get3A_1170 = arith.constant 1 : i32
        %get3A_1171 = arith.index_cast %get3A_1170 : i32 to index
        %get3A_1172 = arith.index_cast %scan3A_1169 : i32 to index
        %get3A_1173 = arith.constant 0 : index
        %get3A_1174 = tpu.vector_load %arg19[%get3A_1171, %get3A_1172, %get3A_1173] {strides = array<i32>} : memref<2x128x256xf32, #tpu.memory_space<vmem>>, vector<16xf32>,
        %get3A_1175 = arith.constant 1 : i32
        %get3A_1176 = arith.index_cast %get3A_1175 : i32 to index
        %get3A_1177 = arith.index_cast %scan3A_1169 : i32 to index
        %get3A_1178 = arith.constant 64 : index
        %get3A_1179 = tpu.vector_load %arg19[%get3A_1176, %get3A_1177, %get3A_1178] {strides = array<i32>} : memref<2x128x256xf32, #tpu.memory_space<vmem>>, vector<16xf32>,
        %get3A_1180 = arith.constant 1 : i32
        %get3A_1181 = arith.index_cast %get3A_1180 : i32 to index
        %get3A_1182 = arith.index_cast %scan3A_1169 : i32 to index
        %get3A_1183 = arith.constant 128 : index
        %get3A_1184 = tpu.vector_load %arg19[%get3A_1181, %get3A_1182, %get3A_1183] {strides = array<i32>} : memref<2x128x256xf32, #tpu.memory_space<vmem>>, vector<16xf32>,
        %get3A_1185 = arith.constant 1 : i32
        %get3A_1186 = arith.index_cast %get3A_1185 : i32 to index
        %get3A_1187 = arith.index_cast %scan3A_1169 : i32 to index
        %get3A_1188 = arith.constant 192 : index
        %get3A_1189 = tpu.vector_load %arg19[%get3A_1186, %get3A_1187, %get3A_1188] {strides = array<i32>} : memref<2x128x256xf32, #tpu.memory_space<vmem>>, vector<16xf32>,
        %get3A_1190 = arith.index_cast %scan3A_1169 : i32 to index
        %get3A_1191 = arith.constant 0 : index
        %get3A_1192 = tpu.vector_load %arg13[%get3A_1190, %get3A_1191] {strides = array<i32>} : memref<128x128xf32, #tpu.memory_space<vmem>>, vector<16xf32>,
        %get3A_1193 = arith.index_cast %scan3A_1169 : i32 to index
        %get3A_1194 = arith.constant 64 : index
        %get3A_1195 = tpu.vector_load %arg13[%get3A_1193, %get3A_1194] {strides = array<i32>} : memref<128x128xf32, #tpu.memory_space<vmem>>, vector<16xf32>,
        %get3A_1196 = arith.index_cast %scan3A_1169 : i32 to index
        %get3A_1197 = arith.constant 0 : index
        %get3A_1198 = tpu.vector_load %arg14[%get3A_1196, %get3A_1197] {strides = array<i32>} : memref<128x128xf32, #tpu.memory_space<vmem>>, vector<16xf32>,
        %get3A_1199 = arith.index_cast %scan3A_1169 : i32 to index
        %get3A_1200 = arith.constant 64 : index
        %get3A_1201 = tpu.vector_load %arg14[%get3A_1199, %get3A_1200] {strides = array<i32>} : memref<128x128xf32, #tpu.memory_space<vmem>>, vector<16xf32>,
        %mul3A_1202 = arith.mulf %get3A_1174, %get3A_1192 : vector<16xf32>
        %add3A_1203 = arith.addf %get3A_1179, %get3A_1195 : vector<16xf32>
        %mul3A_1204 = arith.mulf %add3A_1203, %get3A_1198 : vector<16xf32>
        %add3A_1205 = arith.addf %mul3A_1202, %mul3A_1204 : vector<16xf32>
        %add3A_1206 = arith.addf %get3A_1195, %get3A_1179 : vector<16xf32>
        %mul3A_1207 = arith.mulf %get3A_1184, %add3A_1206 : vector<16xf32>
        %add3A_1208 = arith.addf %add3A_1205, %mul3A_1207 : vector<16xf32>
        %mul3A_1209 = arith.mulf %get3A_1189, %get3A_1201 : vector<16xf32>
        %add3A_1210 = arith.addf %add3A_1208, %mul3A_1209 : vector<16xf32>
        %get3A_1211 = arith.constant 1 : i32
        %get3A_1212 = arith.index_cast %get3A_1211 : i32 to index
        %get3A_1213 = arith.index_cast %scan3A_1169 : i32 to index
        %get3A_1214 = arith.constant 16 : index
        %get3A_1215 = tpu.vector_load %arg19[%get3A_1212, %get3A_1213, %get3A_1214] {strides = array<i32>} : memref<2x128x256xf32, #tpu.memory_space<vmem>>, vector<16xf32>,
        %get3A_1216 = arith.constant 1 : i32
        %get3A_1217 = arith.index_cast %get3A_1216 : i32 to index
        %get3A_1218 = arith.index_cast %scan3A_1169 : i32 to index
        %get3A_1219 = arith.constant 80 : index
        %get3A_1220 = tpu.vector_load %arg19[%get3A_1217, %get3A_1218, %get3A_1219] {strides = array<i32>} : memref<2x128x256xf32, #tpu.memory_space<vmem>>, vector<16xf32>,
        %get3A_1221 = arith.constant 1 : i32
        %get3A_1222 = arith.index_cast %get3A_1221 : i32 to index
        %get3A_1223 = arith.index_cast %scan3A_1169 : i32 to index
        %get3A_1224 = arith.constant 144 : index
        %get3A_1225 = tpu.vector_load %arg19[%get3A_1222, %get3A_1223, %get3A_1224] {strides = array<i32>} : memref<2x128x256xf32, #tpu.memory_space<vmem>>, vector<16xf32>,
        %get3A_1226 = arith.constant 1 : i32
        %get3A_1227 = arith.index_cast %get3A_1226 : i32 to index
        %get3A_1228 = arith.index_cast %scan3A_1169 : i32 to index
        %get3A_1229 = arith.constant 208 : index
        %get3A_1230 = tpu.vector_load %arg19[%get3A_1227, %get3A_1228, %get3A_1229] {strides = array<i32>} : memref<2x128x256xf32, #tpu.memory_space<vmem>>, vector<16xf32>,
        %get3A_1231 = arith.index_cast %scan3A_1169 : i32 to index
        %get3A_1232 = arith.constant 16 : index
        %get3A_1233 = tpu.vector_load %arg13[%get3A_1231, %get3A_1232] {strides = array<i32>} : memref<128x128xf32, #tpu.memory_space<vmem>>, vector<16xf32>,
        %get3A_1234 = arith.index_cast %scan3A_1169 : i32 to index
        %get3A_1235 = arith.constant 80 : index
        %get3A_1236 = tpu.vector_load %arg13[%get3A_1234, %get3A_1235] {strides = array<i32>} : memref<128x128xf32, #tpu.memory_space<vmem>>, vector<16xf32>,
        %get3A_1237 = arith.index_cast %scan3A_1169 : i32 to index
        %get3A_1238 = arith.constant 16 : index
        %get3A_1239 = tpu.vector_load %arg14[%get3A_1237, %get3A_1238] {strides = array<i32>} : memref<128x128xf32, #tpu.memory_space<vmem>>, vector<16xf32>,
        %get3A_1240 = arith.index_cast %scan3A_1169 : i32 to index
        %get3A_1241 = arith.constant 80 : index
        %get3A_1242 = tpu.vector_load %arg14[%get3A_1240, %get3A_1241] {strides = array<i32>} : memref<128x128xf32, #tpu.memory_space<vmem>>, vector<16xf32>,
        %mul3A_1243 = arith.mulf %get3A_1215, %get3A_1233 : vector<16xf32>
        %add3A_1244 = arith.addf %get3A_1220, %get3A_1236 : vector<16xf32>
        %mul3A_1245 = arith.mulf %add3A_1244, %get3A_1239 : vector<16xf32>
        %add3A_1246 = arith.addf %mul3A_1243, %mul3A_1245 : vector<16xf32>
        %add3A_1247 = arith.addf %get3A_1236, %get3A_1220 : vector<16xf32>
        %mul3A_1248 = arith.mulf %get3A_1225, %add3A_1247 : vector<16xf32>
        %add3A_1249 = arith.addf %add3A_1246, %mul3A_1248 : vector<16xf32>
        %mul3A_1250 = arith.mulf %get3A_1230, %get3A_1242 : vector<16xf32>
        %add3A_1251 = arith.addf %add3A_1249, %mul3A_1250 : vector<16xf32>
        %add3A_1252 = arith.addf %add3A_1210, %add3A_1251 : vector<16xf32>
        %get3A_1253 = arith.constant 1 : i32
        %get3A_1254 = arith.index_cast %get3A_1253 : i32 to index
        %get3A_1255 = arith.index_cast %scan3A_1169 : i32 to index
        %get3A_1256 = arith.constant 32 : index
        %get3A_1257 = tpu.vector_load %arg19[%get3A_1254, %get3A_1255, %get3A_1256] {strides = array<i32>} : memref<2x128x256xf32, #tpu.memory_space<vmem>>, vector<16xf32>,
        %get3A_1258 = arith.constant 1 : i32
        %get3A_1259 = arith.index_cast %get3A_1258 : i32 to index
        %get3A_1260 = arith.index_cast %scan3A_1169 : i32 to index
        %get3A_1261 = arith.constant 96 : index
        %get3A_1262 = tpu.vector_load %arg19[%get3A_1259, %get3A_1260, %get3A_1261] {strides = array<i32>} : memref<2x128x256xf32, #tpu.memory_space<vmem>>, vector<16xf32>,
        %get3A_1263 = arith.constant 1 : i32
        %get3A_1264 = arith.index_cast %get3A_1263 : i32 to index
        %get3A_1265 = arith.index_cast %scan3A_1169 : i32 to index
        %get3A_1266 = arith.constant 160 : index
        %get3A_1267 = tpu.vector_load %arg19[%get3A_1264, %get3A_1265, %get3A_1266] {strides = array<i32>} : memref<2x128x256xf32, #tpu.memory_space<vmem>>, vector<16xf32>,
        %get3A_1268 = arith.constant 1 : i32
        %get3A_1269 = arith.index_cast %get3A_1268 : i32 to index
        %get3A_1270 = arith.index_cast %scan3A_1169 : i32 to index
        %get3A_1271 = arith.constant 224 : index
        %get3A_1272 = tpu.vector_load %arg19[%get3A_1269, %get3A_1270, %get3A_1271] {strides = array<i32>} : memref<2x128x256xf32, #tpu.memory_space<vmem>>, vector<16xf32>,
        %get3A_1273 = arith.index_cast %scan3A_1169 : i32 to index
        %get3A_1274 = arith.constant 32 : index
        %get3A_1275 = tpu.vector_load %arg13[%get3A_1273, %get3A_1274] {strides = array<i32>} : memref<128x128xf32, #tpu.memory_space<vmem>>, vector<16xf32>,
        %get3A_1276 = arith.index_cast %scan3A_1169 : i32 to index
        %get3A_1277 = arith.constant 96 : index
        %get3A_1278 = tpu.vector_load %arg13[%get3A_1276, %get3A_1277] {strides = array<i32>} : memref<128x128xf32, #tpu.memory_space<vmem>>, vector<16xf32>,
        %get3A_1279 = arith.index_cast %scan3A_1169 : i32 to index
        %get3A_1280 = arith.constant 32 : index
        %get3A_1281 = tpu.vector_load %arg14[%get3A_1279, %get3A_1280] {strides = array<i32>} : memref<128x128xf32, #tpu.memory_space<vmem>>, vector<16xf32>,
        %get3A_1282 = arith.index_cast %scan3A_1169 : i32 to index
        %get3A_1283 = arith.constant 96 : index
        %get3A_1284 = tpu.vector_load %arg14[%get3A_1282, %get3A_1283] {strides = array<i32>} : memref<128x128xf32, #tpu.memory_space<vmem>>, vector<16xf32>,
        %mul3A_1285 = arith.mulf %get3A_1257, %get3A_1275 : vector<16xf32>
        %add3A_1286 = arith.addf %get3A_1262, %get3A_1278 : vector<16xf32>
        %mul3A_1287 = arith.mulf %add3A_1286, %get3A_1281 : vector<16xf32>
        %add3A_1288 = arith.addf %mul3A_1285, %mul3A_1287 : vector<16xf32>
        %add3A_1289 = arith.addf %get3A_1278, %get3A_1262 : vector<16xf32>
        %mul3A_1290 = arith.mulf %get3A_1267, %add3A_1289 : vector<16xf32>
        %add3A_1291 = arith.addf %add3A_1288, %mul3A_1290 : vector<16xf32>
        %mul3A_1292 = arith.mulf %get3A_1272, %get3A_1284 : vector<16xf32>
        %add3A_1293 = arith.addf %add3A_1291, %mul3A_1292 : vector<16xf32>
        %add3A_1294 = arith.addf %add3A_1252, %add3A_1293 : vector<16xf32>
        %get3A_1295 = arith.constant 1 : i32
        %get3A_1296 = arith.index_cast %get3A_1295 : i32 to index
        %get3A_1297 = arith.index_cast %scan3A_1169 : i32 to index
        %get3A_1298 = arith.constant 48 : index
        %get3A_1299 = tpu.vector_load %arg19[%get3A_1296, %get3A_1297, %get3A_1298] {strides = array<i32>} : memref<2x128x256xf32, #tpu.memory_space<vmem>>, vector<16xf32>,
        %get3A_1300 = arith.constant 1 : i32
        %get3A_1301 = arith.index_cast %get3A_1300 : i32 to index
        %get3A_1302 = arith.index_cast %scan3A_1169 : i32 to index
        %get3A_1303 = arith.constant 112 : index
        %get3A_1304 = tpu.vector_load %arg19[%get3A_1301, %get3A_1302, %get3A_1303] {strides = array<i32>} : memref<2x128x256xf32, #tpu.memory_space<vmem>>, vector<16xf32>,
        %get3A_1305 = arith.constant 1 : i32
        %get3A_1306 = arith.index_cast %get3A_1305 : i32 to index
        %get3A_1307 = arith.index_cast %scan3A_1169 : i32 to index
        %get3A_1308 = arith.constant 176 : index
        %get3A_1309 = tpu.vector_load %arg19[%get3A_1306, %get3A_1307, %get3A_1308] {strides = array<i32>} : memref<2x128x256xf32, #tpu.memory_space<vmem>>, vector<16xf32>,
        %get3A_1310 = arith.constant 1 : i32
        %get3A_1311 = arith.index_cast %get3A_1310 : i32 to index
        %get3A_1312 = arith.index_cast %scan3A_1169 : i32 to index
        %get3A_1313 = arith.constant 240 : index
        %get3A_1314 = tpu.vector_load %arg19[%get3A_1311, %get3A_1312, %get3A_1313] {strides = array<i32>} : memref<2x128x256xf32, #tpu.memory_space<vmem>>, vector<16xf32>,
        %get3A_1315 = arith.index_cast %scan3A_1169 : i32 to index
        %get3A_1316 = arith.constant 48 : index
        %get3A_1317 = tpu.vector_load %arg13[%get3A_1315, %get3A_1316] {strides = array<i32>} : memref<128x128xf32, #tpu.memory_space<vmem>>, vector<16xf32>,
        %get3A_1318 = arith.index_cast %scan3A_1169 : i32 to index
        %get3A_1319 = arith.constant 112 : index
        %get3A_1320 = tpu.vector_load %arg13[%get3A_1318, %get3A_1319] {strides = array<i32>} : memref<128x128xf32, #tpu.memory_space<vmem>>, vector<16xf32>,
        %get3A_1321 = arith.index_cast %scan3A_1169 : i32 to index
        %get3A_1322 = arith.constant 48 : index
        %get3A_1323 = tpu.vector_load %arg14[%get3A_1321, %get3A_1322] {strides = array<i32>} : memref<128x128xf32, #tpu.memory_space<vmem>>, vector<16xf32>,
        %get3A_1324 = arith.index_cast %scan3A_1169 : i32 to index
        %get3A_1325 = arith.constant 112 : index
        %get3A_1326 = tpu.vector_load %arg14[%get3A_1324, %get3A_1325] {strides = array<i32>} : memref<128x128xf32, #tpu.memory_space<vmem>>, vector<16xf32>,
        %mul3A_1327 = arith.mulf %get3A_1299, %get3A_1317 : vector<16xf32>
        %add3A_1328 = arith.addf %get3A_1304, %get3A_1320 : vector<16xf32>
        %mul3A_1329 = arith.mulf %add3A_1328, %get3A_1323 : vector<16xf32>
        %add3A_1330 = arith.addf %mul3A_1327, %mul3A_1329 : vector<16xf32>
        %add3A_1331 = arith.addf %get3A_1320, %get3A_1304 : vector<16xf32>
        %mul3A_1332 = arith.mulf %get3A_1309, %add3A_1331 : vector<16xf32>
        %add3A_1333 = arith.addf %add3A_1330, %mul3A_1332 : vector<16xf32>
        %mul3A_1334 = arith.mulf %get3A_1314, %get3A_1326 : vector<16xf32>
        %add3A_1335 = arith.addf %add3A_1333, %mul3A_1334 : vector<16xf32>
        %add3A_1336 = arith.addf %add3A_1294, %add3A_1335 : vector<16xf32>
        %swap3A_1337 = arith.index_cast %scan3A_1169 : i32 to index
        %swap3A_1338 = arith.constant 0 : index
        %swap3A_1339 = tpu.vector_load %arg20[%swap3A_1337, %swap3A_1338] {strides = array<i32>} : memref<128x16xf32, #tpu.memory_space<vmem>>, vector<16xf32>,
        tpu.vector_store %arg20[%swap3A_1337, %swap3A_1338], %add3A_1336 {strides = array<i32>} : memref<128x16xf32, #tpu.memory_space<vmem>>, vector<16xf32>,
      }
      %scan3A_1168 = arith.constant 128 : i32
    }
    %add3A_587 = arith.constant 128 : i32
    %add3A_588 = arith.addi %mul3A_23, %add3A_587 : i32
    "tpu.region"() ({
      %run_scoped3A = tpu.sem_alloc : memref<!tpu.dma_semaphore, #tpu.memory_space<semaphore_mem>>
      %dma_start3A_1136 = arith.constant 0 : i32
      %dma_start3A_1137 = tpu.memref_slice %arg9[%add3A_588, %dma_start3A_1136] : memref<16384x16xf32, #tpu.memory_space<hbm>> -> memref<128x16xf32, #tpu.memory_space<hbm>>
      %dma_start3A_1138 = arith.constant 0 : i32
      %dma_start3A_1139 = tpu.memref_slice %arg9[%add3A_588, %dma_start3A_1138] : memref<16384x16xf32, #tpu.memory_space<hbm>> -> memref<128x16xf32, #tpu.memory_space<hbm>>
      tpu.enqueue_dma source(%arg20 : memref<128x16xf32, #tpu.memory_space<vmem>>) target(%dma_start3A_1139 : memref<128x16xf32, #tpu.memory_space<hbm>>) target_semaphore(%run_scoped3A : memref<!tpu.dma_semaphore, #tpu.memory_space<semaphore_mem>>)
      %dma_wait3A_1140 = arith.constant 0 : i32
      %dma_wait3A_1141 = tpu.memref_slice %arg9[%add3A_588, %dma_wait3A_1140] : memref<16384x16xf32, #tpu.memory_space<hbm>> -> memref<128x16xf32, #tpu.memory_space<hbm>>
      %dma_wait3A_1142 = arith.constant 0 : i32
      %dma_wait3A_1143 = tpu.memref_slice %arg9[%add3A_588, %dma_wait3A_1142] : memref<16384x16xf32, #tpu.memory_space<hbm>> -> memref<128x16xf32, #tpu.memory_space<hbm>>
      tpu.wait_dma2 semaphore(%run_scoped3A : memref<!tpu.dma_semaphore, #tpu.memory_space<semaphore_mem>>) src(%arg20 : memref<128x16xf32, #tpu.memory_space<vmem>>) dst(%dma_wait3A_1143 : memref<128x16xf32, #tpu.memory_space<hbm>>)
      tpu.yield
    }) : () -> ()
    %get3A_589 = arith.constant 2 : i32
    %get3A_590 = arith.index_cast %get3A_589 : i32 to index
    %get3A_591 = arith.constant 0 : index
    %get3A_592 = tpu.vector_load %arg11[%get3A_590, %get3A_591] {strides = array<i32>} : memref<4x128xi32, #tpu.memory_space<vmem>>, vector<16xi32>,
    %get3A_593 = arith.constant 2 : i32
    %get3A_594 = arith.index_cast %get3A_593 : i32 to index
    %get3A_595 = arith.constant 16 : index
    %get3A_596 = tpu.vector_load %arg11[%get3A_594, %get3A_595] {strides = array<i32>} : memref<4x128xi32, #tpu.memory_space<vmem>>, vector<16xi32>,
    %max3A_597 = arith.maxsi %get3A_592, %get3A_596 : vector<16xi32>
    %min3A_598 = arith.minsi %get3A_592, %get3A_596 : vector<16xi32>
    %get3A_599 = arith.constant 2 : i32
    %get3A_600 = arith.index_cast %get3A_599 : i32 to index
    %get3A_601 = arith.constant 32 : index
    %get3A_602 = tpu.vector_load %arg11[%get3A_600, %get3A_601] {strides = array<i32>} : memref<4x128xi32, #tpu.memory_space<vmem>>, vector<16xi32>,
    %max3A_603 = arith.maxsi %max3A_597, %get3A_602 : vector<16xi32>
    %min3A_604 = arith.minsi %min3A_598, %get3A_602 : vector<16xi32>
    %get3A_605 = arith.constant 2 : i32
    %get3A_606 = arith.index_cast %get3A_605 : i32 to index
    %get3A_607 = arith.constant 48 : index
    %get3A_608 = tpu.vector_load %arg11[%get3A_606, %get3A_607] {strides = array<i32>} : memref<4x128xi32, #tpu.memory_space<vmem>>, vector<16xi32>,
    %max3A_609 = arith.maxsi %max3A_603, %get3A_608 : vector<16xi32>
    %min3A_610 = arith.minsi %min3A_604, %get3A_608 : vector<16xi32>
    %get3A_611 = arith.constant 2 : i32
    %get3A_612 = arith.index_cast %get3A_611 : i32 to index
    %get3A_613 = arith.constant 64 : index
    %get3A_614 = tpu.vector_load %arg11[%get3A_612, %get3A_613] {strides = array<i32>} : memref<4x128xi32, #tpu.memory_space<vmem>>, vector<16xi32>,
    %max3A_615 = arith.maxsi %max3A_609, %get3A_614 : vector<16xi32>
    %min3A_616 = arith.minsi %min3A_610, %get3A_614 : vector<16xi32>
    %get3A_617 = arith.constant 2 : i32
    %get3A_618 = arith.index_cast %get3A_617 : i32 to index
    %get3A_619 = arith.constant 80 : index
    %get3A_620 = tpu.vector_load %arg11[%get3A_618, %get3A_619] {strides = array<i32>} : memref<4x128xi32, #tpu.memory_space<vmem>>, vector<16xi32>,
    %max3A_621 = arith.maxsi %max3A_615, %get3A_620 : vector<16xi32>
    %min3A_622 = arith.minsi %min3A_616, %get3A_620 : vector<16xi32>
    %get3A_623 = arith.constant 2 : i32
    %get3A_624 = arith.index_cast %get3A_623 : i32 to index
    %get3A_625 = arith.constant 96 : index
    %get3A_626 = tpu.vector_load %arg11[%get3A_624, %get3A_625] {strides = array<i32>} : memref<4x128xi32, #tpu.memory_space<vmem>>, vector<16xi32>,
    %max3A_627 = arith.maxsi %max3A_621, %get3A_626 : vector<16xi32>
    %min3A_628 = arith.minsi %min3A_622, %get3A_626 : vector<16xi32>
    %get3A_629 = arith.constant 2 : i32
    %get3A_630 = arith.index_cast %get3A_629 : i32 to index
    %get3A_631 = arith.constant 112 : index
    %get3A_632 = tpu.vector_load %arg11[%get3A_630, %get3A_631] {strides = array<i32>} : memref<4x128xi32, #tpu.memory_space<vmem>>, vector<16xi32>,
    %max3A_633 = arith.maxsi %max3A_627, %get3A_632 : vector<16xi32>
    %min3A_634 = arith.minsi %min3A_628, %get3A_632 : vector<16xi32>
    %reduce_max3A_635 = arith.constant true
    %reduce_max3A_636 = vector.broadcast %reduce_max3A_635 : i1 to vector<16xi1>
    %reduce_max3A_637 = arith.constant -2147483648 : i32
    %reduce_max3A_638 = vector.broadcast %reduce_max3A_637 : i32 to vector<16xi32>
    %reduce_max3A_639 = arith.xori %max3A_633, %reduce_max3A_638 : vector<16xi32>
    %reduce_max3A_640 = tpu.scan <max>, %reduce_max3A_639 masked %reduce_max3A_636 : vector<16xi32>, vector<16xi1> -> vector<16xi32>
    %reduce_max3A_641 = arith.xori %reduce_max3A_640, %reduce_max3A_638 : vector<16xi32>
    %reduce_max3A_642 = vector.extract %reduce_max3A_641[15] : i32 from vector<16xi32>
    %reduce_min3A_643 = arith.constant true
    %reduce_min3A_644 = vector.broadcast %reduce_min3A_643 : i1 to vector<16xi1>
    %reduce_min3A_645 = arith.constant -2147483648 : i32
    %reduce_min3A_646 = vector.broadcast %reduce_min3A_645 : i32 to vector<16xi32>
    %reduce_min3A_647 = arith.xori %min3A_634, %reduce_min3A_646 : vector<16xi32>
    %reduce_min3A_648 = tpu.scan <min>, %reduce_min3A_647 masked %reduce_min3A_644 : vector<16xi32>, vector<16xi1> -> vector<16xi32>
    %reduce_min3A_649 = arith.xori %reduce_min3A_648, %reduce_min3A_646 : vector<16xi32>
    %reduce_min3A_650 = vector.extract %reduce_min3A_649[15] : i32 from vector<16xi32>
    %eq3A_651 = arith.cmpi eq, %reduce_max3A_642, %reduce_min3A_650 : i32
    %get3A_652 = arith.constant 2 : i32
    %get3A_653 = arith.index_cast %get3A_652 : i32 to index
    %get3A_654 = arith.constant 0 : index
    %get3A_655 = tpu.vector_load %arg12[%get3A_653, %get3A_654] {strides = array<i32>} : memref<4x128xi32, #tpu.memory_space<vmem>>, vector<16xi32>,
    %get3A_656 = arith.constant 2 : i32
    %get3A_657 = arith.index_cast %get3A_656 : i32 to index
    %get3A_658 = arith.constant 16 : index
    %get3A_659 = tpu.vector_load %arg12[%get3A_657, %get3A_658] {strides = array<i32>} : memref<4x128xi32, #tpu.memory_space<vmem>>, vector<16xi32>,
    %max3A_660 = arith.maxsi %get3A_655, %get3A_659 : vector<16xi32>
    %min3A_661 = arith.minsi %get3A_655, %get3A_659 : vector<16xi32>
    %get3A_662 = arith.constant 2 : i32
    %get3A_663 = arith.index_cast %get3A_662 : i32 to index
    %get3A_664 = arith.constant 32 : index
    %get3A_665 = tpu.vector_load %arg12[%get3A_663, %get3A_664] {strides = array<i32>} : memref<4x128xi32, #tpu.memory_space<vmem>>, vector<16xi32>,
    %max3A_666 = arith.maxsi %max3A_660, %get3A_665 : vector<16xi32>
    %min3A_667 = arith.minsi %min3A_661, %get3A_665 : vector<16xi32>
    %get3A_668 = arith.constant 2 : i32
    %get3A_669 = arith.index_cast %get3A_668 : i32 to index
    %get3A_670 = arith.constant 48 : index
    %get3A_671 = tpu.vector_load %arg12[%get3A_669, %get3A_670] {strides = array<i32>} : memref<4x128xi32, #tpu.memory_space<vmem>>, vector<16xi32>,
    %max3A_672 = arith.maxsi %max3A_666, %get3A_671 : vector<16xi32>
    %min3A_673 = arith.minsi %min3A_667, %get3A_671 : vector<16xi32>
    %get3A_674 = arith.constant 2 : i32
    %get3A_675 = arith.index_cast %get3A_674 : i32 to index
    %get3A_676 = arith.constant 64 : index
    %get3A_677 = tpu.vector_load %arg12[%get3A_675, %get3A_676] {strides = array<i32>} : memref<4x128xi32, #tpu.memory_space<vmem>>, vector<16xi32>,
    %max3A_678 = arith.maxsi %max3A_672, %get3A_677 : vector<16xi32>
    %min3A_679 = arith.minsi %min3A_673, %get3A_677 : vector<16xi32>
    %get3A_680 = arith.constant 2 : i32
    %get3A_681 = arith.index_cast %get3A_680 : i32 to index
    %get3A_682 = arith.constant 80 : index
    %get3A_683 = tpu.vector_load %arg12[%get3A_681, %get3A_682] {strides = array<i32>} : memref<4x128xi32, #tpu.memory_space<vmem>>, vector<16xi32>,
    %max3A_684 = arith.maxsi %max3A_678, %get3A_683 : vector<16xi32>
    %min3A_685 = arith.minsi %min3A_679, %get3A_683 : vector<16xi32>
    %get3A_686 = arith.constant 2 : i32
    %get3A_687 = arith.index_cast %get3A_686 : i32 to index
    %get3A_688 = arith.constant 96 : index
    %get3A_689 = tpu.vector_load %arg12[%get3A_687, %get3A_688] {strides = array<i32>} : memref<4x128xi32, #tpu.memory_space<vmem>>, vector<16xi32>,
    %max3A_690 = arith.maxsi %max3A_684, %get3A_689 : vector<16xi32>
    %min3A_691 = arith.minsi %min3A_685, %get3A_689 : vector<16xi32>
    %get3A_692 = arith.constant 2 : i32
    %get3A_693 = arith.index_cast %get3A_692 : i32 to index
    %get3A_694 = arith.constant 112 : index
    %get3A_695 = tpu.vector_load %arg12[%get3A_693, %get3A_694] {strides = array<i32>} : memref<4x128xi32, #tpu.memory_space<vmem>>, vector<16xi32>,
    %max3A_696 = arith.maxsi %max3A_690, %get3A_695 : vector<16xi32>
    %min3A_697 = arith.minsi %min3A_691, %get3A_695 : vector<16xi32>
    %reduce_max3A_698 = arith.constant true
    %reduce_max3A_699 = vector.broadcast %reduce_max3A_698 : i1 to vector<16xi1>
    %reduce_max3A_700 = arith.constant -2147483648 : i32
    %reduce_max3A_701 = vector.broadcast %reduce_max3A_700 : i32 to vector<16xi32>
    %reduce_max3A_702 = arith.xori %max3A_696, %reduce_max3A_701 : vector<16xi32>
    %reduce_max3A_703 = tpu.scan <max>, %reduce_max3A_702 masked %reduce_max3A_699 : vector<16xi32>, vector<16xi1> -> vector<16xi32>
    %reduce_max3A_704 = arith.xori %reduce_max3A_703, %reduce_max3A_701 : vector<16xi32>
    %reduce_max3A_705 = vector.extract %reduce_max3A_704[15] : i32 from vector<16xi32>
    %reduce_min3A_706 = arith.constant true
    %reduce_min3A_707 = vector.broadcast %reduce_min3A_706 : i1 to vector<16xi1>
    %reduce_min3A_708 = arith.constant -2147483648 : i32
    %reduce_min3A_709 = vector.broadcast %reduce_min3A_708 : i32 to vector<16xi32>
    %reduce_min3A_710 = arith.xori %min3A_697, %reduce_min3A_709 : vector<16xi32>
    %reduce_min3A_711 = tpu.scan <min>, %reduce_min3A_710 masked %reduce_min3A_707 : vector<16xi32>, vector<16xi1> -> vector<16xi32>
    %reduce_min3A_712 = arith.xori %reduce_min3A_711, %reduce_min3A_709 : vector<16xi32>
    %reduce_min3A_713 = vector.extract %reduce_min3A_712[15] : i32 from vector<16xi32>
    %eq3A_714 = arith.cmpi eq, %reduce_max3A_705, %reduce_min3A_713 : i32
    %get3A_715 = arith.constant 2 : i32
    %get3A_716 = arith.index_cast %get3A_715 : i32 to index
    %get3A_717 = arith.constant 0 : index
    %get3A_718 = tpu.vector_load %arg11[%get3A_716, %get3A_717] {strides = array<i32>} : memref<4x128xi32, #tpu.memory_space<vmem>>, vector<16xi32>,
    %gather3A_719 = tpu.vector_load_idx %arg21[%get3A_718] : memref<960xf32, #tpu.memory_space<vmem>>[vector<16xi32>], vector<16xf32>,
    %get3A_720 = arith.constant 2 : i32
    %get3A_721 = arith.index_cast %get3A_720 : i32 to index
    %get3A_722 = arith.constant 0 : index
    %get3A_723 = tpu.vector_load %arg12[%get3A_721, %get3A_722] {strides = array<i32>} : memref<4x128xi32, #tpu.memory_space<vmem>>, vector<16xi32>,
    %gather3A_724 = tpu.vector_load_idx %arg22[%get3A_723] : memref<1696xf32, #tpu.memory_space<vmem>>[vector<16xi32>], vector<16xf32>,
    %add3A_725 = arith.addf %gather3A_719, %gather3A_724 : vector<16xf32>
    %swap3A_726 = arith.constant 2 : i32
    %swap3A_727 = arith.index_cast %swap3A_726 : i32 to index
    %swap3A_728 = arith.constant 0 : index
    %swap3A_729 = tpu.vector_load %arg23[%swap3A_727, %swap3A_728] {strides = array<i32>} : memref<4x128xf32, #tpu.memory_space<vmem>>, vector<16xf32>,
    tpu.vector_store %arg23[%swap3A_727, %swap3A_728], %add3A_725 {strides = array<i32>} : memref<4x128xf32, #tpu.memory_space<vmem>>, vector<16xf32>,
    %get3A_730 = arith.constant 2 : i32
    %get3A_731 = arith.index_cast %get3A_730 : i32 to index
    %get3A_732 = arith.constant 16 : index
    %get3A_733 = tpu.vector_load %arg11[%get3A_731, %get3A_732] {strides = array<i32>} : memref<4x128xi32, #tpu.memory_space<vmem>>, vector<16xi32>,
    %gather3A_734 = tpu.vector_load_idx %arg21[%get3A_733] : memref<960xf32, #tpu.memory_space<vmem>>[vector<16xi32>], vector<16xf32>,
    %get3A_735 = arith.constant 2 : i32
    %get3A_736 = arith.index_cast %get3A_735 : i32 to index
    %get3A_737 = arith.constant 16 : index
    %get3A_738 = tpu.vector_load %arg12[%get3A_736, %get3A_737] {strides = array<i32>} : memref<4x128xi32, #tpu.memory_space<vmem>>, vector<16xi32>,
    %gather3A_739 = tpu.vector_load_idx %arg22[%get3A_738] : memref<1696xf32, #tpu.memory_space<vmem>>[vector<16xi32>], vector<16xf32>,
    %add3A_740 = arith.addf %gather3A_734, %gather3A_739 : vector<16xf32>
    %swap3A_741 = arith.constant 2 : i32
    %swap3A_742 = arith.index_cast %swap3A_741 : i32 to index
    %swap3A_743 = arith.constant 16 : index
    %swap3A_744 = tpu.vector_load %arg23[%swap3A_742, %swap3A_743] {strides = array<i32>} : memref<4x128xf32, #tpu.memory_space<vmem>>, vector<16xf32>,
    tpu.vector_store %arg23[%swap3A_742, %swap3A_743], %add3A_740 {strides = array<i32>} : memref<4x128xf32, #tpu.memory_space<vmem>>, vector<16xf32>,
    %get3A_745 = arith.constant 2 : i32
    %get3A_746 = arith.index_cast %get3A_745 : i32 to index
    %get3A_747 = arith.constant 32 : index
    %get3A_748 = tpu.vector_load %arg11[%get3A_746, %get3A_747] {strides = array<i32>} : memref<4x128xi32, #tpu.memory_space<vmem>>, vector<16xi32>,
    %gather3A_749 = tpu.vector_load_idx %arg21[%get3A_748] : memref<960xf32, #tpu.memory_space<vmem>>[vector<16xi32>], vector<16xf32>,
    %get3A_750 = arith.constant 2 : i32
    %get3A_751 = arith.index_cast %get3A_750 : i32 to index
    %get3A_752 = arith.constant 32 : index
    %get3A_753 = tpu.vector_load %arg12[%get3A_751, %get3A_752] {strides = array<i32>} : memref<4x128xi32, #tpu.memory_space<vmem>>, vector<16xi32>,
    %gather3A_754 = tpu.vector_load_idx %arg22[%get3A_753] : memref<1696xf32, #tpu.memory_space<vmem>>[vector<16xi32>], vector<16xf32>,
    %add3A_755 = arith.addf %gather3A_749, %gather3A_754 : vector<16xf32>
    %swap3A_756 = arith.constant 2 : i32
    %swap3A_757 = arith.index_cast %swap3A_756 : i32 to index
    %swap3A_758 = arith.constant 32 : index
    %swap3A_759 = tpu.vector_load %arg23[%swap3A_757, %swap3A_758] {strides = array<i32>} : memref<4x128xf32, #tpu.memory_space<vmem>>, vector<16xf32>,
    tpu.vector_store %arg23[%swap3A_757, %swap3A_758], %add3A_755 {strides = array<i32>} : memref<4x128xf32, #tpu.memory_space<vmem>>, vector<16xf32>,
    %get3A_760 = arith.constant 2 : i32
    %get3A_761 = arith.index_cast %get3A_760 : i32 to index
    %get3A_762 = arith.constant 48 : index
    %get3A_763 = tpu.vector_load %arg11[%get3A_761, %get3A_762] {strides = array<i32>} : memref<4x128xi32, #tpu.memory_space<vmem>>, vector<16xi32>,
    %gather3A_764 = tpu.vector_load_idx %arg21[%get3A_763] : memref<960xf32, #tpu.memory_space<vmem>>[vector<16xi32>], vector<16xf32>,
    %get3A_765 = arith.constant 2 : i32
    %get3A_766 = arith.index_cast %get3A_765 : i32 to index
    %get3A_767 = arith.constant 48 : index
    %get3A_768 = tpu.vector_load %arg12[%get3A_766, %get3A_767] {strides = array<i32>} : memref<4x128xi32, #tpu.memory_space<vmem>>, vector<16xi32>,
    %gather3A_769 = tpu.vector_load_idx %arg22[%get3A_768] : memref<1696xf32, #tpu.memory_space<vmem>>[vector<16xi32>], vector<16xf32>,
    %add3A_770 = arith.addf %gather3A_764, %gather3A_769 : vector<16xf32>
    %swap3A_771 = arith.constant 2 : i32
    %swap3A_772 = arith.index_cast %swap3A_771 : i32 to index
    %swap3A_773 = arith.constant 48 : index
    %swap3A_774 = tpu.vector_load %arg23[%swap3A_772, %swap3A_773] {strides = array<i32>} : memref<4x128xf32, #tpu.memory_space<vmem>>, vector<16xf32>,
    tpu.vector_store %arg23[%swap3A_772, %swap3A_773], %add3A_770 {strides = array<i32>} : memref<4x128xf32, #tpu.memory_space<vmem>>, vector<16xf32>,
    %get3A_775 = arith.constant 2 : i32
    %get3A_776 = arith.index_cast %get3A_775 : i32 to index
    %get3A_777 = arith.constant 64 : index
    %get3A_778 = tpu.vector_load %arg11[%get3A_776, %get3A_777] {strides = array<i32>} : memref<4x128xi32, #tpu.memory_space<vmem>>, vector<16xi32>,
    %gather3A_779 = tpu.vector_load_idx %arg21[%get3A_778] : memref<960xf32, #tpu.memory_space<vmem>>[vector<16xi32>], vector<16xf32>,
    %get3A_780 = arith.constant 2 : i32
    %get3A_781 = arith.index_cast %get3A_780 : i32 to index
    %get3A_782 = arith.constant 64 : index
    %get3A_783 = tpu.vector_load %arg12[%get3A_781, %get3A_782] {strides = array<i32>} : memref<4x128xi32, #tpu.memory_space<vmem>>, vector<16xi32>,
    %gather3A_784 = tpu.vector_load_idx %arg22[%get3A_783] : memref<1696xf32, #tpu.memory_space<vmem>>[vector<16xi32>], vector<16xf32>,
    %add3A_785 = arith.addf %gather3A_779, %gather3A_784 : vector<16xf32>
    %swap3A_786 = arith.constant 2 : i32
    %swap3A_787 = arith.index_cast %swap3A_786 : i32 to index
    %swap3A_788 = arith.constant 64 : index
    %swap3A_789 = tpu.vector_load %arg23[%swap3A_787, %swap3A_788] {strides = array<i32>} : memref<4x128xf32, #tpu.memory_space<vmem>>, vector<16xf32>,
    tpu.vector_store %arg23[%swap3A_787, %swap3A_788], %add3A_785 {strides = array<i32>} : memref<4x128xf32, #tpu.memory_space<vmem>>, vector<16xf32>,
    %get3A_790 = arith.constant 2 : i32
    %get3A_791 = arith.index_cast %get3A_790 : i32 to index
    %get3A_792 = arith.constant 80 : index
    %get3A_793 = tpu.vector_load %arg11[%get3A_791, %get3A_792] {strides = array<i32>} : memref<4x128xi32, #tpu.memory_space<vmem>>, vector<16xi32>,
    %gather3A_794 = tpu.vector_load_idx %arg21[%get3A_793] : memref<960xf32, #tpu.memory_space<vmem>>[vector<16xi32>], vector<16xf32>,
    %get3A_795 = arith.constant 2 : i32
    %get3A_796 = arith.index_cast %get3A_795 : i32 to index
    %get3A_797 = arith.constant 80 : index
    %get3A_798 = tpu.vector_load %arg12[%get3A_796, %get3A_797] {strides = array<i32>} : memref<4x128xi32, #tpu.memory_space<vmem>>, vector<16xi32>,
    %gather3A_799 = tpu.vector_load_idx %arg22[%get3A_798] : memref<1696xf32, #tpu.memory_space<vmem>>[vector<16xi32>], vector<16xf32>,
    %add3A_800 = arith.addf %gather3A_794, %gather3A_799 : vector<16xf32>
    %swap3A_801 = arith.constant 2 : i32
    %swap3A_802 = arith.index_cast %swap3A_801 : i32 to index
    %swap3A_803 = arith.constant 80 : index
    %swap3A_804 = tpu.vector_load %arg23[%swap3A_802, %swap3A_803] {strides = array<i32>} : memref<4x128xf32, #tpu.memory_space<vmem>>, vector<16xf32>,
    tpu.vector_store %arg23[%swap3A_802, %swap3A_803], %add3A_800 {strides = array<i32>} : memref<4x128xf32, #tpu.memory_space<vmem>>, vector<16xf32>,
    %get3A_805 = arith.constant 2 : i32
    %get3A_806 = arith.index_cast %get3A_805 : i32 to index
    %get3A_807 = arith.constant 96 : index
    %get3A_808 = tpu.vector_load %arg11[%get3A_806, %get3A_807] {strides = array<i32>} : memref<4x128xi32, #tpu.memory_space<vmem>>, vector<16xi32>,
    %gather3A_809 = tpu.vector_load_idx %arg21[%get3A_808] : memref<960xf32, #tpu.memory_space<vmem>>[vector<16xi32>], vector<16xf32>,
    %get3A_810 = arith.constant 2 : i32
    %get3A_811 = arith.index_cast %get3A_810 : i32 to index
    %get3A_812 = arith.constant 96 : index
    %get3A_813 = tpu.vector_load %arg12[%get3A_811, %get3A_812] {strides = array<i32>} : memref<4x128xi32, #tpu.memory_space<vmem>>, vector<16xi32>,
    %gather3A_814 = tpu.vector_load_idx %arg22[%get3A_813] : memref<1696xf32, #tpu.memory_space<vmem>>[vector<16xi32>], vector<16xf32>,
    %add3A_815 = arith.addf %gather3A_809, %gather3A_814 : vector<16xf32>
    %swap3A_816 = arith.constant 2 : i32
    %swap3A_817 = arith.index_cast %swap3A_816 : i32 to index
    %swap3A_818 = arith.constant 96 : index
    %swap3A_819 = tpu.vector_load %arg23[%swap3A_817, %swap3A_818] {strides = array<i32>} : memref<4x128xf32, #tpu.memory_space<vmem>>, vector<16xf32>,
    tpu.vector_store %arg23[%swap3A_817, %swap3A_818], %add3A_815 {strides = array<i32>} : memref<4x128xf32, #tpu.memory_space<vmem>>, vector<16xf32>,
    %get3A_820 = arith.constant 2 : i32
    %get3A_821 = arith.index_cast %get3A_820 : i32 to index
    %get3A_822 = arith.constant 112 : index
    %get3A_823 = tpu.vector_load %arg11[%get3A_821, %get3A_822] {strides = array<i32>} : memref<4x128xi32, #tpu.memory_space<vmem>>, vector<16xi32>,
    %gather3A_824 = tpu.vector_load_idx %arg21[%get3A_823] : memref<960xf32, #tpu.memory_space<vmem>>[vector<16xi32>], vector<16xf32>,
    %get3A_825 = arith.constant 2 : i32
    %get3A_826 = arith.index_cast %get3A_825 : i32 to index
    %get3A_827 = arith.constant 112 : index
    %get3A_828 = tpu.vector_load %arg12[%get3A_826, %get3A_827] {strides = array<i32>} : memref<4x128xi32, #tpu.memory_space<vmem>>, vector<16xi32>,
    %gather3A_829 = tpu.vector_load_idx %arg22[%get3A_828] : memref<1696xf32, #tpu.memory_space<vmem>>[vector<16xi32>], vector<16xf32>,
    %add3A_830 = arith.addf %gather3A_824, %gather3A_829 : vector<16xf32>
    %swap3A_831 = arith.constant 2 : i32
    %swap3A_832 = arith.index_cast %swap3A_831 : i32 to index
    %swap3A_833 = arith.constant 112 : index
    %swap3A_834 = tpu.vector_load %arg23[%swap3A_832, %swap3A_833] {strides = array<i32>} : memref<4x128xf32, #tpu.memory_space<vmem>>, vector<16xf32>,
    tpu.vector_store %arg23[%swap3A_832, %swap3A_833], %add3A_830 {strides = array<i32>} : memref<4x128xf32, #tpu.memory_space<vmem>>, vector<16xf32>,
    %dma_wait3A_835 = arith.constant 0 : i32
    %dma_wait3A_836 = arith.constant 0 : i32
    %dma_wait3A_837 = arith.constant 0 : i32
    %dma_wait3A_838 = tpu.memref_slice %arg19[%dma_wait3A_835, %dma_wait3A_836, %dma_wait3A_837] : memref<2x128x256xf32, #tpu.memory_space<vmem>> -> memref<1x128x256xf32, #tpu.memory_space<vmem>>
    %dma_wait3A_839 = tpu.memref_squeeze %dma_wait3A_838 : memref<1x128x256xf32, #tpu.memory_space<vmem>> -> memref<128x256xf32, #tpu.memory_space<vmem>>
    %dma_wait3A_840 = arith.constant 0 : i32
    %dma_wait3A_841 = tpu.memref_slice %arg8[%add3A_569, %dma_wait3A_840] : memref<16384x256xf32, #tpu.memory_space<hbm>> -> memref<128x256xf32, #tpu.memory_space<hbm>>
    %dma_wait3A_842 = arith.constant 0 : i32
    %dma_wait3A_843 = arith.constant 0 : i32
    %dma_wait3A_844 = tpu.memref_slice %arg19[%dma_wait3A_835, %dma_wait3A_842, %dma_wait3A_843] : memref<2x128x256xf32, #tpu.memory_space<vmem>> -> memref<1x128x256xf32, #tpu.memory_space<vmem>>
    %dma_wait3A_845 = tpu.memref_squeeze %dma_wait3A_844 : memref<1x128x256xf32, #tpu.memory_space<vmem>> -> memref<128x256xf32, #tpu.memory_space<vmem>>
    %dma_wait3A_846 = arith.constant 0 : i32
    %dma_wait3A_847 = tpu.memref_slice %arg8[%add3A_569, %dma_wait3A_846] : memref<16384x256xf32, #tpu.memory_space<hbm>> -> memref<128x256xf32, #tpu.memory_space<hbm>>
    tpu.wait_dma2 semaphore(%arg26 : memref<!tpu.dma_semaphore, #tpu.memory_space<semaphore_mem>>) src(%dma_wait3A_847 : memref<128x256xf32, #tpu.memory_space<hbm>>) dst(%dma_wait3A_845 : memref<128x256xf32, #tpu.memory_space<vmem>>)
    %add3A_848 = arith.constant 384 : i32
    %add3A_849 = arith.addi %mul3A_23, %add3A_848 : i32
    %dma_start3A_850 = arith.constant 1 : i32
    %dma_start3A_851 = arith.constant 0 : i32
    %dma_start3A_852 = arith.constant 0 : i32
    %dma_start3A_853 = tpu.memref_slice %arg19[%dma_start3A_850, %dma_start3A_851, %dma_start3A_852] : memref<2x128x256xf32, #tpu.memory_space<vmem>> -> memref<1x128x256xf32, #tpu.memory_space<vmem>>
    %dma_start3A_854 = tpu.memref_squeeze %dma_start3A_853 : memref<1x128x256xf32, #tpu.memory_space<vmem>> -> memref<128x256xf32, #tpu.memory_space<vmem>>
    %dma_start3A_855 = arith.constant 0 : i32
    %dma_start3A_856 = tpu.memref_slice %arg8[%add3A_849, %dma_start3A_855] : memref<16384x256xf32, #tpu.memory_space<hbm>> -> memref<128x256xf32, #tpu.memory_space<hbm>>
    %dma_start3A_857 = arith.constant 0 : i32
    %dma_start3A_858 = arith.constant 0 : i32
    %dma_start3A_859 = tpu.memref_slice %arg19[%dma_start3A_850, %dma_start3A_857, %dma_start3A_858] : memref<2x128x256xf32, #tpu.memory_space<vmem>> -> memref<1x128x256xf32, #tpu.memory_space<vmem>>
    %dma_start3A_860 = tpu.memref_squeeze %dma_start3A_859 : memref<1x128x256xf32, #tpu.memory_space<vmem>> -> memref<128x256xf32, #tpu.memory_space<vmem>>
    %dma_start3A_861 = arith.constant 0 : i32
    %dma_start3A_862 = tpu.memref_slice %arg8[%add3A_849, %dma_start3A_861] : memref<16384x256xf32, #tpu.memory_space<hbm>> -> memref<128x256xf32, #tpu.memory_space<hbm>>
    tpu.enqueue_dma source(%dma_start3A_862 : memref<128x256xf32, #tpu.memory_space<hbm>>) target(%dma_start3A_860 : memref<128x256xf32, #tpu.memory_space<vmem>>) target_semaphore(%arg26 : memref<!tpu.dma_semaphore, #tpu.memory_space<semaphore_mem>>)
    %and3A_863 = arith.andi %eq3A_651, %eq3A_714 : i1
    %convert_element_type3A_864 = arith.extui %and3A_863 : i1 to i32
    %cond3A_865 = arith.constant 0 : i32
    %cond3A_866 = arith.cmpi ne, %convert_element_type3A_864, %cond3A_865 : i32
    scf.if %cond3A_866 {
      %get3A_1136 = arith.constant 2 : i32
      %get3A_1137 = arith.index_cast %get3A_1136 : i32 to index
      %get3A_1138 = arith.constant 0 : index
      %get3A_1139 = tpu.vector_load %arg15[%get3A_1137, %get3A_1138] {strides = array<i32>} : memref<16x128xf32, #tpu.memory_space<vmem>>, vector<16xf32>,
      %get3A_1140 = arith.constant 2 : i32
      %get3A_1141 = arith.index_cast %get3A_1140 : i32 to index
      %get3A_1142 = arith.constant 16 : index
      %get3A_1143 = tpu.vector_load %arg15[%get3A_1141, %get3A_1142] {strides = array<i32>} : memref<16x128xf32, #tpu.memory_space<vmem>>, vector<16xf32>,
      %get3A_1144 = arith.constant 2 : i32
      %get3A_1145 = arith.index_cast %get3A_1144 : i32 to index
      %get3A_1146 = arith.constant 32 : index
      %get3A_1147 = tpu.vector_load %arg15[%get3A_1145, %get3A_1146] {strides = array<i32>} : memref<16x128xf32, #tpu.memory_space<vmem>>, vector<16xf32>,
      %get3A_1148 = arith.constant 2 : i32
      %get3A_1149 = arith.index_cast %get3A_1148 : i32 to index
      %get3A_1150 = arith.constant 48 : index
      %get3A_1151 = tpu.vector_load %arg15[%get3A_1149, %get3A_1150] {strides = array<i32>} : memref<16x128xf32, #tpu.memory_space<vmem>>, vector<16xf32>,
      %get3A_1152 = arith.constant 2 : i32
      %get3A_1153 = arith.index_cast %get3A_1152 : i32 to index
      %get3A_1154 = arith.constant 64 : index
      %get3A_1155 = tpu.vector_load %arg15[%get3A_1153, %get3A_1154] {strides = array<i32>} : memref<16x128xf32, #tpu.memory_space<vmem>>, vector<16xf32>,
      %get3A_1156 = arith.constant 2 : i32
      %get3A_1157 = arith.index_cast %get3A_1156 : i32 to index
      %get3A_1158 = arith.constant 80 : index
      %get3A_1159 = tpu.vector_load %arg15[%get3A_1157, %get3A_1158] {strides = array<i32>} : memref<16x128xf32, #tpu.memory_space<vmem>>, vector<16xf32>,
      %get3A_1160 = arith.constant 2 : i32
      %get3A_1161 = arith.index_cast %get3A_1160 : i32 to index
      %get3A_1162 = arith.constant 96 : index
      %get3A_1163 = tpu.vector_load %arg15[%get3A_1161, %get3A_1162] {strides = array<i32>} : memref<16x128xf32, #tpu.memory_space<vmem>>, vector<16xf32>,
      %get3A_1164 = arith.constant 2 : i32
      %get3A_1165 = arith.index_cast %get3A_1164 : i32 to index
      %get3A_1166 = arith.constant 112 : index
      %get3A_1167 = tpu.vector_load %arg15[%get3A_1165, %get3A_1166] {strides = array<i32>} : memref<16x128xf32, #tpu.memory_space<vmem>>, vector<16xf32>,
      %get3A_1168 = arith.constant 2 : i32
      %get3A_1169 = arith.index_cast %get3A_1168 : i32 to index
      %get3A_1170 = arith.constant 0 : index
      %get3A_1171 = tpu.vector_load %arg16[%get3A_1169, %get3A_1170] {strides = array<i32>} : memref<16x128xf32, #tpu.memory_space<vmem>>, vector<16xf32>,
      %get3A_1172 = arith.constant 2 : i32
      %get3A_1173 = arith.index_cast %get3A_1172 : i32 to index
      %get3A_1174 = arith.constant 16 : index
      %get3A_1175 = tpu.vector_load %arg16[%get3A_1173, %get3A_1174] {strides = array<i32>} : memref<16x128xf32, #tpu.memory_space<vmem>>, vector<16xf32>,
      %get3A_1176 = arith.constant 2 : i32
      %get3A_1177 = arith.index_cast %get3A_1176 : i32 to index
      %get3A_1178 = arith.constant 32 : index
      %get3A_1179 = tpu.vector_load %arg16[%get3A_1177, %get3A_1178] {strides = array<i32>} : memref<16x128xf32, #tpu.memory_space<vmem>>, vector<16xf32>,
      %get3A_1180 = arith.constant 2 : i32
      %get3A_1181 = arith.index_cast %get3A_1180 : i32 to index
      %get3A_1182 = arith.constant 48 : index
      %get3A_1183 = tpu.vector_load %arg16[%get3A_1181, %get3A_1182] {strides = array<i32>} : memref<16x128xf32, #tpu.memory_space<vmem>>, vector<16xf32>,
      %get3A_1184 = arith.constant 2 : i32
      %get3A_1185 = arith.index_cast %get3A_1184 : i32 to index
      %get3A_1186 = arith.constant 64 : index
      %get3A_1187 = tpu.vector_load %arg16[%get3A_1185, %get3A_1186] {strides = array<i32>} : memref<16x128xf32, #tpu.memory_space<vmem>>, vector<16xf32>,
      %get3A_1188 = arith.constant 2 : i32
      %get3A_1189 = arith.index_cast %get3A_1188 : i32 to index
      %get3A_1190 = arith.constant 80 : index
      %get3A_1191 = tpu.vector_load %arg16[%get3A_1189, %get3A_1190] {strides = array<i32>} : memref<16x128xf32, #tpu.memory_space<vmem>>, vector<16xf32>,
      %get3A_1192 = arith.constant 2 : i32
      %get3A_1193 = arith.index_cast %get3A_1192 : i32 to index
      %get3A_1194 = arith.constant 96 : index
      %get3A_1195 = tpu.vector_load %arg16[%get3A_1193, %get3A_1194] {strides = array<i32>} : memref<16x128xf32, #tpu.memory_space<vmem>>, vector<16xf32>,
      %get3A_1196 = arith.constant 2 : i32
      %get3A_1197 = arith.index_cast %get3A_1196 : i32 to index
      %get3A_1198 = arith.constant 112 : index
      %get3A_1199 = tpu.vector_load %arg16[%get3A_1197, %get3A_1198] {strides = array<i32>} : memref<16x128xf32, #tpu.memory_space<vmem>>, vector<16xf32>,
      %scan3A = arith.constant 0 : i32
      %scan3A_1200 = arith.constant 128 : i32
      %scan3A_1201 = arith.addi %scan3A, %scan3A_1200 : i32
      %scan3A_1202 = arith.constant 1 : i32
      scf.for %scan3A_1204 = %scan3A to %scan3A_1201 step %scan3A_1202  : i32 {
        %get3A_1205 = arith.constant 0 : i32
        %get3A_1206 = arith.index_cast %get3A_1205 : i32 to index
        %get3A_1207 = arith.index_cast %scan3A_1204 : i32 to index
        %get3A_1208 = arith.constant 0 : index
        %get3A_1209 = tpu.vector_load %arg19[%get3A_1206, %get3A_1207, %get3A_1208] {strides = array<i32>} : memref<2x128x256xf32, #tpu.memory_space<vmem>>, vector<16xf32>,
        %get3A_1210 = arith.constant 0 : i32
        %get3A_1211 = arith.index_cast %get3A_1210 : i32 to index
        %get3A_1212 = arith.index_cast %scan3A_1204 : i32 to index
        %get3A_1213 = arith.constant 64 : index
        %get3A_1214 = tpu.vector_load %arg19[%get3A_1211, %get3A_1212, %get3A_1213] {strides = array<i32>} : memref<2x128x256xf32, #tpu.memory_space<vmem>>, vector<16xf32>,
        %get3A_1215 = arith.constant 0 : i32
        %get3A_1216 = arith.index_cast %get3A_1215 : i32 to index
        %get3A_1217 = arith.index_cast %scan3A_1204 : i32 to index
        %get3A_1218 = arith.constant 128 : index
        %get3A_1219 = tpu.vector_load %arg19[%get3A_1216, %get3A_1217, %get3A_1218] {strides = array<i32>} : memref<2x128x256xf32, #tpu.memory_space<vmem>>, vector<16xf32>,
        %get3A_1220 = arith.constant 0 : i32
        %get3A_1221 = arith.index_cast %get3A_1220 : i32 to index
        %get3A_1222 = arith.index_cast %scan3A_1204 : i32 to index
        %get3A_1223 = arith.constant 192 : index
        %get3A_1224 = tpu.vector_load %arg19[%get3A_1221, %get3A_1222, %get3A_1223] {strides = array<i32>} : memref<2x128x256xf32, #tpu.memory_space<vmem>>, vector<16xf32>,
        %mul3A_1225 = arith.mulf %get3A_1209, %get3A_1139 : vector<16xf32>
        %add3A_1226 = arith.addf %get3A_1214, %get3A_1155 : vector<16xf32>
        %mul3A_1227 = arith.mulf %add3A_1226, %get3A_1171 : vector<16xf32>
        %add3A_1228 = arith.addf %mul3A_1225, %mul3A_1227 : vector<16xf32>
        %add3A_1229 = arith.addf %get3A_1155, %get3A_1214 : vector<16xf32>
        %mul3A_1230 = arith.mulf %get3A_1219, %add3A_1229 : vector<16xf32>
        %add3A_1231 = arith.addf %add3A_1228, %mul3A_1230 : vector<16xf32>
        %mul3A_1232 = arith.mulf %get3A_1224, %get3A_1187 : vector<16xf32>
        %add3A_1233 = arith.addf %add3A_1231, %mul3A_1232 : vector<16xf32>
        %get3A_1234 = arith.constant 0 : i32
        %get3A_1235 = arith.index_cast %get3A_1234 : i32 to index
        %get3A_1236 = arith.index_cast %scan3A_1204 : i32 to index
        %get3A_1237 = arith.constant 16 : index
        %get3A_1238 = tpu.vector_load %arg19[%get3A_1235, %get3A_1236, %get3A_1237] {strides = array<i32>} : memref<2x128x256xf32, #tpu.memory_space<vmem>>, vector<16xf32>,
        %get3A_1239 = arith.constant 0 : i32
        %get3A_1240 = arith.index_cast %get3A_1239 : i32 to index
        %get3A_1241 = arith.index_cast %scan3A_1204 : i32 to index
        %get3A_1242 = arith.constant 80 : index
        %get3A_1243 = tpu.vector_load %arg19[%get3A_1240, %get3A_1241, %get3A_1242] {strides = array<i32>} : memref<2x128x256xf32, #tpu.memory_space<vmem>>, vector<16xf32>,
        %get3A_1244 = arith.constant 0 : i32
        %get3A_1245 = arith.index_cast %get3A_1244 : i32 to index
        %get3A_1246 = arith.index_cast %scan3A_1204 : i32 to index
        %get3A_1247 = arith.constant 144 : index
        %get3A_1248 = tpu.vector_load %arg19[%get3A_1245, %get3A_1246, %get3A_1247] {strides = array<i32>} : memref<2x128x256xf32, #tpu.memory_space<vmem>>, vector<16xf32>,
        %get3A_1249 = arith.constant 0 : i32
        %get3A_1250 = arith.index_cast %get3A_1249 : i32 to index
        %get3A_1251 = arith.index_cast %scan3A_1204 : i32 to index
        %get3A_1252 = arith.constant 208 : index
        %get3A_1253 = tpu.vector_load %arg19[%get3A_1250, %get3A_1251, %get3A_1252] {strides = array<i32>} : memref<2x128x256xf32, #tpu.memory_space<vmem>>, vector<16xf32>,
        %mul3A_1254 = arith.mulf %get3A_1238, %get3A_1143 : vector<16xf32>
        %add3A_1255 = arith.addf %get3A_1243, %get3A_1159 : vector<16xf32>
        %mul3A_1256 = arith.mulf %add3A_1255, %get3A_1175 : vector<16xf32>
        %add3A_1257 = arith.addf %mul3A_1254, %mul3A_1256 : vector<16xf32>
        %add3A_1258 = arith.addf %get3A_1159, %get3A_1243 : vector<16xf32>
        %mul3A_1259 = arith.mulf %get3A_1248, %add3A_1258 : vector<16xf32>
        %add3A_1260 = arith.addf %add3A_1257, %mul3A_1259 : vector<16xf32>
        %mul3A_1261 = arith.mulf %get3A_1253, %get3A_1191 : vector<16xf32>
        %add3A_1262 = arith.addf %add3A_1260, %mul3A_1261 : vector<16xf32>
        %add3A_1263 = arith.addf %add3A_1233, %add3A_1262 : vector<16xf32>
        %get3A_1264 = arith.constant 0 : i32
        %get3A_1265 = arith.index_cast %get3A_1264 : i32 to index
        %get3A_1266 = arith.index_cast %scan3A_1204 : i32 to index
        %get3A_1267 = arith.constant 32 : index
        %get3A_1268 = tpu.vector_load %arg19[%get3A_1265, %get3A_1266, %get3A_1267] {strides = array<i32>} : memref<2x128x256xf32, #tpu.memory_space<vmem>>, vector<16xf32>,
        %get3A_1269 = arith.constant 0 : i32
        %get3A_1270 = arith.index_cast %get3A_1269 : i32 to index
        %get3A_1271 = arith.index_cast %scan3A_1204 : i32 to index
        %get3A_1272 = arith.constant 96 : index
        %get3A_1273 = tpu.vector_load %arg19[%get3A_1270, %get3A_1271, %get3A_1272] {strides = array<i32>} : memref<2x128x256xf32, #tpu.memory_space<vmem>>, vector<16xf32>,
        %get3A_1274 = arith.constant 0 : i32
        %get3A_1275 = arith.index_cast %get3A_1274 : i32 to index
        %get3A_1276 = arith.index_cast %scan3A_1204 : i32 to index
        %get3A_1277 = arith.constant 160 : index
        %get3A_1278 = tpu.vector_load %arg19[%get3A_1275, %get3A_1276, %get3A_1277] {strides = array<i32>} : memref<2x128x256xf32, #tpu.memory_space<vmem>>, vector<16xf32>,
        %get3A_1279 = arith.constant 0 : i32
        %get3A_1280 = arith.index_cast %get3A_1279 : i32 to index
        %get3A_1281 = arith.index_cast %scan3A_1204 : i32 to index
        %get3A_1282 = arith.constant 224 : index
        %get3A_1283 = tpu.vector_load %arg19[%get3A_1280, %get3A_1281, %get3A_1282] {strides = array<i32>} : memref<2x128x256xf32, #tpu.memory_space<vmem>>, vector<16xf32>,
        %mul3A_1284 = arith.mulf %get3A_1268, %get3A_1147 : vector<16xf32>
        %add3A_1285 = arith.addf %get3A_1273, %get3A_1163 : vector<16xf32>
        %mul3A_1286 = arith.mulf %add3A_1285, %get3A_1179 : vector<16xf32>
        %add3A_1287 = arith.addf %mul3A_1284, %mul3A_1286 : vector<16xf32>
        %add3A_1288 = arith.addf %get3A_1163, %get3A_1273 : vector<16xf32>
        %mul3A_1289 = arith.mulf %get3A_1278, %add3A_1288 : vector<16xf32>
        %add3A_1290 = arith.addf %add3A_1287, %mul3A_1289 : vector<16xf32>
        %mul3A_1291 = arith.mulf %get3A_1283, %get3A_1195 : vector<16xf32>
        %add3A_1292 = arith.addf %add3A_1290, %mul3A_1291 : vector<16xf32>
        %add3A_1293 = arith.addf %add3A_1263, %add3A_1292 : vector<16xf32>
        %get3A_1294 = arith.constant 0 : i32
        %get3A_1295 = arith.index_cast %get3A_1294 : i32 to index
        %get3A_1296 = arith.index_cast %scan3A_1204 : i32 to index
        %get3A_1297 = arith.constant 48 : index
        %get3A_1298 = tpu.vector_load %arg19[%get3A_1295, %get3A_1296, %get3A_1297] {strides = array<i32>} : memref<2x128x256xf32, #tpu.memory_space<vmem>>, vector<16xf32>,
        %get3A_1299 = arith.constant 0 : i32
        %get3A_1300 = arith.index_cast %get3A_1299 : i32 to index
        %get3A_1301 = arith.index_cast %scan3A_1204 : i32 to index
        %get3A_1302 = arith.constant 112 : index
        %get3A_1303 = tpu.vector_load %arg19[%get3A_1300, %get3A_1301, %get3A_1302] {strides = array<i32>} : memref<2x128x256xf32, #tpu.memory_space<vmem>>, vector<16xf32>,
        %get3A_1304 = arith.constant 0 : i32
        %get3A_1305 = arith.index_cast %get3A_1304 : i32 to index
        %get3A_1306 = arith.index_cast %scan3A_1204 : i32 to index
        %get3A_1307 = arith.constant 176 : index
        %get3A_1308 = tpu.vector_load %arg19[%get3A_1305, %get3A_1306, %get3A_1307] {strides = array<i32>} : memref<2x128x256xf32, #tpu.memory_space<vmem>>, vector<16xf32>,
        %get3A_1309 = arith.constant 0 : i32
        %get3A_1310 = arith.index_cast %get3A_1309 : i32 to index
        %get3A_1311 = arith.index_cast %scan3A_1204 : i32 to index
        %get3A_1312 = arith.constant 240 : index
        %get3A_1313 = tpu.vector_load %arg19[%get3A_1310, %get3A_1311, %get3A_1312] {strides = array<i32>} : memref<2x128x256xf32, #tpu.memory_space<vmem>>, vector<16xf32>,
        %mul3A_1314 = arith.mulf %get3A_1298, %get3A_1151 : vector<16xf32>
        %add3A_1315 = arith.addf %get3A_1303, %get3A_1167 : vector<16xf32>
        %mul3A_1316 = arith.mulf %add3A_1315, %get3A_1183 : vector<16xf32>
        %add3A_1317 = arith.addf %mul3A_1314, %mul3A_1316 : vector<16xf32>
        %add3A_1318 = arith.addf %get3A_1167, %get3A_1303 : vector<16xf32>
        %mul3A_1319 = arith.mulf %get3A_1308, %add3A_1318 : vector<16xf32>
        %add3A_1320 = arith.addf %add3A_1317, %mul3A_1319 : vector<16xf32>
        %mul3A_1321 = arith.mulf %get3A_1313, %get3A_1199 : vector<16xf32>
        %add3A_1322 = arith.addf %add3A_1320, %mul3A_1321 : vector<16xf32>
        %add3A_1323 = arith.addf %add3A_1293, %add3A_1322 : vector<16xf32>
        %swap3A_1324 = arith.index_cast %scan3A_1204 : i32 to index
        %swap3A_1325 = arith.constant 0 : index
        %swap3A_1326 = tpu.vector_load %arg20[%swap3A_1324, %swap3A_1325] {strides = array<i32>} : memref<128x16xf32, #tpu.memory_space<vmem>>, vector<16xf32>,
        tpu.vector_store %arg20[%swap3A_1324, %swap3A_1325], %add3A_1323 {strides = array<i32>} : memref<128x16xf32, #tpu.memory_space<vmem>>, vector<16xf32>,
      }
      %scan3A_1203 = arith.constant 128 : i32
    } else {
      %dma_start3A_1136 = arith.constant 2 : i32
      %dma_start3A_1137 = arith.constant 0 : i32
      %dma_start3A_1138 = tpu.memref_slice %arg11[%dma_start3A_1136, %dma_start3A_1137] : memref<4x128xi32, #tpu.memory_space<vmem>> -> memref<1x128xi32, #tpu.memory_space<vmem>>
      %dma_start3A_1139 = tpu.memref_squeeze %dma_start3A_1138 : memref<1x128xi32, #tpu.memory_space<vmem>> -> memref<128xi32, #tpu.memory_space<vmem>>
      %dma_start3A_1140 = arith.constant 0 : i32
      %dma_start3A_1141 = arith.constant 0 : i32
      %dma_start3A_1142 = tpu.memref_slice %arg2[%dma_start3A_1140, %dma_start3A_1141] : memref<943x128xf32, #tpu.memory_space<hbm>> -> memref<943x128xf32, #tpu.memory_space<hbm>>
      tpu.enqueue_indirect_dma source(%dma_start3A_1142 : memref<943x128xf32, #tpu.memory_space<hbm>>) target(%arg13 : memref<128x128xf32, #tpu.memory_space<vmem>>) offsets(%dma_start3A_1139 : memref<128xi32, #tpu.memory_space<vmem>>) semaphore(%arg24 : memref<!tpu.dma_semaphore, #tpu.memory_space<semaphore_mem>>)
      %dma_start3A_1143 = arith.constant 2 : i32
      %dma_start3A_1144 = arith.constant 0 : i32
      %dma_start3A_1145 = tpu.memref_slice %arg12[%dma_start3A_1143, %dma_start3A_1144] : memref<4x128xi32, #tpu.memory_space<vmem>> -> memref<1x128xi32, #tpu.memory_space<vmem>>
      %dma_start3A_1146 = tpu.memref_squeeze %dma_start3A_1145 : memref<1x128xi32, #tpu.memory_space<vmem>> -> memref<128xi32, #tpu.memory_space<vmem>>
      %dma_start3A_1147 = arith.constant 0 : i32
      %dma_start3A_1148 = arith.constant 0 : i32
      %dma_start3A_1149 = tpu.memref_slice %arg3[%dma_start3A_1147, %dma_start3A_1148] : memref<1682x128xf32, #tpu.memory_space<hbm>> -> memref<1682x128xf32, #tpu.memory_space<hbm>>
      tpu.enqueue_indirect_dma source(%dma_start3A_1149 : memref<1682x128xf32, #tpu.memory_space<hbm>>) target(%arg14 : memref<128x128xf32, #tpu.memory_space<vmem>>) offsets(%dma_start3A_1146 : memref<128xi32, #tpu.memory_space<vmem>>) semaphore(%arg25 : memref<!tpu.dma_semaphore, #tpu.memory_space<semaphore_mem>>)
      %dma_wait3A_1150 = arith.constant 2 : i32
      %dma_wait3A_1151 = arith.constant 0 : i32
      %dma_wait3A_1152 = tpu.memref_slice %arg11[%dma_wait3A_1150, %dma_wait3A_1151] : memref<4x128xi32, #tpu.memory_space<vmem>> -> memref<1x128xi32, #tpu.memory_space<vmem>>
      %dma_wait3A_1153 = tpu.memref_squeeze %dma_wait3A_1152 : memref<1x128xi32, #tpu.memory_space<vmem>> -> memref<128xi32, #tpu.memory_space<vmem>>
      %dma_wait3A_1154 = arith.constant 0 : i32
      %dma_wait3A_1155 = arith.constant 0 : i32
      %dma_wait3A_1156 = tpu.memref_slice %arg2[%dma_wait3A_1154, %dma_wait3A_1155] : memref<943x128xf32, #tpu.memory_space<hbm>> -> memref<943x128xf32, #tpu.memory_space<hbm>>
      tpu.wait_indirect_dma semaphore(%arg24 : memref<!tpu.dma_semaphore, #tpu.memory_space<semaphore_mem>>) src(%dma_wait3A_1156 : memref<943x128xf32, #tpu.memory_space<hbm>>) dst(%arg13 : memref<128x128xf32, #tpu.memory_space<vmem>>)
      %dma_wait3A_1157 = arith.constant 2 : i32
      %dma_wait3A_1158 = arith.constant 0 : i32
      %dma_wait3A_1159 = tpu.memref_slice %arg12[%dma_wait3A_1157, %dma_wait3A_1158] : memref<4x128xi32, #tpu.memory_space<vmem>> -> memref<1x128xi32, #tpu.memory_space<vmem>>
      %dma_wait3A_1160 = tpu.memref_squeeze %dma_wait3A_1159 : memref<1x128xi32, #tpu.memory_space<vmem>> -> memref<128xi32, #tpu.memory_space<vmem>>
      %dma_wait3A_1161 = arith.constant 0 : i32
      %dma_wait3A_1162 = arith.constant 0 : i32
      %dma_wait3A_1163 = tpu.memref_slice %arg3[%dma_wait3A_1161, %dma_wait3A_1162] : memref<1682x128xf32, #tpu.memory_space<hbm>> -> memref<1682x128xf32, #tpu.memory_space<hbm>>
      tpu.wait_indirect_dma semaphore(%arg25 : memref<!tpu.dma_semaphore, #tpu.memory_space<semaphore_mem>>) src(%dma_wait3A_1163 : memref<1682x128xf32, #tpu.memory_space<hbm>>) dst(%arg14 : memref<128x128xf32, #tpu.memory_space<vmem>>)
      %scan3A = arith.constant 0 : i32
      %scan3A_1164 = arith.constant 0 : i32
      %scan3A_1165 = arith.constant 128 : i32
      %scan3A_1166 = arith.addi %scan3A_1164, %scan3A_1165 : i32
      %scan3A_1167 = arith.constant 1 : i32
      scf.for %scan3A_1169 = %scan3A_1164 to %scan3A_1166 step %scan3A_1167  : i32 {
        %get3A_1170 = arith.constant 0 : i32
        %get3A_1171 = arith.index_cast %get3A_1170 : i32 to index
        %get3A_1172 = arith.index_cast %scan3A_1169 : i32 to index
        %get3A_1173 = arith.constant 0 : index
        %get3A_1174 = tpu.vector_load %arg19[%get3A_1171, %get3A_1172, %get3A_1173] {strides = array<i32>} : memref<2x128x256xf32, #tpu.memory_space<vmem>>, vector<16xf32>,
        %get3A_1175 = arith.constant 0 : i32
        %get3A_1176 = arith.index_cast %get3A_1175 : i32 to index
        %get3A_1177 = arith.index_cast %scan3A_1169 : i32 to index
        %get3A_1178 = arith.constant 64 : index
        %get3A_1179 = tpu.vector_load %arg19[%get3A_1176, %get3A_1177, %get3A_1178] {strides = array<i32>} : memref<2x128x256xf32, #tpu.memory_space<vmem>>, vector<16xf32>,
        %get3A_1180 = arith.constant 0 : i32
        %get3A_1181 = arith.index_cast %get3A_1180 : i32 to index
        %get3A_1182 = arith.index_cast %scan3A_1169 : i32 to index
        %get3A_1183 = arith.constant 128 : index
        %get3A_1184 = tpu.vector_load %arg19[%get3A_1181, %get3A_1182, %get3A_1183] {strides = array<i32>} : memref<2x128x256xf32, #tpu.memory_space<vmem>>, vector<16xf32>,
        %get3A_1185 = arith.constant 0 : i32
        %get3A_1186 = arith.index_cast %get3A_1185 : i32 to index
        %get3A_1187 = arith.index_cast %scan3A_1169 : i32 to index
        %get3A_1188 = arith.constant 192 : index
        %get3A_1189 = tpu.vector_load %arg19[%get3A_1186, %get3A_1187, %get3A_1188] {strides = array<i32>} : memref<2x128x256xf32, #tpu.memory_space<vmem>>, vector<16xf32>,
        %get3A_1190 = arith.index_cast %scan3A_1169 : i32 to index
        %get3A_1191 = arith.constant 0 : index
        %get3A_1192 = tpu.vector_load %arg13[%get3A_1190, %get3A_1191] {strides = array<i32>} : memref<128x128xf32, #tpu.memory_space<vmem>>, vector<16xf32>,
        %get3A_1193 = arith.index_cast %scan3A_1169 : i32 to index
        %get3A_1194 = arith.constant 64 : index
        %get3A_1195 = tpu.vector_load %arg13[%get3A_1193, %get3A_1194] {strides = array<i32>} : memref<128x128xf32, #tpu.memory_space<vmem>>, vector<16xf32>,
        %get3A_1196 = arith.index_cast %scan3A_1169 : i32 to index
        %get3A_1197 = arith.constant 0 : index
        %get3A_1198 = tpu.vector_load %arg14[%get3A_1196, %get3A_1197] {strides = array<i32>} : memref<128x128xf32, #tpu.memory_space<vmem>>, vector<16xf32>,
        %get3A_1199 = arith.index_cast %scan3A_1169 : i32 to index
        %get3A_1200 = arith.constant 64 : index
        %get3A_1201 = tpu.vector_load %arg14[%get3A_1199, %get3A_1200] {strides = array<i32>} : memref<128x128xf32, #tpu.memory_space<vmem>>, vector<16xf32>,
        %mul3A_1202 = arith.mulf %get3A_1174, %get3A_1192 : vector<16xf32>
        %add3A_1203 = arith.addf %get3A_1179, %get3A_1195 : vector<16xf32>
        %mul3A_1204 = arith.mulf %add3A_1203, %get3A_1198 : vector<16xf32>
        %add3A_1205 = arith.addf %mul3A_1202, %mul3A_1204 : vector<16xf32>
        %add3A_1206 = arith.addf %get3A_1195, %get3A_1179 : vector<16xf32>
        %mul3A_1207 = arith.mulf %get3A_1184, %add3A_1206 : vector<16xf32>
        %add3A_1208 = arith.addf %add3A_1205, %mul3A_1207 : vector<16xf32>
        %mul3A_1209 = arith.mulf %get3A_1189, %get3A_1201 : vector<16xf32>
        %add3A_1210 = arith.addf %add3A_1208, %mul3A_1209 : vector<16xf32>
        %get3A_1211 = arith.constant 0 : i32
        %get3A_1212 = arith.index_cast %get3A_1211 : i32 to index
        %get3A_1213 = arith.index_cast %scan3A_1169 : i32 to index
        %get3A_1214 = arith.constant 16 : index
        %get3A_1215 = tpu.vector_load %arg19[%get3A_1212, %get3A_1213, %get3A_1214] {strides = array<i32>} : memref<2x128x256xf32, #tpu.memory_space<vmem>>, vector<16xf32>,
        %get3A_1216 = arith.constant 0 : i32
        %get3A_1217 = arith.index_cast %get3A_1216 : i32 to index
        %get3A_1218 = arith.index_cast %scan3A_1169 : i32 to index
        %get3A_1219 = arith.constant 80 : index
        %get3A_1220 = tpu.vector_load %arg19[%get3A_1217, %get3A_1218, %get3A_1219] {strides = array<i32>} : memref<2x128x256xf32, #tpu.memory_space<vmem>>, vector<16xf32>,
        %get3A_1221 = arith.constant 0 : i32
        %get3A_1222 = arith.index_cast %get3A_1221 : i32 to index
        %get3A_1223 = arith.index_cast %scan3A_1169 : i32 to index
        %get3A_1224 = arith.constant 144 : index
        %get3A_1225 = tpu.vector_load %arg19[%get3A_1222, %get3A_1223, %get3A_1224] {strides = array<i32>} : memref<2x128x256xf32, #tpu.memory_space<vmem>>, vector<16xf32>,
        %get3A_1226 = arith.constant 0 : i32
        %get3A_1227 = arith.index_cast %get3A_1226 : i32 to index
        %get3A_1228 = arith.index_cast %scan3A_1169 : i32 to index
        %get3A_1229 = arith.constant 208 : index
        %get3A_1230 = tpu.vector_load %arg19[%get3A_1227, %get3A_1228, %get3A_1229] {strides = array<i32>} : memref<2x128x256xf32, #tpu.memory_space<vmem>>, vector<16xf32>,
        %get3A_1231 = arith.index_cast %scan3A_1169 : i32 to index
        %get3A_1232 = arith.constant 16 : index
        %get3A_1233 = tpu.vector_load %arg13[%get3A_1231, %get3A_1232] {strides = array<i32>} : memref<128x128xf32, #tpu.memory_space<vmem>>, vector<16xf32>,
        %get3A_1234 = arith.index_cast %scan3A_1169 : i32 to index
        %get3A_1235 = arith.constant 80 : index
        %get3A_1236 = tpu.vector_load %arg13[%get3A_1234, %get3A_1235] {strides = array<i32>} : memref<128x128xf32, #tpu.memory_space<vmem>>, vector<16xf32>,
        %get3A_1237 = arith.index_cast %scan3A_1169 : i32 to index
        %get3A_1238 = arith.constant 16 : index
        %get3A_1239 = tpu.vector_load %arg14[%get3A_1237, %get3A_1238] {strides = array<i32>} : memref<128x128xf32, #tpu.memory_space<vmem>>, vector<16xf32>,
        %get3A_1240 = arith.index_cast %scan3A_1169 : i32 to index
        %get3A_1241 = arith.constant 80 : index
        %get3A_1242 = tpu.vector_load %arg14[%get3A_1240, %get3A_1241] {strides = array<i32>} : memref<128x128xf32, #tpu.memory_space<vmem>>, vector<16xf32>,
        %mul3A_1243 = arith.mulf %get3A_1215, %get3A_1233 : vector<16xf32>
        %add3A_1244 = arith.addf %get3A_1220, %get3A_1236 : vector<16xf32>
        %mul3A_1245 = arith.mulf %add3A_1244, %get3A_1239 : vector<16xf32>
        %add3A_1246 = arith.addf %mul3A_1243, %mul3A_1245 : vector<16xf32>
        %add3A_1247 = arith.addf %get3A_1236, %get3A_1220 : vector<16xf32>
        %mul3A_1248 = arith.mulf %get3A_1225, %add3A_1247 : vector<16xf32>
        %add3A_1249 = arith.addf %add3A_1246, %mul3A_1248 : vector<16xf32>
        %mul3A_1250 = arith.mulf %get3A_1230, %get3A_1242 : vector<16xf32>
        %add3A_1251 = arith.addf %add3A_1249, %mul3A_1250 : vector<16xf32>
        %add3A_1252 = arith.addf %add3A_1210, %add3A_1251 : vector<16xf32>
        %get3A_1253 = arith.constant 0 : i32
        %get3A_1254 = arith.index_cast %get3A_1253 : i32 to index
        %get3A_1255 = arith.index_cast %scan3A_1169 : i32 to index
        %get3A_1256 = arith.constant 32 : index
        %get3A_1257 = tpu.vector_load %arg19[%get3A_1254, %get3A_1255, %get3A_1256] {strides = array<i32>} : memref<2x128x256xf32, #tpu.memory_space<vmem>>, vector<16xf32>,
        %get3A_1258 = arith.constant 0 : i32
        %get3A_1259 = arith.index_cast %get3A_1258 : i32 to index
        %get3A_1260 = arith.index_cast %scan3A_1169 : i32 to index
        %get3A_1261 = arith.constant 96 : index
        %get3A_1262 = tpu.vector_load %arg19[%get3A_1259, %get3A_1260, %get3A_1261] {strides = array<i32>} : memref<2x128x256xf32, #tpu.memory_space<vmem>>, vector<16xf32>,
        %get3A_1263 = arith.constant 0 : i32
        %get3A_1264 = arith.index_cast %get3A_1263 : i32 to index
        %get3A_1265 = arith.index_cast %scan3A_1169 : i32 to index
        %get3A_1266 = arith.constant 160 : index
        %get3A_1267 = tpu.vector_load %arg19[%get3A_1264, %get3A_1265, %get3A_1266] {strides = array<i32>} : memref<2x128x256xf32, #tpu.memory_space<vmem>>, vector<16xf32>,
        %get3A_1268 = arith.constant 0 : i32
        %get3A_1269 = arith.index_cast %get3A_1268 : i32 to index
        %get3A_1270 = arith.index_cast %scan3A_1169 : i32 to index
        %get3A_1271 = arith.constant 224 : index
        %get3A_1272 = tpu.vector_load %arg19[%get3A_1269, %get3A_1270, %get3A_1271] {strides = array<i32>} : memref<2x128x256xf32, #tpu.memory_space<vmem>>, vector<16xf32>,
        %get3A_1273 = arith.index_cast %scan3A_1169 : i32 to index
        %get3A_1274 = arith.constant 32 : index
        %get3A_1275 = tpu.vector_load %arg13[%get3A_1273, %get3A_1274] {strides = array<i32>} : memref<128x128xf32, #tpu.memory_space<vmem>>, vector<16xf32>,
        %get3A_1276 = arith.index_cast %scan3A_1169 : i32 to index
        %get3A_1277 = arith.constant 96 : index
        %get3A_1278 = tpu.vector_load %arg13[%get3A_1276, %get3A_1277] {strides = array<i32>} : memref<128x128xf32, #tpu.memory_space<vmem>>, vector<16xf32>,
        %get3A_1279 = arith.index_cast %scan3A_1169 : i32 to index
        %get3A_1280 = arith.constant 32 : index
        %get3A_1281 = tpu.vector_load %arg14[%get3A_1279, %get3A_1280] {strides = array<i32>} : memref<128x128xf32, #tpu.memory_space<vmem>>, vector<16xf32>,
        %get3A_1282 = arith.index_cast %scan3A_1169 : i32 to index
        %get3A_1283 = arith.constant 96 : index
        %get3A_1284 = tpu.vector_load %arg14[%get3A_1282, %get3A_1283] {strides = array<i32>} : memref<128x128xf32, #tpu.memory_space<vmem>>, vector<16xf32>,
        %mul3A_1285 = arith.mulf %get3A_1257, %get3A_1275 : vector<16xf32>
        %add3A_1286 = arith.addf %get3A_1262, %get3A_1278 : vector<16xf32>
        %mul3A_1287 = arith.mulf %add3A_1286, %get3A_1281 : vector<16xf32>
        %add3A_1288 = arith.addf %mul3A_1285, %mul3A_1287 : vector<16xf32>
        %add3A_1289 = arith.addf %get3A_1278, %get3A_1262 : vector<16xf32>
        %mul3A_1290 = arith.mulf %get3A_1267, %add3A_1289 : vector<16xf32>
        %add3A_1291 = arith.addf %add3A_1288, %mul3A_1290 : vector<16xf32>
        %mul3A_1292 = arith.mulf %get3A_1272, %get3A_1284 : vector<16xf32>
        %add3A_1293 = arith.addf %add3A_1291, %mul3A_1292 : vector<16xf32>
        %add3A_1294 = arith.addf %add3A_1252, %add3A_1293 : vector<16xf32>
        %get3A_1295 = arith.constant 0 : i32
        %get3A_1296 = arith.index_cast %get3A_1295 : i32 to index
        %get3A_1297 = arith.index_cast %scan3A_1169 : i32 to index
        %get3A_1298 = arith.constant 48 : index
        %get3A_1299 = tpu.vector_load %arg19[%get3A_1296, %get3A_1297, %get3A_1298] {strides = array<i32>} : memref<2x128x256xf32, #tpu.memory_space<vmem>>, vector<16xf32>,
        %get3A_1300 = arith.constant 0 : i32
        %get3A_1301 = arith.index_cast %get3A_1300 : i32 to index
        %get3A_1302 = arith.index_cast %scan3A_1169 : i32 to index
        %get3A_1303 = arith.constant 112 : index
        %get3A_1304 = tpu.vector_load %arg19[%get3A_1301, %get3A_1302, %get3A_1303] {strides = array<i32>} : memref<2x128x256xf32, #tpu.memory_space<vmem>>, vector<16xf32>,
        %get3A_1305 = arith.constant 0 : i32
        %get3A_1306 = arith.index_cast %get3A_1305 : i32 to index
        %get3A_1307 = arith.index_cast %scan3A_1169 : i32 to index
        %get3A_1308 = arith.constant 176 : index
        %get3A_1309 = tpu.vector_load %arg19[%get3A_1306, %get3A_1307, %get3A_1308] {strides = array<i32>} : memref<2x128x256xf32, #tpu.memory_space<vmem>>, vector<16xf32>,
        %get3A_1310 = arith.constant 0 : i32
        %get3A_1311 = arith.index_cast %get3A_1310 : i32 to index
        %get3A_1312 = arith.index_cast %scan3A_1169 : i32 to index
        %get3A_1313 = arith.constant 240 : index
        %get3A_1314 = tpu.vector_load %arg19[%get3A_1311, %get3A_1312, %get3A_1313] {strides = array<i32>} : memref<2x128x256xf32, #tpu.memory_space<vmem>>, vector<16xf32>,
        %get3A_1315 = arith.index_cast %scan3A_1169 : i32 to index
        %get3A_1316 = arith.constant 48 : index
        %get3A_1317 = tpu.vector_load %arg13[%get3A_1315, %get3A_1316] {strides = array<i32>} : memref<128x128xf32, #tpu.memory_space<vmem>>, vector<16xf32>,
        %get3A_1318 = arith.index_cast %scan3A_1169 : i32 to index
        %get3A_1319 = arith.constant 112 : index
        %get3A_1320 = tpu.vector_load %arg13[%get3A_1318, %get3A_1319] {strides = array<i32>} : memref<128x128xf32, #tpu.memory_space<vmem>>, vector<16xf32>,
        %get3A_1321 = arith.index_cast %scan3A_1169 : i32 to index
        %get3A_1322 = arith.constant 48 : index
        %get3A_1323 = tpu.vector_load %arg14[%get3A_1321, %get3A_1322] {strides = array<i32>} : memref<128x128xf32, #tpu.memory_space<vmem>>, vector<16xf32>,
        %get3A_1324 = arith.index_cast %scan3A_1169 : i32 to index
        %get3A_1325 = arith.constant 112 : index
        %get3A_1326 = tpu.vector_load %arg14[%get3A_1324, %get3A_1325] {strides = array<i32>} : memref<128x128xf32, #tpu.memory_space<vmem>>, vector<16xf32>,
        %mul3A_1327 = arith.mulf %get3A_1299, %get3A_1317 : vector<16xf32>
        %add3A_1328 = arith.addf %get3A_1304, %get3A_1320 : vector<16xf32>
        %mul3A_1329 = arith.mulf %add3A_1328, %get3A_1323 : vector<16xf32>
        %add3A_1330 = arith.addf %mul3A_1327, %mul3A_1329 : vector<16xf32>
        %add3A_1331 = arith.addf %get3A_1320, %get3A_1304 : vector<16xf32>
        %mul3A_1332 = arith.mulf %get3A_1309, %add3A_1331 : vector<16xf32>
        %add3A_1333 = arith.addf %add3A_1330, %mul3A_1332 : vector<16xf32>
        %mul3A_1334 = arith.mulf %get3A_1314, %get3A_1326 : vector<16xf32>
        %add3A_1335 = arith.addf %add3A_1333, %mul3A_1334 : vector<16xf32>
        %add3A_1336 = arith.addf %add3A_1294, %add3A_1335 : vector<16xf32>
        %swap3A_1337 = arith.index_cast %scan3A_1169 : i32 to index
        %swap3A_1338 = arith.constant 0 : index
        %swap3A_1339 = tpu.vector_load %arg20[%swap3A_1337, %swap3A_1338] {strides = array<i32>} : memref<128x16xf32, #tpu.memory_space<vmem>>, vector<16xf32>,
        tpu.vector_store %arg20[%swap3A_1337, %swap3A_1338], %add3A_1336 {strides = array<i32>} : memref<128x16xf32, #tpu.memory_space<vmem>>, vector<16xf32>,
      }
      %scan3A_1168 = arith.constant 128 : i32
    }
    %add3A_867 = arith.constant 256 : i32
    %add3A_868 = arith.addi %mul3A_23, %add3A_867 : i32
    "tpu.region"() ({
      %run_scoped3A = tpu.sem_alloc : memref<!tpu.dma_semaphore, #tpu.memory_space<semaphore_mem>>
      %dma_start3A_1136 = arith.constant 0 : i32
      %dma_start3A_1137 = tpu.memref_slice %arg9[%add3A_868, %dma_start3A_1136] : memref<16384x16xf32, #tpu.memory_space<hbm>> -> memref<128x16xf32, #tpu.memory_space<hbm>>
      %dma_start3A_1138 = arith.constant 0 : i32
      %dma_start3A_1139 = tpu.memref_slice %arg9[%add3A_868, %dma_start3A_1138] : memref<16384x16xf32, #tpu.memory_space<hbm>> -> memref<128x16xf32, #tpu.memory_space<hbm>>
      tpu.enqueue_dma source(%arg20 : memref<128x16xf32, #tpu.memory_space<vmem>>) target(%dma_start3A_1139 : memref<128x16xf32, #tpu.memory_space<hbm>>) target_semaphore(%run_scoped3A : memref<!tpu.dma_semaphore, #tpu.memory_space<semaphore_mem>>)
      %dma_wait3A_1140 = arith.constant 0 : i32
      %dma_wait3A_1141 = tpu.memref_slice %arg9[%add3A_868, %dma_wait3A_1140] : memref<16384x16xf32, #tpu.memory_space<hbm>> -> memref<128x16xf32, #tpu.memory_space<hbm>>
      %dma_wait3A_1142 = arith.constant 0 : i32
      %dma_wait3A_1143 = tpu.memref_slice %arg9[%add3A_868, %dma_wait3A_1142] : memref<16384x16xf32, #tpu.memory_space<hbm>> -> memref<128x16xf32, #tpu.memory_space<hbm>>
      tpu.wait_dma2 semaphore(%run_scoped3A : memref<!tpu.dma_semaphore, #tpu.memory_space<semaphore_mem>>) src(%arg20 : memref<128x16xf32, #tpu.memory_space<vmem>>) dst(%dma_wait3A_1143 : memref<128x16xf32, #tpu.memory_space<hbm>>)
      tpu.yield
    }) : () -> ()
    %get3A_869 = arith.constant 3 : i32
    %get3A_870 = arith.index_cast %get3A_869 : i32 to index
    %get3A_871 = arith.constant 0 : index
    %get3A_872 = tpu.vector_load %arg11[%get3A_870, %get3A_871] {strides = array<i32>} : memref<4x128xi32, #tpu.memory_space<vmem>>, vector<16xi32>,
    %get3A_873 = arith.constant 3 : i32
    %get3A_874 = arith.index_cast %get3A_873 : i32 to index
    %get3A_875 = arith.constant 16 : index
    %get3A_876 = tpu.vector_load %arg11[%get3A_874, %get3A_875] {strides = array<i32>} : memref<4x128xi32, #tpu.memory_space<vmem>>, vector<16xi32>,
    %max3A_877 = arith.maxsi %get3A_872, %get3A_876 : vector<16xi32>
    %min3A_878 = arith.minsi %get3A_872, %get3A_876 : vector<16xi32>
    %get3A_879 = arith.constant 3 : i32
    %get3A_880 = arith.index_cast %get3A_879 : i32 to index
    %get3A_881 = arith.constant 32 : index
    %get3A_882 = tpu.vector_load %arg11[%get3A_880, %get3A_881] {strides = array<i32>} : memref<4x128xi32, #tpu.memory_space<vmem>>, vector<16xi32>,
    %max3A_883 = arith.maxsi %max3A_877, %get3A_882 : vector<16xi32>
    %min3A_884 = arith.minsi %min3A_878, %get3A_882 : vector<16xi32>
    %get3A_885 = arith.constant 3 : i32
    %get3A_886 = arith.index_cast %get3A_885 : i32 to index
    %get3A_887 = arith.constant 48 : index
    %get3A_888 = tpu.vector_load %arg11[%get3A_886, %get3A_887] {strides = array<i32>} : memref<4x128xi32, #tpu.memory_space<vmem>>, vector<16xi32>,
    %max3A_889 = arith.maxsi %max3A_883, %get3A_888 : vector<16xi32>
    %min3A_890 = arith.minsi %min3A_884, %get3A_888 : vector<16xi32>
    %get3A_891 = arith.constant 3 : i32
    %get3A_892 = arith.index_cast %get3A_891 : i32 to index
    %get3A_893 = arith.constant 64 : index
    %get3A_894 = tpu.vector_load %arg11[%get3A_892, %get3A_893] {strides = array<i32>} : memref<4x128xi32, #tpu.memory_space<vmem>>, vector<16xi32>,
    %max3A_895 = arith.maxsi %max3A_889, %get3A_894 : vector<16xi32>
    %min3A_896 = arith.minsi %min3A_890, %get3A_894 : vector<16xi32>
    %get3A_897 = arith.constant 3 : i32
    %get3A_898 = arith.index_cast %get3A_897 : i32 to index
    %get3A_899 = arith.constant 80 : index
    %get3A_900 = tpu.vector_load %arg11[%get3A_898, %get3A_899] {strides = array<i32>} : memref<4x128xi32, #tpu.memory_space<vmem>>, vector<16xi32>,
    %max3A_901 = arith.maxsi %max3A_895, %get3A_900 : vector<16xi32>
    %min3A_902 = arith.minsi %min3A_896, %get3A_900 : vector<16xi32>
    %get3A_903 = arith.constant 3 : i32
    %get3A_904 = arith.index_cast %get3A_903 : i32 to index
    %get3A_905 = arith.constant 96 : index
    %get3A_906 = tpu.vector_load %arg11[%get3A_904, %get3A_905] {strides = array<i32>} : memref<4x128xi32, #tpu.memory_space<vmem>>, vector<16xi32>,
    %max3A_907 = arith.maxsi %max3A_901, %get3A_906 : vector<16xi32>
    %min3A_908 = arith.minsi %min3A_902, %get3A_906 : vector<16xi32>
    %get3A_909 = arith.constant 3 : i32
    %get3A_910 = arith.index_cast %get3A_909 : i32 to index
    %get3A_911 = arith.constant 112 : index
    %get3A_912 = tpu.vector_load %arg11[%get3A_910, %get3A_911] {strides = array<i32>} : memref<4x128xi32, #tpu.memory_space<vmem>>, vector<16xi32>,
    %max3A_913 = arith.maxsi %max3A_907, %get3A_912 : vector<16xi32>
    %min3A_914 = arith.minsi %min3A_908, %get3A_912 : vector<16xi32>
    %reduce_max3A_915 = arith.constant true
    %reduce_max3A_916 = vector.broadcast %reduce_max3A_915 : i1 to vector<16xi1>
    %reduce_max3A_917 = arith.constant -2147483648 : i32
    %reduce_max3A_918 = vector.broadcast %reduce_max3A_917 : i32 to vector<16xi32>
    %reduce_max3A_919 = arith.xori %max3A_913, %reduce_max3A_918 : vector<16xi32>
    %reduce_max3A_920 = tpu.scan <max>, %reduce_max3A_919 masked %reduce_max3A_916 : vector<16xi32>, vector<16xi1> -> vector<16xi32>
    %reduce_max3A_921 = arith.xori %reduce_max3A_920, %reduce_max3A_918 : vector<16xi32>
    %reduce_max3A_922 = vector.extract %reduce_max3A_921[15] : i32 from vector<16xi32>
    %reduce_min3A_923 = arith.constant true
    %reduce_min3A_924 = vector.broadcast %reduce_min3A_923 : i1 to vector<16xi1>
    %reduce_min3A_925 = arith.constant -2147483648 : i32
    %reduce_min3A_926 = vector.broadcast %reduce_min3A_925 : i32 to vector<16xi32>
    %reduce_min3A_927 = arith.xori %min3A_914, %reduce_min3A_926 : vector<16xi32>
    %reduce_min3A_928 = tpu.scan <min>, %reduce_min3A_927 masked %reduce_min3A_924 : vector<16xi32>, vector<16xi1> -> vector<16xi32>
    %reduce_min3A_929 = arith.xori %reduce_min3A_928, %reduce_min3A_926 : vector<16xi32>
    %reduce_min3A_930 = vector.extract %reduce_min3A_929[15] : i32 from vector<16xi32>
    %eq3A_931 = arith.cmpi eq, %reduce_max3A_922, %reduce_min3A_930 : i32
    %get3A_932 = arith.constant 3 : i32
    %get3A_933 = arith.index_cast %get3A_932 : i32 to index
    %get3A_934 = arith.constant 0 : index
    %get3A_935 = tpu.vector_load %arg12[%get3A_933, %get3A_934] {strides = array<i32>} : memref<4x128xi32, #tpu.memory_space<vmem>>, vector<16xi32>,
    %get3A_936 = arith.constant 3 : i32
    %get3A_937 = arith.index_cast %get3A_936 : i32 to index
    %get3A_938 = arith.constant 16 : index
    %get3A_939 = tpu.vector_load %arg12[%get3A_937, %get3A_938] {strides = array<i32>} : memref<4x128xi32, #tpu.memory_space<vmem>>, vector<16xi32>,
    %max3A_940 = arith.maxsi %get3A_935, %get3A_939 : vector<16xi32>
    %min3A_941 = arith.minsi %get3A_935, %get3A_939 : vector<16xi32>
    %get3A_942 = arith.constant 3 : i32
    %get3A_943 = arith.index_cast %get3A_942 : i32 to index
    %get3A_944 = arith.constant 32 : index
    %get3A_945 = tpu.vector_load %arg12[%get3A_943, %get3A_944] {strides = array<i32>} : memref<4x128xi32, #tpu.memory_space<vmem>>, vector<16xi32>,
    %max3A_946 = arith.maxsi %max3A_940, %get3A_945 : vector<16xi32>
    %min3A_947 = arith.minsi %min3A_941, %get3A_945 : vector<16xi32>
    %get3A_948 = arith.constant 3 : i32
    %get3A_949 = arith.index_cast %get3A_948 : i32 to index
    %get3A_950 = arith.constant 48 : index
    %get3A_951 = tpu.vector_load %arg12[%get3A_949, %get3A_950] {strides = array<i32>} : memref<4x128xi32, #tpu.memory_space<vmem>>, vector<16xi32>,
    %max3A_952 = arith.maxsi %max3A_946, %get3A_951 : vector<16xi32>
    %min3A_953 = arith.minsi %min3A_947, %get3A_951 : vector<16xi32>
    %get3A_954 = arith.constant 3 : i32
    %get3A_955 = arith.index_cast %get3A_954 : i32 to index
    %get3A_956 = arith.constant 64 : index
    %get3A_957 = tpu.vector_load %arg12[%get3A_955, %get3A_956] {strides = array<i32>} : memref<4x128xi32, #tpu.memory_space<vmem>>, vector<16xi32>,
    %max3A_958 = arith.maxsi %max3A_952, %get3A_957 : vector<16xi32>
    %min3A_959 = arith.minsi %min3A_953, %get3A_957 : vector<16xi32>
    %get3A_960 = arith.constant 3 : i32
    %get3A_961 = arith.index_cast %get3A_960 : i32 to index
    %get3A_962 = arith.constant 80 : index
    %get3A_963 = tpu.vector_load %arg12[%get3A_961, %get3A_962] {strides = array<i32>} : memref<4x128xi32, #tpu.memory_space<vmem>>, vector<16xi32>,
    %max3A_964 = arith.maxsi %max3A_958, %get3A_963 : vector<16xi32>
    %min3A_965 = arith.minsi %min3A_959, %get3A_963 : vector<16xi32>
    %get3A_966 = arith.constant 3 : i32
    %get3A_967 = arith.index_cast %get3A_966 : i32 to index
    %get3A_968 = arith.constant 96 : index
    %get3A_969 = tpu.vector_load %arg12[%get3A_967, %get3A_968] {strides = array<i32>} : memref<4x128xi32, #tpu.memory_space<vmem>>, vector<16xi32>,
    %max3A_970 = arith.maxsi %max3A_964, %get3A_969 : vector<16xi32>
    %min3A_971 = arith.minsi %min3A_965, %get3A_969 : vector<16xi32>
    %get3A_972 = arith.constant 3 : i32
    %get3A_973 = arith.index_cast %get3A_972 : i32 to index
    %get3A_974 = arith.constant 112 : index
    %get3A_975 = tpu.vector_load %arg12[%get3A_973, %get3A_974] {strides = array<i32>} : memref<4x128xi32, #tpu.memory_space<vmem>>, vector<16xi32>,
    %max3A_976 = arith.maxsi %max3A_970, %get3A_975 : vector<16xi32>
    %min3A_977 = arith.minsi %min3A_971, %get3A_975 : vector<16xi32>
    %reduce_max3A_978 = arith.constant true
    %reduce_max3A_979 = vector.broadcast %reduce_max3A_978 : i1 to vector<16xi1>
    %reduce_max3A_980 = arith.constant -2147483648 : i32
    %reduce_max3A_981 = vector.broadcast %reduce_max3A_980 : i32 to vector<16xi32>
    %reduce_max3A_982 = arith.xori %max3A_976, %reduce_max3A_981 : vector<16xi32>
    %reduce_max3A_983 = tpu.scan <max>, %reduce_max3A_982 masked %reduce_max3A_979 : vector<16xi32>, vector<16xi1> -> vector<16xi32>
    %reduce_max3A_984 = arith.xori %reduce_max3A_983, %reduce_max3A_981 : vector<16xi32>
    %reduce_max3A_985 = vector.extract %reduce_max3A_984[15] : i32 from vector<16xi32>
    %reduce_min3A_986 = arith.constant true
    %reduce_min3A_987 = vector.broadcast %reduce_min3A_986 : i1 to vector<16xi1>
    %reduce_min3A_988 = arith.constant -2147483648 : i32
    %reduce_min3A_989 = vector.broadcast %reduce_min3A_988 : i32 to vector<16xi32>
    %reduce_min3A_990 = arith.xori %min3A_977, %reduce_min3A_989 : vector<16xi32>
    %reduce_min3A_991 = tpu.scan <min>, %reduce_min3A_990 masked %reduce_min3A_987 : vector<16xi32>, vector<16xi1> -> vector<16xi32>
    %reduce_min3A_992 = arith.xori %reduce_min3A_991, %reduce_min3A_989 : vector<16xi32>
    %reduce_min3A_993 = vector.extract %reduce_min3A_992[15] : i32 from vector<16xi32>
    %eq3A_994 = arith.cmpi eq, %reduce_max3A_985, %reduce_min3A_993 : i32
    %get3A_995 = arith.constant 3 : i32
    %get3A_996 = arith.index_cast %get3A_995 : i32 to index
    %get3A_997 = arith.constant 0 : index
    %get3A_998 = tpu.vector_load %arg11[%get3A_996, %get3A_997] {strides = array<i32>} : memref<4x128xi32, #tpu.memory_space<vmem>>, vector<16xi32>,
    %gather3A_999 = tpu.vector_load_idx %arg21[%get3A_998] : memref<960xf32, #tpu.memory_space<vmem>>[vector<16xi32>], vector<16xf32>,
    %get3A_1000 = arith.constant 3 : i32
    %get3A_1001 = arith.index_cast %get3A_1000 : i32 to index
    %get3A_1002 = arith.constant 0 : index
    %get3A_1003 = tpu.vector_load %arg12[%get3A_1001, %get3A_1002] {strides = array<i32>} : memref<4x128xi32, #tpu.memory_space<vmem>>, vector<16xi32>,
    %gather3A_1004 = tpu.vector_load_idx %arg22[%get3A_1003] : memref<1696xf32, #tpu.memory_space<vmem>>[vector<16xi32>], vector<16xf32>,
    %add3A_1005 = arith.addf %gather3A_999, %gather3A_1004 : vector<16xf32>
    %swap3A_1006 = arith.constant 3 : i32
    %swap3A_1007 = arith.index_cast %swap3A_1006 : i32 to index
    %swap3A_1008 = arith.constant 0 : index
    %swap3A_1009 = tpu.vector_load %arg23[%swap3A_1007, %swap3A_1008] {strides = array<i32>} : memref<4x128xf32, #tpu.memory_space<vmem>>, vector<16xf32>,
    tpu.vector_store %arg23[%swap3A_1007, %swap3A_1008], %add3A_1005 {strides = array<i32>} : memref<4x128xf32, #tpu.memory_space<vmem>>, vector<16xf32>,
    %get3A_1010 = arith.constant 3 : i32
    %get3A_1011 = arith.index_cast %get3A_1010 : i32 to index
    %get3A_1012 = arith.constant 16 : index
    %get3A_1013 = tpu.vector_load %arg11[%get3A_1011, %get3A_1012] {strides = array<i32>} : memref<4x128xi32, #tpu.memory_space<vmem>>, vector<16xi32>,
    %gather3A_1014 = tpu.vector_load_idx %arg21[%get3A_1013] : memref<960xf32, #tpu.memory_space<vmem>>[vector<16xi32>], vector<16xf32>,
    %get3A_1015 = arith.constant 3 : i32
    %get3A_1016 = arith.index_cast %get3A_1015 : i32 to index
    %get3A_1017 = arith.constant 16 : index
    %get3A_1018 = tpu.vector_load %arg12[%get3A_1016, %get3A_1017] {strides = array<i32>} : memref<4x128xi32, #tpu.memory_space<vmem>>, vector<16xi32>,
    %gather3A_1019 = tpu.vector_load_idx %arg22[%get3A_1018] : memref<1696xf32, #tpu.memory_space<vmem>>[vector<16xi32>], vector<16xf32>,
    %add3A_1020 = arith.addf %gather3A_1014, %gather3A_1019 : vector<16xf32>
    %swap3A_1021 = arith.constant 3 : i32
    %swap3A_1022 = arith.index_cast %swap3A_1021 : i32 to index
    %swap3A_1023 = arith.constant 16 : index
    %swap3A_1024 = tpu.vector_load %arg23[%swap3A_1022, %swap3A_1023] {strides = array<i32>} : memref<4x128xf32, #tpu.memory_space<vmem>>, vector<16xf32>,
    tpu.vector_store %arg23[%swap3A_1022, %swap3A_1023], %add3A_1020 {strides = array<i32>} : memref<4x128xf32, #tpu.memory_space<vmem>>, vector<16xf32>,
    %get3A_1025 = arith.constant 3 : i32
    %get3A_1026 = arith.index_cast %get3A_1025 : i32 to index
    %get3A_1027 = arith.constant 32 : index
    %get3A_1028 = tpu.vector_load %arg11[%get3A_1026, %get3A_1027] {strides = array<i32>} : memref<4x128xi32, #tpu.memory_space<vmem>>, vector<16xi32>,
    %gather3A_1029 = tpu.vector_load_idx %arg21[%get3A_1028] : memref<960xf32, #tpu.memory_space<vmem>>[vector<16xi32>], vector<16xf32>,
    %get3A_1030 = arith.constant 3 : i32
    %get3A_1031 = arith.index_cast %get3A_1030 : i32 to index
    %get3A_1032 = arith.constant 32 : index
    %get3A_1033 = tpu.vector_load %arg12[%get3A_1031, %get3A_1032] {strides = array<i32>} : memref<4x128xi32, #tpu.memory_space<vmem>>, vector<16xi32>,
    %gather3A_1034 = tpu.vector_load_idx %arg22[%get3A_1033] : memref<1696xf32, #tpu.memory_space<vmem>>[vector<16xi32>], vector<16xf32>,
    %add3A_1035 = arith.addf %gather3A_1029, %gather3A_1034 : vector<16xf32>
    %swap3A_1036 = arith.constant 3 : i32
    %swap3A_1037 = arith.index_cast %swap3A_1036 : i32 to index
    %swap3A_1038 = arith.constant 32 : index
    %swap3A_1039 = tpu.vector_load %arg23[%swap3A_1037, %swap3A_1038] {strides = array<i32>} : memref<4x128xf32, #tpu.memory_space<vmem>>, vector<16xf32>,
    tpu.vector_store %arg23[%swap3A_1037, %swap3A_1038], %add3A_1035 {strides = array<i32>} : memref<4x128xf32, #tpu.memory_space<vmem>>, vector<16xf32>,
    %get3A_1040 = arith.constant 3 : i32
    %get3A_1041 = arith.index_cast %get3A_1040 : i32 to index
    %get3A_1042 = arith.constant 48 : index
    %get3A_1043 = tpu.vector_load %arg11[%get3A_1041, %get3A_1042] {strides = array<i32>} : memref<4x128xi32, #tpu.memory_space<vmem>>, vector<16xi32>,
    %gather3A_1044 = tpu.vector_load_idx %arg21[%get3A_1043] : memref<960xf32, #tpu.memory_space<vmem>>[vector<16xi32>], vector<16xf32>,
    %get3A_1045 = arith.constant 3 : i32
    %get3A_1046 = arith.index_cast %get3A_1045 : i32 to index
    %get3A_1047 = arith.constant 48 : index
    %get3A_1048 = tpu.vector_load %arg12[%get3A_1046, %get3A_1047] {strides = array<i32>} : memref<4x128xi32, #tpu.memory_space<vmem>>, vector<16xi32>,
    %gather3A_1049 = tpu.vector_load_idx %arg22[%get3A_1048] : memref<1696xf32, #tpu.memory_space<vmem>>[vector<16xi32>], vector<16xf32>,
    %add3A_1050 = arith.addf %gather3A_1044, %gather3A_1049 : vector<16xf32>
    %swap3A_1051 = arith.constant 3 : i32
    %swap3A_1052 = arith.index_cast %swap3A_1051 : i32 to index
    %swap3A_1053 = arith.constant 48 : index
    %swap3A_1054 = tpu.vector_load %arg23[%swap3A_1052, %swap3A_1053] {strides = array<i32>} : memref<4x128xf32, #tpu.memory_space<vmem>>, vector<16xf32>,
    tpu.vector_store %arg23[%swap3A_1052, %swap3A_1053], %add3A_1050 {strides = array<i32>} : memref<4x128xf32, #tpu.memory_space<vmem>>, vector<16xf32>,
    %get3A_1055 = arith.constant 3 : i32
    %get3A_1056 = arith.index_cast %get3A_1055 : i32 to index
    %get3A_1057 = arith.constant 64 : index
    %get3A_1058 = tpu.vector_load %arg11[%get3A_1056, %get3A_1057] {strides = array<i32>} : memref<4x128xi32, #tpu.memory_space<vmem>>, vector<16xi32>,
    %gather3A_1059 = tpu.vector_load_idx %arg21[%get3A_1058] : memref<960xf32, #tpu.memory_space<vmem>>[vector<16xi32>], vector<16xf32>,
    %get3A_1060 = arith.constant 3 : i32
    %get3A_1061 = arith.index_cast %get3A_1060 : i32 to index
    %get3A_1062 = arith.constant 64 : index
    %get3A_1063 = tpu.vector_load %arg12[%get3A_1061, %get3A_1062] {strides = array<i32>} : memref<4x128xi32, #tpu.memory_space<vmem>>, vector<16xi32>,
    %gather3A_1064 = tpu.vector_load_idx %arg22[%get3A_1063] : memref<1696xf32, #tpu.memory_space<vmem>>[vector<16xi32>], vector<16xf32>,
    %add3A_1065 = arith.addf %gather3A_1059, %gather3A_1064 : vector<16xf32>
    %swap3A_1066 = arith.constant 3 : i32
    %swap3A_1067 = arith.index_cast %swap3A_1066 : i32 to index
    %swap3A_1068 = arith.constant 64 : index
    %swap3A_1069 = tpu.vector_load %arg23[%swap3A_1067, %swap3A_1068] {strides = array<i32>} : memref<4x128xf32, #tpu.memory_space<vmem>>, vector<16xf32>,
    tpu.vector_store %arg23[%swap3A_1067, %swap3A_1068], %add3A_1065 {strides = array<i32>} : memref<4x128xf32, #tpu.memory_space<vmem>>, vector<16xf32>,
    %get3A_1070 = arith.constant 3 : i32
    %get3A_1071 = arith.index_cast %get3A_1070 : i32 to index
    %get3A_1072 = arith.constant 80 : index
    %get3A_1073 = tpu.vector_load %arg11[%get3A_1071, %get3A_1072] {strides = array<i32>} : memref<4x128xi32, #tpu.memory_space<vmem>>, vector<16xi32>,
    %gather3A_1074 = tpu.vector_load_idx %arg21[%get3A_1073] : memref<960xf32, #tpu.memory_space<vmem>>[vector<16xi32>], vector<16xf32>,
    %get3A_1075 = arith.constant 3 : i32
    %get3A_1076 = arith.index_cast %get3A_1075 : i32 to index
    %get3A_1077 = arith.constant 80 : index
    %get3A_1078 = tpu.vector_load %arg12[%get3A_1076, %get3A_1077] {strides = array<i32>} : memref<4x128xi32, #tpu.memory_space<vmem>>, vector<16xi32>,
    %gather3A_1079 = tpu.vector_load_idx %arg22[%get3A_1078] : memref<1696xf32, #tpu.memory_space<vmem>>[vector<16xi32>], vector<16xf32>,
    %add3A_1080 = arith.addf %gather3A_1074, %gather3A_1079 : vector<16xf32>
    %swap3A_1081 = arith.constant 3 : i32
    %swap3A_1082 = arith.index_cast %swap3A_1081 : i32 to index
    %swap3A_1083 = arith.constant 80 : index
    %swap3A_1084 = tpu.vector_load %arg23[%swap3A_1082, %swap3A_1083] {strides = array<i32>} : memref<4x128xf32, #tpu.memory_space<vmem>>, vector<16xf32>,
    tpu.vector_store %arg23[%swap3A_1082, %swap3A_1083], %add3A_1080 {strides = array<i32>} : memref<4x128xf32, #tpu.memory_space<vmem>>, vector<16xf32>,
    %get3A_1085 = arith.constant 3 : i32
    %get3A_1086 = arith.index_cast %get3A_1085 : i32 to index
    %get3A_1087 = arith.constant 96 : index
    %get3A_1088 = tpu.vector_load %arg11[%get3A_1086, %get3A_1087] {strides = array<i32>} : memref<4x128xi32, #tpu.memory_space<vmem>>, vector<16xi32>,
    %gather3A_1089 = tpu.vector_load_idx %arg21[%get3A_1088] : memref<960xf32, #tpu.memory_space<vmem>>[vector<16xi32>], vector<16xf32>,
    %get3A_1090 = arith.constant 3 : i32
    %get3A_1091 = arith.index_cast %get3A_1090 : i32 to index
    %get3A_1092 = arith.constant 96 : index
    %get3A_1093 = tpu.vector_load %arg12[%get3A_1091, %get3A_1092] {strides = array<i32>} : memref<4x128xi32, #tpu.memory_space<vmem>>, vector<16xi32>,
    %gather3A_1094 = tpu.vector_load_idx %arg22[%get3A_1093] : memref<1696xf32, #tpu.memory_space<vmem>>[vector<16xi32>], vector<16xf32>,
    %add3A_1095 = arith.addf %gather3A_1089, %gather3A_1094 : vector<16xf32>
    %swap3A_1096 = arith.constant 3 : i32
    %swap3A_1097 = arith.index_cast %swap3A_1096 : i32 to index
    %swap3A_1098 = arith.constant 96 : index
    %swap3A_1099 = tpu.vector_load %arg23[%swap3A_1097, %swap3A_1098] {strides = array<i32>} : memref<4x128xf32, #tpu.memory_space<vmem>>, vector<16xf32>,
    tpu.vector_store %arg23[%swap3A_1097, %swap3A_1098], %add3A_1095 {strides = array<i32>} : memref<4x128xf32, #tpu.memory_space<vmem>>, vector<16xf32>,
    %get3A_1100 = arith.constant 3 : i32
    %get3A_1101 = arith.index_cast %get3A_1100 : i32 to index
    %get3A_1102 = arith.constant 112 : index
    %get3A_1103 = tpu.vector_load %arg11[%get3A_1101, %get3A_1102] {strides = array<i32>} : memref<4x128xi32, #tpu.memory_space<vmem>>, vector<16xi32>,
    %gather3A_1104 = tpu.vector_load_idx %arg21[%get3A_1103] : memref<960xf32, #tpu.memory_space<vmem>>[vector<16xi32>], vector<16xf32>,
    %get3A_1105 = arith.constant 3 : i32
    %get3A_1106 = arith.index_cast %get3A_1105 : i32 to index
    %get3A_1107 = arith.constant 112 : index
    %get3A_1108 = tpu.vector_load %arg12[%get3A_1106, %get3A_1107] {strides = array<i32>} : memref<4x128xi32, #tpu.memory_space<vmem>>, vector<16xi32>,
    %gather3A_1109 = tpu.vector_load_idx %arg22[%get3A_1108] : memref<1696xf32, #tpu.memory_space<vmem>>[vector<16xi32>], vector<16xf32>,
    %add3A_1110 = arith.addf %gather3A_1104, %gather3A_1109 : vector<16xf32>
    %swap3A_1111 = arith.constant 3 : i32
    %swap3A_1112 = arith.index_cast %swap3A_1111 : i32 to index
    %swap3A_1113 = arith.constant 112 : index
    %swap3A_1114 = tpu.vector_load %arg23[%swap3A_1112, %swap3A_1113] {strides = array<i32>} : memref<4x128xf32, #tpu.memory_space<vmem>>, vector<16xf32>,
    tpu.vector_store %arg23[%swap3A_1112, %swap3A_1113], %add3A_1110 {strides = array<i32>} : memref<4x128xf32, #tpu.memory_space<vmem>>, vector<16xf32>,
    %dma_wait3A_1115 = arith.constant 1 : i32
    %dma_wait3A_1116 = arith.constant 0 : i32
    %dma_wait3A_1117 = arith.constant 0 : i32
    %dma_wait3A_1118 = tpu.memref_slice %arg19[%dma_wait3A_1115, %dma_wait3A_1116, %dma_wait3A_1117] : memref<2x128x256xf32, #tpu.memory_space<vmem>> -> memref<1x128x256xf32, #tpu.memory_space<vmem>>
    %dma_wait3A_1119 = tpu.memref_squeeze %dma_wait3A_1118 : memref<1x128x256xf32, #tpu.memory_space<vmem>> -> memref<128x256xf32, #tpu.memory_space<vmem>>
    %dma_wait3A_1120 = arith.constant 0 : i32
    %dma_wait3A_1121 = tpu.memref_slice %arg8[%add3A_849, %dma_wait3A_1120] : memref<16384x256xf32, #tpu.memory_space<hbm>> -> memref<128x256xf32, #tpu.memory_space<hbm>>
    %dma_wait3A_1122 = arith.constant 0 : i32
    %dma_wait3A_1123 = arith.constant 0 : i32
    %dma_wait3A_1124 = tpu.memref_slice %arg19[%dma_wait3A_1115, %dma_wait3A_1122, %dma_wait3A_1123] : memref<2x128x256xf32, #tpu.memory_space<vmem>> -> memref<1x128x256xf32, #tpu.memory_space<vmem>>
    %dma_wait3A_1125 = tpu.memref_squeeze %dma_wait3A_1124 : memref<1x128x256xf32, #tpu.memory_space<vmem>> -> memref<128x256xf32, #tpu.memory_space<vmem>>
    %dma_wait3A_1126 = arith.constant 0 : i32
    %dma_wait3A_1127 = tpu.memref_slice %arg8[%add3A_849, %dma_wait3A_1126] : memref<16384x256xf32, #tpu.memory_space<hbm>> -> memref<128x256xf32, #tpu.memory_space<hbm>>
    tpu.wait_dma2 semaphore(%arg26 : memref<!tpu.dma_semaphore, #tpu.memory_space<semaphore_mem>>) src(%dma_wait3A_1127 : memref<128x256xf32, #tpu.memory_space<hbm>>) dst(%dma_wait3A_1125 : memref<128x256xf32, #tpu.memory_space<vmem>>)
    %and3A_1128 = arith.andi %eq3A_931, %eq3A_994 : i1
    %convert_element_type3A_1129 = arith.extui %and3A_1128 : i1 to i32
    %cond3A_1130 = arith.constant 0 : i32
    %cond3A_1131 = arith.cmpi ne, %convert_element_type3A_1129, %cond3A_1130 : i32
    scf.if %cond3A_1131 {
      %get3A_1136 = arith.constant 3 : i32
      %get3A_1137 = arith.index_cast %get3A_1136 : i32 to index
      %get3A_1138 = arith.constant 0 : index
      %get3A_1139 = tpu.vector_load %arg15[%get3A_1137, %get3A_1138] {strides = array<i32>} : memref<16x128xf32, #tpu.memory_space<vmem>>, vector<16xf32>,
      %get3A_1140 = arith.constant 3 : i32
      %get3A_1141 = arith.index_cast %get3A_1140 : i32 to index
      %get3A_1142 = arith.constant 16 : index
      %get3A_1143 = tpu.vector_load %arg15[%get3A_1141, %get3A_1142] {strides = array<i32>} : memref<16x128xf32, #tpu.memory_space<vmem>>, vector<16xf32>,
      %get3A_1144 = arith.constant 3 : i32
      %get3A_1145 = arith.index_cast %get3A_1144 : i32 to index
      %get3A_1146 = arith.constant 32 : index
      %get3A_1147 = tpu.vector_load %arg15[%get3A_1145, %get3A_1146] {strides = array<i32>} : memref<16x128xf32, #tpu.memory_space<vmem>>, vector<16xf32>,
      %get3A_1148 = arith.constant 3 : i32
      %get3A_1149 = arith.index_cast %get3A_1148 : i32 to index
      %get3A_1150 = arith.constant 48 : index
      %get3A_1151 = tpu.vector_load %arg15[%get3A_1149, %get3A_1150] {strides = array<i32>} : memref<16x128xf32, #tpu.memory_space<vmem>>, vector<16xf32>,
      %get3A_1152 = arith.constant 3 : i32
      %get3A_1153 = arith.index_cast %get3A_1152 : i32 to index
      %get3A_1154 = arith.constant 64 : index
      %get3A_1155 = tpu.vector_load %arg15[%get3A_1153, %get3A_1154] {strides = array<i32>} : memref<16x128xf32, #tpu.memory_space<vmem>>, vector<16xf32>,
      %get3A_1156 = arith.constant 3 : i32
      %get3A_1157 = arith.index_cast %get3A_1156 : i32 to index
      %get3A_1158 = arith.constant 80 : index
      %get3A_1159 = tpu.vector_load %arg15[%get3A_1157, %get3A_1158] {strides = array<i32>} : memref<16x128xf32, #tpu.memory_space<vmem>>, vector<16xf32>,
      %get3A_1160 = arith.constant 3 : i32
      %get3A_1161 = arith.index_cast %get3A_1160 : i32 to index
      %get3A_1162 = arith.constant 96 : index
      %get3A_1163 = tpu.vector_load %arg15[%get3A_1161, %get3A_1162] {strides = array<i32>} : memref<16x128xf32, #tpu.memory_space<vmem>>, vector<16xf32>,
      %get3A_1164 = arith.constant 3 : i32
      %get3A_1165 = arith.index_cast %get3A_1164 : i32 to index
      %get3A_1166 = arith.constant 112 : index
      %get3A_1167 = tpu.vector_load %arg15[%get3A_1165, %get3A_1166] {strides = array<i32>} : memref<16x128xf32, #tpu.memory_space<vmem>>, vector<16xf32>,
      %get3A_1168 = arith.constant 3 : i32
      %get3A_1169 = arith.index_cast %get3A_1168 : i32 to index
      %get3A_1170 = arith.constant 0 : index
      %get3A_1171 = tpu.vector_load %arg16[%get3A_1169, %get3A_1170] {strides = array<i32>} : memref<16x128xf32, #tpu.memory_space<vmem>>, vector<16xf32>,
      %get3A_1172 = arith.constant 3 : i32
      %get3A_1173 = arith.index_cast %get3A_1172 : i32 to index
      %get3A_1174 = arith.constant 16 : index
      %get3A_1175 = tpu.vector_load %arg16[%get3A_1173, %get3A_1174] {strides = array<i32>} : memref<16x128xf32, #tpu.memory_space<vmem>>, vector<16xf32>,
      %get3A_1176 = arith.constant 3 : i32
      %get3A_1177 = arith.index_cast %get3A_1176 : i32 to index
      %get3A_1178 = arith.constant 32 : index
      %get3A_1179 = tpu.vector_load %arg16[%get3A_1177, %get3A_1178] {strides = array<i32>} : memref<16x128xf32, #tpu.memory_space<vmem>>, vector<16xf32>,
      %get3A_1180 = arith.constant 3 : i32
      %get3A_1181 = arith.index_cast %get3A_1180 : i32 to index
      %get3A_1182 = arith.constant 48 : index
      %get3A_1183 = tpu.vector_load %arg16[%get3A_1181, %get3A_1182] {strides = array<i32>} : memref<16x128xf32, #tpu.memory_space<vmem>>, vector<16xf32>,
      %get3A_1184 = arith.constant 3 : i32
      %get3A_1185 = arith.index_cast %get3A_1184 : i32 to index
      %get3A_1186 = arith.constant 64 : index
      %get3A_1187 = tpu.vector_load %arg16[%get3A_1185, %get3A_1186] {strides = array<i32>} : memref<16x128xf32, #tpu.memory_space<vmem>>, vector<16xf32>,
      %get3A_1188 = arith.constant 3 : i32
      %get3A_1189 = arith.index_cast %get3A_1188 : i32 to index
      %get3A_1190 = arith.constant 80 : index
      %get3A_1191 = tpu.vector_load %arg16[%get3A_1189, %get3A_1190] {strides = array<i32>} : memref<16x128xf32, #tpu.memory_space<vmem>>, vector<16xf32>,
      %get3A_1192 = arith.constant 3 : i32
      %get3A_1193 = arith.index_cast %get3A_1192 : i32 to index
      %get3A_1194 = arith.constant 96 : index
      %get3A_1195 = tpu.vector_load %arg16[%get3A_1193, %get3A_1194] {strides = array<i32>} : memref<16x128xf32, #tpu.memory_space<vmem>>, vector<16xf32>,
      %get3A_1196 = arith.constant 3 : i32
      %get3A_1197 = arith.index_cast %get3A_1196 : i32 to index
      %get3A_1198 = arith.constant 112 : index
      %get3A_1199 = tpu.vector_load %arg16[%get3A_1197, %get3A_1198] {strides = array<i32>} : memref<16x128xf32, #tpu.memory_space<vmem>>, vector<16xf32>,
      %scan3A = arith.constant 0 : i32
      %scan3A_1200 = arith.constant 128 : i32
      %scan3A_1201 = arith.addi %scan3A, %scan3A_1200 : i32
      %scan3A_1202 = arith.constant 1 : i32
      scf.for %scan3A_1204 = %scan3A to %scan3A_1201 step %scan3A_1202  : i32 {
        %get3A_1205 = arith.constant 1 : i32
        %get3A_1206 = arith.index_cast %get3A_1205 : i32 to index
        %get3A_1207 = arith.index_cast %scan3A_1204 : i32 to index
        %get3A_1208 = arith.constant 0 : index
        %get3A_1209 = tpu.vector_load %arg19[%get3A_1206, %get3A_1207, %get3A_1208] {strides = array<i32>} : memref<2x128x256xf32, #tpu.memory_space<vmem>>, vector<16xf32>,
        %get3A_1210 = arith.constant 1 : i32
        %get3A_1211 = arith.index_cast %get3A_1210 : i32 to index
        %get3A_1212 = arith.index_cast %scan3A_1204 : i32 to index
        %get3A_1213 = arith.constant 64 : index
        %get3A_1214 = tpu.vector_load %arg19[%get3A_1211, %get3A_1212, %get3A_1213] {strides = array<i32>} : memref<2x128x256xf32, #tpu.memory_space<vmem>>, vector<16xf32>,
        %get3A_1215 = arith.constant 1 : i32
        %get3A_1216 = arith.index_cast %get3A_1215 : i32 to index
        %get3A_1217 = arith.index_cast %scan3A_1204 : i32 to index
        %get3A_1218 = arith.constant 128 : index
        %get3A_1219 = tpu.vector_load %arg19[%get3A_1216, %get3A_1217, %get3A_1218] {strides = array<i32>} : memref<2x128x256xf32, #tpu.memory_space<vmem>>, vector<16xf32>,
        %get3A_1220 = arith.constant 1 : i32
        %get3A_1221 = arith.index_cast %get3A_1220 : i32 to index
        %get3A_1222 = arith.index_cast %scan3A_1204 : i32 to index
        %get3A_1223 = arith.constant 192 : index
        %get3A_1224 = tpu.vector_load %arg19[%get3A_1221, %get3A_1222, %get3A_1223] {strides = array<i32>} : memref<2x128x256xf32, #tpu.memory_space<vmem>>, vector<16xf32>,
        %mul3A_1225 = arith.mulf %get3A_1209, %get3A_1139 : vector<16xf32>
        %add3A_1226 = arith.addf %get3A_1214, %get3A_1155 : vector<16xf32>
        %mul3A_1227 = arith.mulf %add3A_1226, %get3A_1171 : vector<16xf32>
        %add3A_1228 = arith.addf %mul3A_1225, %mul3A_1227 : vector<16xf32>
        %add3A_1229 = arith.addf %get3A_1155, %get3A_1214 : vector<16xf32>
        %mul3A_1230 = arith.mulf %get3A_1219, %add3A_1229 : vector<16xf32>
        %add3A_1231 = arith.addf %add3A_1228, %mul3A_1230 : vector<16xf32>
        %mul3A_1232 = arith.mulf %get3A_1224, %get3A_1187 : vector<16xf32>
        %add3A_1233 = arith.addf %add3A_1231, %mul3A_1232 : vector<16xf32>
        %get3A_1234 = arith.constant 1 : i32
        %get3A_1235 = arith.index_cast %get3A_1234 : i32 to index
        %get3A_1236 = arith.index_cast %scan3A_1204 : i32 to index
        %get3A_1237 = arith.constant 16 : index
        %get3A_1238 = tpu.vector_load %arg19[%get3A_1235, %get3A_1236, %get3A_1237] {strides = array<i32>} : memref<2x128x256xf32, #tpu.memory_space<vmem>>, vector<16xf32>,
        %get3A_1239 = arith.constant 1 : i32
        %get3A_1240 = arith.index_cast %get3A_1239 : i32 to index
        %get3A_1241 = arith.index_cast %scan3A_1204 : i32 to index
        %get3A_1242 = arith.constant 80 : index
        %get3A_1243 = tpu.vector_load %arg19[%get3A_1240, %get3A_1241, %get3A_1242] {strides = array<i32>} : memref<2x128x256xf32, #tpu.memory_space<vmem>>, vector<16xf32>,
        %get3A_1244 = arith.constant 1 : i32
        %get3A_1245 = arith.index_cast %get3A_1244 : i32 to index
        %get3A_1246 = arith.index_cast %scan3A_1204 : i32 to index
        %get3A_1247 = arith.constant 144 : index
        %get3A_1248 = tpu.vector_load %arg19[%get3A_1245, %get3A_1246, %get3A_1247] {strides = array<i32>} : memref<2x128x256xf32, #tpu.memory_space<vmem>>, vector<16xf32>,
        %get3A_1249 = arith.constant 1 : i32
        %get3A_1250 = arith.index_cast %get3A_1249 : i32 to index
        %get3A_1251 = arith.index_cast %scan3A_1204 : i32 to index
        %get3A_1252 = arith.constant 208 : index
        %get3A_1253 = tpu.vector_load %arg19[%get3A_1250, %get3A_1251, %get3A_1252] {strides = array<i32>} : memref<2x128x256xf32, #tpu.memory_space<vmem>>, vector<16xf32>,
        %mul3A_1254 = arith.mulf %get3A_1238, %get3A_1143 : vector<16xf32>
        %add3A_1255 = arith.addf %get3A_1243, %get3A_1159 : vector<16xf32>
        %mul3A_1256 = arith.mulf %add3A_1255, %get3A_1175 : vector<16xf32>
        %add3A_1257 = arith.addf %mul3A_1254, %mul3A_1256 : vector<16xf32>
        %add3A_1258 = arith.addf %get3A_1159, %get3A_1243 : vector<16xf32>
        %mul3A_1259 = arith.mulf %get3A_1248, %add3A_1258 : vector<16xf32>
        %add3A_1260 = arith.addf %add3A_1257, %mul3A_1259 : vector<16xf32>
        %mul3A_1261 = arith.mulf %get3A_1253, %get3A_1191 : vector<16xf32>
        %add3A_1262 = arith.addf %add3A_1260, %mul3A_1261 : vector<16xf32>
        %add3A_1263 = arith.addf %add3A_1233, %add3A_1262 : vector<16xf32>
        %get3A_1264 = arith.constant 1 : i32
        %get3A_1265 = arith.index_cast %get3A_1264 : i32 to index
        %get3A_1266 = arith.index_cast %scan3A_1204 : i32 to index
        %get3A_1267 = arith.constant 32 : index
        %get3A_1268 = tpu.vector_load %arg19[%get3A_1265, %get3A_1266, %get3A_1267] {strides = array<i32>} : memref<2x128x256xf32, #tpu.memory_space<vmem>>, vector<16xf32>,
        %get3A_1269 = arith.constant 1 : i32
        %get3A_1270 = arith.index_cast %get3A_1269 : i32 to index
        %get3A_1271 = arith.index_cast %scan3A_1204 : i32 to index
        %get3A_1272 = arith.constant 96 : index
        %get3A_1273 = tpu.vector_load %arg19[%get3A_1270, %get3A_1271, %get3A_1272] {strides = array<i32>} : memref<2x128x256xf32, #tpu.memory_space<vmem>>, vector<16xf32>,
        %get3A_1274 = arith.constant 1 : i32
        %get3A_1275 = arith.index_cast %get3A_1274 : i32 to index
        %get3A_1276 = arith.index_cast %scan3A_1204 : i32 to index
        %get3A_1277 = arith.constant 160 : index
        %get3A_1278 = tpu.vector_load %arg19[%get3A_1275, %get3A_1276, %get3A_1277] {strides = array<i32>} : memref<2x128x256xf32, #tpu.memory_space<vmem>>, vector<16xf32>,
        %get3A_1279 = arith.constant 1 : i32
        %get3A_1280 = arith.index_cast %get3A_1279 : i32 to index
        %get3A_1281 = arith.index_cast %scan3A_1204 : i32 to index
        %get3A_1282 = arith.constant 224 : index
        %get3A_1283 = tpu.vector_load %arg19[%get3A_1280, %get3A_1281, %get3A_1282] {strides = array<i32>} : memref<2x128x256xf32, #tpu.memory_space<vmem>>, vector<16xf32>,
        %mul3A_1284 = arith.mulf %get3A_1268, %get3A_1147 : vector<16xf32>
        %add3A_1285 = arith.addf %get3A_1273, %get3A_1163 : vector<16xf32>
        %mul3A_1286 = arith.mulf %add3A_1285, %get3A_1179 : vector<16xf32>
        %add3A_1287 = arith.addf %mul3A_1284, %mul3A_1286 : vector<16xf32>
        %add3A_1288 = arith.addf %get3A_1163, %get3A_1273 : vector<16xf32>
        %mul3A_1289 = arith.mulf %get3A_1278, %add3A_1288 : vector<16xf32>
        %add3A_1290 = arith.addf %add3A_1287, %mul3A_1289 : vector<16xf32>
        %mul3A_1291 = arith.mulf %get3A_1283, %get3A_1195 : vector<16xf32>
        %add3A_1292 = arith.addf %add3A_1290, %mul3A_1291 : vector<16xf32>
        %add3A_1293 = arith.addf %add3A_1263, %add3A_1292 : vector<16xf32>
        %get3A_1294 = arith.constant 1 : i32
        %get3A_1295 = arith.index_cast %get3A_1294 : i32 to index
        %get3A_1296 = arith.index_cast %scan3A_1204 : i32 to index
        %get3A_1297 = arith.constant 48 : index
        %get3A_1298 = tpu.vector_load %arg19[%get3A_1295, %get3A_1296, %get3A_1297] {strides = array<i32>} : memref<2x128x256xf32, #tpu.memory_space<vmem>>, vector<16xf32>,
        %get3A_1299 = arith.constant 1 : i32
        %get3A_1300 = arith.index_cast %get3A_1299 : i32 to index
        %get3A_1301 = arith.index_cast %scan3A_1204 : i32 to index
        %get3A_1302 = arith.constant 112 : index
        %get3A_1303 = tpu.vector_load %arg19[%get3A_1300, %get3A_1301, %get3A_1302] {strides = array<i32>} : memref<2x128x256xf32, #tpu.memory_space<vmem>>, vector<16xf32>,
        %get3A_1304 = arith.constant 1 : i32
        %get3A_1305 = arith.index_cast %get3A_1304 : i32 to index
        %get3A_1306 = arith.index_cast %scan3A_1204 : i32 to index
        %get3A_1307 = arith.constant 176 : index
        %get3A_1308 = tpu.vector_load %arg19[%get3A_1305, %get3A_1306, %get3A_1307] {strides = array<i32>} : memref<2x128x256xf32, #tpu.memory_space<vmem>>, vector<16xf32>,
        %get3A_1309 = arith.constant 1 : i32
        %get3A_1310 = arith.index_cast %get3A_1309 : i32 to index
        %get3A_1311 = arith.index_cast %scan3A_1204 : i32 to index
        %get3A_1312 = arith.constant 240 : index
        %get3A_1313 = tpu.vector_load %arg19[%get3A_1310, %get3A_1311, %get3A_1312] {strides = array<i32>} : memref<2x128x256xf32, #tpu.memory_space<vmem>>, vector<16xf32>,
        %mul3A_1314 = arith.mulf %get3A_1298, %get3A_1151 : vector<16xf32>
        %add3A_1315 = arith.addf %get3A_1303, %get3A_1167 : vector<16xf32>
        %mul3A_1316 = arith.mulf %add3A_1315, %get3A_1183 : vector<16xf32>
        %add3A_1317 = arith.addf %mul3A_1314, %mul3A_1316 : vector<16xf32>
        %add3A_1318 = arith.addf %get3A_1167, %get3A_1303 : vector<16xf32>
        %mul3A_1319 = arith.mulf %get3A_1308, %add3A_1318 : vector<16xf32>
        %add3A_1320 = arith.addf %add3A_1317, %mul3A_1319 : vector<16xf32>
        %mul3A_1321 = arith.mulf %get3A_1313, %get3A_1199 : vector<16xf32>
        %add3A_1322 = arith.addf %add3A_1320, %mul3A_1321 : vector<16xf32>
        %add3A_1323 = arith.addf %add3A_1293, %add3A_1322 : vector<16xf32>
        %swap3A_1324 = arith.index_cast %scan3A_1204 : i32 to index
        %swap3A_1325 = arith.constant 0 : index
        %swap3A_1326 = tpu.vector_load %arg20[%swap3A_1324, %swap3A_1325] {strides = array<i32>} : memref<128x16xf32, #tpu.memory_space<vmem>>, vector<16xf32>,
        tpu.vector_store %arg20[%swap3A_1324, %swap3A_1325], %add3A_1323 {strides = array<i32>} : memref<128x16xf32, #tpu.memory_space<vmem>>, vector<16xf32>,
      }
      %scan3A_1203 = arith.constant 128 : i32
    } else {
      %dma_start3A_1136 = arith.constant 3 : i32
      %dma_start3A_1137 = arith.constant 0 : i32
      %dma_start3A_1138 = tpu.memref_slice %arg11[%dma_start3A_1136, %dma_start3A_1137] : memref<4x128xi32, #tpu.memory_space<vmem>> -> memref<1x128xi32, #tpu.memory_space<vmem>>
      %dma_start3A_1139 = tpu.memref_squeeze %dma_start3A_1138 : memref<1x128xi32, #tpu.memory_space<vmem>> -> memref<128xi32, #tpu.memory_space<vmem>>
      %dma_start3A_1140 = arith.constant 0 : i32
      %dma_start3A_1141 = arith.constant 0 : i32
      %dma_start3A_1142 = tpu.memref_slice %arg2[%dma_start3A_1140, %dma_start3A_1141] : memref<943x128xf32, #tpu.memory_space<hbm>> -> memref<943x128xf32, #tpu.memory_space<hbm>>
      tpu.enqueue_indirect_dma source(%dma_start3A_1142 : memref<943x128xf32, #tpu.memory_space<hbm>>) target(%arg13 : memref<128x128xf32, #tpu.memory_space<vmem>>) offsets(%dma_start3A_1139 : memref<128xi32, #tpu.memory_space<vmem>>) semaphore(%arg24 : memref<!tpu.dma_semaphore, #tpu.memory_space<semaphore_mem>>)
      %dma_start3A_1143 = arith.constant 3 : i32
      %dma_start3A_1144 = arith.constant 0 : i32
      %dma_start3A_1145 = tpu.memref_slice %arg12[%dma_start3A_1143, %dma_start3A_1144] : memref<4x128xi32, #tpu.memory_space<vmem>> -> memref<1x128xi32, #tpu.memory_space<vmem>>
      %dma_start3A_1146 = tpu.memref_squeeze %dma_start3A_1145 : memref<1x128xi32, #tpu.memory_space<vmem>> -> memref<128xi32, #tpu.memory_space<vmem>>
      %dma_start3A_1147 = arith.constant 0 : i32
      %dma_start3A_1148 = arith.constant 0 : i32
      %dma_start3A_1149 = tpu.memref_slice %arg3[%dma_start3A_1147, %dma_start3A_1148] : memref<1682x128xf32, #tpu.memory_space<hbm>> -> memref<1682x128xf32, #tpu.memory_space<hbm>>
      tpu.enqueue_indirect_dma source(%dma_start3A_1149 : memref<1682x128xf32, #tpu.memory_space<hbm>>) target(%arg14 : memref<128x128xf32, #tpu.memory_space<vmem>>) offsets(%dma_start3A_1146 : memref<128xi32, #tpu.memory_space<vmem>>) semaphore(%arg25 : memref<!tpu.dma_semaphore, #tpu.memory_space<semaphore_mem>>)
      %dma_wait3A_1150 = arith.constant 3 : i32
      %dma_wait3A_1151 = arith.constant 0 : i32
      %dma_wait3A_1152 = tpu.memref_slice %arg11[%dma_wait3A_1150, %dma_wait3A_1151] : memref<4x128xi32, #tpu.memory_space<vmem>> -> memref<1x128xi32, #tpu.memory_space<vmem>>
      %dma_wait3A_1153 = tpu.memref_squeeze %dma_wait3A_1152 : memref<1x128xi32, #tpu.memory_space<vmem>> -> memref<128xi32, #tpu.memory_space<vmem>>
      %dma_wait3A_1154 = arith.constant 0 : i32
      %dma_wait3A_1155 = arith.constant 0 : i32
      %dma_wait3A_1156 = tpu.memref_slice %arg2[%dma_wait3A_1154, %dma_wait3A_1155] : memref<943x128xf32, #tpu.memory_space<hbm>> -> memref<943x128xf32, #tpu.memory_space<hbm>>
      tpu.wait_indirect_dma semaphore(%arg24 : memref<!tpu.dma_semaphore, #tpu.memory_space<semaphore_mem>>) src(%dma_wait3A_1156 : memref<943x128xf32, #tpu.memory_space<hbm>>) dst(%arg13 : memref<128x128xf32, #tpu.memory_space<vmem>>)
      %dma_wait3A_1157 = arith.constant 3 : i32
      %dma_wait3A_1158 = arith.constant 0 : i32
      %dma_wait3A_1159 = tpu.memref_slice %arg12[%dma_wait3A_1157, %dma_wait3A_1158] : memref<4x128xi32, #tpu.memory_space<vmem>> -> memref<1x128xi32, #tpu.memory_space<vmem>>
      %dma_wait3A_1160 = tpu.memref_squeeze %dma_wait3A_1159 : memref<1x128xi32, #tpu.memory_space<vmem>> -> memref<128xi32, #tpu.memory_space<vmem>>
      %dma_wait3A_1161 = arith.constant 0 : i32
      %dma_wait3A_1162 = arith.constant 0 : i32
      %dma_wait3A_1163 = tpu.memref_slice %arg3[%dma_wait3A_1161, %dma_wait3A_1162] : memref<1682x128xf32, #tpu.memory_space<hbm>> -> memref<1682x128xf32, #tpu.memory_space<hbm>>
      tpu.wait_indirect_dma semaphore(%arg25 : memref<!tpu.dma_semaphore, #tpu.memory_space<semaphore_mem>>) src(%dma_wait3A_1163 : memref<1682x128xf32, #tpu.memory_space<hbm>>) dst(%arg14 : memref<128x128xf32, #tpu.memory_space<vmem>>)
      %scan3A = arith.constant 0 : i32
      %scan3A_1164 = arith.constant 0 : i32
      %scan3A_1165 = arith.constant 128 : i32
      %scan3A_1166 = arith.addi %scan3A_1164, %scan3A_1165 : i32
      %scan3A_1167 = arith.constant 1 : i32
      scf.for %scan3A_1169 = %scan3A_1164 to %scan3A_1166 step %scan3A_1167  : i32 {
        %get3A_1170 = arith.constant 1 : i32
        %get3A_1171 = arith.index_cast %get3A_1170 : i32 to index
        %get3A_1172 = arith.index_cast %scan3A_1169 : i32 to index
        %get3A_1173 = arith.constant 0 : index
        %get3A_1174 = tpu.vector_load %arg19[%get3A_1171, %get3A_1172, %get3A_1173] {strides = array<i32>} : memref<2x128x256xf32, #tpu.memory_space<vmem>>, vector<16xf32>,
        %get3A_1175 = arith.constant 1 : i32
        %get3A_1176 = arith.index_cast %get3A_1175 : i32 to index
        %get3A_1177 = arith.index_cast %scan3A_1169 : i32 to index
        %get3A_1178 = arith.constant 64 : index
        %get3A_1179 = tpu.vector_load %arg19[%get3A_1176, %get3A_1177, %get3A_1178] {strides = array<i32>} : memref<2x128x256xf32, #tpu.memory_space<vmem>>, vector<16xf32>,
        %get3A_1180 = arith.constant 1 : i32
        %get3A_1181 = arith.index_cast %get3A_1180 : i32 to index
        %get3A_1182 = arith.index_cast %scan3A_1169 : i32 to index
        %get3A_1183 = arith.constant 128 : index
        %get3A_1184 = tpu.vector_load %arg19[%get3A_1181, %get3A_1182, %get3A_1183] {strides = array<i32>} : memref<2x128x256xf32, #tpu.memory_space<vmem>>, vector<16xf32>,
        %get3A_1185 = arith.constant 1 : i32
        %get3A_1186 = arith.index_cast %get3A_1185 : i32 to index
        %get3A_1187 = arith.index_cast %scan3A_1169 : i32 to index
        %get3A_1188 = arith.constant 192 : index
        %get3A_1189 = tpu.vector_load %arg19[%get3A_1186, %get3A_1187, %get3A_1188] {strides = array<i32>} : memref<2x128x256xf32, #tpu.memory_space<vmem>>, vector<16xf32>,
        %get3A_1190 = arith.index_cast %scan3A_1169 : i32 to index
        %get3A_1191 = arith.constant 0 : index
        %get3A_1192 = tpu.vector_load %arg13[%get3A_1190, %get3A_1191] {strides = array<i32>} : memref<128x128xf32, #tpu.memory_space<vmem>>, vector<16xf32>,
        %get3A_1193 = arith.index_cast %scan3A_1169 : i32 to index
        %get3A_1194 = arith.constant 64 : index
        %get3A_1195 = tpu.vector_load %arg13[%get3A_1193, %get3A_1194] {strides = array<i32>} : memref<128x128xf32, #tpu.memory_space<vmem>>, vector<16xf32>,
        %get3A_1196 = arith.index_cast %scan3A_1169 : i32 to index
        %get3A_1197 = arith.constant 0 : index
        %get3A_1198 = tpu.vector_load %arg14[%get3A_1196, %get3A_1197] {strides = array<i32>} : memref<128x128xf32, #tpu.memory_space<vmem>>, vector<16xf32>,
        %get3A_1199 = arith.index_cast %scan3A_1169 : i32 to index
        %get3A_1200 = arith.constant 64 : index
        %get3A_1201 = tpu.vector_load %arg14[%get3A_1199, %get3A_1200] {strides = array<i32>} : memref<128x128xf32, #tpu.memory_space<vmem>>, vector<16xf32>,
        %mul3A_1202 = arith.mulf %get3A_1174, %get3A_1192 : vector<16xf32>
        %add3A_1203 = arith.addf %get3A_1179, %get3A_1195 : vector<16xf32>
        %mul3A_1204 = arith.mulf %add3A_1203, %get3A_1198 : vector<16xf32>
        %add3A_1205 = arith.addf %mul3A_1202, %mul3A_1204 : vector<16xf32>
        %add3A_1206 = arith.addf %get3A_1195, %get3A_1179 : vector<16xf32>
        %mul3A_1207 = arith.mulf %get3A_1184, %add3A_1206 : vector<16xf32>
        %add3A_1208 = arith.addf %add3A_1205, %mul3A_1207 : vector<16xf32>
        %mul3A_1209 = arith.mulf %get3A_1189, %get3A_1201 : vector<16xf32>
        %add3A_1210 = arith.addf %add3A_1208, %mul3A_1209 : vector<16xf32>
        %get3A_1211 = arith.constant 1 : i32
        %get3A_1212 = arith.index_cast %get3A_1211 : i32 to index
        %get3A_1213 = arith.index_cast %scan3A_1169 : i32 to index
        %get3A_1214 = arith.constant 16 : index
        %get3A_1215 = tpu.vector_load %arg19[%get3A_1212, %get3A_1213, %get3A_1214] {strides = array<i32>} : memref<2x128x256xf32, #tpu.memory_space<vmem>>, vector<16xf32>,
        %get3A_1216 = arith.constant 1 : i32
        %get3A_1217 = arith.index_cast %get3A_1216 : i32 to index
        %get3A_1218 = arith.index_cast %scan3A_1169 : i32 to index
        %get3A_1219 = arith.constant 80 : index
        %get3A_1220 = tpu.vector_load %arg19[%get3A_1217, %get3A_1218, %get3A_1219] {strides = array<i32>} : memref<2x128x256xf32, #tpu.memory_space<vmem>>, vector<16xf32>,
        %get3A_1221 = arith.constant 1 : i32
        %get3A_1222 = arith.index_cast %get3A_1221 : i32 to index
        %get3A_1223 = arith.index_cast %scan3A_1169 : i32 to index
        %get3A_1224 = arith.constant 144 : index
        %get3A_1225 = tpu.vector_load %arg19[%get3A_1222, %get3A_1223, %get3A_1224] {strides = array<i32>} : memref<2x128x256xf32, #tpu.memory_space<vmem>>, vector<16xf32>,
        %get3A_1226 = arith.constant 1 : i32
        %get3A_1227 = arith.index_cast %get3A_1226 : i32 to index
        %get3A_1228 = arith.index_cast %scan3A_1169 : i32 to index
        %get3A_1229 = arith.constant 208 : index
        %get3A_1230 = tpu.vector_load %arg19[%get3A_1227, %get3A_1228, %get3A_1229] {strides = array<i32>} : memref<2x128x256xf32, #tpu.memory_space<vmem>>, vector<16xf32>,
        %get3A_1231 = arith.index_cast %scan3A_1169 : i32 to index
        %get3A_1232 = arith.constant 16 : index
        %get3A_1233 = tpu.vector_load %arg13[%get3A_1231, %get3A_1232] {strides = array<i32>} : memref<128x128xf32, #tpu.memory_space<vmem>>, vector<16xf32>,
        %get3A_1234 = arith.index_cast %scan3A_1169 : i32 to index
        %get3A_1235 = arith.constant 80 : index
        %get3A_1236 = tpu.vector_load %arg13[%get3A_1234, %get3A_1235] {strides = array<i32>} : memref<128x128xf32, #tpu.memory_space<vmem>>, vector<16xf32>,
        %get3A_1237 = arith.index_cast %scan3A_1169 : i32 to index
        %get3A_1238 = arith.constant 16 : index
        %get3A_1239 = tpu.vector_load %arg14[%get3A_1237, %get3A_1238] {strides = array<i32>} : memref<128x128xf32, #tpu.memory_space<vmem>>, vector<16xf32>,
        %get3A_1240 = arith.index_cast %scan3A_1169 : i32 to index
        %get3A_1241 = arith.constant 80 : index
        %get3A_1242 = tpu.vector_load %arg14[%get3A_1240, %get3A_1241] {strides = array<i32>} : memref<128x128xf32, #tpu.memory_space<vmem>>, vector<16xf32>,
        %mul3A_1243 = arith.mulf %get3A_1215, %get3A_1233 : vector<16xf32>
        %add3A_1244 = arith.addf %get3A_1220, %get3A_1236 : vector<16xf32>
        %mul3A_1245 = arith.mulf %add3A_1244, %get3A_1239 : vector<16xf32>
        %add3A_1246 = arith.addf %mul3A_1243, %mul3A_1245 : vector<16xf32>
        %add3A_1247 = arith.addf %get3A_1236, %get3A_1220 : vector<16xf32>
        %mul3A_1248 = arith.mulf %get3A_1225, %add3A_1247 : vector<16xf32>
        %add3A_1249 = arith.addf %add3A_1246, %mul3A_1248 : vector<16xf32>
        %mul3A_1250 = arith.mulf %get3A_1230, %get3A_1242 : vector<16xf32>
        %add3A_1251 = arith.addf %add3A_1249, %mul3A_1250 : vector<16xf32>
        %add3A_1252 = arith.addf %add3A_1210, %add3A_1251 : vector<16xf32>
        %get3A_1253 = arith.constant 1 : i32
        %get3A_1254 = arith.index_cast %get3A_1253 : i32 to index
        %get3A_1255 = arith.index_cast %scan3A_1169 : i32 to index
        %get3A_1256 = arith.constant 32 : index
        %get3A_1257 = tpu.vector_load %arg19[%get3A_1254, %get3A_1255, %get3A_1256] {strides = array<i32>} : memref<2x128x256xf32, #tpu.memory_space<vmem>>, vector<16xf32>,
        %get3A_1258 = arith.constant 1 : i32
        %get3A_1259 = arith.index_cast %get3A_1258 : i32 to index
        %get3A_1260 = arith.index_cast %scan3A_1169 : i32 to index
        %get3A_1261 = arith.constant 96 : index
        %get3A_1262 = tpu.vector_load %arg19[%get3A_1259, %get3A_1260, %get3A_1261] {strides = array<i32>} : memref<2x128x256xf32, #tpu.memory_space<vmem>>, vector<16xf32>,
        %get3A_1263 = arith.constant 1 : i32
        %get3A_1264 = arith.index_cast %get3A_1263 : i32 to index
        %get3A_1265 = arith.index_cast %scan3A_1169 : i32 to index
        %get3A_1266 = arith.constant 160 : index
        %get3A_1267 = tpu.vector_load %arg19[%get3A_1264, %get3A_1265, %get3A_1266] {strides = array<i32>} : memref<2x128x256xf32, #tpu.memory_space<vmem>>, vector<16xf32>,
        %get3A_1268 = arith.constant 1 : i32
        %get3A_1269 = arith.index_cast %get3A_1268 : i32 to index
        %get3A_1270 = arith.index_cast %scan3A_1169 : i32 to index
        %get3A_1271 = arith.constant 224 : index
        %get3A_1272 = tpu.vector_load %arg19[%get3A_1269, %get3A_1270, %get3A_1271] {strides = array<i32>} : memref<2x128x256xf32, #tpu.memory_space<vmem>>, vector<16xf32>,
        %get3A_1273 = arith.index_cast %scan3A_1169 : i32 to index
        %get3A_1274 = arith.constant 32 : index
        %get3A_1275 = tpu.vector_load %arg13[%get3A_1273, %get3A_1274] {strides = array<i32>} : memref<128x128xf32, #tpu.memory_space<vmem>>, vector<16xf32>,
        %get3A_1276 = arith.index_cast %scan3A_1169 : i32 to index
        %get3A_1277 = arith.constant 96 : index
        %get3A_1278 = tpu.vector_load %arg13[%get3A_1276, %get3A_1277] {strides = array<i32>} : memref<128x128xf32, #tpu.memory_space<vmem>>, vector<16xf32>,
        %get3A_1279 = arith.index_cast %scan3A_1169 : i32 to index
        %get3A_1280 = arith.constant 32 : index
        %get3A_1281 = tpu.vector_load %arg14[%get3A_1279, %get3A_1280] {strides = array<i32>} : memref<128x128xf32, #tpu.memory_space<vmem>>, vector<16xf32>,
        %get3A_1282 = arith.index_cast %scan3A_1169 : i32 to index
        %get3A_1283 = arith.constant 96 : index
        %get3A_1284 = tpu.vector_load %arg14[%get3A_1282, %get3A_1283] {strides = array<i32>} : memref<128x128xf32, #tpu.memory_space<vmem>>, vector<16xf32>,
        %mul3A_1285 = arith.mulf %get3A_1257, %get3A_1275 : vector<16xf32>
        %add3A_1286 = arith.addf %get3A_1262, %get3A_1278 : vector<16xf32>
        %mul3A_1287 = arith.mulf %add3A_1286, %get3A_1281 : vector<16xf32>
        %add3A_1288 = arith.addf %mul3A_1285, %mul3A_1287 : vector<16xf32>
        %add3A_1289 = arith.addf %get3A_1278, %get3A_1262 : vector<16xf32>
        %mul3A_1290 = arith.mulf %get3A_1267, %add3A_1289 : vector<16xf32>
        %add3A_1291 = arith.addf %add3A_1288, %mul3A_1290 : vector<16xf32>
        %mul3A_1292 = arith.mulf %get3A_1272, %get3A_1284 : vector<16xf32>
        %add3A_1293 = arith.addf %add3A_1291, %mul3A_1292 : vector<16xf32>
        %add3A_1294 = arith.addf %add3A_1252, %add3A_1293 : vector<16xf32>
        %get3A_1295 = arith.constant 1 : i32
        %get3A_1296 = arith.index_cast %get3A_1295 : i32 to index
        %get3A_1297 = arith.index_cast %scan3A_1169 : i32 to index
        %get3A_1298 = arith.constant 48 : index
        %get3A_1299 = tpu.vector_load %arg19[%get3A_1296, %get3A_1297, %get3A_1298] {strides = array<i32>} : memref<2x128x256xf32, #tpu.memory_space<vmem>>, vector<16xf32>,
        %get3A_1300 = arith.constant 1 : i32
        %get3A_1301 = arith.index_cast %get3A_1300 : i32 to index
        %get3A_1302 = arith.index_cast %scan3A_1169 : i32 to index
        %get3A_1303 = arith.constant 112 : index
        %get3A_1304 = tpu.vector_load %arg19[%get3A_1301, %get3A_1302, %get3A_1303] {strides = array<i32>} : memref<2x128x256xf32, #tpu.memory_space<vmem>>, vector<16xf32>,
        %get3A_1305 = arith.constant 1 : i32
        %get3A_1306 = arith.index_cast %get3A_1305 : i32 to index
        %get3A_1307 = arith.index_cast %scan3A_1169 : i32 to index
        %get3A_1308 = arith.constant 176 : index
        %get3A_1309 = tpu.vector_load %arg19[%get3A_1306, %get3A_1307, %get3A_1308] {strides = array<i32>} : memref<2x128x256xf32, #tpu.memory_space<vmem>>, vector<16xf32>,
        %get3A_1310 = arith.constant 1 : i32
        %get3A_1311 = arith.index_cast %get3A_1310 : i32 to index
        %get3A_1312 = arith.index_cast %scan3A_1169 : i32 to index
        %get3A_1313 = arith.constant 240 : index
        %get3A_1314 = tpu.vector_load %arg19[%get3A_1311, %get3A_1312, %get3A_1313] {strides = array<i32>} : memref<2x128x256xf32, #tpu.memory_space<vmem>>, vector<16xf32>,
        %get3A_1315 = arith.index_cast %scan3A_1169 : i32 to index
        %get3A_1316 = arith.constant 48 : index
        %get3A_1317 = tpu.vector_load %arg13[%get3A_1315, %get3A_1316] {strides = array<i32>} : memref<128x128xf32, #tpu.memory_space<vmem>>, vector<16xf32>,
        %get3A_1318 = arith.index_cast %scan3A_1169 : i32 to index
        %get3A_1319 = arith.constant 112 : index
        %get3A_1320 = tpu.vector_load %arg13[%get3A_1318, %get3A_1319] {strides = array<i32>} : memref<128x128xf32, #tpu.memory_space<vmem>>, vector<16xf32>,
        %get3A_1321 = arith.index_cast %scan3A_1169 : i32 to index
        %get3A_1322 = arith.constant 48 : index
        %get3A_1323 = tpu.vector_load %arg14[%get3A_1321, %get3A_1322] {strides = array<i32>} : memref<128x128xf32, #tpu.memory_space<vmem>>, vector<16xf32>,
        %get3A_1324 = arith.index_cast %scan3A_1169 : i32 to index
        %get3A_1325 = arith.constant 112 : index
        %get3A_1326 = tpu.vector_load %arg14[%get3A_1324, %get3A_1325] {strides = array<i32>} : memref<128x128xf32, #tpu.memory_space<vmem>>, vector<16xf32>,
        %mul3A_1327 = arith.mulf %get3A_1299, %get3A_1317 : vector<16xf32>
        %add3A_1328 = arith.addf %get3A_1304, %get3A_1320 : vector<16xf32>
        %mul3A_1329 = arith.mulf %add3A_1328, %get3A_1323 : vector<16xf32>
        %add3A_1330 = arith.addf %mul3A_1327, %mul3A_1329 : vector<16xf32>
        %add3A_1331 = arith.addf %get3A_1320, %get3A_1304 : vector<16xf32>
        %mul3A_1332 = arith.mulf %get3A_1309, %add3A_1331 : vector<16xf32>
        %add3A_1333 = arith.addf %add3A_1330, %mul3A_1332 : vector<16xf32>
        %mul3A_1334 = arith.mulf %get3A_1314, %get3A_1326 : vector<16xf32>
        %add3A_1335 = arith.addf %add3A_1333, %mul3A_1334 : vector<16xf32>
        %add3A_1336 = arith.addf %add3A_1294, %add3A_1335 : vector<16xf32>
        %swap3A_1337 = arith.index_cast %scan3A_1169 : i32 to index
        %swap3A_1338 = arith.constant 0 : index
        %swap3A_1339 = tpu.vector_load %arg20[%swap3A_1337, %swap3A_1338] {strides = array<i32>} : memref<128x16xf32, #tpu.memory_space<vmem>>, vector<16xf32>,
        tpu.vector_store %arg20[%swap3A_1337, %swap3A_1338], %add3A_1336 {strides = array<i32>} : memref<128x16xf32, #tpu.memory_space<vmem>>, vector<16xf32>,
      }
      %scan3A_1168 = arith.constant 128 : i32
    }
    %add3A_1132 = arith.constant 384 : i32
    %add3A_1133 = arith.addi %mul3A_23, %add3A_1132 : i32
    "tpu.region"() ({
      %run_scoped3A = tpu.sem_alloc : memref<!tpu.dma_semaphore, #tpu.memory_space<semaphore_mem>>
      %dma_start3A_1136 = arith.constant 0 : i32
      %dma_start3A_1137 = tpu.memref_slice %arg9[%add3A_1133, %dma_start3A_1136] : memref<16384x16xf32, #tpu.memory_space<hbm>> -> memref<128x16xf32, #tpu.memory_space<hbm>>
      %dma_start3A_1138 = arith.constant 0 : i32
      %dma_start3A_1139 = tpu.memref_slice %arg9[%add3A_1133, %dma_start3A_1138] : memref<16384x16xf32, #tpu.memory_space<hbm>> -> memref<128x16xf32, #tpu.memory_space<hbm>>
      tpu.enqueue_dma source(%arg20 : memref<128x16xf32, #tpu.memory_space<vmem>>) target(%dma_start3A_1139 : memref<128x16xf32, #tpu.memory_space<hbm>>) target_semaphore(%run_scoped3A : memref<!tpu.dma_semaphore, #tpu.memory_space<semaphore_mem>>)
      %dma_wait3A_1140 = arith.constant 0 : i32
      %dma_wait3A_1141 = tpu.memref_slice %arg9[%add3A_1133, %dma_wait3A_1140] : memref<16384x16xf32, #tpu.memory_space<hbm>> -> memref<128x16xf32, #tpu.memory_space<hbm>>
      %dma_wait3A_1142 = arith.constant 0 : i32
      %dma_wait3A_1143 = tpu.memref_slice %arg9[%add3A_1133, %dma_wait3A_1142] : memref<16384x16xf32, #tpu.memory_space<hbm>> -> memref<128x16xf32, #tpu.memory_space<hbm>>
      tpu.wait_dma2 semaphore(%run_scoped3A : memref<!tpu.dma_semaphore, #tpu.memory_space<semaphore_mem>>) src(%arg20 : memref<128x16xf32, #tpu.memory_space<vmem>>) dst(%dma_wait3A_1143 : memref<128x16xf32, #tpu.memory_space<hbm>>)
      tpu.yield
    }) : () -> ()
    %mul3A_1134 = arith.constant 4 : i32
    %mul3A_1135 = arith.muli %add3A, %mul3A_1134 : i32
    "tpu.region"() ({
      %run_scoped3A = tpu.sem_alloc : memref<!tpu.dma_semaphore, #tpu.memory_space<semaphore_mem>>
      %dma_start3A_1136 = arith.constant 0 : i32
      %dma_start3A_1137 = tpu.memref_slice %arg10[%mul3A_1135, %dma_start3A_1136] : memref<128x128xf32, #tpu.memory_space<hbm>> -> memref<4x128xf32, #tpu.memory_space<hbm>>
      %dma_start3A_1138 = arith.constant 0 : i32
      %dma_start3A_1139 = tpu.memref_slice %arg10[%mul3A_1135, %dma_start3A_1138] : memref<128x128xf32, #tpu.memory_space<hbm>> -> memref<4x128xf32, #tpu.memory_space<hbm>>
      tpu.enqueue_dma source(%arg23 : memref<4x128xf32, #tpu.memory_space<vmem>>) target(%dma_start3A_1139 : memref<4x128xf32, #tpu.memory_space<hbm>>) target_semaphore(%run_scoped3A : memref<!tpu.dma_semaphore, #tpu.memory_space<semaphore_mem>>)
      %dma_wait3A_1140 = arith.constant 0 : i32
      %dma_wait3A_1141 = tpu.memref_slice %arg10[%mul3A_1135, %dma_wait3A_1140] : memref<128x128xf32, #tpu.memory_space<hbm>> -> memref<4x128xf32, #tpu.memory_space<hbm>>
      %dma_wait3A_1142 = arith.constant 0 : i32
      %dma_wait3A_1143 = tpu.memref_slice %arg10[%mul3A_1135, %dma_wait3A_1142] : memref<128x128xf32, #tpu.memory_space<hbm>> -> memref<4x128xf32, #tpu.memory_space<hbm>>
      tpu.wait_dma2 semaphore(%run_scoped3A : memref<!tpu.dma_semaphore, #tpu.memory_space<semaphore_mem>>) src(%arg23 : memref<4x128xf32, #tpu.memory_space<vmem>>) dst(%dma_wait3A_1143 : memref<4x128xf32, #tpu.memory_space<hbm>>)
      tpu.yield
    }) : () -> ()
    return
  }
}

module attributes {stable_mosaic.version = 14 : i64} {
  func.func @_tc1_body(%arg0: i32, %arg1: memref<8192x45xf32, #tpu.memory_space<vmem>>, %arg2: memref<45x384xf32, #tpu.memory_space<vmem>>, %arg3: memref<8192x256xf32, #tpu.memory_space<vmem>>, %arg4: memref<8192x8xf32, #tpu.memory_space<vmem>>) attributes {dimension_semantics = [#tpu.dimension_semantics<arbitrary>], iteration_bounds = array<i64: 2>, scalar_prefetch = 0 : i64, scratch_operands = 0 : i64, tpu.core_type = #tpu.core_type<tc>, window_params = [{transform_indices = @transform_0, window_bounds = array<i64: 8192, 45>}, {pipeline_mode = #tpu.pipeline_mode<synchronous>, transform_indices = @transform_1, window_bounds = array<i64: 45, 384>}, {transform_indices = @transform_2, window_bounds = array<i64: 8192, 256>}, {transform_indices = @transform_3, window_bounds = array<i64: 8192, 8>}]} {
    %get3A = arith.constant 0 : index
    %get3A_0 = arith.constant 0 : index
    %get3A_1 = vector.load %arg1[%get3A, %get3A_0] : memref<8192x45xf32, #tpu.memory_space<vmem>>, vector<8192x45xf32>
    %get3A_2 = arith.constant 0 : index
    %get3A_3 = arith.constant 0 : index
    %get3A_4 = vector.load %arg2[%get3A_2, %get3A_3] : memref<45x384xf32, #tpu.memory_space<vmem>>, vector<45x384xf32>
    %dot_general3A = arith.constant dense<0.000000e+00> : vector<8192x384xf32>
    %dot_general3A_5 = tpu.matmul %get3A_1, %get3A_4, %dot_general3A {dimension_numbers = #tpu.dot_dimension_numbers<[1], [0], [0], [1], [0, 0, 1, 1], [], []>, transpose_lhs_hint = false} : vector<8192x45xf32>, vector<45x384xf32>, vector<8192x384xf32> -> vector<8192x384xf32>
    %slice3A = vector.extract_strided_slice %dot_general3A_5 {offsets = [0, 0], sizes = [8192, 256], strides = [1, 1]} : vector<8192x384xf32> to vector<8192x256xf32>
    %swap3A = arith.constant 0 : index
    %swap3A_6 = arith.constant 0 : index
    %swap3A_7 = vector.load %arg3[%swap3A, %swap3A_6] : memref<8192x256xf32, #tpu.memory_space<vmem>>, vector<8192x256xf32>
    tpu.vector_store %arg3[%swap3A, %swap3A_6], %slice3A {strides = array<i32>} : memref<8192x256xf32, #tpu.memory_space<vmem>>, vector<8192x256xf32>,
    %slice3A_8 = vector.extract_strided_slice %dot_general3A_5 {offsets = [0, 256], sizes = [8192, 128], strides = [1, 1]} : vector<8192x384xf32> to vector<8192x128xf32>
    %slice3A_9 = vector.extract_strided_slice %get3A_1 {offsets = [0, 2], sizes = [8192, 3], strides = [1, 1]} : vector<8192x45xf32> to vector<8192x3xf32>
    %slice3A_10 = vector.extract_strided_slice %slice3A_8 {offsets = [0, 1], sizes = [8192, 3], strides = [1, 1]} : vector<8192x128xf32> to vector<8192x3xf32>
    %mul3A = arith.mulf %slice3A_9, %slice3A_10 : vector<8192x3xf32>
    %reduce_sum3A = arith.constant dense<0.000000e+00> : vector<8192xf32>
    %reduce_sum3A_11 = vector.multi_reduction <add>, %mul3A, %reduce_sum3A [1] : vector<8192x3xf32> to vector<8192xf32>
    %broadcast_in_dim3A = vector.shape_cast %reduce_sum3A_11 : vector<8192xf32> to vector<8192x1xf32>
    %slice3A_12 = vector.extract_strided_slice %slice3A_8 {offsets = [0, 0], sizes = [8192, 1], strides = [1, 1]} : vector<8192x128xf32> to vector<8192x1xf32>
    %broadcast_in_dim3A_13 = arith.constant 0.000000e+00 : f32
    %broadcast_in_dim3A_14 = vector.broadcast %broadcast_in_dim3A_13 : f32 to vector<8192x6xf32>
    %concatenate3A = tpu.concatenate %broadcast_in_dim3A, %slice3A_12, %broadcast_in_dim3A_14 in 1 : vector<8192x1xf32>, vector<8192x1xf32>, vector<8192x6xf32> -> vector<8192x8xf32>
    %swap3A_15 = arith.constant 0 : index
    %swap3A_16 = arith.constant 0 : index
    %swap3A_17 = vector.load %arg4[%swap3A_15, %swap3A_16] : memref<8192x8xf32, #tpu.memory_space<vmem>>, vector<8192x8xf32>
    tpu.vector_store %arg4[%swap3A_15, %swap3A_16], %concatenate3A {strides = array<i32>} : memref<8192x8xf32, #tpu.memory_space<vmem>>, vector<8192x8xf32>,
    return
  }
  func.func @transform_0(%arg0: i32) -> (i32, i32) {
    %c0_i32 = arith.constant 0 : i32
    %c0_i32_0 = arith.constant 0 : i32
    return %arg0, %c0_i32 : i32, i32
  }
  func.func @transform_1(%arg0: i32) -> (i32, i32) {
    %c0_i32 = arith.constant 0 : i32
    %c0_i32_0 = arith.constant 0 : i32
    %c0_i32_1 = arith.constant 0 : i32
    return %c0_i32, %c0_i32_0 : i32, i32
  }
  func.func @transform_2(%arg0: i32) -> (i32, i32) {
    %c0_i32 = arith.constant 0 : i32
    %c0_i32_0 = arith.constant 0 : i32
    return %arg0, %c0_i32 : i32, i32
  }
  func.func @transform_3(%arg0: i32) -> (i32, i32) {
    %c0_i32 = arith.constant 0 : i32
    %c0_i32_0 = arith.constant 0 : i32
    return %arg0, %c0_i32 : i32, i32
  }
}

module attributes {stable_mosaic.version = 14 : i64} {
  func.func @_tc2_body(%arg0: i32, %arg1: memref<16384x8xf32, #tpu.memory_space<vmem>>, %arg2: memref<16384x16xf32, #tpu.memory_space<vmem>>, %arg3: memref<16384x1xf32, #tpu.memory_space<vmem>>, %arg4: memref<2xf32, #tpu.memory_space<smem>>, %arg5: memref<16384x1xf32, #tpu.memory_space<vmem>>) attributes {dimension_semantics = [#tpu.dimension_semantics<arbitrary>], iteration_bounds = array<i64: 1>, scalar_prefetch = 0 : i64, scratch_operands = 0 : i64, tpu.core_type = #tpu.core_type<tc>, window_params = [{transform_indices = @transform_0, window_bounds = array<i64: 16384, 8>}, {transform_indices = @transform_1, window_bounds = array<i64: 16384, 16>}, {transform_indices = @transform_2, window_bounds = array<i64: 16384, 1>}, {transform_indices = @transform_3, window_bounds = array<i64: 2>}, {transform_indices = @transform_4, window_bounds = array<i64: 16384, 1>}]} {
    %get3A = arith.constant 0 : index
    %get3A_0 = arith.constant 0 : index
    %get3A_1 = vector.load %arg1[%get3A, %get3A_0] : memref<16384x8xf32, #tpu.memory_space<vmem>>, vector<16384x1xf32>
    %get3A_2 = arith.constant 0 : index
    %get3A_3 = arith.constant 0 : index
    %get3A_4 = vector.load %arg2[%get3A_2, %get3A_3] : memref<16384x16xf32, #tpu.memory_space<vmem>>, vector<16384x16xf32>
    %reduce_sum3A = arith.constant dense<0.000000e+00> : vector<16384xf32>
    %reduce_sum3A_5 = vector.multi_reduction <add>, %get3A_4, %reduce_sum3A [1] : vector<16384x16xf32> to vector<16384xf32>
    %broadcast_in_dim3A = vector.shape_cast %reduce_sum3A_5 : vector<16384xf32> to vector<16384x1xf32>
    %add3A = arith.addf %get3A_1, %broadcast_in_dim3A : vector<16384x1xf32>
    %get3A_6 = arith.constant 0 : index
    %get3A_7 = arith.constant 1 : index
    %get3A_8 = vector.load %arg1[%get3A_6, %get3A_7] : memref<16384x8xf32, #tpu.memory_space<vmem>>, vector<16384x1xf32>
    %get3A_9 = arith.constant 0 : index
    %get3A_10 = arith.constant 0 : index
    %get3A_11 = vector.load %arg3[%get3A_9, %get3A_10] : memref<16384x1xf32, #tpu.memory_space<vmem>>, vector<16384x1xf32>
    %get3A_12 = arith.constant 0 : index
    %get3A_13 = memref.load %arg4[%get3A_12] : memref<2xf32, #tpu.memory_space<smem>>
    %get3A_14 = arith.constant 1 : index
    %get3A_15 = memref.load %arg4[%get3A_14] : memref<2xf32, #tpu.memory_space<smem>>
    %add3A_16 = arith.addf %get3A_11, %get3A_8 : vector<16384x1xf32>
    %mul3A = vector.broadcast %get3A_13 : f32 to vector<16384x1xf32>
    %mul3A_17 = arith.mulf %add3A, %mul3A : vector<16384x1xf32>
    %add3A_18 = arith.addf %add3A_16, %mul3A_17 : vector<16384x1xf32>
    %add3A_19 = vector.broadcast %get3A_15 : f32 to vector<16384x1xf32>
    %add3A_20 = arith.addf %add3A_18, %add3A_19 : vector<16384x1xf32>
    %logistic3A = arith.negf %add3A_20 : vector<16384x1xf32>
    %logistic3A_21 = math.exp %logistic3A : vector<16384x1xf32>
    %logistic3A_22 = arith.constant 1.000000e+00 : f32
    %logistic3A_23 = vector.broadcast %logistic3A_22 : f32 to vector<16384x1xf32>
    %logistic3A_24 = arith.addf %logistic3A_23, %logistic3A_21 : vector<16384x1xf32>
    %logistic3A_25 = arith.divf %logistic3A_23, %logistic3A_24 : vector<16384x1xf32>
    %swap3A = arith.constant 0 : index
    %swap3A_26 = arith.constant 0 : index
    %swap3A_27 = vector.load %arg5[%swap3A, %swap3A_26] : memref<16384x1xf32, #tpu.memory_space<vmem>>, vector<16384x1xf32>
    tpu.vector_store %arg5[%swap3A, %swap3A_26], %logistic3A_25 {strides = array<i32>} : memref<16384x1xf32, #tpu.memory_space<vmem>>, vector<16384x1xf32>,
    return
  }
  func.func @transform_0(%arg0: i32) -> (i32, i32) {
    %c0_i32 = arith.constant 0 : i32
    %c0_i32_0 = arith.constant 0 : i32
    return %arg0, %c0_i32 : i32, i32
  }
  func.func @transform_1(%arg0: i32) -> (i32, i32) {
    %c0_i32 = arith.constant 0 : i32
    %c0_i32_0 = arith.constant 0 : i32
    return %arg0, %c0_i32 : i32, i32
  }
  func.func @transform_2(%arg0: i32) -> (i32, i32) {
    %c0_i32 = arith.constant 0 : i32
    %c0_i32_0 = arith.constant 0 : i32
    return %arg0, %c0_i32 : i32, i32
  }
  func.func @transform_3(%arg0: i32) -> i32 {
    %c0_i32 = arith.constant 0 : i32
    %c0_i32_0 = arith.constant 0 : i32
    return %c0_i32 : i32
  }
  func.func @transform_4(%arg0: i32) -> (i32, i32) {
    %c0_i32 = arith.constant 0 : i32
    %c0_i32_0 = arith.constant 0 : i32
    return %arg0, %c0_i32 : i32, i32
  }
}

</mosaic_0001>

<sc_bundles>
// kernel: kernel.5.cloned.1.call-start
scs
__scs_entry_jumppad:
0x0: {  	(pc) =	sbr.rel $0x88, $3  }
0x1: {  	(tag) =	ssettag $0x0;
	lr =	simm.s32 $0x1  }
0x2: {  	[smem:$0x3F90] =	sst lr;
	_ =	strace $0xD0000000  }
0x3: {  	_ = 	snop  }
0x4: {  	_ = 	snop  }
0x5: {  	_ = 	snop  }
0x6: {  	_ = 	snop  }
0x7: {  	_ = 	snop  }
__scs_overlays_trampoline_lowered:
0x8: {  	[smem:$0x3F9F] =	sst s0  }
0x9: {  	[smem:$0x3FA0] =	sst s1  }
0xa: {  	[smem:$0x3FA1] =	sst s2  }
0xb: {  	[smem:$0x3FA2] =	sst s3  }
0xc: {  	[smem:$0x3FA3] =	sst s4  }
0xd: {  	[smem:$0x3FA4] =	sst s5  }
0xe: {  	[smem:$0x3FA5] =	sst s6  }
0xf: {  	[smem:$0x3FA6] =	sst s7  }
0x10: {  	[smem:$0x3FA7] =	sst s8  }
0x11: {  	[smem:$0x3FA8] =	sst s9;
	s0 =	simm.s32 @!p0 $0x0  }
0x12: {  	s1 =	sld [smem:$0x3F8E];
	s0 =	simm.s32 @p0 $0x1  }
0x13: {  	[smem:$0x3FA9] =	sst s0;
	s0 =	simm.s32 @!p1 $0x0  }
0x14: {  	s2 =	sld [smem:$0x3F8D];
	s0 =	simm.s32 @p1 $0x1  }
0x15: {  	[smem:$0x3FAA] =	sst s0;
	s0 =	simm.s32 @!p2 $0x0  }
0x16: {  	s3 =	sld [smem:$0x3FDB];
	s0 =	simm.s32 @p2 $0x1  }
0x17: {  	s4 =	simm.s32 $0x1BF5;
	[smem:$0x3FAC] =	sst s0  }
0x18: {  	s0 =	sld [smem:$0x3F8F];
	_ =	swait.ge [sflag:s4], $0x0  }
0x19: {  	s7 =	sld [smem:$0x3F90]  }
0x1a: {  	s8 =	sadd.s32 $0xFFFFE003, lr  }
0x1b: {  	s9 =	sadd.s32 $0xFFFFFEF7, lr;
	s5 =	simm.s32 $0xFFFFFFFF;
	p2 =	slt.u32 s8, $0xFFFFF086  }
0x1c: {  	p1 =	slt.u32 s9, $0xF7A;
	s5 =	simm.s32 @!p2 $0x0  }
0x1d: {  	s5 =	simm.s32 @p1 $0x1;
	p0 =	seq.s32 s7, s2  }
0x1e: {  	s7 =	smul.u32 @!p0 $0xF7A, s2;
	p2 =	seq.s32 @!p0 s5, $0x0  }
0x1f: {  	s9 =	smul.u32 $0xF7A, s1;
	s8 =	simm.s32 @!p0 $0x1BF5;
	p2 =	por !p2, p0  }
0x20: {  	[sflag:s8] =	ssyncset.s32 @!p0 $0xFFFFF086;
	s6 =	sadd.s32 @!p0 s3, s7;
	s7 =	simm.s32 @!p0 $0x108  }
0x21: {  	s3 =	sadd.s32 s3, s9;
	s6 =	sadd.s32 @!p0 $0x88, s6;
	s7 =	simm.s32 @p2 $0x1082  }
0x22: {  	[simem:s7], [sflag:s8] =	dma.local @!p0 [hbm:s6], $0xF7A  }
0x23: {  	s9 =	sor.u32 $0xD0000000, s2;
	s6 =	simm.s32 $0x108;
	_ =	swait.ge @!p0 [sflag:s8], $0x0  }
0x24: {  	s3 =	sadd.s32 $0x88, s3;
	s6 =	simm.s32 @!p1 $0x1082;
	[sflag:s4] =	ssyncset.s32 $0xFFFFF086  }
0x25: {  	[simem:s6], [sflag:s4] =	dma.local [hbm:s3], $0xF7A  }
0x26: {  	[smem:$0x3F90] =	sst s1;
	(tag) =	ssettag s2;
	_ =	strace s9  }
0x27: {  	s1 =	sld [smem:$0x3FA0]  }
0x28: {  	s2 =	sld [smem:$0x3FA1]  }
0x29: {  	s4 =	sld [smem:$0x3FA3]  }
0x2a: {  	p0 =	seq.s32 s5, $0x0;
	s5 =	sld [smem:$0x3FA4]  }
0x2b: {  	s6 =	sld [smem:$0x3FA5]  }
0x2c: {  	s7 =	sld [smem:$0x3FA6]  }
0x2d: {  	s3 =	simm.s32 $0x108;
	s8 =	sld [smem:$0x3FA7]  }
0x2e: {  	s3 =	simm.s32 @!p0 $0x1082;
	s9 =	sld [smem:$0x3FA8]  }
0x2f: {  	lr =	sadd.s32 s0, s3;
	s0 =	sld [smem:$0x3F9F]  }
0x30: {  	s3 =	sld [smem:$0x3FA2]  }
0x31: {  	[smem:$0x3FAB] =	sst s10  }
0x32: {  	s10 =	sld [smem:$0x3FA9];
	_ =	sdelay $0x3  }
0x33: {  	p0 =	seq.s32 s10, $0x1;
	s10 =	sld [smem:$0x3FAB];
	_ =	sdelay $0x3  }
0x34: {  	[smem:$0x3FAB] =	sst s10  }
0x35: {  	s10 =	sld [smem:$0x3FAA];
	_ =	sdelay $0x3  }
0x36: {  	p1 =	seq.s32 s10, $0x1;
	s10 =	sld [smem:$0x3FAB];
	_ =	sdelay $0x3  }
0x37: {  	[smem:$0x3FAB] =	sst s10  }
0x38: {  	s10 =	sld [smem:$0x3FAC]  }
0x39: {  	_ = 	snop;
	(pc) =	sbr.ind lr, $3  }
0x3a: {  	_ = 	snop  }
0x3b: {  	_ = 	snop  }
0x3c: {  	p2 =	seq.s32 s10, $0x1;
	s10 =	sld [smem:$0x3FAB]  }
0x3d: {  	_ =	shalt  }
0x3e: {  	_ =	shalt  }
0x3f: {  	_ =	shalt  }
0x40: {  	_ =	shalt  }
0x41: {  	_ =	shalt  }
0x42: {  	_ =	shalt  }
0x43: {  	_ =	shalt  }
0x44: {  	_ =	shalt  }
0x45: {  	_ =	shalt  }
0x46: {  	_ =	shalt  }
0x47: {  	_ =	shalt  }
0x48: {  	_ =	shalt  }
0x49: {  	_ =	shalt  }
0x4a: {  	_ =	shalt  }
0x4b: {  	_ =	shalt  }
0x4c: {  	_ =	shalt  }
0x4d: {  	_ =	shalt  }
0x4e: {  	_ =	shalt  }
0x4f: {  	_ =	shalt  }
0x50: {  	_ =	shalt  }
0x51: {  	_ =	shalt  }
0x52: {  	_ =	shalt  }
0x53: {  	_ =	shalt  }
0x54: {  	_ =	shalt  }
0x55: {  	_ =	shalt  }
0x56: {  	_ =	shalt  }
0x57: {  	_ =	shalt  }
0x58: {  	_ =	shalt  }
0x59: {  	_ =	shalt  }
0x5a: {  	_ =	shalt  }
0x5b: {  	_ =	shalt  }
0x5c: {  	_ =	shalt  }
0x5d: {  	_ =	shalt  }
0x5e: {  	_ =	shalt  }
0x5f: {  	_ =	shalt  }
0x60: {  	_ =	shalt  }
0x61: {  	_ =	shalt  }
0x62: {  	_ =	shalt  }
0x63: {  	_ =	shalt  }
0x64: {  	_ =	shalt  }
0x65: {  	_ =	shalt  }
0x66: {  	_ =	shalt  }
0x67: {  	_ =	shalt  }
0x68: {  	_ =	shalt  }
0x69: {  	_ =	shalt  }
0x6a: {  	_ =	shalt  }
0x6b: {  	_ =	shalt  }
0x6c: {  	_ =	shalt  }
0x6d: {  	_ =	shalt  }
0x6e: {  	_ =	shalt  }
0x6f: {  	_ =	shalt  }
0x70: {  	_ =	shalt  }
0x71: {  	_ =	shalt  }
0x72: {  	_ =	shalt  }
0x73: {  	_ =	shalt  }
0x74: {  	_ =	shalt  }
0x75: {  	_ =	shalt  }
0x76: {  	_ =	shalt  }
0x77: {  	_ =	shalt  }
0x78: {  	_ =	shalt  }
0x79: {  	_ =	shalt  }
0x7a: {  	_ =	shalt  }
0x7b: {  	_ =	shalt  }
0x7c: {  	_ =	shalt  }
0x7d: {  	_ =	shalt  }
0x7e: {  	_ =	shalt  }
0x7f: {  	_ =	shalt  }
0x80: {  	_ =	shalt  }
0x81: {  	_ =	shalt  }
0x82: {  	_ =	shalt  }
0x83: {  	_ =	shalt  }
0x84: {  	_ =	shalt  }
0x85: {  	_ =	shalt  }
0x86: {  	_ =	shalt  }
0x87: {  	_ =	shalt  }
.Lfunc_end0:
.L_simem_size_0:
called_computation_lowered:
.L_overlay_start_0:
0x88: {  	s2 =	sld [smem:$0x3FD9]  }
0x89: {  	s3 =	sld [smem:$0x3FFE];
	_ =	sdelay $0x1  }
0x8a: {  	s1 =	srdreg.scid  }
0x8b: {  	s0 =	sand.u32 $0x1, s1  }
0x8c: {  	s17 =	sshll.u32 s0, $0xA;
	s2 =	sadd.s32 s3, s2  }
0x8d: {  	s2 =	sadd.s32 s2, s17  }
0x8e: {  	[smem:$0x3FB7] =	sst s2  }
0x8f: {  	_ = 	snop  }
0x90: {  	s2 =	sld [smem:$0x3FD0];
	(tm) =	ssettm $0x1  }
0x91: {  	s18 =	sld [smem:$0x3FFB];
	_ =	sdelay $0x3  }
0x92: {  	_ =	strace s18  }
0x93: {  	s3 =	sld [smem:$0x3FFC];
	_ =	sdelay $0x3  }
0x94: {  	_ =	strace s3  }
0x95: {  	s3 =	sld [smem:$0x3FFD];
	_ =	sdelay $0x3  }
0x96: {  	_ =	strace s3  }
0x97: {  	_ =	strace $0x8FFFFFFF  }
0x98: {  	s19 =	sld [smem:$0x3FDB];
	_ =	sdelay $0x1  }
0x99: {  	s4 =	simm.s32 $_scs_section_size  }
0x9a: {  	s5 =	simm.s32 $_size__tile_overlayer_lowered;
	s6 =	simm.s32 $_tile_overlayer_lowered  }
0x9b: {  	s22 =	simm.s32 $0x1BFF;
	s21 =	sshll.u32 s6, $0x1;
	s3 =	sadd.s32 s4, s19  }
0x9c: {  	s7 =	simm.s32 $0x0;
	s20 =	sshll.u32 s5, $0x1;
	s5 =	sadd.s32 s21, s3  }
0x9d: {  	[timem:s7], [sflag:s22] =	dma.local [hbm:s5], s20  }
0x9e: {  	_ =	swait.ge [sflag:s22], s20  }
0x9f: {  	s4 =	ssub.s32 $0x0, s20;
	[sflag:s22] =	ssyncset.done $0x0  }
0xa0: {  	[sflag:s22] =	ssyncadd.s32 s4;
	_ =	sdelay $0x1  }
0xa1: {  	s23 =	simm.s32 $0x1B8B  }
0xa2: {  	_ =	swait.ge [sflag:s23], $0x1  }
0xa3: {  	[sflag:s23] =	ssyncset.done $0x0  }
0xa4: {  	s25 =	simm.s32 $0x1B8E;
	s24 =	sld [smem:$0x3FFE];
	[sflag:s23] =	ssyncadd.s32 $0xFFFFFFFF  }
0xa5: {  	s26 =	simm.s32 $execute0_lowered;
	[smem:$0x3FD2] =	sst s25  }
0xa6: {  	s5 =	sshll.u32 s26, $0x1;
	_ =	strace $0x80000046;
	[dreg:$0x1] =	wrdreg $0xFFFFFFFF  }
0xa7: {  	s28 =	simm.s32 $_size_execute0_lowered;
	s3 =	sadd.s32 s3, s5;
	[dreg:$0x0] =	wrdreg $0x0  }
0xa8: {  	s5 =	sshll.u32 s28, $0x1;
	[dreg:$0x2] =	wrdreg s3  }
0xa9: {  	[dreg:$0x3] =	wrdreg s5  }
0xaa: {  	[dreg:$0x4] =	wrdreg $0xC0  }
0xab: {  	_ =	task [dreg:s7], $0x5FFFF  }
0xac: {  	[dreg:$0x1] =	wrdreg $0xFFFFFFFF  }
0xad: {  	[dreg:$0x0] =	wrdreg $0x60  }
0xae: {  	[dreg:$0x2] =	wrdreg s24  }
0xaf: {  	[dreg:$0x3] =	wrdreg s2  }
0xb0: {  	[dreg:$0x4] =	wrdreg $0x9  }
0xb1: {  	_ =	task.clear_ibuf [dreg:s7], $0x5FFFF;
	_ =	strace $0x90000046  }
0xb2: {  	s29 =	simm.s32 $0x9;
	_ =	strace $0x80000048  }
0xb3: {  	_ =	swait.ge [sflag:s29], $0x1  }
0xb4: {  	[sflag:s29] =	ssyncadd.s32 $0xFFFFFFFF  }
0xb5: {  	_ =	strace $0x90000048  }
0xb6: {  	_ =	sfence  }
0xb7: {  	s30 =	sld [smem:$0x0];
	_ =	sdelay $0x2  }
0xb8: {  	s31 =	sshll.u32 s1, $0xD;
	s1 =	sshrl.u32 s1, $0x2  }
0xb9: {  	s3 =	sand.u32 $0x4000, s31;
	s1 =	sadd.s32 s1, s30  }
0xba: {  	s0 =	sor.u32 s3, s0;
	s1 =	sshll.u32 s1, $0x11  }
0xbb: {  	s0 =	sor.u32 s1, s0  }
0xbc: {  	s0 =	sadd.s32 $0x8F2B, s0  }
0xbd: {  	[sflag:s0] =	ssyncadd.remote.s32 $0x1  }
0xbe: {  	_ =	sfence.sel $0xFFFF  }
0xbf: {  	[dreg:$0x0] =	wrdreg $0xFFFFFFFF;
	(pc) =	sbr.abs _section_cstart, $3  }
0xc0: {  	[dreg:$0x1] =	wrdreg $0xFFFFFFFF  }
0xc1: {  	_ =	task.clear_ibuf [dreg:s7], $0x2FFFF;
	_ =	strace $0x9FFFFFFF  }
0xc2: {  	(tm) =	ssettm $0x7FFFFFFF  }
0xc3: {  	_ =	shalt  }
tec
execute0_lowered:
.L_overlay_start_1:
0x0: {  	(tag) =	ssettag $0x1  }
0x1: {  	s0 =	rddreg [dreg:$0x0]  }
0x2: {  	s4 =	rddreg [dreg:$0x1];
	s1 =	simm.s32 $0x0;
	s6 =	srdreg.scid  }
0x3: {  	s10 =	stileid.u32;
	s28 =	simm.s32 $0x1D900;
	s29 =	simm.s32 $0x1  }
0x4: {  	s30 =	simm.s32 $0x2;
	[smem:$0x7FF] =	sst s1;
	s2 =	sadd.s32 $0x82C00, s0  }
0x5: {  	s3 =	sadd.s32 $0x86800, s0;
	s5 =	sadd.s32 $0x2800, s0;
	s18 =	sadd.s32 $0x2A00, s0  }
0x6: {  	s19 =	sadd.s32 $0x2C00, s0;
	s16 =	sadd.s32 $0x8DA00, s0;
	s6 =	sand.u32 $0x1, s6  }
0x7: {  	s7 =	sshll.u32 s10, $0x7;
	_ =	strace $0x80000047;
	[dreg:$0x3] =	wrdreg s5  }
0x8: {  	s10 =	sshll.u32 s10, $0x1;
	[dreg:$0x4] =	wrdreg s18;
	s8 =	sshll.u32 s6, $0x6  }
0x9: {  	s9 =	ssub.s32 $0x2, s6;
	s6 =	sor.u32 s6, s10;
	s8 =	sor.u32 s8, s7  }
0xa: {  	s20 =	sshrl.u32 s9, $0x1;
	s14 =	sshll.u32 s6, $0x6;
	s22 =	sshll.u32 s6, $0xE  }
0xb: {  	s24 =	sshll.u32 s6, $0xD;
	s0 =	sadd.s32 s8, s0;
	s18 =	ssub.s32 s9, s20  }
0xc: {  	s12 =	sor.u32 $0x10, s14;
	s8 =	sadd.s32 s4, s8;
	s9 =	sadd.s32 s19, s22  }
0xd: {  	s25 =	sor.u32 $0x20, s14;
	s11 =	sadd.s32 s16, s24;
	s31 =	sor.u32 $0x30, s14  }
0xe: {  	s20 =	simm.s32 $0x200;
	s22 =	simm.s32 $0x19500;
	s24 =	simm.s32 $0x80  }
0xf: {  	s21 =	sadd.s32 $0x2000, s0;
	s23 =	sshll.u32 s12, $0x8;
	s26 =	sshll.u32 s25, $0x8  }
0x10: {  	s13 =	sshll.u32 s12, $0x7;
	s14 =	sshll.u32 s31, $0x8;
	s6 =	sshll.u32 s25, $0x7  }
.Ltmp0:
0x11: {  	s4 =	sshll.u32 s31, $0x7;
	s17 =	sadd.s32 $0x8D200, s0;
	(pc) =	sbr.rel .LBB2_1-.Ltmp0, $4  }
0x12: {  	v0 =	vimm.s32 $0x180;
	vm0 =	vcmask $0x300;
	s18 =	smax.u32 s18, $0x1;
	s0 =	simm.s32 $0x3;
	s25 =	simm.s32 $0x0  }
0x13: {  	vm14 =	vcmask $0x704;
	v0 =	vsel vm0, $0x0, v0;
	[dreg:$0x5] =	wrdreg s21;
	s10 =	sadd.s32 s19, s23;
	s12 =	sadd.s32 s19, s26  }
0x14: {  	vm15 =	vcmask $0xB08;
	v0 =	vsel vm14, $0x80, v0;
	s13 =	sadd.s32 s16, s13;
	s14 =	sadd.s32 s19, s14;
	s15 =	sadd.s32 s16, s6  }
0x15: {  	v0 =	vsel vm15, $0x100, v0;
	s16 =	sadd.s32 s16, s4;
	s19 =	simm.s32 $0x4;
	s26 =	simm.s32 $0x1D500  }
.LBB2_29:
0x16: {  	[hbm4b:s16+s1] =	stream.linear.scatter [tilespmem:s22], [sflag:$0x4], $0x4000, $0x38;
	[tilespmem:$0x1E200] =	vst v63  }
0x17: {  	s25 =	sadd.s32 $0x1, s25;
	_ =	swait.ge [sflag:s19], $0x4000  }
0x18: {  	p0 =	sne.s32 s25, s18;
	[sflag:s19] =	ssyncset.done $0x0  }
.Ltmp1:
0x19: {  	s4 =	simm.s32 $0x1E000;
	[sflag:s19] =	ssyncadd.s32 $0xFFFFC000;
	(pc) =	sbr.rel @!p0 .LBB2_30-.Ltmp1, $4  }
0x1a: {  	[hbm4b:s17+s1] =	stream.linear.scatter [tilespmem:s4], [sflag:$0x4], $0x200, $0x38;
	[tilespmem:$0x1E200] =	vst v63  }
0x1b: {  	_ =	swait.ge [sflag:s19], $0x200  }
0x1c: {  	[sflag:s19] =	ssyncset.done $0x0  }
0x1d: {  	[sflag:s19] =	ssyncadd.s32 $0xFFFFFE00  }
.LBB2_1:
0x1e: {  	s4 =	rddreg [dreg:$0x5]  }
0x1f: {  	[tilespmem:s1], [sflag:$0x4] =	stream.linear.gather [hbm4b:s4+s1], $0x200, $0x38;
	[tilespmem:$0x1E200] =	vst v63  }
0x20: {  	_ =	swait.ge [sflag:s19], $0x200  }
0x21: {  	[sflag:s19] =	ssyncset.done $0x0  }
0x22: {  	[sflag:s19] =	ssyncadd.s32 $0xFFFFFE00  }
0x23: {  	[tilespmem:s20], [sflag:$0x4] =	stream.linear.gather [hbm4b:s8+s1], $0x200, $0x38;
	[tilespmem:$0x1E200] =	vst v63  }
0x24: {  	_ =	swait.ge [sflag:s19], $0x200  }
0x25: {  	[sflag:s19] =	ssyncset.done $0x0  }
0x26: {  	[sflag:s19] =	ssyncadd.s32 $0xFFFFFE00  }
0x27: {  	v1 =	vld.idx.msk [tilespmem:v0+s1+$0x0], $0xffff;
	_ =	sdelay $0x4  }
0x28: {  	[tilespmem:$0x9400] =	vst v1  }
0x29: {  	v1 =	vld.idx.msk [tilespmem:v0+s20+$0x0], $0xffff;
	_ =	sdelay $0x4  }
0x2a: {  	s21 =	simm.s32 $0x10;
	s5 =	simm.s32 $0x9400;
	s6 =	simm.s32 $0x8400;
	[tilespmem:$0x9480] =	vst v1  }
0x2b: {  	[tilespmem:s6], [sflag:$0x1] =	stream.indirect.gather [hbm4b:s2+s21], $0x80, s5, s21, $0xb8;
	[tilespmem:$0x1E200] =	vst v63  }
0x2c: {  	s23 =	simm.s32 $0x9480;
	s31 =	simm.s32 $0x8C00  }
0x2d: {  	[tilespmem:s31], [sflag:$0x2] =	stream.indirect.gather [hbm4b:s3+s21], $0x80, s23, s21, $0xb8;
	[tilespmem:$0x1E200] =	vst v63  }
0x2e: {  	s6 =	rddreg [dreg:$0x3]  }
0x2f: {  	[tilespmem:s26], [sflag:$0x4] =	stream.linear.gather [hbm4b:s6+s1], $0x400, $0x38;
	[tilespmem:$0x1E200] =	vst v63  }
0x30: {  	_ =	swait.ge [sflag:s19], $0x400  }
0x31: {  	[sflag:s19] =	ssyncset.done $0x0  }
0x32: {  	s7 =	rddreg [dreg:$0x4];
	[sflag:s19] =	ssyncadd.s32 $0xFFFFFC00  }
0x33: {  	[tilespmem:s28], [sflag:$0x4] =	stream.linear.gather [hbm4b:s7+s1], $0x700, $0x38;
	[tilespmem:$0x1E200] =	vst v63  }
0x34: {  	_ =	swait.ge [sflag:s19], $0x700  }
0x35: {  	[sflag:s19] =	ssyncset.done $0x0  }
0x36: {  	[sflag:s19] =	ssyncadd.s32 $0xFFFFF900  }
0x37: {  	_ =	swait.ge [sflag:s29], $0x800  }
0x38: {  	[sflag:s29] =	ssyncset.done $0x0  }
0x39: {  	[sflag:s29] =	ssyncadd.s32 $0xFFFFF800  }
0x3a: {  	_ =	swait.ge [sflag:s30], $0x800  }
0x3b: {  	[sflag:s30] =	ssyncset.done $0x0  }
0x3c: {  	s21 =	simm.s32 $0x9500;
	[sflag:s30] =	ssyncadd.s32 $0xFFFFF800  }
0x3d: {  	[tilespmem:s21], [sflag:$0x3] =	stream.linear.gather [hbm4b:s9+s1], $0x8000, $0x38;
	[tilespmem:$0x1E200] =	vst v63  }
0x3e: {  	v1 =	vld [tilespmem:$0x0]  }
0x3f: {  	v2 =	vld [tilespmem:$0x200];
	_ =	sdelay $0x5  }
0x40: {  	v5 =	vld [tilespmem:$0x10]  }
0x41: {  	v3 =	vld.idx.msk [tilespmem:v1+s26+$0x0], $0xffff  }
0x42: {  	v4 =	vld.idx.msk [tilespmem:v2+s28+$0x0], $0xffff  }
0x43: {  	v6 =	vld [tilespmem:$0x210];
	_ =	sdelay $0x3  }
0x44: {  	v3 =	vadd.f32 v4, v3;
	_ =	sdelay $0x1  }
0x45: {  	v35 =	vld [tilespmem:$0x20];
	[tilespmem:$0x1E000] =	vst v3  }
0x46: {  	v3 =	vld.idx.msk [tilespmem:v5+s26+$0x0], $0xffff  }
0x47: {  	v34 =	vld.idx.msk [tilespmem:v6+s28+$0x0], $0xffff  }
0x48: {  	v36 =	vld [tilespmem:$0x220];
	_ =	sdelay $0x3  }
0x49: {  	v3 =	vadd.f32 v34, v3;
	_ =	sdelay $0x1  }
0x4a: {  	v38 =	vld [tilespmem:$0x30];
	[tilespmem:$0x1E010] =	vst v3  }
0x4b: {  	v3 =	vld.idx.msk [tilespmem:v35+s26+$0x0], $0xffff  }
0x4c: {  	v37 =	vld.idx.msk [tilespmem:v36+s28+$0x0], $0xffff  }
0x4d: {  	v39 =	vld [tilespmem:$0x230];
	_ =	sdelay $0x3  }
0x4e: {  	v3 =	vadd.f32 v37, v3;
	_ =	sdelay $0x1  }
0x4f: {  	v41 =	vld [tilespmem:$0x40];
	[tilespmem:$0x1E020] =	vst v3  }
0x50: {  	v3 =	vld.idx.msk [tilespmem:v38+s26+$0x0], $0xffff  }
0x51: {  	v40 =	vld.idx.msk [tilespmem:v39+s28+$0x0], $0xffff  }
0x52: {  	v42 =	vld [tilespmem:$0x240];
	_ =	sdelay $0x3  }
0x53: {  	v3 =	vadd.f32 v40, v3;
	_ =	sdelay $0x1  }
0x54: {  	v44 =	vld [tilespmem:$0x50];
	[tilespmem:$0x1E030] =	vst v3  }
0x55: {  	v3 =	vld.idx.msk [tilespmem:v41+s26+$0x0], $0xffff  }
0x56: {  	v43 =	vld.idx.msk [tilespmem:v42+s28+$0x0], $0xffff  }
0x57: {  	v45 =	vld [tilespmem:$0x250];
	_ =	sdelay $0x3  }
0x58: {  	v47 =	vld [tilespmem:$0x60];
	v3 =	vadd.f32 v43, v3  }
0x59: {  	v48 =	vld [tilespmem:$0x260]  }
0x5a: {  	v7 =	vld [tilespmem:$0x210];
	[tilespmem:$0x1E040] =	vst v3  }
0x5b: {  	v3 =	vld.idx.msk [tilespmem:v44+s26+$0x0], $0xffff  }
0x5c: {  	v46 =	vld.idx.msk [tilespmem:v45+s28+$0x0], $0xffff  }
0x5d: {  	v49 =	vld [tilespmem:$0x220]  }
0x5e: {  	v8 =	vld [tilespmem:$0x230]  }
0x5f: {  	v56 =	vld [tilespmem:$0x10]  }
0x60: {  	v51 =	vld [tilespmem:$0x70]  }
0x61: {  	v14 =	vld [tilespmem:$0x20];
	v3 =	vadd.f32 v46, v3  }
0x62: {  	v9 =	vld [tilespmem:$0x270]  }
0x63: {  	v15 =	vld [tilespmem:$0x30];
	[tilespmem:$0x1E050] =	vst v3  }
0x64: {  	vm0 =	vlt.s32 v2, v7;
	vm9 =	vlt.s32 v1, v56;
	v3 =	vld.idx.msk [tilespmem:v47+s26+$0x0], $0xffff  }
0x65: {  	v11 =	vsel vm0, v7, v2;
	v58 =	vsel vm9, v56, v1;
	v50 =	vld.idx.msk [tilespmem:v48+s28+$0x0], $0xffff  }
0x66: {  	v57 =	vld [tilespmem:$0x40];
	vm1 =	vgt.s32 v11, v49;
	vm11 =	vgt.s32 v58, v14  }
0x67: {  	v52 =	vsel vm1, v11, v49;
	v2 =	vsel vm0, v2, v7;
	v1 =	vsel vm9, v1, v56  }
0x68: {  	v10 =	vld [tilespmem:$0x240];
	v7 =	vsel vm11, v58, v14;
	vm1 =	vgt.s32 v52, v8;
	vm10 =	vlt.s32 v2, v49  }
0x69: {  	v59 =	vld [tilespmem:$0x50];
	vm13 =	vlt.s32 v1, v14;
	vm14 =	vgt.s32 v7, v15;
	v2 =	vsel vm10, v2, v49  }
0x6a: {  	v12 =	vld [tilespmem:$0x250];
	v1 =	vsel vm13, v1, v14;
	v7 =	vsel vm14, v7, v15;
	v3 =	vadd.f32 v50, v3  }
0x6b: {  	v53 =	vld [tilespmem:$0x260];
	vm12 =	vlt.s32 v2, v8;
	vm4 =	vlt.s32 v1, v15;
	vm5 =	vgt.s32 v7, v57  }
0x6c: {  	v60 =	vld [tilespmem:$0x60];
	v2 =	vsel vm12, v2, v8;
	v1 =	vsel vm4, v1, v15;
	v7 =	vsel vm5, v7, v57;
	[tilespmem:$0x1E060] =	vst v3  }
0x6d: {  	vm15 =	vlt.s32 v2, v10;
	vm7 =	vlt.s32 v1, v57;
	v3 =	vsel vm1, v52, v8;
	v54 =	vld.idx.msk [tilespmem:v51+s26+$0x0], $0xffff  }
0x6e: {  	vm8 =	vgt.s32 v7, v59;
	v2 =	vsel vm15, v2, v10;
	vm1 =	vgt.s32 v3, v10;
	v55 =	vld.idx.msk [tilespmem:v9+s28+$0x0], $0xffff  }
0x6f: {  	v13 =	vld [tilespmem:$0x270];
	v1 =	vsel vm7, v1, v57;
	v62 =	vsel vm8, v7, v59;
	v3 =	vsel vm1, v3, v10  }
0x70: {  	v61 =	vld [tilespmem:$0x70];
	vm6 =	vlt.s32 v2, v12;
	vm10 =	vlt.s32 v1, v59;
	vm1 =	vgt.s32 v3, v12  }
0x71: {  	vm11 =	vgt.s32 v62, v60;
	v2 =	vsel vm6, v2, v12;
	v3 =	vsel vm1, v3, v12  }
0x72: {  	v1 =	vsel vm10, v1, v59;
	v63 =	vsel vm11, v62, v60;
	vm1 =	vgt.s32 v3, v53  }
0x73: {  	vm9 =	vlt.s32 v2, v53;
	v3 =	vsel vm1, v3, v53;
	v5 =	vadd.f32 v55, v54  }
0x74: {  	vm13 =	vlt.s32 v1, v60;
	v2 =	vsel vm9, v2, v53;
	vm1 =	vgt.s32 v3, v13  }
0x75: {  	vm14 =	vgt.s32 v63, v61;
	vm12 =	vlt.s32 v2, v13;
	v3 =	vsel vm1, v3, v13;
	[tilespmem:$0x1E070] =	vst v5  }
0x76: {  	v1 =	vsel vm13, v1, v60;
	v2 =	vsel vm12, v2, v13;
	v3 =	vxor.u32 $0x80000000, v3;
	_ =	swait.ge [sflag:s0], $0x8000  }
0x77: {  	vm15 =	vlt.s32 v1, v61;
	v2 =	vxor.u32 $0x80000000, v2;
	(xrf0) =	vmax.scan.msk.u32 $0xffff, v3;
	v3 =	vsel vm14, v63, v61  }
0x78: {  	v1 =	vsel vm15, v1, v61;
	(xrf0) =	vmin.scan.msk.u32 $0xffff, v2;
	v2 =	vxor.u32 $0x80000000, v3  }
0x79: {  	v1 =	vxor.u32 $0x80000000, v1;
	(xrf0) =	vmax.scan.msk.u32 $0xffff, v2  }
0x7a: {  	(xrf0) =	vmin.scan.msk.u32 $0xffff, v1;
	_ =	sdelay $0x2  }
0x7b: {  	v1, _, _ =	vpop (xrf0)  }
0x7c: {  	v2, _, _ =	vpop (xrf0);
	(v2sf) =	vpush v1, $0xF  }
0x7d: {  	v1, _, _ =	vpop (xrf0);
	(v2sf) =	vpush v2, $0xF  }
0x7e: {  	(v2sf) =	vpush v1, $0xF;
	v1, _, _ =	vpop (xrf0)  }
0x7f: {  	(v2sf) =	vpush v1, $0xF;
	_ =	sdelay $0xb  }
0x80: {  	s4 =	spop (v2sf)  }
0x81: {  	s5 =	spop (v2sf)  }
0x82: {  	s23 =	spop (v2sf)  }
0x83: {  	s21 =	spop (v2sf)  }
0x84: {  	p0 =	sne.s32 s23, s21  }
0x85: {  	p1 =	sne.s32 @!p0 s4, s5  }
0x86: {  	p0 =	por p0, p1  }
.Ltmp2:
0x87: {  	_ = 	snop;
	(pc) =	sbr.rel @p0 .LBB2_5-.Ltmp2, $4  }
0x88: {  	_ = 	snop  }
0x89: {  	[sflag:s0] =	ssyncset.done $0x0  }
0x8a: {  	s31 =	simm.s32 $0x11500;
	[sflag:s0] =	ssyncadd.s32 $0xFFFF8000  }
0x8b: {  	[tilespmem:s31], [sflag:$0x3] =	stream.linear.gather [hbm4b:s10+s1], $0x8000, $0x38;
	[tilespmem:$0x1E200] =	vst v63  }
0x8c: {  	v6 =	vld [tilespmem:$0x8400]  }
0x8d: {  	v5 =	vld [tilespmem:$0x8410]  }
0x8e: {  	v8 =	vld [tilespmem:$0x8420]  }
0x8f: {  	v12 =	vld [tilespmem:$0x8430]  }
0x90: {  	v13 =	vld [tilespmem:$0x8440]  }
0x91: {  	v14 =	vld [tilespmem:$0x8450]  }
0x92: {  	v9 =	vld [tilespmem:$0x8460]  }
0x93: {  	v4 =	vld [tilespmem:$0x8470]  }
0x94: {  	v10 =	vld [tilespmem:$0x8C00]  }
0x95: {  	v11 =	vld [tilespmem:$0x8C10]  }
0x96: {  	v7 =	vld [tilespmem:$0x8C20]  }
0x97: {  	v2 =	vld [tilespmem:$0x8C30]  }
0x98: {  	v16 =	vld [tilespmem:$0x8C40];
	s4 =	simm.s32 $0x0  }
0x99: {  	v3 =	vld [tilespmem:$0x8C50];
	s5 =	sand.u32 $0x7800, s4;
	s4 =	sand.u32 $0x380, s4  }
0x9a: {  	v1 =	vld [tilespmem:$0x8C60];
	s4 =	sor.u32 s4, s5  }
0x9b: {  	v15 =	vld [tilespmem:s4+$0x9940]  }
0x9c: {  	v17 =	vld [tilespmem:s4+$0x9530]  }
0x9d: {  	v18 =	vld [tilespmem:s4+$0x9520]  }
0x9e: {  	v19 =	vld [tilespmem:s4+$0x9500]  }
0x9f: {  	v20 =	vld [tilespmem:s4+$0x9510]  }
0xa0: {  	v21 =	vld [tilespmem:s4+$0x9540]  }
0xa1: {  	v22 =	vld [tilespmem:s4+$0x9550]  }
0xa2: {  	v23 =	vld [tilespmem:s4+$0x9560]  }
0xa3: {  	v24 =	vld [tilespmem:s4+$0x9900]  }
0xa4: {  	v25 =	vld [tilespmem:s4+$0x9570]  }
0xa5: {  	v27 =	vld [tilespmem:s4+$0x9910];
	v26 =	vmul.f32 v15, v16;
	v17 =	vmul.f32 v17, v12  }
0xa6: {  	v15 =	vadd.f32 v21, v13;
	v21 =	vadd.f32 v22, v14;
	v22 =	vld [tilespmem:s4+$0x9920];
	v18 =	vmul.f32 v18, v8  }
0xa7: {  	v28 =	vld [tilespmem:s4+$0x9950];
	v19 =	vmul.f32 v19, v6;
	v20 =	vmul.f32 v20, v5;
	v23 =	vadd.f32 v23, v9  }
0xa8: {  	v31 =	vld [tilespmem:s4+$0x9930];
	v29 =	vmul.f32 v15, v10;
	v30 =	vmul.f32 v21, v11  }
0xa9: {  	v32 =	vld [tilespmem:s4+$0x9960];
	v25 =	vadd.f32 v25, v4;
	v24 =	vmul.f32 v15, v24;
	v33 =	vmul.f32 v23, v7  }
0xaa: {  	v15 =	vld [tilespmem:$0x8C70];
	v21 =	vmul.f32 v21, v27;
	v19 =	vadd.f32 v29, v19;
	v20 =	vadd.f32 v30, v20  }
0xab: {  	v63 =	vmul.f32 v25, v2;
	v18 =	vadd.f32 v33, v18;
	v22 =	vmul.f32 v23, v22;
	v23 =	vld [tilespmem:s4+$0x9970]  }
0xac: {  	v19 =	vadd.f32 v19, v24;
	v20 =	vadd.f32 v20, v21;
	v21 =	vmul.f32 v28, v3  }
0xad: {  	v17 =	vadd.f32 v63, v17;
	v18 =	vadd.f32 v18, v22;
	v22 =	vmul.f32 v25, v31  }
0xae: {  	v19 =	vadd.f32 v19, v26;
	v20 =	vadd.f32 v20, v21;
	v21 =	vmul.f32 v32, v1  }
0xaf: {  	v17 =	vadd.f32 v17, v22  }
0xb0: {  	v19 =	vadd.f32 v20, v19;
	v18 =	vadd.f32 v18, v21;
	v20 =	vmul.f32 v23, v15;
	_ =	sdelay $0x1  }
0xb1: {  	v18 =	vadd.f32 v18, v19;
	v17 =	vadd.f32 v17, v20;
	_ =	sdelay $0x1  }
0xb2: {  	s6 =	simm.s32 $0x100;
	s4 =	simm.s32 $0x80;
	v17 =	vadd.f32 v17, v18  }
0xb3: {  	s6 =	sand.u32 $0x7800, s6;
	s5 =	simm.s32 $0x19500;
	s21 =	sand.u32 $0x380, s4  }
0xb4: {  	s6 =	sor.u32 s21, s6;
	[tilespmem:s5+$0x0] =	vst v17  }
0xb5: {  	v21 =	vld [tilespmem:s6+$0x9940]  }
0xb6: {  	v20 =	vld [tilespmem:s6+$0x9530]  }
0xb7: {  	v18 =	vld [tilespmem:s6+$0x9520]  }
0xb8: {  	v19 =	vld [tilespmem:s6+$0x9500]  }
0xb9: {  	s21 =	simm.s32 $0x200;
	v17 =	vld [tilespmem:s6+$0x9510]  }
.LBB2_3:
0xba: {  	p0 =	seq.s32 s21, $0x7F00;
	v22 =	vld [tilespmem:s6+$0x9540]  }
0xbb: {  	v23 =	vld [tilespmem:s6+$0x9550]  }
0xbc: {  	v24 =	vld [tilespmem:s6+$0x9560]  }
0xbd: {  	v25 =	vld [tilespmem:s6+$0x9900]  }
0xbe: {  	v26 =	vld [tilespmem:s6+$0x9570]  }
0xbf: {  	v21 =	vmul.f32 v21, v16;
	v20 =	vmul.f32 v20, v12;
	v27 =	vld [tilespmem:s6+$0x9910]  }
0xc0: {  	v18 =	vmul.f32 v18, v8;
	v22 =	vadd.f32 v22, v13;
	v23 =	vadd.f32 v23, v14;
	v28 =	vld [tilespmem:s6+$0x9920]  }
0xc1: {  	v19 =	vmul.f32 v19, v6;
	v17 =	vmul.f32 v17, v5;
	v29 =	vld [tilespmem:s6+$0x9950];
	v24 =	vadd.f32 v24, v9  }
0xc2: {  	v30 =	vmul.f32 v22, v10;
	v31 =	vmul.f32 v23, v11;
	v32 =	vld [tilespmem:s6+$0x9930]  }
0xc3: {  	v22 =	vmul.f32 v22, v25;
	v25 =	vld [tilespmem:s6+$0x9960];
	v33 =	vmul.f32 v24, v7;
	v26 =	vadd.f32 v26, v4  }
0xc4: {  	v19 =	vadd.f32 v30, v19;
	v17 =	vadd.f32 v31, v17;
	v23 =	vmul.f32 v23, v27  }
0xc5: {  	v18 =	vadd.f32 v33, v18;
	v24 =	vmul.f32 v24, v28;
	v27 =	vld [tilespmem:s6+$0x9970];
	v28 =	vmul.f32 v26, v2  }
0xc6: {  	v19 =	vadd.f32 v19, v22;
	v17 =	vadd.f32 v17, v23;
	v22 =	vmul.f32 v29, v3  }
0xc7: {  	v18 =	vadd.f32 v18, v24;
	v20 =	vadd.f32 v28, v20;
	v23 =	vmul.f32 v26, v32  }
0xc8: {  	v19 =	vadd.f32 v19, v21;
	v17 =	vadd.f32 v17, v22;
	v21 =	vmul.f32 v25, v1  }
0xc9: {  	v20 =	vadd.f32 v20, v23  }
0xca: {  	v17 =	vadd.f32 v17, v19;
	v18 =	vadd.f32 v18, v21;
	v19 =	vmul.f32 v27, v15;
	_ =	sdelay $0x1  }
0xcb: {  	v17 =	vadd.f32 v18, v17;
	v18 =	vadd.f32 v20, v19;
	_ =	sdelay $0x1  }
0xcc: {  	s4 =	sadd.s32 $0x80, s4;
	v17 =	vadd.f32 v18, v17  }
0xcd: {  	s5 =	sadd.s32 $0x80, s5;
	s23 =	sand.u32 $0x380, s4;
	s6 =	sand.u32 $0x7800, s21  }
0xce: {  	s6 =	sor.u32 s23, s6;
	[tilespmem:s5+$0x0] =	vst v17  }
.Ltmp3:
0xcf: {  	v21 =	vld [tilespmem:s6+$0x9940];
	(pc) =	sbr.rel @!p0 .LBB2_3-.Ltmp3, $4  }
0xd0: {  	v20 =	vld [tilespmem:s6+$0x9530]  }
0xd1: {  	v18 =	vld [tilespmem:s6+$0x9520]  }
0xd2: {  	v19 =	vld [tilespmem:s6+$0x9500]  }
0xd3: {  	s21 =	sadd.s32 $0x100, s21;
	v17 =	vld [tilespmem:s6+$0x9510]  }
0xd4: {  	v22 =	vld [tilespmem:s6+$0x9540]  }
0xd5: {  	v23 =	vld [tilespmem:s6+$0x9550]  }
0xd6: {  	v24 =	vld [tilespmem:s6+$0x9560]  }
0xd7: {  	v25 =	vld [tilespmem:s6+$0x9900]  }
0xd8: {  	v26 =	vld [tilespmem:s6+$0x9570]  }
0xd9: {  	v16 =	vmul.f32 v21, v16;
	v55 =	vld [tilespmem:s6+$0x9910];
	v12 =	vmul.f32 v20, v12  }
0xda: {  	v56 =	vld [tilespmem:s6+$0x9920];
	v8 =	vmul.f32 v18, v8;
	v13 =	vadd.f32 v22, v13;
	v14 =	vadd.f32 v23, v14  }
0xdb: {  	v57 =	vld [tilespmem:s6+$0x9950];
	v6 =	vmul.f32 v19, v6;
	v5 =	vmul.f32 v17, v5;
	v9 =	vadd.f32 v24, v9  }
0xdc: {  	v58 =	vld [tilespmem:s6+$0x9930];
	v10 =	vmul.f32 v13, v10;
	v11 =	vmul.f32 v14, v11  }
0xdd: {  	v59 =	vld [tilespmem:s6+$0x9960];
	v4 =	vadd.f32 v26, v4;
	v13 =	vmul.f32 v13, v25;
	v7 =	vmul.f32 v9, v7  }
0xde: {  	v60 =	vmul.f32 v14, v55;
	v6 =	vadd.f32 v10, v6;
	v5 =	vadd.f32 v11, v5  }
0xdf: {  	v62 =	vld [tilespmem:s6+$0x9970];
	v61 =	vmul.f32 v9, v56;
	v2 =	vmul.f32 v4, v2;
	v7 =	vadd.f32 v7, v8  }
0xe0: {  	v3 =	vmul.f32 v57, v3;
	v6 =	vadd.f32 v6, v13;
	v5 =	vadd.f32 v5, v60  }
0xe1: {  	v4 =	vmul.f32 v4, v58;
	v2 =	vadd.f32 v2, v12;
	v7 =	vadd.f32 v7, v61  }
0xe2: {  	v1 =	vmul.f32 v59, v1;
	v6 =	vadd.f32 v6, v16;
	v3 =	vadd.f32 v5, v3  }
0xe3: {  	v2 =	vadd.f32 v2, v4  }
0xe4: {  	v63 =	vmul.f32 v62, v15;
	v1 =	vadd.f32 v7, v1;
	v3 =	vadd.f32 v3, v6;
	_ =	sdelay $0x1  }
.Ltmp4:
0xe5: {  	v2 =	vadd.f32 v2, v63;
	v1 =	vadd.f32 v1, v3;
	(pc) =	sbr.rel .LBB2_8-.Ltmp4, $4  }
0xe6: {  	_ = 	snop  }
0xe7: {  	v1 =	vadd.f32 v2, v1  }
0xe8: {  	s4 =	sadd.s32 $0x80, s5  }
0xe9: {  	[tilespmem:s4+$0x0] =	vst v1  }
.LBB2_5:
0xea: {  	s4 =	simm.s32 $0x0;
	s5 =	simm.s32 $0x400  }
0xeb: {  	[tilespmem:s5], [sflag:$0x1] =	stream.indirect.gather [hbm4b:s2+s24], $0x80, s4, s24, $0xb8;
	[tilespmem:$0x1E200] =	vst v63  }
0xec: {  	s7 =	simm.s32 $0x4400  }
0xed: {  	[tilespmem:s7], [sflag:$0x2] =	stream.indirect.gather [hbm4b:s3+s24], $0x80, s20, s24, $0xb8;
	[tilespmem:$0x1E200] =	vst v63  }
0xee: {  	_ =	swait.ge [sflag:s29], $0x4000  }
0xef: {  	[sflag:s29] =	ssyncset.done $0x0  }
0xf0: {  	[sflag:s29] =	ssyncadd.s32 $0xFFFFC000  }
0xf1: {  	_ =	swait.ge [sflag:s30], $0x4000  }
0xf2: {  	s21 =	sand.u32 $0x7800, s4;
	s4 =	sand.u32 $0x380, s4;
	[sflag:s30] =	ssyncset.done $0x0  }
0xf3: {  	s4 =	sor.u32 s4, s21;
	[sflag:s30] =	ssyncadd.s32 $0xFFFFC000  }
0xf4: {  	v1 =	vld [tilespmem:s4+$0x9960]  }
0xf5: {  	s23 =	simm.s32 $0x4440;
	v2 =	vld [tilespmem:s4+$0x9940]  }
0xf6: {  	v3 =	vld [tilespmem:s23+$0x0]  }
0xf7: {  	v4 =	vld [tilespmem:s4+$0x9950]  }
0xf8: {  	v5 =	vld [tilespmem:s4+$0x9920]  }
0xf9: {  	s6 =	simm.s32 $0x440;
	v6 =	vld [tilespmem:s4+$0x9530]  }
0xfa: {  	v7 =	vld [tilespmem:s6+$0xFFFFFFF0]  }
0xfb: {  	v8 =	vld [tilespmem:s4+$0x9900]  }
0xfc: {  	v9 =	vld [tilespmem:s4+$0x9520]  }
0xfd: {  	v10 =	vld [tilespmem:s6+$0xFFFFFFE0]  }
0xfe: {  	v11 =	vld [tilespmem:s23+$0xFFFFFFE0]  }
0xff: {  	v12 =	vld [tilespmem:s6+$0xFFFFFFC0]  }
0x100: {  	v13 =	vld [tilespmem:s4+$0x9500]  }
0x101: {  	v14 =	vld [tilespmem:s23+$0xFFFFFFC0]  }
0x102: {  	v15 =	vld [tilespmem:s4+$0x9510]  }
0x103: {  	v16 =	vld [tilespmem:s6+$0xFFFFFFD0]  }
0x104: {  	v17 =	vld [tilespmem:s23+$0xFFFFFFD0]  }
0x105: {  	v18 =	vld [tilespmem:s6+$0x20]  }
0x106: {  	v19 =	vld [tilespmem:s6+$0x0]  }
0x107: {  	v20 =	vld [tilespmem:s4+$0x9540]  }
0x108: {  	v21 =	vld [tilespmem:s6+$0x10]  }
0x109: {  	v22 =	vld [tilespmem:s4+$0x9550]  }
0x10a: {  	v23 =	vld [tilespmem:s4+$0x9560]  }
0x10b: {  	v24 =	vld [tilespmem:s6+$0x30]  }
0x10c: {  	v25 =	vld [tilespmem:s4+$0x9570]  }
0x10d: {  	v2 =	vmul.f32 v3, v2;
	v3 =	vld [tilespmem:s4+$0x9910];
	v6 =	vmul.f32 v7, v6  }
0x10e: {  	v7 =	vadd.f32 v19, v20;
	v19 =	vadd.f32 v21, v22;
	v9 =	vmul.f32 v10, v9;
	v10 =	vld [tilespmem:s23+$0xFFFFFFF0]  }
0x10f: {  	v12 =	vmul.f32 v12, v13;
	v13 =	vld [tilespmem:s23+$0x10];
	v15 =	vmul.f32 v16, v15;
	v16 =	vadd.f32 v18, v23  }
0x110: {  	v18 =	vld [tilespmem:s4+$0x9930];
	v14 =	vmul.f32 v14, v7;
	v17 =	vmul.f32 v17, v19  }
0x111: {  	v20 =	vadd.f32 v24, v25;
	v7 =	vmul.f32 v7, v8;
	v8 =	vld [tilespmem:s23+$0x20];
	v11 =	vmul.f32 v11, v16  }
0x112: {  	v12 =	vadd.f32 v14, v12;
	v14 =	vadd.f32 v17, v15;
	v15 =	vld [tilespmem:s4+$0x9970];
	v3 =	vmul.f32 v19, v3  }
0x113: {  	v5 =	vmul.f32 v16, v5;
	v9 =	vadd.f32 v11, v9;
	v11 =	vld [tilespmem:s23+$0x30];
	v10 =	vmul.f32 v10, v20  }
0x114: {  	v4 =	vmul.f32 v13, v4;
	v7 =	vadd.f32 v12, v7;
	v3 =	vadd.f32 v14, v3  }
0x115: {  	v5 =	vadd.f32 v9, v5;
	v9 =	vmul.f32 v20, v18;
	v6 =	vadd.f32 v10, v6  }
0x116: {  	v1 =	vmul.f32 v8, v1;
	v2 =	vadd.f32 v7, v2;
	v3 =	vadd.f32 v3, v4  }
0x117: {  	v4 =	vadd.f32 v6, v9  }
0x118: {  	v1 =	vadd.f32 v5, v1;
	v2 =	vadd.f32 v3, v2;
	v3 =	vmul.f32 v11, v15;
	_ =	sdelay $0x1  }
0x119: {  	v1 =	vadd.f32 v1, v2;
	v2 =	vadd.f32 v4, v3;
	_ =	sdelay $0x1  }
0x11a: {  	s5 =	simm.s32 $0x80;
	s7 =	simm.s32 $0x100;
	v1 =	vadd.f32 v2, v1  }
0x11b: {  	s21 =	sand.u32 $0x380, s5;
	s23 =	simm.s32 $0x19500;
	s4 =	sand.u32 $0x7800, s7  }
0x11c: {  	s31 =	sor.u32 s21, s4;
	[tilespmem:s23+$0x0] =	vst v1  }
0x11d: {  	v1 =	vld [tilespmem:s31+$0x9960]  }
0x11e: {  	s21 =	simm.s32 $0x44C0;
	v6 =	vld [tilespmem:s31+$0x9940]  }
0x11f: {  	v7 =	vld [tilespmem:s21+$0x0]  }
0x120: {  	v2 =	vld [tilespmem:s31+$0x9950]  }
0x121: {  	v3 =	vld [tilespmem:s31+$0x9920]  }
0x122: {  	s6 =	simm.s32 $0x4C0;
	v8 =	vld [tilespmem:s31+$0x9530]  }
0x123: {  	v10 =	vld [tilespmem:s6+$0xFFFFFFF0]  }
0x124: {  	v4 =	vld [tilespmem:s31+$0x9900]  }
0x125: {  	v9 =	vld [tilespmem:s31+$0x9520]  }
0x126: {  	v12 =	vld [tilespmem:s6+$0xFFFFFFE0]  }
0x127: {  	v5 =	vld [tilespmem:s21+$0xFFFFFFE0]  }
0x128: {  	v13 =	vld [tilespmem:s6+$0xFFFFFFC0]  }
0x129: {  	v14 =	vld [tilespmem:s31+$0x9500]  }
0x12a: {  	v11 =	vld [tilespmem:s21+$0xFFFFFFC0]  }
0x12b: {  	v16 =	vld [tilespmem:s31+$0x9510]  }
0x12c: {  	v17 =	vld [tilespmem:s6+$0xFFFFFFD0]  }
0x12d: {  	v15 =	vld [tilespmem:s21+$0xFFFFFFD0]  }
0x12e: {  	v18 =	vld [tilespmem:s6+$0x20]  }
0x12f: {  	v19 =	vld [tilespmem:s6+$0x0]  }
0x130: {  	s4 =	simm.s32 $0x200;
	v20 =	vld [tilespmem:s31+$0x9540]  }
.LBB2_6:
0x131: {  	p0 =	sne.s32 s4, $0x7F00;
	v21 =	vld [tilespmem:s6+$0x10]  }
0x132: {  	v22 =	vld [tilespmem:s31+$0x9550]  }
0x133: {  	v23 =	vld [tilespmem:s31+$0x9560]  }
0x134: {  	v24 =	vld [tilespmem:s6+$0x30]  }
0x135: {  	v25 =	vld [tilespmem:s31+$0x9570]  }
0x136: {  	v6 =	vmul.f32 v7, v6;
	v8 =	vmul.f32 v10, v8;
	v7 =	vld [tilespmem:s31+$0x9910]  }
0x137: {  	v9 =	vmul.f32 v12, v9;
	v10 =	vadd.f32 v19, v20;
	v19 =	vadd.f32 v21, v22;
	v12 =	vld [tilespmem:s21+$0xFFFFFFF0]  }
0x138: {  	v13 =	vmul.f32 v13, v14;
	v16 =	vmul.f32 v17, v16;
	v14 =	vld [tilespmem:s21+$0x10];
	v17 =	vadd.f32 v18, v23  }
0x139: {  	v11 =	vmul.f32 v11, v10;
	v15 =	vmul.f32 v15, v19;
	v18 =	vld [tilespmem:s31+$0x9930]  }
0x13a: {  	v4 =	vmul.f32 v10, v4;
	v10 =	vld [tilespmem:s21+$0x20];
	v5 =	vmul.f32 v5, v17;
	v20 =	vadd.f32 v24, v25  }
0x13b: {  	v11 =	vadd.f32 v11, v13;
	v13 =	vadd.f32 v15, v16;
	v7 =	vmul.f32 v19, v7;
	v15 =	vld [tilespmem:s31+$0x9970]  }
0x13c: {  	v3 =	vmul.f32 v17, v3;
	v5 =	vadd.f32 v5, v9;
	v9 =	vld [tilespmem:s21+$0x30];
	v12 =	vmul.f32 v12, v20  }
0x13d: {  	v4 =	vadd.f32 v11, v4;
	v7 =	vadd.f32 v13, v7;
	v2 =	vmul.f32 v14, v2  }
0x13e: {  	v3 =	vadd.f32 v5, v3;
	v5 =	vadd.f32 v12, v8;
	v8 =	vmul.f32 v20, v18  }
0x13f: {  	v4 =	vadd.f32 v4, v6;
	v2 =	vadd.f32 v7, v2;
	v1 =	vmul.f32 v10, v1  }
0x140: {  	v5 =	vadd.f32 v5, v8  }
0x141: {  	v2 =	vadd.f32 v2, v4;
	v1 =	vadd.f32 v3, v1;
	v3 =	vmul.f32 v9, v15;
	_ =	sdelay $0x1  }
0x142: {  	v1 =	vadd.f32 v1, v2;
	v2 =	vadd.f32 v5, v3;
	_ =	sdelay $0x1  }
0x143: {  	s5 =	sadd.s32 $0x80, s5;
	v1 =	vadd.f32 v2, v1  }
0x144: {  	s23 =	sadd.s32 $0x80, s23;
	s7 =	sand.u32 $0x380, s5;
	s31 =	sand.u32 $0x7800, s4  }
0x145: {  	s31 =	sor.u32 s7, s31;
	[tilespmem:s23+$0x0] =	vst v1  }
0x146: {  	v1 =	vld [tilespmem:s31+$0x9960]  }
0x147: {  	s21 =	sadd.s32 $0x80, s21;
	v6 =	vld [tilespmem:s31+$0x9940]  }
0x148: {  	v7 =	vld [tilespmem:s21+$0x0]  }
0x149: {  	v2 =	vld [tilespmem:s31+$0x9950]  }
0x14a: {  	v3 =	vld [tilespmem:s31+$0x9920]  }
0x14b: {  	s6 =	sadd.s32 $0x80, s6;
	v8 =	vld [tilespmem:s31+$0x9530]  }
0x14c: {  	v10 =	vld [tilespmem:s6+$0xFFFFFFF0]  }
0x14d: {  	v4 =	vld [tilespmem:s31+$0x9900]  }
0x14e: {  	v9 =	vld [tilespmem:s31+$0x9520]  }
0x14f: {  	v12 =	vld [tilespmem:s6+$0xFFFFFFE0]  }
0x150: {  	v5 =	vld [tilespmem:s21+$0xFFFFFFE0]  }
0x151: {  	v13 =	vld [tilespmem:s6+$0xFFFFFFC0]  }
0x152: {  	v14 =	vld [tilespmem:s31+$0x9500]  }
0x153: {  	v11 =	vld [tilespmem:s21+$0xFFFFFFC0]  }
0x154: {  	v16 =	vld [tilespmem:s31+$0x9510]  }
.Ltmp5:
0x155: {  	v17 =	vld [tilespmem:s6+$0xFFFFFFD0];
	(pc) =	sbr.rel @p0 .LBB2_6-.Ltmp5, $4  }
0x156: {  	v15 =	vld [tilespmem:s21+$0xFFFFFFD0]  }
0x157: {  	v18 =	vld [tilespmem:s6+$0x20]  }
0x158: {  	v19 =	vld [tilespmem:s6+$0x0]  }
0x159: {  	s4 =	sadd.s32 $0x100, s4;
	v20 =	vld [tilespmem:s31+$0x9540]  }
0x15a: {  	v21 =	vld [tilespmem:s6+$0x10]  }
0x15b: {  	v22 =	vld [tilespmem:s31+$0x9550]  }
0x15c: {  	v23 =	vld [tilespmem:s31+$0x9560]  }
0x15d: {  	v24 =	vld [tilespmem:s6+$0x30]  }
0x15e: {  	v25 =	vld [tilespmem:s31+$0x9570]  }
0x15f: {  	v6 =	vmul.f32 v7, v6;
	v50 =	vld [tilespmem:s31+$0x9910];
	v8 =	vmul.f32 v10, v8  }
0x160: {  	v9 =	vmul.f32 v12, v9;
	v53 =	vld [tilespmem:s21+$0xFFFFFFF0];
	v51 =	vadd.f32 v19, v20;
	v52 =	vadd.f32 v21, v22  }
0x161: {  	v13 =	vmul.f32 v13, v14;
	v54 =	vld [tilespmem:s21+$0x10];
	v16 =	vmul.f32 v17, v16;
	v55 =	vadd.f32 v18, v23  }
0x162: {  	v56 =	vld [tilespmem:s31+$0x9930];
	v11 =	vmul.f32 v11, v51;
	v15 =	vmul.f32 v15, v52  }
0x163: {  	v57 =	vld [tilespmem:s21+$0x20];
	v58 =	vadd.f32 v24, v25;
	v4 =	vmul.f32 v51, v4;
	v5 =	vmul.f32 v5, v55  }
0x164: {  	v60 =	vld [tilespmem:s31+$0x9970];
	v7 =	vmul.f32 v52, v50;
	v11 =	vadd.f32 v11, v13;
	v59 =	vadd.f32 v15, v16  }
0x165: {  	v61 =	vld [tilespmem:s21+$0x30];
	v3 =	vmul.f32 v55, v3;
	v12 =	vmul.f32 v53, v58;
	v5 =	vadd.f32 v5, v9  }
0x166: {  	v2 =	vmul.f32 v54, v2;
	v4 =	vadd.f32 v11, v4;
	v7 =	vadd.f32 v59, v7  }
0x167: {  	v63 =	vmul.f32 v58, v56;
	v62 =	vadd.f32 v12, v8;
	v3 =	vadd.f32 v5, v3  }
0x168: {  	v1 =	vmul.f32 v57, v1;
	v4 =	vadd.f32 v4, v6;
	v2 =	vadd.f32 v7, v2  }
0x169: {  	v5 =	vadd.f32 v62, v63  }
0x16a: {  	v1 =	vadd.f32 v3, v1;
	v3 =	vmul.f32 v61, v60;
	v2 =	vadd.f32 v2, v4;
	_ =	sdelay $0x1  }
0x16b: {  	v1 =	vadd.f32 v1, v2;
	v2 =	vadd.f32 v5, v3;
	_ =	sdelay $0x1  }
0x16c: {  	v1 =	vadd.f32 v2, v1  }
0x16d: {  	s4 =	sadd.s32 $0x80, s23  }
0x16e: {  	[tilespmem:s4+$0x0] =	vst v1  }
.LBB2_8:
0x16f: {  	[hbm4b:s11+s1] =	stream.linear.scatter [tilespmem:s22], [sflag:$0x4], $0x4000, $0x38;
	[tilespmem:$0x1E200] =	vst v63  }
0x170: {  	_ =	swait.ge [sflag:s19], $0x4000  }
0x171: {  	[sflag:s19] =	ssyncset.done $0x0  }
0x172: {  	[sflag:s19] =	ssyncadd.s32 $0xFFFFC000  }
0x173: {  	v1 =	vld [tilespmem:$0x80]  }
0x174: {  	v2 =	vld [tilespmem:$0x280];
	_ =	sdelay $0x5  }
0x175: {  	v5 =	vld [tilespmem:$0x90]  }
0x176: {  	v3 =	vld.idx.msk [tilespmem:v1+s26+$0x0], $0xffff  }
0x177: {  	v4 =	vld.idx.msk [tilespmem:v2+s28+$0x0], $0xffff  }
0x178: {  	v6 =	vld [tilespmem:$0x290];
	_ =	sdelay $0x3  }
0x179: {  	v3 =	vadd.f32 v4, v3;
	_ =	sdelay $0x1  }
0x17a: {  	v35 =	vld [tilespmem:$0xA0];
	[tilespmem:$0x1E080] =	vst v3  }
0x17b: {  	v3 =	vld.idx.msk [tilespmem:v5+s26+$0x0], $0xffff  }
0x17c: {  	v34 =	vld.idx.msk [tilespmem:v6+s28+$0x0], $0xffff  }
0x17d: {  	v36 =	vld [tilespmem:$0x2A0];
	_ =	sdelay $0x3  }
0x17e: {  	v3 =	vadd.f32 v34, v3;
	_ =	sdelay $0x1  }
0x17f: {  	v38 =	vld [tilespmem:$0xB0];
	[tilespmem:$0x1E090] =	vst v3  }
0x180: {  	v3 =	vld.idx.msk [tilespmem:v35+s26+$0x0], $0xffff  }
0x181: {  	v37 =	vld.idx.msk [tilespmem:v36+s28+$0x0], $0xffff  }
0x182: {  	v39 =	vld [tilespmem:$0x2B0];
	_ =	sdelay $0x3  }
0x183: {  	v3 =	vadd.f32 v37, v3;
	_ =	sdelay $0x1  }
0x184: {  	v41 =	vld [tilespmem:$0xC0];
	[tilespmem:$0x1E0A0] =	vst v3  }
0x185: {  	v3 =	vld.idx.msk [tilespmem:v38+s26+$0x0], $0xffff  }
0x186: {  	v40 =	vld.idx.msk [tilespmem:v39+s28+$0x0], $0xffff  }
0x187: {  	v42 =	vld [tilespmem:$0x2C0];
	_ =	sdelay $0x3  }
0x188: {  	v3 =	vadd.f32 v40, v3;
	_ =	sdelay $0x1  }
0x189: {  	v44 =	vld [tilespmem:$0xD0];
	[tilespmem:$0x1E0B0] =	vst v3  }
0x18a: {  	v3 =	vld.idx.msk [tilespmem:v41+s26+$0x0], $0xffff  }
0x18b: {  	v43 =	vld.idx.msk [tilespmem:v42+s28+$0x0], $0xffff  }
0x18c: {  	v45 =	vld [tilespmem:$0x2D0];
	_ =	sdelay $0x3  }
0x18d: {  	v47 =	vld [tilespmem:$0xE0];
	v3 =	vadd.f32 v43, v3  }
0x18e: {  	v48 =	vld [tilespmem:$0x2E0]  }
0x18f: {  	v7 =	vld [tilespmem:$0x290];
	[tilespmem:$0x1E0C0] =	vst v3  }
0x190: {  	v3 =	vld.idx.msk [tilespmem:v44+s26+$0x0], $0xffff  }
0x191: {  	v46 =	vld.idx.msk [tilespmem:v45+s28+$0x0], $0xffff  }
0x192: {  	v49 =	vld [tilespmem:$0x2A0]  }
0x193: {  	v8 =	vld [tilespmem:$0x2B0]  }
0x194: {  	v56 =	vld [tilespmem:$0x90]  }
0x195: {  	v51 =	vld [tilespmem:$0xF0]  }
0x196: {  	v14 =	vld [tilespmem:$0xA0];
	v3 =	vadd.f32 v46, v3  }
0x197: {  	v9 =	vld [tilespmem:$0x2F0]  }
0x198: {  	v15 =	vld [tilespmem:$0xB0];
	[tilespmem:$0x1E0D0] =	vst v3  }
0x199: {  	vm0 =	vlt.s32 v2, v7;
	vm9 =	vlt.s32 v1, v56;
	v3 =	vld.idx.msk [tilespmem:v47+s26+$0x0], $0xffff  }
0x19a: {  	v11 =	vsel vm0, v7, v2;
	v58 =	vsel vm9, v56, v1;
	v50 =	vld.idx.msk [tilespmem:v48+s28+$0x0], $0xffff  }
0x19b: {  	v57 =	vld [tilespmem:$0xC0];
	vm1 =	vgt.s32 v11, v49;
	vm11 =	vgt.s32 v58, v14  }
0x19c: {  	v52 =	vsel vm1, v11, v49;
	v2 =	vsel vm0, v2, v7;
	v1 =	vsel vm9, v1, v56  }
0x19d: {  	v10 =	vld [tilespmem:$0x2C0];
	v7 =	vsel vm11, v58, v14;
	vm1 =	vgt.s32 v52, v8;
	vm10 =	vlt.s32 v2, v49  }
0x19e: {  	v59 =	vld [tilespmem:$0xD0];
	vm13 =	vlt.s32 v1, v14;
	vm14 =	vgt.s32 v7, v15;
	v2 =	vsel vm10, v2, v49  }
0x19f: {  	v12 =	vld [tilespmem:$0x2D0];
	v1 =	vsel vm13, v1, v14;
	v7 =	vsel vm14, v7, v15;
	v3 =	vadd.f32 v50, v3  }
0x1a0: {  	v53 =	vld [tilespmem:$0x2E0];
	vm12 =	vlt.s32 v2, v8;
	vm4 =	vlt.s32 v1, v15;
	vm5 =	vgt.s32 v7, v57  }
0x1a1: {  	v60 =	vld [tilespmem:$0xE0];
	v2 =	vsel vm12, v2, v8;
	v1 =	vsel vm4, v1, v15;
	v7 =	vsel vm5, v7, v57;
	[tilespmem:$0x1E0E0] =	vst v3  }
0x1a2: {  	vm15 =	vlt.s32 v2, v10;
	vm7 =	vlt.s32 v1, v57;
	v3 =	vsel vm1, v52, v8;
	v54 =	vld.idx.msk [tilespmem:v51+s26+$0x0], $0xffff  }
0x1a3: {  	vm8 =	vgt.s32 v7, v59;
	v2 =	vsel vm15, v2, v10;
	vm1 =	vgt.s32 v3, v10;
	v55 =	vld.idx.msk [tilespmem:v9+s28+$0x0], $0xffff  }
0x1a4: {  	v13 =	vld [tilespmem:$0x2F0];
	v1 =	vsel vm7, v1, v57;
	v62 =	vsel vm8, v7, v59;
	v3 =	vsel vm1, v3, v10  }
0x1a5: {  	v61 =	vld [tilespmem:$0xF0];
	vm6 =	vlt.s32 v2, v12;
	vm10 =	vlt.s32 v1, v59;
	vm1 =	vgt.s32 v3, v12  }
0x1a6: {  	vm11 =	vgt.s32 v62, v60;
	v2 =	vsel vm6, v2, v12;
	v3 =	vsel vm1, v3, v12  }
0x1a7: {  	v1 =	vsel vm10, v1, v59;
	v63 =	vsel vm11, v62, v60;
	vm1 =	vgt.s32 v3, v53  }
0x1a8: {  	vm9 =	vlt.s32 v2, v53;
	v3 =	vsel vm1, v3, v53;
	v5 =	vadd.f32 v55, v54  }
0x1a9: {  	vm13 =	vlt.s32 v1, v60;
	v2 =	vsel vm9, v2, v53;
	vm1 =	vgt.s32 v3, v13  }
0x1aa: {  	vm14 =	vgt.s32 v63, v61;
	vm12 =	vlt.s32 v2, v13;
	v3 =	vsel vm1, v3, v13;
	[tilespmem:$0x1E0F0] =	vst v5  }
0x1ab: {  	v1 =	vsel vm13, v1, v60;
	v2 =	vsel vm12, v2, v13;
	v3 =	vxor.u32 $0x80000000, v3;
	_ =	swait.ge [sflag:s0], $0x8000  }
0x1ac: {  	vm15 =	vlt.s32 v1, v61;
	v2 =	vxor.u32 $0x80000000, v2;
	(xrf0) =	vmax.scan.msk.u32 $0xffff, v3;
	v3 =	vsel vm14, v63, v61  }
0x1ad: {  	v1 =	vsel vm15, v1, v61;
	(xrf0) =	vmin.scan.msk.u32 $0xffff, v2;
	v2 =	vxor.u32 $0x80000000, v3  }
0x1ae: {  	v1 =	vxor.u32 $0x80000000, v1;
	(xrf0) =	vmax.scan.msk.u32 $0xffff, v2  }
0x1af: {  	(xrf0) =	vmin.scan.msk.u32 $0xffff, v1;
	_ =	sdelay $0x2  }
0x1b0: {  	v1, _, _ =	vpop (xrf0)  }
0x1b1: {  	v2, _, _ =	vpop (xrf0);
	(v2sf) =	vpush v1, $0xF  }
0x1b2: {  	v1, _, _ =	vpop (xrf0);
	(v2sf) =	vpush v2, $0xF  }
0x1b3: {  	(v2sf) =	vpush v1, $0xF;
	v1, _, _ =	vpop (xrf0)  }
0x1b4: {  	(v2sf) =	vpush v1, $0xF;
	_ =	sdelay $0xb  }
0x1b5: {  	s4 =	spop (v2sf)  }
0x1b6: {  	s5 =	spop (v2sf)  }
0x1b7: {  	s6 =	spop (v2sf)  }
0x1b8: {  	s7 =	spop (v2sf)  }
0x1b9: {  	p0 =	sne.s32 s6, s7  }
0x1ba: {  	p1 =	sne.s32 @!p0 s4, s5  }
0x1bb: {  	p0 =	por p0, p1  }
.Ltmp6:
0x1bc: {  	_ = 	snop;
	(pc) =	sbr.rel @p0 .LBB2_12-.Ltmp6, $4  }
0x1bd: {  	_ = 	snop  }
0x1be: {  	[sflag:s0] =	ssyncset.done $0x0  }
0x1bf: {  	s31 =	simm.s32 $0x9500;
	[sflag:s0] =	ssyncadd.s32 $0xFFFF8000  }
0x1c0: {  	[tilespmem:s31], [sflag:$0x3] =	stream.linear.gather [hbm4b:s12+s1], $0x8000, $0x38;
	[tilespmem:$0x1E200] =	vst v63  }
0x1c1: {  	v6 =	vld [tilespmem:$0x8480]  }
0x1c2: {  	v5 =	vld [tilespmem:$0x8490]  }
0x1c3: {  	v8 =	vld [tilespmem:$0x84A0]  }
0x1c4: {  	v12 =	vld [tilespmem:$0x84B0]  }
0x1c5: {  	v13 =	vld [tilespmem:$0x84C0]  }
0x1c6: {  	v14 =	vld [tilespmem:$0x84D0]  }
0x1c7: {  	v9 =	vld [tilespmem:$0x84E0]  }
0x1c8: {  	v4 =	vld [tilespmem:$0x84F0]  }
0x1c9: {  	v10 =	vld [tilespmem:$0x8C80]  }
0x1ca: {  	v11 =	vld [tilespmem:$0x8C90]  }
0x1cb: {  	v7 =	vld [tilespmem:$0x8CA0]  }
0x1cc: {  	v2 =	vld [tilespmem:$0x8CB0];
	s4 =	simm.s32 $0x0  }
0x1cd: {  	v16 =	vld [tilespmem:$0x8CC0];
	s5 =	sand.u32 $0x7800, s4;
	s4 =	sand.u32 $0x380, s4  }
0x1ce: {  	v3 =	vld [tilespmem:$0x8CD0];
	s4 =	sor.u32 s4, s5  }
0x1cf: {  	v1 =	vld [tilespmem:$0x8CE0];
	s4 =	sadd.s32 $0x9500, s4  }
0x1d0: {  	v15 =	vld [tilespmem:s4+$0x8440]  }
0x1d1: {  	v17 =	vld [tilespmem:s4+$0x8030]  }
0x1d2: {  	v18 =	vld [tilespmem:s4+$0x8020]  }
0x1d3: {  	v19 =	vld [tilespmem:s4+$0x8000]  }
0x1d4: {  	v20 =	vld [tilespmem:s4+$0x8010]  }
0x1d5: {  	v21 =	vld [tilespmem:s4+$0x8040]  }
0x1d6: {  	v22 =	vld [tilespmem:s4+$0x8050]  }
0x1d7: {  	v23 =	vld [tilespmem:s4+$0x8060]  }
0x1d8: {  	v24 =	vld [tilespmem:s4+$0x8400]  }
0x1d9: {  	v25 =	vld [tilespmem:s4+$0x8070]  }
0x1da: {  	v27 =	vld [tilespmem:s4+$0x8410];
	v26 =	vmul.f32 v15, v16;
	v17 =	vmul.f32 v17, v12  }
0x1db: {  	v15 =	vadd.f32 v21, v13;
	v21 =	vadd.f32 v22, v14;
	v22 =	vld [tilespmem:s4+$0x8420];
	v18 =	vmul.f32 v18, v8  }
0x1dc: {  	v28 =	vld [tilespmem:s4+$0x8450];
	v19 =	vmul.f32 v19, v6;
	v20 =	vmul.f32 v20, v5;
	v23 =	vadd.f32 v23, v9  }
0x1dd: {  	v31 =	vld [tilespmem:s4+$0x8430];
	v29 =	vmul.f32 v15, v10;
	v30 =	vmul.f32 v21, v11  }
0x1de: {  	v32 =	vld [tilespmem:s4+$0x8460];
	v25 =	vadd.f32 v25, v4;
	v24 =	vmul.f32 v15, v24;
	v33 =	vmul.f32 v23, v7  }
0x1df: {  	v15 =	vld [tilespmem:$0x8CF0];
	v21 =	vmul.f32 v21, v27;
	v19 =	vadd.f32 v29, v19;
	v20 =	vadd.f32 v30, v20  }
0x1e0: {  	v63 =	vmul.f32 v25, v2;
	v18 =	vadd.f32 v33, v18;
	v22 =	vmul.f32 v23, v22;
	v23 =	vld [tilespmem:s4+$0x8470]  }
0x1e1: {  	v19 =	vadd.f32 v19, v24;
	v20 =	vadd.f32 v20, v21;
	v21 =	vmul.f32 v28, v3  }
0x1e2: {  	v17 =	vadd.f32 v63, v17;
	v18 =	vadd.f32 v18, v22;
	v22 =	vmul.f32 v25, v31  }
0x1e3: {  	v19 =	vadd.f32 v19, v26;
	v20 =	vadd.f32 v20, v21;
	v21 =	vmul.f32 v32, v1  }
0x1e4: {  	v17 =	vadd.f32 v17, v22  }
0x1e5: {  	v19 =	vadd.f32 v20, v19;
	v18 =	vadd.f32 v18, v21;
	v20 =	vmul.f32 v23, v15;
	_ =	sdelay $0x1  }
0x1e6: {  	v18 =	vadd.f32 v18, v19;
	v17 =	vadd.f32 v17, v20  }
0x1e7: {  	s31 =	simm.s32 $0x100;
	s4 =	simm.s32 $0x80  }
0x1e8: {  	s6 =	sand.u32 $0x7800, s31;
	s7 =	sand.u32 $0x380, s4;
	v17 =	vadd.f32 v17, v18  }
0x1e9: {  	s5 =	simm.s32 $0x19500;
	s6 =	sor.u32 s7, s6  }
0x1ea: {  	s6 =	sadd.s32 $0x9500, s6;
	[tilespmem:s5+$0x0] =	vst v17  }
0x1eb: {  	v20 =	vld [tilespmem:s6+$0x8440]  }
0x1ec: {  	v19 =	vld [tilespmem:s6+$0x8030]  }
0x1ed: {  	v17 =	vld [tilespmem:s6+$0x8020]  }
0x1ee: {  	s21 =	simm.s32 $0x200;
	v18 =	vld [tilespmem:s6+$0x8000]  }
.LBB2_10:
0x1ef: {  	p0 =	seq.s32 s21, $0x7F00;
	v21 =	vld [tilespmem:s6+$0x8010]  }
0x1f0: {  	v22 =	vld [tilespmem:s6+$0x8040]  }
0x1f1: {  	v23 =	vld [tilespmem:s6+$0x8050]  }
0x1f2: {  	v24 =	vld [tilespmem:s6+$0x8060]  }
0x1f3: {  	v25 =	vld [tilespmem:s6+$0x8400]  }
0x1f4: {  	v26 =	vld [tilespmem:s6+$0x8070]  }
0x1f5: {  	v20 =	vmul.f32 v20, v16;
	v19 =	vmul.f32 v19, v12;
	v27 =	vld [tilespmem:s6+$0x8410]  }
0x1f6: {  	v17 =	vmul.f32 v17, v8;
	v22 =	vadd.f32 v22, v13;
	v23 =	vadd.f32 v23, v14;
	v28 =	vld [tilespmem:s6+$0x8420]  }
0x1f7: {  	v18 =	vmul.f32 v18, v6;
	v21 =	vmul.f32 v21, v5;
	v29 =	vld [tilespmem:s6+$0x8450];
	v24 =	vadd.f32 v24, v9  }
0x1f8: {  	v30 =	vmul.f32 v22, v10;
	v31 =	vmul.f32 v23, v11;
	v32 =	vld [tilespmem:s6+$0x8430]  }
0x1f9: {  	v22 =	vmul.f32 v22, v25;
	v25 =	vld [tilespmem:s6+$0x8460];
	v33 =	vmul.f32 v24, v7;
	v26 =	vadd.f32 v26, v4  }
0x1fa: {  	v18 =	vadd.f32 v30, v18;
	v21 =	vadd.f32 v31, v21;
	v23 =	vmul.f32 v23, v27  }
0x1fb: {  	v17 =	vadd.f32 v33, v17;
	v24 =	vmul.f32 v24, v28;
	v27 =	vld [tilespmem:s6+$0x8470];
	v28 =	vmul.f32 v26, v2  }
0x1fc: {  	v18 =	vadd.f32 v18, v22;
	v21 =	vadd.f32 v21, v23;
	v22 =	vmul.f32 v29, v3  }
0x1fd: {  	v17 =	vadd.f32 v17, v24;
	v19 =	vadd.f32 v28, v19;
	v23 =	vmul.f32 v26, v32  }
0x1fe: {  	v18 =	vadd.f32 v18, v20;
	v20 =	vadd.f32 v21, v22;
	v21 =	vmul.f32 v25, v1  }
0x1ff: {  	v19 =	vadd.f32 v19, v23  }
0x200: {  	v18 =	vadd.f32 v20, v18;
	v17 =	vadd.f32 v17, v21;
	v20 =	vmul.f32 v27, v15;
	_ =	sdelay $0x1  }
0x201: {  	v17 =	vadd.f32 v17, v18;
	v18 =	vadd.f32 v19, v20  }
0x202: {  	s4 =	sadd.s32 $0x80, s4  }
0x203: {  	s7 =	sand.u32 $0x380, s4;
	s6 =	sand.u32 $0x7800, s21;
	v17 =	vadd.f32 v18, v17  }
0x204: {  	s5 =	sadd.s32 $0x80, s5;
	s6 =	sor.u32 s7, s6  }
.Ltmp7:
0x205: {  	s6 =	sadd.s32 $0x9500, s6;
	[tilespmem:s5+$0x0] =	vst v17;
	(pc) =	sbr.rel @!p0 .LBB2_10-.Ltmp7, $4  }
0x206: {  	v20 =	vld [tilespmem:s6+$0x8440]  }
0x207: {  	v19 =	vld [tilespmem:s6+$0x8030]  }
0x208: {  	v17 =	vld [tilespmem:s6+$0x8020]  }
0x209: {  	s21 =	sadd.s32 $0x100, s21;
	v18 =	vld [tilespmem:s6+$0x8000]  }
0x20a: {  	v21 =	vld [tilespmem:s6+$0x8010]  }
0x20b: {  	v22 =	vld [tilespmem:s6+$0x8040]  }
0x20c: {  	v23 =	vld [tilespmem:s6+$0x8050]  }
0x20d: {  	v24 =	vld [tilespmem:s6+$0x8060]  }
0x20e: {  	v25 =	vld [tilespmem:s6+$0x8400]  }
0x20f: {  	v26 =	vld [tilespmem:s6+$0x8070]  }
0x210: {  	v55 =	vld [tilespmem:s6+$0x8410];
	v16 =	vmul.f32 v20, v16;
	v12 =	vmul.f32 v19, v12  }
0x211: {  	v56 =	vld [tilespmem:s6+$0x8420];
	v8 =	vmul.f32 v17, v8;
	v13 =	vadd.f32 v22, v13;
	v14 =	vadd.f32 v23, v14  }
0x212: {  	v57 =	vld [tilespmem:s6+$0x8450];
	v6 =	vmul.f32 v18, v6;
	v5 =	vmul.f32 v21, v5;
	v9 =	vadd.f32 v24, v9  }
0x213: {  	v58 =	vld [tilespmem:s6+$0x8430];
	v10 =	vmul.f32 v13, v10;
	v11 =	vmul.f32 v14, v11  }
0x214: {  	v59 =	vld [tilespmem:s6+$0x8460];
	v4 =	vadd.f32 v26, v4;
	v13 =	vmul.f32 v13, v25;
	v7 =	vmul.f32 v9, v7  }
0x215: {  	v60 =	vmul.f32 v14, v55;
	v6 =	vadd.f32 v10, v6;
	v5 =	vadd.f32 v11, v5  }
0x216: {  	v62 =	vld [tilespmem:s6+$0x8470];
	v61 =	vmul.f32 v9, v56;
	v2 =	vmul.f32 v4, v2;
	v7 =	vadd.f32 v7, v8  }
0x217: {  	v3 =	vmul.f32 v57, v3;
	v6 =	vadd.f32 v6, v13;
	v5 =	vadd.f32 v5, v60  }
0x218: {  	v4 =	vmul.f32 v4, v58;
	v2 =	vadd.f32 v2, v12;
	v7 =	vadd.f32 v7, v61  }
0x219: {  	v1 =	vmul.f32 v59, v1;
	v6 =	vadd.f32 v6, v16;
	v3 =	vadd.f32 v5, v3  }
0x21a: {  	v2 =	vadd.f32 v2, v4  }
0x21b: {  	v63 =	vmul.f32 v62, v15;
	v1 =	vadd.f32 v7, v1;
	v3 =	vadd.f32 v3, v6;
	_ =	sdelay $0x1  }
.Ltmp8:
0x21c: {  	v2 =	vadd.f32 v2, v63;
	v1 =	vadd.f32 v1, v3;
	(pc) =	sbr.rel .LBB2_15-.Ltmp8, $4  }
0x21d: {  	_ = 	snop  }
0x21e: {  	v1 =	vadd.f32 v2, v1  }
0x21f: {  	s4 =	sadd.s32 $0x80, s5  }
0x220: {  	[tilespmem:s4+$0x0] =	vst v1  }
.LBB2_12:
0x221: {  	s4 =	simm.s32 $0x400  }
0x222: {  	[tilespmem:s4], [sflag:$0x1] =	stream.indirect.gather [hbm4b:s2+s24], $0x80, s24, s24, $0xb8;
	[tilespmem:$0x1E200] =	vst v63  }
0x223: {  	s6 =	simm.s32 $0x4400;
	s5 =	simm.s32 $0x280  }
0x224: {  	[tilespmem:s6], [sflag:$0x2] =	stream.indirect.gather [hbm4b:s3+s24], $0x80, s5, s24, $0xb8;
	[tilespmem:$0x1E200] =	vst v63  }
0x225: {  	_ =	swait.ge [sflag:s29], $0x4000  }
0x226: {  	[sflag:s29] =	ssyncset.done $0x0  }
0x227: {  	s7 =	simm.s32 $0x0;
	[sflag:s29] =	ssyncadd.s32 $0xFFFFC000  }
0x228: {  	s21 =	sand.u32 $0x7800, s7;
	s4 =	sand.u32 $0x380, s7;
	_ =	swait.ge [sflag:s30], $0x4000  }
0x229: {  	s4 =	sor.u32 s4, s21;
	[sflag:s30] =	ssyncset.done $0x0  }
0x22a: {  	s4 =	sadd.s32 $0x9500, s4;
	[sflag:s30] =	ssyncadd.s32 $0xFFFFC000  }
0x22b: {  	v1 =	vld [tilespmem:s4+$0x8460]  }
0x22c: {  	s23 =	simm.s32 $0x4440;
	v2 =	vld [tilespmem:s4+$0x8440]  }
0x22d: {  	v3 =	vld [tilespmem:s23+$0x0]  }
0x22e: {  	v4 =	vld [tilespmem:s4+$0x8450]  }
0x22f: {  	v5 =	vld [tilespmem:s4+$0x8420]  }
0x230: {  	s6 =	simm.s32 $0x440;
	v6 =	vld [tilespmem:s4+$0x8030]  }
0x231: {  	v7 =	vld [tilespmem:s6+$0xFFFFFFF0]  }
0x232: {  	v8 =	vld [tilespmem:s4+$0x8400]  }
0x233: {  	v9 =	vld [tilespmem:s4+$0x8020]  }
0x234: {  	v10 =	vld [tilespmem:s6+$0xFFFFFFE0]  }
0x235: {  	v11 =	vld [tilespmem:s23+$0xFFFFFFE0]  }
0x236: {  	v12 =	vld [tilespmem:s6+$0xFFFFFFC0]  }
0x237: {  	v13 =	vld [tilespmem:s4+$0x8000]  }
0x238: {  	v14 =	vld [tilespmem:s23+$0xFFFFFFC0]  }
0x239: {  	v15 =	vld [tilespmem:s4+$0x8010]  }
0x23a: {  	v16 =	vld [tilespmem:s6+$0xFFFFFFD0]  }
0x23b: {  	v17 =	vld [tilespmem:s23+$0xFFFFFFD0]  }
0x23c: {  	v18 =	vld [tilespmem:s6+$0x20]  }
0x23d: {  	v19 =	vld [tilespmem:s6+$0x0]  }
0x23e: {  	v20 =	vld [tilespmem:s4+$0x8040]  }
0x23f: {  	v21 =	vld [tilespmem:s6+$0x10]  }
0x240: {  	v22 =	vld [tilespmem:s4+$0x8050]  }
0x241: {  	v23 =	vld [tilespmem:s4+$0x8060]  }
0x242: {  	v24 =	vld [tilespmem:s6+$0x30]  }
0x243: {  	v25 =	vld [tilespmem:s4+$0x8070]  }
0x244: {  	v2 =	vmul.f32 v3, v2;
	v3 =	vld [tilespmem:s4+$0x8410];
	v6 =	vmul.f32 v7, v6  }
0x245: {  	v7 =	vadd.f32 v19, v20;
	v19 =	vadd.f32 v21, v22;
	v9 =	vmul.f32 v10, v9;
	v10 =	vld [tilespmem:s23+$0xFFFFFFF0]  }
0x246: {  	v12 =	vmul.f32 v12, v13;
	v13 =	vld [tilespmem:s23+$0x10];
	v15 =	vmul.f32 v16, v15;
	v16 =	vadd.f32 v18, v23  }
0x247: {  	v18 =	vld [tilespmem:s4+$0x8430];
	v14 =	vmul.f32 v14, v7;
	v17 =	vmul.f32 v17, v19  }
0x248: {  	v20 =	vadd.f32 v24, v25;
	v7 =	vmul.f32 v7, v8;
	v8 =	vld [tilespmem:s23+$0x20];
	v11 =	vmul.f32 v11, v16  }
0x249: {  	v12 =	vadd.f32 v14, v12;
	v14 =	vadd.f32 v17, v15;
	v15 =	vld [tilespmem:s4+$0x8470];
	v3 =	vmul.f32 v19, v3  }
0x24a: {  	v5 =	vmul.f32 v16, v5;
	v9 =	vadd.f32 v11, v9;
	v11 =	vld [tilespmem:s23+$0x30];
	v10 =	vmul.f32 v10, v20  }
0x24b: {  	v4 =	vmul.f32 v13, v4;
	v7 =	vadd.f32 v12, v7;
	v3 =	vadd.f32 v14, v3  }
0x24c: {  	v5 =	vadd.f32 v9, v5;
	v9 =	vmul.f32 v20, v18;
	v6 =	vadd.f32 v10, v6  }
0x24d: {  	v1 =	vmul.f32 v8, v1;
	v2 =	vadd.f32 v7, v2;
	v3 =	vadd.f32 v3, v4  }
0x24e: {  	v4 =	vadd.f32 v6, v9  }
0x24f: {  	v1 =	vadd.f32 v5, v1;
	v2 =	vadd.f32 v3, v2;
	v3 =	vmul.f32 v11, v15;
	_ =	sdelay $0x1  }
0x250: {  	v1 =	vadd.f32 v1, v2;
	v2 =	vadd.f32 v4, v3  }
0x251: {  	s7 =	simm.s32 $0x100;
	s5 =	simm.s32 $0x80  }
0x252: {  	s21 =	sand.u32 $0x380, s5;
	s4 =	sand.u32 $0x7800, s7;
	v1 =	vadd.f32 v2, v1  }
0x253: {  	s23 =	simm.s32 $0x19500;
	s4 =	sor.u32 s21, s4  }
0x254: {  	s31 =	sadd.s32 $0x9500, s4;
	[tilespmem:s23+$0x0] =	vst v1  }
0x255: {  	v1 =	vld [tilespmem:s31+$0x8460]  }
0x256: {  	s21 =	simm.s32 $0x44C0;
	v6 =	vld [tilespmem:s31+$0x8440]  }
0x257: {  	v7 =	vld [tilespmem:s21+$0x0]  }
0x258: {  	v2 =	vld [tilespmem:s31+$0x8450]  }
0x259: {  	v3 =	vld [tilespmem:s31+$0x8420]  }
0x25a: {  	s6 =	simm.s32 $0x4C0;
	v8 =	vld [tilespmem:s31+$0x8030]  }
0x25b: {  	v10 =	vld [tilespmem:s6+$0xFFFFFFF0]  }
0x25c: {  	v4 =	vld [tilespmem:s31+$0x8400]  }
0x25d: {  	v9 =	vld [tilespmem:s31+$0x8020]  }
0x25e: {  	v12 =	vld [tilespmem:s6+$0xFFFFFFE0]  }
0x25f: {  	v5 =	vld [tilespmem:s21+$0xFFFFFFE0]  }
0x260: {  	v13 =	vld [tilespmem:s6+$0xFFFFFFC0]  }
0x261: {  	v14 =	vld [tilespmem:s31+$0x8000]  }
0x262: {  	v11 =	vld [tilespmem:s21+$0xFFFFFFC0]  }
0x263: {  	v16 =	vld [tilespmem:s31+$0x8010]  }
0x264: {  	v17 =	vld [tilespmem:s6+$0xFFFFFFD0]  }
0x265: {  	v15 =	vld [tilespmem:s21+$0xFFFFFFD0]  }
0x266: {  	v18 =	vld [tilespmem:s6+$0x20]  }
0x267: {  	s4 =	simm.s32 $0x200;
	v19 =	vld [tilespmem:s6+$0x0]  }
.LBB2_13:
0x268: {  	p0 =	sne.s32 s4, $0x7F00;
	v20 =	vld [tilespmem:s31+$0x8040]  }
0x269: {  	v21 =	vld [tilespmem:s6+$0x10]  }
0x26a: {  	v22 =	vld [tilespmem:s31+$0x8050]  }
0x26b: {  	v23 =	vld [tilespmem:s31+$0x8060]  }
0x26c: {  	v24 =	vld [tilespmem:s6+$0x30]  }
0x26d: {  	v25 =	vld [tilespmem:s31+$0x8070]  }
0x26e: {  	v6 =	vmul.f32 v7, v6;
	v8 =	vmul.f32 v10, v8;
	v7 =	vld [tilespmem:s31+$0x8410]  }
0x26f: {  	v9 =	vmul.f32 v12, v9;
	v10 =	vadd.f32 v19, v20;
	v19 =	vadd.f32 v21, v22;
	v12 =	vld [tilespmem:s21+$0xFFFFFFF0]  }
0x270: {  	v13 =	vmul.f32 v13, v14;
	v16 =	vmul.f32 v17, v16;
	v14 =	vld [tilespmem:s21+$0x10];
	v17 =	vadd.f32 v18, v23  }
0x271: {  	v11 =	vmul.f32 v11, v10;
	v15 =	vmul.f32 v15, v19;
	v18 =	vld [tilespmem:s31+$0x8430]  }
0x272: {  	v4 =	vmul.f32 v10, v4;
	v10 =	vld [tilespmem:s21+$0x20];
	v5 =	vmul.f32 v5, v17;
	v20 =	vadd.f32 v24, v25  }
0x273: {  	v11 =	vadd.f32 v11, v13;
	v13 =	vadd.f32 v15, v16;
	v7 =	vmul.f32 v19, v7;
	v15 =	vld [tilespmem:s31+$0x8470]  }
0x274: {  	v3 =	vmul.f32 v17, v3;
	v5 =	vadd.f32 v5, v9;
	v9 =	vld [tilespmem:s21+$0x30];
	v12 =	vmul.f32 v12, v20  }
0x275: {  	v4 =	vadd.f32 v11, v4;
	v7 =	vadd.f32 v13, v7;
	v2 =	vmul.f32 v14, v2  }
0x276: {  	v3 =	vadd.f32 v5, v3;
	v5 =	vadd.f32 v12, v8;
	v8 =	vmul.f32 v20, v18  }
0x277: {  	v4 =	vadd.f32 v4, v6;
	v2 =	vadd.f32 v7, v2;
	v1 =	vmul.f32 v10, v1  }
0x278: {  	v5 =	vadd.f32 v5, v8  }
0x279: {  	v2 =	vadd.f32 v2, v4;
	v1 =	vadd.f32 v3, v1;
	v3 =	vmul.f32 v9, v15;
	_ =	sdelay $0x1  }
0x27a: {  	v1 =	vadd.f32 v1, v2;
	v2 =	vadd.f32 v5, v3  }
0x27b: {  	s5 =	sadd.s32 $0x80, s5  }
0x27c: {  	s7 =	sand.u32 $0x7800, s4;
	s31 =	sand.u32 $0x380, s5;
	v1 =	vadd.f32 v2, v1  }
0x27d: {  	s23 =	sadd.s32 $0x80, s23;
	s7 =	sor.u32 s31, s7  }
0x27e: {  	s31 =	sadd.s32 $0x9500, s7;
	[tilespmem:s23+$0x0] =	vst v1  }
0x27f: {  	v1 =	vld [tilespmem:s31+$0x8460]  }
0x280: {  	s21 =	sadd.s32 $0x80, s21;
	v6 =	vld [tilespmem:s31+$0x8440]  }
0x281: {  	v7 =	vld [tilespmem:s21+$0x0]  }
0x282: {  	v2 =	vld [tilespmem:s31+$0x8450]  }
0x283: {  	v3 =	vld [tilespmem:s31+$0x8420]  }
0x284: {  	s6 =	sadd.s32 $0x80, s6;
	v8 =	vld [tilespmem:s31+$0x8030]  }
0x285: {  	v10 =	vld [tilespmem:s6+$0xFFFFFFF0]  }
0x286: {  	v4 =	vld [tilespmem:s31+$0x8400]  }
0x287: {  	v9 =	vld [tilespmem:s31+$0x8020]  }
0x288: {  	v12 =	vld [tilespmem:s6+$0xFFFFFFE0]  }
0x289: {  	v5 =	vld [tilespmem:s21+$0xFFFFFFE0]  }
0x28a: {  	v13 =	vld [tilespmem:s6+$0xFFFFFFC0]  }
0x28b: {  	v14 =	vld [tilespmem:s31+$0x8000]  }
0x28c: {  	v11 =	vld [tilespmem:s21+$0xFFFFFFC0]  }
.Ltmp9:
0x28d: {  	v16 =	vld [tilespmem:s31+$0x8010];
	(pc) =	sbr.rel @p0 .LBB2_13-.Ltmp9, $4  }
0x28e: {  	v17 =	vld [tilespmem:s6+$0xFFFFFFD0]  }
0x28f: {  	v15 =	vld [tilespmem:s21+$0xFFFFFFD0]  }
0x290: {  	v18 =	vld [tilespmem:s6+$0x20]  }
0x291: {  	s4 =	sadd.s32 $0x100, s4;
	v19 =	vld [tilespmem:s6+$0x0]  }
0x292: {  	v20 =	vld [tilespmem:s31+$0x8040]  }
0x293: {  	v21 =	vld [tilespmem:s6+$0x10]  }
0x294: {  	v22 =	vld [tilespmem:s31+$0x8050]  }
0x295: {  	v23 =	vld [tilespmem:s31+$0x8060]  }
0x296: {  	v24 =	vld [tilespmem:s6+$0x30]  }
0x297: {  	v25 =	vld [tilespmem:s31+$0x8070]  }
0x298: {  	v6 =	vmul.f32 v7, v6;
	v50 =	vld [tilespmem:s31+$0x8410];
	v8 =	vmul.f32 v10, v8  }
0x299: {  	v9 =	vmul.f32 v12, v9;
	v53 =	vld [tilespmem:s21+$0xFFFFFFF0];
	v51 =	vadd.f32 v19, v20;
	v52 =	vadd.f32 v21, v22  }
0x29a: {  	v13 =	vmul.f32 v13, v14;
	v54 =	vld [tilespmem:s21+$0x10];
	v16 =	vmul.f32 v17, v16;
	v55 =	vadd.f32 v18, v23  }
0x29b: {  	v56 =	vld [tilespmem:s31+$0x8430];
	v11 =	vmul.f32 v11, v51;
	v15 =	vmul.f32 v15, v52  }
0x29c: {  	v57 =	vld [tilespmem:s21+$0x20];
	v58 =	vadd.f32 v24, v25;
	v4 =	vmul.f32 v51, v4;
	v5 =	vmul.f32 v5, v55  }
0x29d: {  	v60 =	vld [tilespmem:s31+$0x8470];
	v7 =	vmul.f32 v52, v50;
	v11 =	vadd.f32 v11, v13;
	v59 =	vadd.f32 v15, v16  }
0x29e: {  	v61 =	vld [tilespmem:s21+$0x30];
	v3 =	vmul.f32 v55, v3;
	v12 =	vmul.f32 v53, v58;
	v5 =	vadd.f32 v5, v9  }
0x29f: {  	v2 =	vmul.f32 v54, v2;
	v4 =	vadd.f32 v11, v4;
	v7 =	vadd.f32 v59, v7  }
0x2a0: {  	v63 =	vmul.f32 v58, v56;
	v62 =	vadd.f32 v12, v8;
	v3 =	vadd.f32 v5, v3  }
0x2a1: {  	v1 =	vmul.f32 v57, v1;
	v4 =	vadd.f32 v4, v6;
	v2 =	vadd.f32 v7, v2  }
0x2a2: {  	v5 =	vadd.f32 v62, v63  }
0x2a3: {  	v1 =	vadd.f32 v3, v1;
	v3 =	vmul.f32 v61, v60;
	v2 =	vadd.f32 v2, v4;
	_ =	sdelay $0x1  }
0x2a4: {  	v1 =	vadd.f32 v1, v2;
	v2 =	vadd.f32 v5, v3;
	_ =	sdelay $0x1  }
0x2a5: {  	v1 =	vadd.f32 v2, v1  }
0x2a6: {  	s4 =	sadd.s32 $0x80, s23  }
0x2a7: {  	[tilespmem:s4+$0x0] =	vst v1  }
.LBB2_15:
0x2a8: {  	[hbm4b:s13+s1] =	stream.linear.scatter [tilespmem:s22], [sflag:$0x4], $0x4000, $0x38;
	[tilespmem:$0x1E200] =	vst v63  }
0x2a9: {  	_ =	swait.ge [sflag:s19], $0x4000  }
0x2aa: {  	[sflag:s19] =	ssyncset.done $0x0  }
0x2ab: {  	[sflag:s19] =	ssyncadd.s32 $0xFFFFC000  }
0x2ac: {  	v1 =	vld [tilespmem:$0x100]  }
0x2ad: {  	v2 =	vld [tilespmem:$0x300];
	_ =	sdelay $0x5  }
0x2ae: {  	v5 =	vld [tilespmem:$0x110]  }
0x2af: {  	v3 =	vld.idx.msk [tilespmem:v1+s26+$0x0], $0xffff  }
0x2b0: {  	v4 =	vld.idx.msk [tilespmem:v2+s28+$0x0], $0xffff  }
0x2b1: {  	v6 =	vld [tilespmem:$0x310];
	_ =	sdelay $0x3  }
0x2b2: {  	v3 =	vadd.f32 v4, v3;
	_ =	sdelay $0x1  }
0x2b3: {  	v35 =	vld [tilespmem:$0x120];
	[tilespmem:$0x1E100] =	vst v3  }
0x2b4: {  	v3 =	vld.idx.msk [tilespmem:v5+s26+$0x0], $0xffff  }
0x2b5: {  	v34 =	vld.idx.msk [tilespmem:v6+s28+$0x0], $0xffff  }
0x2b6: {  	v36 =	vld [tilespmem:$0x320];
	_ =	sdelay $0x3  }
0x2b7: {  	v3 =	vadd.f32 v34, v3;
	_ =	sdelay $0x1  }
0x2b8: {  	v38 =	vld [tilespmem:$0x130];
	[tilespmem:$0x1E110] =	vst v3  }
0x2b9: {  	v3 =	vld.idx.msk [tilespmem:v35+s26+$0x0], $0xffff  }
0x2ba: {  	v37 =	vld.idx.msk [tilespmem:v36+s28+$0x0], $0xffff  }
0x2bb: {  	v39 =	vld [tilespmem:$0x330];
	_ =	sdelay $0x3  }
0x2bc: {  	v3 =	vadd.f32 v37, v3;
	_ =	sdelay $0x1  }
0x2bd: {  	v41 =	vld [tilespmem:$0x140];
	[tilespmem:$0x1E120] =	vst v3  }
0x2be: {  	v3 =	vld.idx.msk [tilespmem:v38+s26+$0x0], $0xffff  }
0x2bf: {  	v40 =	vld.idx.msk [tilespmem:v39+s28+$0x0], $0xffff  }
0x2c0: {  	v42 =	vld [tilespmem:$0x340];
	_ =	sdelay $0x3  }
0x2c1: {  	v3 =	vadd.f32 v40, v3;
	_ =	sdelay $0x1  }
0x2c2: {  	v44 =	vld [tilespmem:$0x150];
	[tilespmem:$0x1E130] =	vst v3  }
0x2c3: {  	v3 =	vld.idx.msk [tilespmem:v41+s26+$0x0], $0xffff  }
0x2c4: {  	v43 =	vld.idx.msk [tilespmem:v42+s28+$0x0], $0xffff  }
0x2c5: {  	v45 =	vld [tilespmem:$0x350];
	_ =	sdelay $0x3  }
0x2c6: {  	v47 =	vld [tilespmem:$0x160];
	v3 =	vadd.f32 v43, v3  }
0x2c7: {  	v48 =	vld [tilespmem:$0x360]  }
0x2c8: {  	v7 =	vld [tilespmem:$0x310];
	[tilespmem:$0x1E140] =	vst v3  }
0x2c9: {  	v3 =	vld.idx.msk [tilespmem:v44+s26+$0x0], $0xffff  }
0x2ca: {  	v46 =	vld.idx.msk [tilespmem:v45+s28+$0x0], $0xffff  }
0x2cb: {  	v49 =	vld [tilespmem:$0x320]  }
0x2cc: {  	v8 =	vld [tilespmem:$0x330]  }
0x2cd: {  	v56 =	vld [tilespmem:$0x110]  }
0x2ce: {  	v51 =	vld [tilespmem:$0x170]  }
0x2cf: {  	v14 =	vld [tilespmem:$0x120];
	v3 =	vadd.f32 v46, v3  }
0x2d0: {  	v9 =	vld [tilespmem:$0x370]  }
0x2d1: {  	v15 =	vld [tilespmem:$0x130];
	[tilespmem:$0x1E150] =	vst v3  }
0x2d2: {  	vm0 =	vlt.s32 v2, v7;
	vm9 =	vlt.s32 v1, v56;
	v3 =	vld.idx.msk [tilespmem:v47+s26+$0x0], $0xffff  }
0x2d3: {  	v11 =	vsel vm0, v7, v2;
	v58 =	vsel vm9, v56, v1;
	v50 =	vld.idx.msk [tilespmem:v48+s28+$0x0], $0xffff  }
0x2d4: {  	v57 =	vld [tilespmem:$0x140];
	vm1 =	vgt.s32 v11, v49;
	vm11 =	vgt.s32 v58, v14  }
0x2d5: {  	v52 =	vsel vm1, v11, v49;
	v2 =	vsel vm0, v2, v7;
	v1 =	vsel vm9, v1, v56  }
0x2d6: {  	v10 =	vld [tilespmem:$0x340];
	v7 =	vsel vm11, v58, v14;
	vm1 =	vgt.s32 v52, v8;
	vm10 =	vlt.s32 v2, v49  }
0x2d7: {  	v59 =	vld [tilespmem:$0x150];
	vm13 =	vlt.s32 v1, v14;
	vm14 =	vgt.s32 v7, v15;
	v2 =	vsel vm10, v2, v49  }
0x2d8: {  	v12 =	vld [tilespmem:$0x350];
	v1 =	vsel vm13, v1, v14;
	v7 =	vsel vm14, v7, v15;
	v3 =	vadd.f32 v50, v3  }
0x2d9: {  	v53 =	vld [tilespmem:$0x360];
	vm12 =	vlt.s32 v2, v8;
	vm4 =	vlt.s32 v1, v15;
	vm5 =	vgt.s32 v7, v57  }
0x2da: {  	v60 =	vld [tilespmem:$0x160];
	v2 =	vsel vm12, v2, v8;
	v1 =	vsel vm4, v1, v15;
	v7 =	vsel vm5, v7, v57;
	[tilespmem:$0x1E160] =	vst v3  }
0x2db: {  	vm15 =	vlt.s32 v2, v10;
	vm7 =	vlt.s32 v1, v57;
	v3 =	vsel vm1, v52, v8;
	v54 =	vld.idx.msk [tilespmem:v51+s26+$0x0], $0xffff  }
0x2dc: {  	vm8 =	vgt.s32 v7, v59;
	v2 =	vsel vm15, v2, v10;
	vm1 =	vgt.s32 v3, v10;
	v55 =	vld.idx.msk [tilespmem:v9+s28+$0x0], $0xffff  }
0x2dd: {  	v13 =	vld [tilespmem:$0x370];
	v1 =	vsel vm7, v1, v57;
	v62 =	vsel vm8, v7, v59;
	v3 =	vsel vm1, v3, v10  }
0x2de: {  	v61 =	vld [tilespmem:$0x170];
	vm6 =	vlt.s32 v2, v12;
	vm10 =	vlt.s32 v1, v59;
	vm1 =	vgt.s32 v3, v12  }
0x2df: {  	vm11 =	vgt.s32 v62, v60;
	v2 =	vsel vm6, v2, v12;
	v3 =	vsel vm1, v3, v12  }
0x2e0: {  	v1 =	vsel vm10, v1, v59;
	v63 =	vsel vm11, v62, v60;
	vm1 =	vgt.s32 v3, v53  }
0x2e1: {  	vm9 =	vlt.s32 v2, v53;
	v3 =	vsel vm1, v3, v53;
	v5 =	vadd.f32 v55, v54  }
0x2e2: {  	vm13 =	vlt.s32 v1, v60;
	v2 =	vsel vm9, v2, v53;
	vm1 =	vgt.s32 v3, v13  }
0x2e3: {  	vm14 =	vgt.s32 v63, v61;
	vm12 =	vlt.s32 v2, v13;
	v3 =	vsel vm1, v3, v13;
	[tilespmem:$0x1E170] =	vst v5  }
0x2e4: {  	v1 =	vsel vm13, v1, v60;
	v2 =	vsel vm12, v2, v13;
	v3 =	vxor.u32 $0x80000000, v3;
	_ =	swait.ge [sflag:s0], $0x8000  }
0x2e5: {  	vm15 =	vlt.s32 v1, v61;
	v2 =	vxor.u32 $0x80000000, v2;
	(xrf0) =	vmax.scan.msk.u32 $0xffff, v3;
	v3 =	vsel vm14, v63, v61  }
0x2e6: {  	v1 =	vsel vm15, v1, v61;
	(xrf0) =	vmin.scan.msk.u32 $0xffff, v2;
	v2 =	vxor.u32 $0x80000000, v3  }
0x2e7: {  	v1 =	vxor.u32 $0x80000000, v1;
	(xrf0) =	vmax.scan.msk.u32 $0xffff, v2  }
0x2e8: {  	(xrf0) =	vmin.scan.msk.u32 $0xffff, v1;
	_ =	sdelay $0x2  }
0x2e9: {  	v1, _, _ =	vpop (xrf0)  }
0x2ea: {  	v2, _, _ =	vpop (xrf0);
	(v2sf) =	vpush v1, $0xF  }
0x2eb: {  	v1, _, _ =	vpop (xrf0);
	(v2sf) =	vpush v2, $0xF  }
0x2ec: {  	(v2sf) =	vpush v1, $0xF;
	v1, _, _ =	vpop (xrf0)  }
0x2ed: {  	(v2sf) =	vpush v1, $0xF;
	_ =	sdelay $0xb  }
0x2ee: {  	s4 =	spop (v2sf)  }
0x2ef: {  	s5 =	spop (v2sf)  }
0x2f0: {  	s6 =	spop (v2sf)  }
0x2f1: {  	s7 =	spop (v2sf)  }
0x2f2: {  	p0 =	sne.s32 s6, s7  }
0x2f3: {  	p1 =	sne.s32 @!p0 s4, s5  }
0x2f4: {  	p0 =	por p0, p1  }
.Ltmp10:
0x2f5: {  	_ = 	snop;
	(pc) =	sbr.rel @p0 .LBB2_19-.Ltmp10, $4  }
0x2f6: {  	_ = 	snop  }
0x2f7: {  	[sflag:s0] =	ssyncset.done $0x0  }
0x2f8: {  	s31 =	simm.s32 $0x11500;
	[sflag:s0] =	ssyncadd.s32 $0xFFFF8000  }
0x2f9: {  	[tilespmem:s31], [sflag:$0x3] =	stream.linear.gather [hbm4b:s14+s1], $0x8000, $0x38;
	[tilespmem:$0x1E200] =	vst v63  }
0x2fa: {  	v6 =	vld [tilespmem:$0x8500]  }
0x2fb: {  	v5 =	vld [tilespmem:$0x8510]  }
0x2fc: {  	v8 =	vld [tilespmem:$0x8520]  }
0x2fd: {  	v12 =	vld [tilespmem:$0x8530]  }
0x2fe: {  	v13 =	vld [tilespmem:$0x8540]  }
0x2ff: {  	v14 =	vld [tilespmem:$0x8550]  }
0x300: {  	v9 =	vld [tilespmem:$0x8560]  }
0x301: {  	v4 =	vld [tilespmem:$0x8570]  }
0x302: {  	v10 =	vld [tilespmem:$0x8D00]  }
0x303: {  	v11 =	vld [tilespmem:$0x8D10]  }
0x304: {  	v7 =	vld [tilespmem:$0x8D20]  }
0x305: {  	v2 =	vld [tilespmem:$0x8D30]  }
0x306: {  	v16 =	vld [tilespmem:$0x8D40];
	s4 =	simm.s32 $0x0  }
0x307: {  	v3 =	vld [tilespmem:$0x8D50];
	s5 =	sand.u32 $0x7800, s4;
	s4 =	sand.u32 $0x380, s4  }
0x308: {  	v1 =	vld [tilespmem:$0x8D60];
	s4 =	sor.u32 s4, s5  }
0x309: {  	v15 =	vld [tilespmem:s4+$0x9940]  }
0x30a: {  	v17 =	vld [tilespmem:s4+$0x9530]  }
0x30b: {  	v18 =	vld [tilespmem:s4+$0x9520]  }
0x30c: {  	v19 =	vld [tilespmem:s4+$0x9500]  }
0x30d: {  	v20 =	vld [tilespmem:s4+$0x9510]  }
0x30e: {  	v21 =	vld [tilespmem:s4+$0x9540]  }
0x30f: {  	v22 =	vld [tilespmem:s4+$0x9550]  }
0x310: {  	v23 =	vld [tilespmem:s4+$0x9560]  }
0x311: {  	v24 =	vld [tilespmem:s4+$0x9900]  }
0x312: {  	v25 =	vld [tilespmem:s4+$0x9570]  }
0x313: {  	v27 =	vld [tilespmem:s4+$0x9910];
	v26 =	vmul.f32 v15, v16;
	v17 =	vmul.f32 v17, v12  }
0x314: {  	v15 =	vadd.f32 v21, v13;
	v21 =	vadd.f32 v22, v14;
	v22 =	vld [tilespmem:s4+$0x9920];
	v18 =	vmul.f32 v18, v8  }
0x315: {  	v28 =	vld [tilespmem:s4+$0x9950];
	v19 =	vmul.f32 v19, v6;
	v20 =	vmul.f32 v20, v5;
	v23 =	vadd.f32 v23, v9  }
0x316: {  	v31 =	vld [tilespmem:s4+$0x9930];
	v29 =	vmul.f32 v15, v10;
	v30 =	vmul.f32 v21, v11  }
0x317: {  	v32 =	vld [tilespmem:s4+$0x9960];
	v25 =	vadd.f32 v25, v4;
	v24 =	vmul.f32 v15, v24;
	v33 =	vmul.f32 v23, v7  }
0x318: {  	v15 =	vld [tilespmem:$0x8D70];
	v21 =	vmul.f32 v21, v27;
	v19 =	vadd.f32 v29, v19;
	v20 =	vadd.f32 v30, v20  }
0x319: {  	v63 =	vmul.f32 v25, v2;
	v18 =	vadd.f32 v33, v18;
	v22 =	vmul.f32 v23, v22;
	v23 =	vld [tilespmem:s4+$0x9970]  }
0x31a: {  	v19 =	vadd.f32 v19, v24;
	v20 =	vadd.f32 v20, v21;
	v21 =	vmul.f32 v28, v3  }
0x31b: {  	v17 =	vadd.f32 v63, v17;
	v18 =	vadd.f32 v18, v22;
	v22 =	vmul.f32 v25, v31  }
0x31c: {  	v19 =	vadd.f32 v19, v26;
	v20 =	vadd.f32 v20, v21;
	v21 =	vmul.f32 v32, v1  }
0x31d: {  	v17 =	vadd.f32 v17, v22  }
0x31e: {  	v19 =	vadd.f32 v20, v19;
	v18 =	vadd.f32 v18, v21;
	v20 =	vmul.f32 v23, v15;
	_ =	sdelay $0x1  }
0x31f: {  	v18 =	vadd.f32 v18, v19;
	v17 =	vadd.f32 v17, v20;
	_ =	sdelay $0x1  }
0x320: {  	s6 =	simm.s32 $0x100;
	s4 =	simm.s32 $0x80;
	v17 =	vadd.f32 v17, v18  }
0x321: {  	s6 =	sand.u32 $0x7800, s6;
	s5 =	simm.s32 $0x19500;
	s7 =	sand.u32 $0x380, s4  }
0x322: {  	s6 =	sor.u32 s7, s6;
	[tilespmem:s5+$0x0] =	vst v17  }
0x323: {  	v21 =	vld [tilespmem:s6+$0x9940]  }
0x324: {  	v20 =	vld [tilespmem:s6+$0x9530]  }
0x325: {  	v18 =	vld [tilespmem:s6+$0x9520]  }
0x326: {  	v19 =	vld [tilespmem:s6+$0x9500]  }
0x327: {  	s21 =	simm.s32 $0x200;
	v17 =	vld [tilespmem:s6+$0x9510]  }
.LBB2_17:
0x328: {  	p0 =	seq.s32 s21, $0x7F00;
	v22 =	vld [tilespmem:s6+$0x9540]  }
0x329: {  	v23 =	vld [tilespmem:s6+$0x9550]  }
0x32a: {  	v24 =	vld [tilespmem:s6+$0x9560]  }
0x32b: {  	v25 =	vld [tilespmem:s6+$0x9900]  }
0x32c: {  	v26 =	vld [tilespmem:s6+$0x9570]  }
0x32d: {  	v21 =	vmul.f32 v21, v16;
	v20 =	vmul.f32 v20, v12;
	v27 =	vld [tilespmem:s6+$0x9910]  }
0x32e: {  	v18 =	vmul.f32 v18, v8;
	v22 =	vadd.f32 v22, v13;
	v23 =	vadd.f32 v23, v14;
	v28 =	vld [tilespmem:s6+$0x9920]  }
0x32f: {  	v19 =	vmul.f32 v19, v6;
	v17 =	vmul.f32 v17, v5;
	v29 =	vld [tilespmem:s6+$0x9950];
	v24 =	vadd.f32 v24, v9  }
0x330: {  	v30 =	vmul.f32 v22, v10;
	v31 =	vmul.f32 v23, v11;
	v32 =	vld [tilespmem:s6+$0x9930]  }
0x331: {  	v22 =	vmul.f32 v22, v25;
	v25 =	vld [tilespmem:s6+$0x9960];
	v33 =	vmul.f32 v24, v7;
	v26 =	vadd.f32 v26, v4  }
0x332: {  	v19 =	vadd.f32 v30, v19;
	v17 =	vadd.f32 v31, v17;
	v23 =	vmul.f32 v23, v27  }
0x333: {  	v18 =	vadd.f32 v33, v18;
	v24 =	vmul.f32 v24, v28;
	v27 =	vld [tilespmem:s6+$0x9970];
	v28 =	vmul.f32 v26, v2  }
0x334: {  	v19 =	vadd.f32 v19, v22;
	v17 =	vadd.f32 v17, v23;
	v22 =	vmul.f32 v29, v3  }
0x335: {  	v18 =	vadd.f32 v18, v24;
	v20 =	vadd.f32 v28, v20;
	v23 =	vmul.f32 v26, v32  }
0x336: {  	v19 =	vadd.f32 v19, v21;
	v17 =	vadd.f32 v17, v22;
	v21 =	vmul.f32 v25, v1  }
0x337: {  	v20 =	vadd.f32 v20, v23  }
0x338: {  	v17 =	vadd.f32 v17, v19;
	v18 =	vadd.f32 v18, v21;
	v19 =	vmul.f32 v27, v15;
	_ =	sdelay $0x1  }
0x339: {  	v17 =	vadd.f32 v18, v17;
	v18 =	vadd.f32 v20, v19;
	_ =	sdelay $0x1  }
0x33a: {  	s4 =	sadd.s32 $0x80, s4;
	v17 =	vadd.f32 v18, v17  }
0x33b: {  	s5 =	sadd.s32 $0x80, s5;
	s7 =	sand.u32 $0x380, s4;
	s6 =	sand.u32 $0x7800, s21  }
0x33c: {  	s6 =	sor.u32 s7, s6;
	[tilespmem:s5+$0x0] =	vst v17  }
.Ltmp11:
0x33d: {  	v21 =	vld [tilespmem:s6+$0x9940];
	(pc) =	sbr.rel @!p0 .LBB2_17-.Ltmp11, $4  }
0x33e: {  	v20 =	vld [tilespmem:s6+$0x9530]  }
0x33f: {  	v18 =	vld [tilespmem:s6+$0x9520]  }
0x340: {  	v19 =	vld [tilespmem:s6+$0x9500]  }
0x341: {  	s21 =	sadd.s32 $0x100, s21;
	v17 =	vld [tilespmem:s6+$0x9510]  }
0x342: {  	v22 =	vld [tilespmem:s6+$0x9540]  }
0x343: {  	v23 =	vld [tilespmem:s6+$0x9550]  }
0x344: {  	v24 =	vld [tilespmem:s6+$0x9560]  }
0x345: {  	v25 =	vld [tilespmem:s6+$0x9900]  }
0x346: {  	v26 =	vld [tilespmem:s6+$0x9570]  }
0x347: {  	v16 =	vmul.f32 v21, v16;
	v55 =	vld [tilespmem:s6+$0x9910];
	v12 =	vmul.f32 v20, v12  }
0x348: {  	v56 =	vld [tilespmem:s6+$0x9920];
	v8 =	vmul.f32 v18, v8;
	v13 =	vadd.f32 v22, v13;
	v14 =	vadd.f32 v23, v14  }
0x349: {  	v57 =	vld [tilespmem:s6+$0x9950];
	v6 =	vmul.f32 v19, v6;
	v5 =	vmul.f32 v17, v5;
	v9 =	vadd.f32 v24, v9  }
0x34a: {  	v58 =	vld [tilespmem:s6+$0x9930];
	v10 =	vmul.f32 v13, v10;
	v11 =	vmul.f32 v14, v11  }
0x34b: {  	v59 =	vld [tilespmem:s6+$0x9960];
	v4 =	vadd.f32 v26, v4;
	v13 =	vmul.f32 v13, v25;
	v7 =	vmul.f32 v9, v7  }
0x34c: {  	v60 =	vmul.f32 v14, v55;
	v6 =	vadd.f32 v10, v6;
	v5 =	vadd.f32 v11, v5  }
0x34d: {  	v62 =	vld [tilespmem:s6+$0x9970];
	v61 =	vmul.f32 v9, v56;
	v2 =	vmul.f32 v4, v2;
	v7 =	vadd.f32 v7, v8  }
0x34e: {  	v3 =	vmul.f32 v57, v3;
	v6 =	vadd.f32 v6, v13;
	v5 =	vadd.f32 v5, v60  }
0x34f: {  	v4 =	vmul.f32 v4, v58;
	v2 =	vadd.f32 v2, v12;
	v7 =	vadd.f32 v7, v61  }
0x350: {  	v1 =	vmul.f32 v59, v1;
	v6 =	vadd.f32 v6, v16;
	v3 =	vadd.f32 v5, v3  }
0x351: {  	v2 =	vadd.f32 v2, v4  }
0x352: {  	v63 =	vmul.f32 v62, v15;
	v1 =	vadd.f32 v7, v1;
	v3 =	vadd.f32 v3, v6;
	_ =	sdelay $0x1  }
.Ltmp12:
0x353: {  	v2 =	vadd.f32 v2, v63;
	v1 =	vadd.f32 v1, v3;
	(pc) =	sbr.rel .LBB2_22-.Ltmp12, $4  }
0x354: {  	_ = 	snop  }
0x355: {  	v1 =	vadd.f32 v2, v1  }
0x356: {  	s4 =	sadd.s32 $0x80, s5  }
0x357: {  	[tilespmem:s4+$0x0] =	vst v1  }
.LBB2_19:
0x358: {  	s4 =	simm.s32 $0x400;
	s5 =	simm.s32 $0x100  }
0x359: {  	[tilespmem:s4], [sflag:$0x1] =	stream.indirect.gather [hbm4b:s2+s24], $0x80, s5, s24, $0xb8;
	[tilespmem:$0x1E200] =	vst v63  }
0x35a: {  	s6 =	simm.s32 $0x300;
	s5 =	simm.s32 $0x4400  }
0x35b: {  	[tilespmem:s5], [sflag:$0x2] =	stream.indirect.gather [hbm4b:s3+s24], $0x80, s6, s24, $0xb8;
	[tilespmem:$0x1E200] =	vst v63  }
0x35c: {  	_ =	swait.ge [sflag:s29], $0x4000  }
0x35d: {  	[sflag:s29] =	ssyncset.done $0x0  }
0x35e: {  	[sflag:s29] =	ssyncadd.s32 $0xFFFFC000  }
0x35f: {  	s7 =	simm.s32 $0x0;
	_ =	swait.ge [sflag:s30], $0x4000  }
0x360: {  	s21 =	sand.u32 $0x7800, s7;
	s4 =	sand.u32 $0x380, s7;
	[sflag:s30] =	ssyncset.done $0x0  }
0x361: {  	s4 =	sor.u32 s4, s21;
	[sflag:s30] =	ssyncadd.s32 $0xFFFFC000  }
0x362: {  	v1 =	vld [tilespmem:s4+$0x9960]  }
0x363: {  	s23 =	simm.s32 $0x4440;
	v2 =	vld [tilespmem:s4+$0x9940]  }
0x364: {  	v3 =	vld [tilespmem:s23+$0x0]  }
0x365: {  	v4 =	vld [tilespmem:s4+$0x9950]  }
0x366: {  	v5 =	vld [tilespmem:s4+$0x9920]  }
0x367: {  	s6 =	simm.s32 $0x440;
	v6 =	vld [tilespmem:s4+$0x9530]  }
0x368: {  	v7 =	vld [tilespmem:s6+$0xFFFFFFF0]  }
0x369: {  	v8 =	vld [tilespmem:s4+$0x9900]  }
0x36a: {  	v9 =	vld [tilespmem:s4+$0x9520]  }
0x36b: {  	v10 =	vld [tilespmem:s6+$0xFFFFFFE0]  }
0x36c: {  	v11 =	vld [tilespmem:s23+$0xFFFFFFE0]  }
0x36d: {  	v12 =	vld [tilespmem:s6+$0xFFFFFFC0]  }
0x36e: {  	v13 =	vld [tilespmem:s4+$0x9500]  }
0x36f: {  	v14 =	vld [tilespmem:s23+$0xFFFFFFC0]  }
0x370: {  	v15 =	vld [tilespmem:s4+$0x9510]  }
0x371: {  	v16 =	vld [tilespmem:s6+$0xFFFFFFD0]  }
0x372: {  	v17 =	vld [tilespmem:s23+$0xFFFFFFD0]  }
0x373: {  	v18 =	vld [tilespmem:s6+$0x20]  }
0x374: {  	v19 =	vld [tilespmem:s6+$0x0]  }
0x375: {  	v20 =	vld [tilespmem:s4+$0x9540]  }
0x376: {  	v21 =	vld [tilespmem:s6+$0x10]  }
0x377: {  	v22 =	vld [tilespmem:s4+$0x9550]  }
0x378: {  	v23 =	vld [tilespmem:s4+$0x9560]  }
0x379: {  	v24 =	vld [tilespmem:s6+$0x30]  }
0x37a: {  	v25 =	vld [tilespmem:s4+$0x9570]  }
0x37b: {  	v2 =	vmul.f32 v3, v2;
	v3 =	vld [tilespmem:s4+$0x9910];
	v6 =	vmul.f32 v7, v6  }
0x37c: {  	v7 =	vadd.f32 v19, v20;
	v19 =	vadd.f32 v21, v22;
	v9 =	vmul.f32 v10, v9;
	v10 =	vld [tilespmem:s23+$0xFFFFFFF0]  }
0x37d: {  	v12 =	vmul.f32 v12, v13;
	v13 =	vld [tilespmem:s23+$0x10];
	v15 =	vmul.f32 v16, v15;
	v16 =	vadd.f32 v18, v23  }
0x37e: {  	v18 =	vld [tilespmem:s4+$0x9930];
	v14 =	vmul.f32 v14, v7;
	v17 =	vmul.f32 v17, v19  }
0x37f: {  	v20 =	vadd.f32 v24, v25;
	v7 =	vmul.f32 v7, v8;
	v8 =	vld [tilespmem:s23+$0x20];
	v11 =	vmul.f32 v11, v16  }
0x380: {  	v12 =	vadd.f32 v14, v12;
	v14 =	vadd.f32 v17, v15;
	v15 =	vld [tilespmem:s4+$0x9970];
	v3 =	vmul.f32 v19, v3  }
0x381: {  	v5 =	vmul.f32 v16, v5;
	v9 =	vadd.f32 v11, v9;
	v11 =	vld [tilespmem:s23+$0x30];
	v10 =	vmul.f32 v10, v20  }
0x382: {  	v4 =	vmul.f32 v13, v4;
	v7 =	vadd.f32 v12, v7;
	v3 =	vadd.f32 v14, v3  }
0x383: {  	v5 =	vadd.f32 v9, v5;
	v9 =	vmul.f32 v20, v18;
	v6 =	vadd.f32 v10, v6  }
0x384: {  	v1 =	vmul.f32 v8, v1;
	v2 =	vadd.f32 v7, v2;
	v3 =	vadd.f32 v3, v4  }
0x385: {  	v4 =	vadd.f32 v6, v9  }
0x386: {  	v1 =	vadd.f32 v5, v1;
	v2 =	vadd.f32 v3, v2;
	v3 =	vmul.f32 v11, v15;
	_ =	sdelay $0x1  }
0x387: {  	v1 =	vadd.f32 v1, v2;
	v2 =	vadd.f32 v4, v3;
	_ =	sdelay $0x1  }
0x388: {  	s7 =	simm.s32 $0x100;
	s5 =	simm.s32 $0x80;
	v1 =	vadd.f32 v2, v1  }
0x389: {  	s21 =	sand.u32 $0x380, s5;
	s23 =	simm.s32 $0x19500;
	s4 =	sand.u32 $0x7800, s7  }
0x38a: {  	s31 =	sor.u32 s21, s4;
	[tilespmem:s23+$0x0] =	vst v1  }
0x38b: {  	v1 =	vld [tilespmem:s31+$0x9960]  }
0x38c: {  	s21 =	simm.s32 $0x44C0;
	v6 =	vld [tilespmem:s31+$0x9940]  }
0x38d: {  	v7 =	vld [tilespmem:s21+$0x0]  }
0x38e: {  	v2 =	vld [tilespmem:s31+$0x9950]  }
0x38f: {  	v3 =	vld [tilespmem:s31+$0x9920]  }
0x390: {  	s6 =	simm.s32 $0x4C0;
	v8 =	vld [tilespmem:s31+$0x9530]  }
0x391: {  	v10 =	vld [tilespmem:s6+$0xFFFFFFF0]  }
0x392: {  	v4 =	vld [tilespmem:s31+$0x9900]  }
0x393: {  	v9 =	vld [tilespmem:s31+$0x9520]  }
0x394: {  	v12 =	vld [tilespmem:s6+$0xFFFFFFE0]  }
0x395: {  	v5 =	vld [tilespmem:s21+$0xFFFFFFE0]  }
0x396: {  	v13 =	vld [tilespmem:s6+$0xFFFFFFC0]  }
0x397: {  	v14 =	vld [tilespmem:s31+$0x9500]  }
0x398: {  	v11 =	vld [tilespmem:s21+$0xFFFFFFC0]  }
0x399: {  	v16 =	vld [tilespmem:s31+$0x9510]  }
0x39a: {  	v17 =	vld [tilespmem:s6+$0xFFFFFFD0]  }
0x39b: {  	v15 =	vld [tilespmem:s21+$0xFFFFFFD0]  }
0x39c: {  	v18 =	vld [tilespmem:s6+$0x20]  }
0x39d: {  	v19 =	vld [tilespmem:s6+$0x0]  }
0x39e: {  	s4 =	simm.s32 $0x200;
	v20 =	vld [tilespmem:s31+$0x9540]  }
.LBB2_20:
0x39f: {  	p0 =	sne.s32 s4, $0x7F00;
	v21 =	vld [tilespmem:s6+$0x10]  }
0x3a0: {  	v22 =	vld [tilespmem:s31+$0x9550]  }
0x3a1: {  	v23 =	vld [tilespmem:s31+$0x9560]  }
0x3a2: {  	v24 =	vld [tilespmem:s6+$0x30]  }
0x3a3: {  	v25 =	vld [tilespmem:s31+$0x9570]  }
0x3a4: {  	v6 =	vmul.f32 v7, v6;
	v8 =	vmul.f32 v10, v8;
	v7 =	vld [tilespmem:s31+$0x9910]  }
0x3a5: {  	v9 =	vmul.f32 v12, v9;
	v10 =	vadd.f32 v19, v20;
	v19 =	vadd.f32 v21, v22;
	v12 =	vld [tilespmem:s21+$0xFFFFFFF0]  }
0x3a6: {  	v13 =	vmul.f32 v13, v14;
	v16 =	vmul.f32 v17, v16;
	v14 =	vld [tilespmem:s21+$0x10];
	v17 =	vadd.f32 v18, v23  }
0x3a7: {  	v11 =	vmul.f32 v11, v10;
	v15 =	vmul.f32 v15, v19;
	v18 =	vld [tilespmem:s31+$0x9930]  }
0x3a8: {  	v4 =	vmul.f32 v10, v4;
	v10 =	vld [tilespmem:s21+$0x20];
	v5 =	vmul.f32 v5, v17;
	v20 =	vadd.f32 v24, v25  }
0x3a9: {  	v11 =	vadd.f32 v11, v13;
	v13 =	vadd.f32 v15, v16;
	v7 =	vmul.f32 v19, v7;
	v15 =	vld [tilespmem:s31+$0x9970]  }
0x3aa: {  	v3 =	vmul.f32 v17, v3;
	v5 =	vadd.f32 v5, v9;
	v9 =	vld [tilespmem:s21+$0x30];
	v12 =	vmul.f32 v12, v20  }
0x3ab: {  	v4 =	vadd.f32 v11, v4;
	v7 =	vadd.f32 v13, v7;
	v2 =	vmul.f32 v14, v2  }
0x3ac: {  	v3 =	vadd.f32 v5, v3;
	v5 =	vadd.f32 v12, v8;
	v8 =	vmul.f32 v20, v18  }
0x3ad: {  	v4 =	vadd.f32 v4, v6;
	v2 =	vadd.f32 v7, v2;
	v1 =	vmul.f32 v10, v1  }
0x3ae: {  	v5 =	vadd.f32 v5, v8  }
0x3af: {  	v2 =	vadd.f32 v2, v4;
	v1 =	vadd.f32 v3, v1;
	v3 =	vmul.f32 v9, v15;
	_ =	sdelay $0x1  }
0x3b0: {  	v1 =	vadd.f32 v1, v2;
	v2 =	vadd.f32 v5, v3;
	_ =	sdelay $0x1  }
0x3b1: {  	s5 =	sadd.s32 $0x80, s5;
	v1 =	vadd.f32 v2, v1  }
0x3b2: {  	s7 =	sand.u32 $0x7800, s4;
	s23 =	sadd.s32 $0x80, s23;
	s31 =	sand.u32 $0x380, s5  }
0x3b3: {  	s31 =	sor.u32 s31, s7;
	[tilespmem:s23+$0x0] =	vst v1  }
0x3b4: {  	v1 =	vld [tilespmem:s31+$0x9960]  }
0x3b5: {  	s21 =	sadd.s32 $0x80, s21;
	v6 =	vld [tilespmem:s31+$0x9940]  }
0x3b6: {  	v7 =	vld [tilespmem:s21+$0x0]  }
0x3b7: {  	v2 =	vld [tilespmem:s31+$0x9950]  }
0x3b8: {  	v3 =	vld [tilespmem:s31+$0x9920]  }
0x3b9: {  	s6 =	sadd.s32 $0x80, s6;
	v8 =	vld [tilespmem:s31+$0x9530]  }
0x3ba: {  	v10 =	vld [tilespmem:s6+$0xFFFFFFF0]  }
0x3bb: {  	v4 =	vld [tilespmem:s31+$0x9900]  }
0x3bc: {  	v9 =	vld [tilespmem:s31+$0x9520]  }
0x3bd: {  	v12 =	vld [tilespmem:s6+$0xFFFFFFE0]  }
0x3be: {  	v5 =	vld [tilespmem:s21+$0xFFFFFFE0]  }
0x3bf: {  	v13 =	vld [tilespmem:s6+$0xFFFFFFC0]  }
0x3c0: {  	v14 =	vld [tilespmem:s31+$0x9500]  }
0x3c1: {  	v11 =	vld [tilespmem:s21+$0xFFFFFFC0]  }
0x3c2: {  	v16 =	vld [tilespmem:s31+$0x9510]  }
.Ltmp13:
0x3c3: {  	v17 =	vld [tilespmem:s6+$0xFFFFFFD0];
	(pc) =	sbr.rel @p0 .LBB2_20-.Ltmp13, $4  }
0x3c4: {  	v15 =	vld [tilespmem:s21+$0xFFFFFFD0]  }
0x3c5: {  	v18 =	vld [tilespmem:s6+$0x20]  }
0x3c6: {  	v19 =	vld [tilespmem:s6+$0x0]  }
0x3c7: {  	s4 =	sadd.s32 $0x100, s4;
	v20 =	vld [tilespmem:s31+$0x9540]  }
0x3c8: {  	v21 =	vld [tilespmem:s6+$0x10]  }
0x3c9: {  	v22 =	vld [tilespmem:s31+$0x9550]  }
0x3ca: {  	v23 =	vld [tilespmem:s31+$0x9560]  }
0x3cb: {  	v24 =	vld [tilespmem:s6+$0x30]  }
0x3cc: {  	v25 =	vld [tilespmem:s31+$0x9570]  }
0x3cd: {  	v6 =	vmul.f32 v7, v6;
	v50 =	vld [tilespmem:s31+$0x9910];
	v8 =	vmul.f32 v10, v8  }
0x3ce: {  	v9 =	vmul.f32 v12, v9;
	v53 =	vld [tilespmem:s21+$0xFFFFFFF0];
	v51 =	vadd.f32 v19, v20;
	v52 =	vadd.f32 v21, v22  }
0x3cf: {  	v13 =	vmul.f32 v13, v14;
	v54 =	vld [tilespmem:s21+$0x10];
	v16 =	vmul.f32 v17, v16;
	v55 =	vadd.f32 v18, v23  }
0x3d0: {  	v56 =	vld [tilespmem:s31+$0x9930];
	v11 =	vmul.f32 v11, v51;
	v15 =	vmul.f32 v15, v52  }
0x3d1: {  	v57 =	vld [tilespmem:s21+$0x20];
	v58 =	vadd.f32 v24, v25;
	v4 =	vmul.f32 v51, v4;
	v5 =	vmul.f32 v5, v55  }
0x3d2: {  	v60 =	vld [tilespmem:s31+$0x9970];
	v7 =	vmul.f32 v52, v50;
	v11 =	vadd.f32 v11, v13;
	v59 =	vadd.f32 v15, v16  }
0x3d3: {  	v61 =	vld [tilespmem:s21+$0x30];
	v3 =	vmul.f32 v55, v3;
	v12 =	vmul.f32 v53, v58;
	v5 =	vadd.f32 v5, v9  }
0x3d4: {  	v2 =	vmul.f32 v54, v2;
	v4 =	vadd.f32 v11, v4;
	v7 =	vadd.f32 v59, v7  }
0x3d5: {  	v63 =	vmul.f32 v58, v56;
	v62 =	vadd.f32 v12, v8;
	v3 =	vadd.f32 v5, v3  }
0x3d6: {  	v1 =	vmul.f32 v57, v1;
	v4 =	vadd.f32 v4, v6;
	v2 =	vadd.f32 v7, v2  }
0x3d7: {  	v5 =	vadd.f32 v62, v63  }
0x3d8: {  	v1 =	vadd.f32 v3, v1;
	v3 =	vmul.f32 v61, v60;
	v2 =	vadd.f32 v2, v4;
	_ =	sdelay $0x1  }
0x3d9: {  	v1 =	vadd.f32 v1, v2;
	v2 =	vadd.f32 v5, v3;
	_ =	sdelay $0x1  }
0x3da: {  	v1 =	vadd.f32 v2, v1  }
0x3db: {  	s4 =	sadd.s32 $0x80, s23  }
0x3dc: {  	[tilespmem:s4+$0x0] =	vst v1  }
.LBB2_22:
0x3dd: {  	[hbm4b:s15+s1] =	stream.linear.scatter [tilespmem:s22], [sflag:$0x4], $0x4000, $0x38;
	[tilespmem:$0x1E200] =	vst v63  }
0x3de: {  	_ =	swait.ge [sflag:s19], $0x4000  }
0x3df: {  	[sflag:s19] =	ssyncset.done $0x0  }
0x3e0: {  	[sflag:s19] =	ssyncadd.s32 $0xFFFFC000  }
0x3e1: {  	v1 =	vld [tilespmem:$0x180]  }
0x3e2: {  	v2 =	vld [tilespmem:$0x380];
	_ =	sdelay $0x5  }
0x3e3: {  	v5 =	vld [tilespmem:$0x190]  }
0x3e4: {  	v3 =	vld.idx.msk [tilespmem:v1+s26+$0x0], $0xffff  }
0x3e5: {  	v4 =	vld.idx.msk [tilespmem:v2+s28+$0x0], $0xffff  }
0x3e6: {  	v6 =	vld [tilespmem:$0x390];
	_ =	sdelay $0x3  }
0x3e7: {  	v3 =	vadd.f32 v4, v3;
	_ =	sdelay $0x1  }
0x3e8: {  	v39 =	vld [tilespmem:$0x1A0];
	[tilespmem:$0x1E180] =	vst v3  }
0x3e9: {  	v3 =	vld.idx.msk [tilespmem:v5+s26+$0x0], $0xffff  }
0x3ea: {  	v38 =	vld.idx.msk [tilespmem:v6+s28+$0x0], $0xffff  }
0x3eb: {  	v40 =	vld [tilespmem:$0x3A0];
	_ =	sdelay $0x3  }
0x3ec: {  	v42 =	vld [tilespmem:$0x1B0];
	v3 =	vadd.f32 v38, v3  }
0x3ed: {  	v43 =	vld [tilespmem:$0x3B0]  }
0x3ee: {  	v7 =	vld [tilespmem:$0x190];
	[tilespmem:$0x1E190] =	vst v3  }
0x3ef: {  	v3 =	vld.idx.msk [tilespmem:v39+s26+$0x0], $0xffff  }
0x3f0: {  	v41 =	vld.idx.msk [tilespmem:v40+s28+$0x0], $0xffff  }
0x3f1: {  	v8 =	vld [tilespmem:$0x1A0]  }
0x3f2: {  	v9 =	vld [tilespmem:$0x1B0]  }
0x3f3: {  	v44 =	vld [tilespmem:$0x1C0]  }
0x3f4: {  	v10 =	vld [tilespmem:$0x390]  }
0x3f5: {  	v46 =	vld [tilespmem:$0x1C0];
	v3 =	vadd.f32 v41, v3  }
0x3f6: {  	v11 =	vld [tilespmem:$0x3C0]  }
0x3f7: {  	v14 =	vld [tilespmem:$0x3A0];
	[tilespmem:$0x1E1A0] =	vst v3  }
0x3f8: {  	v3 =	vld.idx.msk [tilespmem:v42+s26+$0x0], $0xffff  }
0x3f9: {  	v45 =	vld.idx.msk [tilespmem:v43+s28+$0x0], $0xffff  }
0x3fa: {  	v13 =	vld [tilespmem:$0x1D0];
	vm0 =	vlt.s32 v1, v7;
	vm1 =	vlt.s32 v2, v10  }
0x3fb: {  	v47 =	vld [tilespmem:$0x1E0];
	v12 =	vsel vm0, v7, v1;
	v51 =	vsel vm1, v10, v2  }
0x3fc: {  	v48 =	vld [tilespmem:$0x3B0];
	vm8 =	vgt.s32 v12, v8;
	vm14 =	vgt.s32 v51, v14  }
0x3fd: {  	v50 =	vld [tilespmem:$0x3C0];
	v1 =	vsel vm0, v1, v7;
	v12 =	vsel vm8, v12, v8;
	v2 =	vsel vm1, v2, v10  }
0x3fe: {  	v53 =	vld [tilespmem:$0x1D0];
	vm9 =	vlt.s32 v1, v8;
	vm10 =	vgt.s32 v12, v9;
	v3 =	vadd.f32 v45, v3  }
0x3ff: {  	v54 =	vld [tilespmem:$0x3D0];
	vm1 =	vlt.s32 v2, v14;
	v1 =	vsel vm9, v1, v8;
	v49 =	vsel vm10, v12, v9  }
0x400: {  	v55 =	vld [tilespmem:$0x1F0];
	v2 =	vsel vm1, v2, v14;
	vm11 =	vlt.s32 v1, v9;
	vm12 =	vgt.s32 v49, v44;
	[tilespmem:$0x1E1B0] =	vst v3  }
0x401: {  	vm1 =	vlt.s32 v2, v48;
	v1 =	vsel vm11, v1, v9;
	v9 =	vsel vm14, v51, v14;
	v6 =	vld.idx.msk [tilespmem:v46+s26+$0x0], $0xffff  }
0x402: {  	v2 =	vsel vm1, v2, v48;
	vm13 =	vlt.s32 v1, v44;
	vm4 =	vgt.s32 v9, v48;
	v52 =	vld.idx.msk [tilespmem:v11+s28+$0x0], $0xffff  }
0x403: {  	vm1 =	vlt.s32 v2, v50;
	v1 =	vsel vm13, v1, v44;
	v9 =	vsel vm4, v9, v48;
	v3 =	vld [tilespmem:$0x3D0]  }
0x404: {  	v2 =	vsel vm1, v2, v50;
	vm5 =	vlt.s32 v1, v13;
	v5 =	vsel vm12, v49, v44  }
0x405: {  	v56 =	vld [tilespmem:$0x3E0];
	vm6 =	vgt.s32 v9, v50;
	v1 =	vsel vm5, v1, v13;
	vm15 =	vgt.s32 v5, v13  }
0x406: {  	v9 =	vsel vm6, v9, v50;
	vm8 =	vlt.s32 v1, v47;
	v5 =	vsel vm15, v5, v13  }
0x407: {  	v57 =	vld [tilespmem:$0x3F0];
	v1 =	vsel vm8, v1, v47;
	vm7 =	vgt.s32 v5, v47;
	v4 =	vadd.f32 v52, v6  }
0x408: {  	vm11 =	vlt.s32 v1, v55;
	v5 =	vsel vm7, v5, v47;
	vm9 =	vgt.s32 v9, v3  }
0x409: {  	v1 =	vsel vm11, v1, v55;
	vm1 =	vlt.s32 v2, v3;
	v58 =	vsel vm9, v9, v3;
	[tilespmem:$0x1E1C0] =	vst v4  }
0x40a: {  	vm10 =	vgt.s32 v5, v55;
	v2 =	vsel vm1, v2, v3;
	vm12 =	vgt.s32 v58, v56;
	v4 =	vld.idx.msk [tilespmem:v53+s26+$0x0], $0xffff  }
0x40b: {  	v3 =	vsel vm10, v5, v55;
	vm13 =	vlt.s32 v2, v56;
	v59 =	vsel vm12, v58, v56;
	v60 =	vld.idx.msk [tilespmem:v54+s28+$0x0], $0xffff  }
0x40c: {  	v3 =	vxor.u32 $0x80000000, v3;
	v2 =	vsel vm13, v2, v56;
	vm14 =	vgt.s32 v59, v57  }
0x40d: {  	v1 =	vxor.u32 $0x80000000, v1;
	(xrf0) =	vmax.scan.msk.u32 $0xffff, v3;
	vm15 =	vlt.s32 v2, v57;
	v3 =	vsel vm14, v59, v57  }
0x40e: {  	(xrf0) =	vmin.scan.msk.u32 $0xffff, v1;
	v1 =	vsel vm15, v2, v57;
	v2 =	vxor.u32 $0x80000000, v3  }
0x40f: {  	v1 =	vxor.u32 $0x80000000, v1;
	(xrf0) =	vmax.scan.msk.u32 $0xffff, v2  }
0x410: {  	(xrf0) =	vmin.scan.msk.u32 $0xffff, v1;
	v1 =	vadd.f32 v60, v4  }
0x411: {  	v61 =	vld [tilespmem:$0x1E0]  }
0x412: {  	v62 =	vld [tilespmem:$0x3E0]  }
0x413: {  	v2, _, _ =	vpop (xrf0)  }
0x414: {  	(v2sf) =	vpush v2, $0xF;
	[tilespmem:$0x1E1D0] =	vst v1;
	v1, _, _ =	vpop (xrf0)  }
0x415: {  	v3, _, _ =	vpop (xrf0);
	(v2sf) =	vpush v1, $0xF  }
0x416: {  	(v2sf) =	vpush v3, $0xF;
	v3, _, _ =	vpop (xrf0)  }
0x417: {  	(v2sf) =	vpush v3, $0xF  }
0x418: {  	v63 =	vld [tilespmem:$0x1F0]  }
0x419: {  	v2 =	vld.idx.msk [tilespmem:v61+s26+$0x0], $0xffff  }
0x41a: {  	v1 =	vld.idx.msk [tilespmem:v62+s28+$0x0], $0xffff  }
0x41b: {  	v3 =	vld [tilespmem:$0x3F0];
	_ =	sdelay $0x3  }
0x41c: {  	v1 =	vadd.f32 v1, v2;
	_ =	sdelay $0x1  }
0x41d: {  	[tilespmem:$0x1E1E0] =	vst v1  }
0x41e: {  	v1 =	vld.idx.msk [tilespmem:v63+s26+$0x0], $0xffff  }
0x41f: {  	v2 =	vld.idx.msk [tilespmem:v3+s28+$0x0], $0xffff;
	s4 =	spop (v2sf)  }
0x420: {  	s5 =	spop (v2sf)  }
0x421: {  	s6 =	spop (v2sf)  }
0x422: {  	p0 =	sne.s32 s4, s5;
	s4 =	spop (v2sf)  }
0x423: {  	p1 =	sne.s32 @!p0 s6, s4  }
0x424: {  	v1 =	vadd.f32 v2, v1;
	p0 =	por p0, p1  }
.Ltmp14:
0x425: {  	_ = 	snop;
	(pc) =	sbr.rel @p0 .LBB2_26-.Ltmp14, $4  }
0x426: {  	[tilespmem:$0x1E1F0] =	vst v1  }
0x427: {  	_ =	swait.ge [sflag:s0], $0x8000  }
0x428: {  	[sflag:s0] =	ssyncset.done $0x0  }
0x429: {  	[sflag:s0] =	ssyncadd.s32 $0xFFFF8000  }
0x42a: {  	v6 =	vld [tilespmem:$0x8580]  }
0x42b: {  	v5 =	vld [tilespmem:$0x8590]  }
0x42c: {  	v8 =	vld [tilespmem:$0x85A0]  }
0x42d: {  	v12 =	vld [tilespmem:$0x85B0]  }
0x42e: {  	v13 =	vld [tilespmem:$0x85C0]  }
0x42f: {  	v14 =	vld [tilespmem:$0x85D0]  }
0x430: {  	v9 =	vld [tilespmem:$0x85E0]  }
0x431: {  	v4 =	vld [tilespmem:$0x85F0]  }
0x432: {  	v10 =	vld [tilespmem:$0x8D80]  }
0x433: {  	v11 =	vld [tilespmem:$0x8D90]  }
0x434: {  	v7 =	vld [tilespmem:$0x8DA0]  }
0x435: {  	v2 =	vld [tilespmem:$0x8DB0];
	s4 =	simm.s32 $0x0  }
0x436: {  	v16 =	vld [tilespmem:$0x8DC0];
	s5 =	sand.u32 $0x7800, s4;
	s4 =	sand.u32 $0x380, s4  }
0x437: {  	v3 =	vld [tilespmem:$0x8DD0];
	s4 =	sor.u32 s4, s5  }
0x438: {  	v1 =	vld [tilespmem:$0x8DE0];
	s4 =	sadd.s32 $0x9500, s4  }
0x439: {  	v15 =	vld [tilespmem:s4+$0x8440]  }
0x43a: {  	v17 =	vld [tilespmem:s4+$0x8030]  }
0x43b: {  	v18 =	vld [tilespmem:s4+$0x8020]  }
0x43c: {  	v19 =	vld [tilespmem:s4+$0x8000]  }
0x43d: {  	v20 =	vld [tilespmem:s4+$0x8010]  }
0x43e: {  	v21 =	vld [tilespmem:s4+$0x8040]  }
0x43f: {  	v22 =	vld [tilespmem:s4+$0x8050]  }
0x440: {  	v23 =	vld [tilespmem:s4+$0x8060]  }
0x441: {  	v24 =	vld [tilespmem:s4+$0x8400]  }
0x442: {  	v25 =	vld [tilespmem:s4+$0x8070]  }
0x443: {  	v27 =	vld [tilespmem:s4+$0x8410];
	v26 =	vmul.f32 v15, v16;
	v17 =	vmul.f32 v17, v12  }
0x444: {  	v15 =	vadd.f32 v21, v13;
	v21 =	vadd.f32 v22, v14;
	v22 =	vld [tilespmem:s4+$0x8420];
	v18 =	vmul.f32 v18, v8  }
0x445: {  	v28 =	vld [tilespmem:s4+$0x8450];
	v19 =	vmul.f32 v19, v6;
	v20 =	vmul.f32 v20, v5;
	v23 =	vadd.f32 v23, v9  }
0x446: {  	v31 =	vld [tilespmem:s4+$0x8430];
	v29 =	vmul.f32 v15, v10;
	v30 =	vmul.f32 v21, v11  }
0x447: {  	v32 =	vld [tilespmem:s4+$0x8460];
	v25 =	vadd.f32 v25, v4;
	v24 =	vmul.f32 v15, v24;
	v33 =	vmul.f32 v23, v7  }
0x448: {  	v15 =	vld [tilespmem:$0x8DF0];
	v21 =	vmul.f32 v21, v27;
	v19 =	vadd.f32 v29, v19;
	v20 =	vadd.f32 v30, v20  }
0x449: {  	v63 =	vmul.f32 v25, v2;
	v18 =	vadd.f32 v33, v18;
	v22 =	vmul.f32 v23, v22;
	v23 =	vld [tilespmem:s4+$0x8470]  }
0x44a: {  	v19 =	vadd.f32 v19, v24;
	v20 =	vadd.f32 v20, v21;
	v21 =	vmul.f32 v28, v3  }
0x44b: {  	v17 =	vadd.f32 v63, v17;
	v18 =	vadd.f32 v18, v22;
	v22 =	vmul.f32 v25, v31  }
0x44c: {  	v19 =	vadd.f32 v19, v26;
	v20 =	vadd.f32 v20, v21;
	v21 =	vmul.f32 v32, v1  }
0x44d: {  	v17 =	vadd.f32 v17, v22  }
0x44e: {  	v19 =	vadd.f32 v20, v19;
	v18 =	vadd.f32 v18, v21;
	v20 =	vmul.f32 v23, v15;
	_ =	sdelay $0x1  }
0x44f: {  	v18 =	vadd.f32 v18, v19;
	v17 =	vadd.f32 v17, v20  }
0x450: {  	s31 =	simm.s32 $0x100;
	s4 =	simm.s32 $0x80  }
0x451: {  	s6 =	sand.u32 $0x7800, s31;
	s7 =	sand.u32 $0x380, s4;
	v17 =	vadd.f32 v17, v18  }
0x452: {  	s5 =	simm.s32 $0x19500;
	s6 =	sor.u32 s7, s6  }
0x453: {  	s6 =	sadd.s32 $0x9500, s6;
	[tilespmem:s5+$0x0] =	vst v17  }
0x454: {  	v20 =	vld [tilespmem:s6+$0x8440]  }
0x455: {  	v19 =	vld [tilespmem:s6+$0x8030]  }
0x456: {  	v17 =	vld [tilespmem:s6+$0x8020]  }
0x457: {  	s21 =	simm.s32 $0x200;
	v18 =	vld [tilespmem:s6+$0x8000]  }
.LBB2_24:
0x458: {  	p0 =	seq.s32 s21, $0x7F00;
	v21 =	vld [tilespmem:s6+$0x8010]  }
0x459: {  	v22 =	vld [tilespmem:s6+$0x8040]  }
0x45a: {  	v23 =	vld [tilespmem:s6+$0x8050]  }
0x45b: {  	v24 =	vld [tilespmem:s6+$0x8060]  }
0x45c: {  	v25 =	vld [tilespmem:s6+$0x8400]  }
0x45d: {  	v26 =	vld [tilespmem:s6+$0x8070]  }
0x45e: {  	v20 =	vmul.f32 v20, v16;
	v19 =	vmul.f32 v19, v12;
	v27 =	vld [tilespmem:s6+$0x8410]  }
0x45f: {  	v17 =	vmul.f32 v17, v8;
	v22 =	vadd.f32 v22, v13;
	v23 =	vadd.f32 v23, v14;
	v28 =	vld [tilespmem:s6+$0x8420]  }
0x460: {  	v18 =	vmul.f32 v18, v6;
	v21 =	vmul.f32 v21, v5;
	v29 =	vld [tilespmem:s6+$0x8450];
	v24 =	vadd.f32 v24, v9  }
0x461: {  	v30 =	vmul.f32 v22, v10;
	v31 =	vmul.f32 v23, v11;
	v32 =	vld [tilespmem:s6+$0x8430]  }
0x462: {  	v22 =	vmul.f32 v22, v25;
	v25 =	vld [tilespmem:s6+$0x8460];
	v33 =	vmul.f32 v24, v7;
	v26 =	vadd.f32 v26, v4  }
0x463: {  	v18 =	vadd.f32 v30, v18;
	v21 =	vadd.f32 v31, v21;
	v23 =	vmul.f32 v23, v27  }
0x464: {  	v17 =	vadd.f32 v33, v17;
	v24 =	vmul.f32 v24, v28;
	v27 =	vld [tilespmem:s6+$0x8470];
	v28 =	vmul.f32 v26, v2  }
0x465: {  	v18 =	vadd.f32 v18, v22;
	v21 =	vadd.f32 v21, v23;
	v22 =	vmul.f32 v29, v3  }
0x466: {  	v17 =	vadd.f32 v17, v24;
	v19 =	vadd.f32 v28, v19;
	v23 =	vmul.f32 v26, v32  }
0x467: {  	v18 =	vadd.f32 v18, v20;
	v20 =	vadd.f32 v21, v22;
	v21 =	vmul.f32 v25, v1  }
0x468: {  	v19 =	vadd.f32 v19, v23  }
0x469: {  	v18 =	vadd.f32 v20, v18;
	v17 =	vadd.f32 v17, v21;
	v20 =	vmul.f32 v27, v15;
	_ =	sdelay $0x1  }
0x46a: {  	v17 =	vadd.f32 v17, v18;
	v18 =	vadd.f32 v19, v20  }
0x46b: {  	s4 =	sadd.s32 $0x80, s4  }
0x46c: {  	s7 =	sand.u32 $0x380, s4;
	s6 =	sand.u32 $0x7800, s21;
	v17 =	vadd.f32 v18, v17  }
0x46d: {  	s5 =	sadd.s32 $0x80, s5;
	s6 =	sor.u32 s7, s6  }
.Ltmp15:
0x46e: {  	s6 =	sadd.s32 $0x9500, s6;
	[tilespmem:s5+$0x0] =	vst v17;
	(pc) =	sbr.rel @!p0 .LBB2_24-.Ltmp15, $4  }
0x46f: {  	v20 =	vld [tilespmem:s6+$0x8440]  }
0x470: {  	v19 =	vld [tilespmem:s6+$0x8030]  }
0x471: {  	v17 =	vld [tilespmem:s6+$0x8020]  }
0x472: {  	s21 =	sadd.s32 $0x100, s21;
	v18 =	vld [tilespmem:s6+$0x8000]  }
0x473: {  	v21 =	vld [tilespmem:s6+$0x8010]  }
0x474: {  	v22 =	vld [tilespmem:s6+$0x8040]  }
0x475: {  	v23 =	vld [tilespmem:s6+$0x8050]  }
0x476: {  	v24 =	vld [tilespmem:s6+$0x8060]  }
0x477: {  	v25 =	vld [tilespmem:s6+$0x8400]  }
0x478: {  	v26 =	vld [tilespmem:s6+$0x8070]  }
0x479: {  	v55 =	vld [tilespmem:s6+$0x8410];
	v16 =	vmul.f32 v20, v16;
	v12 =	vmul.f32 v19, v12  }
0x47a: {  	v56 =	vld [tilespmem:s6+$0x8420];
	v8 =	vmul.f32 v17, v8;
	v13 =	vadd.f32 v22, v13;
	v14 =	vadd.f32 v23, v14  }
0x47b: {  	v57 =	vld [tilespmem:s6+$0x8450];
	v6 =	vmul.f32 v18, v6;
	v5 =	vmul.f32 v21, v5;
	v9 =	vadd.f32 v24, v9  }
0x47c: {  	v58 =	vld [tilespmem:s6+$0x8430];
	v10 =	vmul.f32 v13, v10;
	v11 =	vmul.f32 v14, v11  }
0x47d: {  	v59 =	vld [tilespmem:s6+$0x8460];
	v4 =	vadd.f32 v26, v4;
	v13 =	vmul.f32 v13, v25;
	v7 =	vmul.f32 v9, v7  }
0x47e: {  	v60 =	vmul.f32 v14, v55;
	v6 =	vadd.f32 v10, v6;
	v5 =	vadd.f32 v11, v5  }
0x47f: {  	v62 =	vld [tilespmem:s6+$0x8470];
	v61 =	vmul.f32 v9, v56;
	v2 =	vmul.f32 v4, v2;
	v7 =	vadd.f32 v7, v8  }
0x480: {  	v3 =	vmul.f32 v57, v3;
	v6 =	vadd.f32 v6, v13;
	v5 =	vadd.f32 v5, v60  }
0x481: {  	v4 =	vmul.f32 v4, v58;
	v2 =	vadd.f32 v2, v12;
	v7 =	vadd.f32 v7, v61  }
0x482: {  	v1 =	vmul.f32 v59, v1;
	v6 =	vadd.f32 v6, v16;
	v3 =	vadd.f32 v5, v3  }
0x483: {  	v2 =	vadd.f32 v2, v4  }
0x484: {  	v63 =	vmul.f32 v62, v15;
	v1 =	vadd.f32 v7, v1;
	v3 =	vadd.f32 v3, v6;
	_ =	sdelay $0x1  }
.Ltmp16:
0x485: {  	v2 =	vadd.f32 v2, v63;
	v1 =	vadd.f32 v1, v3;
	(pc) =	sbr.rel .LBB2_29-.Ltmp16, $4  }
0x486: {  	_ = 	snop  }
0x487: {  	v1 =	vadd.f32 v2, v1  }
0x488: {  	s4 =	sadd.s32 $0x80, s5  }
0x489: {  	[tilespmem:s4+$0x0] =	vst v1  }
.LBB2_26:
0x48a: {  	s4 =	simm.s32 $0x180;
	s5 =	simm.s32 $0x400  }
0x48b: {  	[tilespmem:s5], [sflag:$0x1] =	stream.indirect.gather [hbm4b:s2+s24], $0x80, s4, s24, $0xb8;
	[tilespmem:$0x1E200] =	vst v63  }
0x48c: {  	s6 =	simm.s32 $0x4400;
	s5 =	simm.s32 $0x380  }
0x48d: {  	[tilespmem:s6], [sflag:$0x2] =	stream.indirect.gather [hbm4b:s3+s24], $0x80, s5, s24, $0xb8;
	[tilespmem:$0x1E200] =	vst v63  }
0x48e: {  	_ =	swait.ge [sflag:s29], $0x4000  }
0x48f: {  	[sflag:s29] =	ssyncset.done $0x0  }
0x490: {  	s7 =	simm.s32 $0x0;
	[sflag:s29] =	ssyncadd.s32 $0xFFFFC000  }
0x491: {  	s21 =	sand.u32 $0x7800, s7;
	s4 =	sand.u32 $0x380, s7;
	_ =	swait.ge [sflag:s30], $0x4000  }
0x492: {  	s4 =	sor.u32 s4, s21;
	[sflag:s30] =	ssyncset.done $0x0  }
0x493: {  	s4 =	sadd.s32 $0x9500, s4;
	[sflag:s30] =	ssyncadd.s32 $0xFFFFC000  }
0x494: {  	v1 =	vld [tilespmem:s4+$0x8460]  }
0x495: {  	s23 =	simm.s32 $0x4440;
	v2 =	vld [tilespmem:s4+$0x8440]  }
0x496: {  	v3 =	vld [tilespmem:s23+$0x0]  }
0x497: {  	v4 =	vld [tilespmem:s4+$0x8450]  }
0x498: {  	v5 =	vld [tilespmem:s4+$0x8420]  }
0x499: {  	s6 =	simm.s32 $0x440;
	v6 =	vld [tilespmem:s4+$0x8030]  }
0x49a: {  	v7 =	vld [tilespmem:s6+$0xFFFFFFF0]  }
0x49b: {  	v8 =	vld [tilespmem:s4+$0x8400]  }
0x49c: {  	v9 =	vld [tilespmem:s4+$0x8020]  }
0x49d: {  	v10 =	vld [tilespmem:s6+$0xFFFFFFE0]  }
0x49e: {  	v11 =	vld [tilespmem:s23+$0xFFFFFFE0]  }
0x49f: {  	v12 =	vld [tilespmem:s6+$0xFFFFFFC0]  }
0x4a0: {  	v13 =	vld [tilespmem:s4+$0x8000]  }
0x4a1: {  	v14 =	vld [tilespmem:s23+$0xFFFFFFC0]  }
0x4a2: {  	v15 =	vld [tilespmem:s4+$0x8010]  }
0x4a3: {  	v16 =	vld [tilespmem:s6+$0xFFFFFFD0]  }
0x4a4: {  	v17 =	vld [tilespmem:s23+$0xFFFFFFD0]  }
0x4a5: {  	v18 =	vld [tilespmem:s6+$0x20]  }
0x4a6: {  	v19 =	vld [tilespmem:s6+$0x0]  }
0x4a7: {  	v20 =	vld [tilespmem:s4+$0x8040]  }
0x4a8: {  	v21 =	vld [tilespmem:s6+$0x10]  }
0x4a9: {  	v22 =	vld [tilespmem:s4+$0x8050]  }
0x4aa: {  	v23 =	vld [tilespmem:s4+$0x8060]  }
0x4ab: {  	v24 =	vld [tilespmem:s6+$0x30]  }
0x4ac: {  	v25 =	vld [tilespmem:s4+$0x8070]  }
0x4ad: {  	v2 =	vmul.f32 v3, v2;
	v3 =	vld [tilespmem:s4+$0x8410];
	v6 =	vmul.f32 v7, v6  }
0x4ae: {  	v7 =	vadd.f32 v19, v20;
	v19 =	vadd.f32 v21, v22;
	v9 =	vmul.f32 v10, v9;
	v10 =	vld [tilespmem:s23+$0xFFFFFFF0]  }
0x4af: {  	v12 =	vmul.f32 v12, v13;
	v13 =	vld [tilespmem:s23+$0x10];
	v15 =	vmul.f32 v16, v15;
	v16 =	vadd.f32 v18, v23  }
0x4b0: {  	v18 =	vld [tilespmem:s4+$0x8430];
	v14 =	vmul.f32 v14, v7;
	v17 =	vmul.f32 v17, v19  }
0x4b1: {  	v20 =	vadd.f32 v24, v25;
	v7 =	vmul.f32 v7, v8;
	v8 =	vld [tilespmem:s23+$0x20];
	v11 =	vmul.f32 v11, v16  }
0x4b2: {  	v12 =	vadd.f32 v14, v12;
	v14 =	vadd.f32 v17, v15;
	v15 =	vld [tilespmem:s4+$0x8470];
	v3 =	vmul.f32 v19, v3  }
0x4b3: {  	v5 =	vmul.f32 v16, v5;
	v9 =	vadd.f32 v11, v9;
	v11 =	vld [tilespmem:s23+$0x30];
	v10 =	vmul.f32 v10, v20  }
0x4b4: {  	v4 =	vmul.f32 v13, v4;
	v7 =	vadd.f32 v12, v7;
	v3 =	vadd.f32 v14, v3  }
0x4b5: {  	v5 =	vadd.f32 v9, v5;
	v9 =	vmul.f32 v20, v18;
	v6 =	vadd.f32 v10, v6  }
0x4b6: {  	v1 =	vmul.f32 v8, v1;
	v2 =	vadd.f32 v7, v2;
	v3 =	vadd.f32 v3, v4  }
0x4b7: {  	v4 =	vadd.f32 v6, v9  }
0x4b8: {  	v1 =	vadd.f32 v5, v1;
	v2 =	vadd.f32 v3, v2;
	v3 =	vmul.f32 v11, v15;
	_ =	sdelay $0x1  }
0x4b9: {  	v1 =	vadd.f32 v1, v2;
	v2 =	vadd.f32 v4, v3  }
0x4ba: {  	s7 =	simm.s32 $0x100;
	s5 =	simm.s32 $0x80  }
0x4bb: {  	s21 =	sand.u32 $0x380, s5;
	s4 =	sand.u32 $0x7800, s7;
	v1 =	vadd.f32 v2, v1  }
0x4bc: {  	s23 =	simm.s32 $0x19500;
	s4 =	sor.u32 s21, s4  }
0x4bd: {  	s31 =	sadd.s32 $0x9500, s4;
	[tilespmem:s23+$0x0] =	vst v1  }
0x4be: {  	v1 =	vld [tilespmem:s31+$0x8460]  }
0x4bf: {  	s21 =	simm.s32 $0x44C0;
	v6 =	vld [tilespmem:s31+$0x8440]  }
0x4c0: {  	v7 =	vld [tilespmem:s21+$0x0]  }
0x4c1: {  	v2 =	vld [tilespmem:s31+$0x8450]  }
0x4c2: {  	v3 =	vld [tilespmem:s31+$0x8420]  }
0x4c3: {  	s6 =	simm.s32 $0x4C0;
	v8 =	vld [tilespmem:s31+$0x8030]  }
0x4c4: {  	v10 =	vld [tilespmem:s6+$0xFFFFFFF0]  }
0x4c5: {  	v4 =	vld [tilespmem:s31+$0x8400]  }
0x4c6: {  	v9 =	vld [tilespmem:s31+$0x8020]  }
0x4c7: {  	v12 =	vld [tilespmem:s6+$0xFFFFFFE0]  }
0x4c8: {  	v5 =	vld [tilespmem:s21+$0xFFFFFFE0]  }
0x4c9: {  	v13 =	vld [tilespmem:s6+$0xFFFFFFC0]  }
0x4ca: {  	v14 =	vld [tilespmem:s31+$0x8000]  }
0x4cb: {  	v11 =	vld [tilespmem:s21+$0xFFFFFFC0]  }
0x4cc: {  	v16 =	vld [tilespmem:s31+$0x8010]  }
0x4cd: {  	v17 =	vld [tilespmem:s6+$0xFFFFFFD0]  }
0x4ce: {  	v15 =	vld [tilespmem:s21+$0xFFFFFFD0]  }
0x4cf: {  	v18 =	vld [tilespmem:s6+$0x20]  }
0x4d0: {  	s4 =	simm.s32 $0x200;
	v19 =	vld [tilespmem:s6+$0x0]  }
.LBB2_27:
0x4d1: {  	p0 =	sne.s32 s4, $0x7F00;
	v20 =	vld [tilespmem:s31+$0x8040]  }
0x4d2: {  	v21 =	vld [tilespmem:s6+$0x10]  }
0x4d3: {  	v22 =	vld [tilespmem:s31+$0x8050]  }
0x4d4: {  	v23 =	vld [tilespmem:s31+$0x8060]  }
0x4d5: {  	v24 =	vld [tilespmem:s6+$0x30]  }
0x4d6: {  	v25 =	vld [tilespmem:s31+$0x8070]  }
0x4d7: {  	v6 =	vmul.f32 v7, v6;
	v8 =	vmul.f32 v10, v8;
	v7 =	vld [tilespmem:s31+$0x8410]  }
0x4d8: {  	v9 =	vmul.f32 v12, v9;
	v10 =	vadd.f32 v19, v20;
	v19 =	vadd.f32 v21, v22;
	v12 =	vld [tilespmem:s21+$0xFFFFFFF0]  }
0x4d9: {  	v13 =	vmul.f32 v13, v14;
	v16 =	vmul.f32 v17, v16;
	v14 =	vld [tilespmem:s21+$0x10];
	v17 =	vadd.f32 v18, v23  }
0x4da: {  	v11 =	vmul.f32 v11, v10;
	v15 =	vmul.f32 v15, v19;
	v18 =	vld [tilespmem:s31+$0x8430]  }
0x4db: {  	v4 =	vmul.f32 v10, v4;
	v10 =	vld [tilespmem:s21+$0x20];
	v5 =	vmul.f32 v5, v17;
	v20 =	vadd.f32 v24, v25  }
0x4dc: {  	v11 =	vadd.f32 v11, v13;
	v13 =	vadd.f32 v15, v16;
	v7 =	vmul.f32 v19, v7;
	v15 =	vld [tilespmem:s31+$0x8470]  }
0x4dd: {  	v3 =	vmul.f32 v17, v3;
	v5 =	vadd.f32 v5, v9;
	v9 =	vld [tilespmem:s21+$0x30];
	v12 =	vmul.f32 v12, v20  }
0x4de: {  	v4 =	vadd.f32 v11, v4;
	v7 =	vadd.f32 v13, v7;
	v2 =	vmul.f32 v14, v2  }
0x4df: {  	v3 =	vadd.f32 v5, v3;
	v5 =	vadd.f32 v12, v8;
	v8 =	vmul.f32 v20, v18  }
0x4e0: {  	v4 =	vadd.f32 v4, v6;
	v2 =	vadd.f32 v7, v2;
	v1 =	vmul.f32 v10, v1  }
0x4e1: {  	v5 =	vadd.f32 v5, v8  }
0x4e2: {  	v2 =	vadd.f32 v2, v4;
	v1 =	vadd.f32 v3, v1;
	v3 =	vmul.f32 v9, v15;
	_ =	sdelay $0x1  }
0x4e3: {  	v1 =	vadd.f32 v1, v2;
	v2 =	vadd.f32 v5, v3  }
0x4e4: {  	s5 =	sadd.s32 $0x80, s5  }
0x4e5: {  	s7 =	sand.u32 $0x7800, s4;
	s31 =	sand.u32 $0x380, s5;
	v1 =	vadd.f32 v2, v1  }
0x4e6: {  	s23 =	sadd.s32 $0x80, s23;
	s7 =	sor.u32 s31, s7  }
0x4e7: {  	s31 =	sadd.s32 $0x9500, s7;
	[tilespmem:s23+$0x0] =	vst v1  }
0x4e8: {  	v1 =	vld [tilespmem:s31+$0x8460]  }
0x4e9: {  	s21 =	sadd.s32 $0x80, s21;
	v6 =	vld [tilespmem:s31+$0x8440]  }
0x4ea: {  	v7 =	vld [tilespmem:s21+$0x0]  }
0x4eb: {  	v2 =	vld [tilespmem:s31+$0x8450]  }
0x4ec: {  	v3 =	vld [tilespmem:s31+$0x8420]  }
0x4ed: {  	s6 =	sadd.s32 $0x80, s6;
	v8 =	vld [tilespmem:s31+$0x8030]  }
0x4ee: {  	v10 =	vld [tilespmem:s6+$0xFFFFFFF0]  }
0x4ef: {  	v4 =	vld [tilespmem:s31+$0x8400]  }
0x4f0: {  	v9 =	vld [tilespmem:s31+$0x8020]  }
0x4f1: {  	v12 =	vld [tilespmem:s6+$0xFFFFFFE0]  }
0x4f2: {  	v5 =	vld [tilespmem:s21+$0xFFFFFFE0]  }
0x4f3: {  	v13 =	vld [tilespmem:s6+$0xFFFFFFC0]  }
0x4f4: {  	v14 =	vld [tilespmem:s31+$0x8000]  }
0x4f5: {  	v11 =	vld [tilespmem:s21+$0xFFFFFFC0]  }
.Ltmp17:
0x4f6: {  	v16 =	vld [tilespmem:s31+$0x8010];
	(pc) =	sbr.rel @p0 .LBB2_27-.Ltmp17, $4  }
0x4f7: {  	v17 =	vld [tilespmem:s6+$0xFFFFFFD0]  }
0x4f8: {  	v15 =	vld [tilespmem:s21+$0xFFFFFFD0]  }
0x4f9: {  	v18 =	vld [tilespmem:s6+$0x20]  }
0x4fa: {  	s4 =	sadd.s32 $0x100, s4;
	v19 =	vld [tilespmem:s6+$0x0]  }
0x4fb: {  	v20 =	vld [tilespmem:s31+$0x8040]  }
0x4fc: {  	v21 =	vld [tilespmem:s6+$0x10]  }
0x4fd: {  	v22 =	vld [tilespmem:s31+$0x8050]  }
0x4fe: {  	v23 =	vld [tilespmem:s31+$0x8060]  }
0x4ff: {  	v24 =	vld [tilespmem:s6+$0x30]  }
0x500: {  	v25 =	vld [tilespmem:s31+$0x8070]  }
0x501: {  	v6 =	vmul.f32 v7, v6;
	v50 =	vld [tilespmem:s31+$0x8410];
	v8 =	vmul.f32 v10, v8  }
0x502: {  	v9 =	vmul.f32 v12, v9;
	v53 =	vld [tilespmem:s21+$0xFFFFFFF0];
	v51 =	vadd.f32 v19, v20;
	v52 =	vadd.f32 v21, v22  }
0x503: {  	v13 =	vmul.f32 v13, v14;
	v54 =	vld [tilespmem:s21+$0x10];
	v16 =	vmul.f32 v17, v16;
	v55 =	vadd.f32 v18, v23  }
0x504: {  	v56 =	vld [tilespmem:s31+$0x8430];
	v11 =	vmul.f32 v11, v51;
	v15 =	vmul.f32 v15, v52  }
0x505: {  	v57 =	vld [tilespmem:s21+$0x20];
	v58 =	vadd.f32 v24, v25;
	v4 =	vmul.f32 v51, v4;
	v5 =	vmul.f32 v5, v55  }
0x506: {  	v60 =	vld [tilespmem:s31+$0x8470];
	v7 =	vmul.f32 v52, v50;
	v11 =	vadd.f32 v11, v13;
	v59 =	vadd.f32 v15, v16  }
0x507: {  	v61 =	vld [tilespmem:s21+$0x30];
	v3 =	vmul.f32 v55, v3;
	v12 =	vmul.f32 v53, v58;
	v5 =	vadd.f32 v5, v9  }
0x508: {  	v2 =	vmul.f32 v54, v2;
	v4 =	vadd.f32 v11, v4;
	v7 =	vadd.f32 v59, v7  }
0x509: {  	v63 =	vmul.f32 v58, v56;
	v62 =	vadd.f32 v12, v8;
	v3 =	vadd.f32 v5, v3  }
0x50a: {  	v1 =	vmul.f32 v57, v1;
	v4 =	vadd.f32 v4, v6;
	v2 =	vadd.f32 v7, v2  }
0x50b: {  	v5 =	vadd.f32 v62, v63  }
0x50c: {  	v1 =	vadd.f32 v3, v1;
	v3 =	vmul.f32 v61, v60;
	v2 =	vadd.f32 v2, v4;
	_ =	sdelay $0x1  }
.Ltmp18:
0x50d: {  	v1 =	vadd.f32 v1, v2;
	v2 =	vadd.f32 v5, v3;
	(pc) =	sbr.rel .LBB2_29-.Ltmp18, $4  }
0x50e: {  	_ = 	snop  }
0x50f: {  	v1 =	vadd.f32 v2, v1  }
0x510: {  	s4 =	sadd.s32 $0x80, s23  }
0x511: {  	[tilespmem:s4+$0x0] =	vst v1  }
.LBB2_30:
0x512: {  	_ =	sfence.sel $0x180000  }
0x513: {  	[bflag:$0x0] =	sbarrier.arrive $0xFFFF  }
0x514: {  	_ =	strace $0x90000047  }
0x515: {  	s0 =	stileid.u32;
	[bflag:$0x2] =	sbarrier.arrive $0xFFFF  }
0x516: {  	p0 =	sne.s32 s0, $0x0;
	s0 =	rddreg [dreg:$0x2]  }
0x517: {  	s0 =	sadd.s32 @!p0 $0x100000, s0  }
0x518: {  	[sflag:s0] =	ssyncadd.tile.s32 @!p0 $0x1;
	_ =	shalt  }
.Lfunc_end2:
_tile_overlayer_lowered:
.L_overlay_start_2:
0x519: {  	(tag) =	ssettag $0x2  }
0x51a: {  	s0 =	rddreg [dreg:$0x0];
	s2 =	stileid.u32  }
0x51b: {  	s1 =	rddreg [dreg:$0x1];
	p0 =	sne.s32 s2, $0x0  }
0x51c: {  	s3 =	rddreg [dreg:$0x2];
	[bflag:$0x3] =	sbarrier.arrive $0xFFFF;
	s2 =	simm.s32 @!p0 $0x1C04  }
0x51d: {  	[timem:s3], [sflag:s2] =	dma.local @!p0 [hbm:s0], s1  }
0x51e: {  	s0 =	simm.s32 @!p0 $0x4  }
0x51f: {  	_ =	swait.ge @!p0 [sflag:s0], s1  }
0x520: {  	s1 =	ssub.s32 @!p0 $0x0, s1;
	[sflag:s0] =	ssyncset.done @!p0 $0x0  }
0x521: {  	[sflag:s0] =	ssyncadd.s32 @!p0 s1  }
0x522: {  	[bflag:$0x3] =	sbarrier.arrive $0xFFFF  }
0x523: {  	_ =	shalt  }

</sc_bundles>
